<compile_context>
chip_gen: v7x
topology: tpu7x:2x2x1
jax: 0.10.2.dev20260603
libtpu: 0.0.44.dev20260713+nightly
codegen_flags: <defaults>
</compile_context>

<pallas_src>
import functools

import jax
import jax.numpy as jnp
import numpy as np
from jax import lax
from jax.experimental import pallas as pl
from jax.experimental.pallas import tpu as pltpu
from jax.experimental.pallas import tpu_sc as plsc

NC = 2
NS = 16
NW = NC * NS
LANES = 16

CAND = 128
CAND_PAD = 160
POOL = 512
I32_MIN = np.int32(-(2 ** 31))
NEG_BIG = np.float32(-3.0e38)


def _key_from_bits(b):
    return jnp.where(b >= 0, b, I32_MIN - b)


def _sload(ref, i):
    return ref[pl.ds(i, LANES)][0]


def _butterfly(x, op):
    parts = [x[i] for i in range(LANES)]
    while len(parts) > 1:
        parts = [op(parts[i], parts[i + 1])
                 for i in range(0, len(parts), 2)]
    return parts[0]


def _allsum(x):
    return _butterfly(x, jnp.add)


def _allmax(x):
    return _butterfly(x, jnp.maximum)


def _allmin(x):
    return _butterfly(x, jnp.minimum)


def _sc_body(V, ROWS, kb_hbm, k_hbm, p_hbm, qf_hbm, q2d_hbm, out_hbm,
             keys_v, qbuf_v, pool_v, pool_i_v, ck_v, ci_v, probs_v, qi_v,
             q_v, kall_v, pall_v, outb_v, sem):
    B = ROWS * NW
    wid = lax.axis_index("s") * NC + lax.axis_index("c")
    base = wid * ROWS
    lane = lax.iota(jnp.int32, 16)
    NCH = V // LANES

    pltpu.sync_copy(k_hbm, kall_v.at[pl.ds(0, B)])
    pltpu.sync_copy(p_hbm, pall_v.at[pl.ds(0, B)])

    def row_body(j, winners):
        r = base + j
        pltpu.sync_copy(kb_hbm.at[r], keys_v)

        def conv_body(i, c):
            off = i * LANES
            b = keys_v[pl.ds(off, LANES)]
            keys_v[pl.ds(off, LANES)] = _key_from_bits(b)
            return c
        lax.fori_loop(0, NCH, conv_body, 0, unroll=8)

        kk = _sload(kall_v, r)
        prow = _sload(pall_v, r)

        def count_ge(t):
            def cbody(i, acc):
                kv = keys_v[pl.ds(i * LANES, LANES)]
                return acc + jnp.where(kv >= t, 1, 0)
            acc = lax.fori_loop(0, NCH, cbody, jnp.zeros((16,), jnp.int32),
                                unroll=8)
            return _allsum(acc)

        c0 = count_ge(jnp.int32(0))
        tbase = jnp.where(c0 >= kk, jnp.int32(0), I32_MIN)

        def bit_body(i, acc_bits):
            bit = jnp.int32(1) << (jnp.int32(30) - i)
            cand_t = tbase | acc_bits | bit
            cnt_t = count_ge(cand_t)
            return jnp.where(cnt_t >= kk, acc_bits | bit, acc_bits)
        accA = lax.fori_loop(0, 12, bit_body, jnp.int32(0))
        t12 = tbase | accA

        def pool_fill(t):
            def pbody(i, off):
                kv = keys_v[pl.ds(i * LANES, LANES)]
                hit = kv >= t
                hi = jnp.where(hit, 1, 0)
                pc = plsc.cumsum(hi)
                pos = jnp.where(hit,
                                jnp.minimum(off + pc - 1, POOL - 1),
                                POOL + lane)
                plsc.store_scatter(pool_v, [pos], kv)
                plsc.store_scatter(pool_i_v, [pos], lane + i * LANES)
                return off + pc[15]
            return lax.fori_loop(0, NCH, pbody, jnp.int32(0), unroll=4)
        poolcnt = pool_fill(t12)

        def fast_finish(_):
            def bitp(i, acc):
                bit = jnp.int32(1) << (jnp.int32(18) - i)
                cand_t = t12 | acc | bit

                def cb(ii, a):
                    pv = pool_v[pl.ds(ii * LANES, LANES)]
                    ok = (pv >= cand_t) & ((ii * LANES + lane) < poolcnt)
                    return a + jnp.where(ok, 1, 0)
                cnt_t = _allsum(lax.fori_loop(
                    0, POOL // LANES, cb, jnp.zeros((16,), jnp.int32)))
                return jnp.where(cnt_t >= kk, acc | bit, acc)
            return t12 | lax.fori_loop(0, 19, bitp, jnp.int32(0))

        def slow_finish(_):
            def bit_body2(i, acc_bits):
                bit = jnp.int32(1) << (jnp.int32(30) - i)
                cand_t = tbase | accA | acc_bits | bit
                cnt_t = count_ge(cand_t)
                return jnp.where(cnt_t >= kk, acc_bits | bit, acc_bits)
            return t12 | lax.fori_loop(12, 31, bit_body2, jnp.int32(0))

        thresh = lax.cond(poolcnt <= POOL, fast_finish, slow_finish, 0)
        poolcnt = lax.cond(poolcnt <= POOL, lambda t: poolcnt, pool_fill,
                           thresh)

        def ebody(i, off):
            kv = pool_v[pl.ds(i * LANES, LANES)]
            iv = pool_i_v[pl.ds(i * LANES, LANES)]
            hit = (kv >= thresh) & ((lane + i * LANES) < poolcnt)
            pc = plsc.cumsum(jnp.where(hit, 1, 0))
            pos = jnp.where(hit,
                            jnp.minimum(off + pc - 1, CAND_PAD - 1),
                            CAND_PAD + lane)
            plsc.store_scatter(ck_v, [pos], kv)
            plsc.store_scatter(ci_v, [pos], iv)
            return off + pc[15]
        cnt_true = lax.fori_loop(0, POOL // LANES, ebody, jnp.int32(0),
                                 unroll=4)
        cnt = jnp.minimum(cnt_true, jnp.int32(CAND))
        rowoff = r * V

        QCH = V // 10
        QIN = QCH // LANES

        def qscan_c(c, zs):
            z1, z2, zc = zs
            pltpu.sync_copy(q2d_hbm.at[r * 10 + c], qbuf_v)

            def count_z(i2, acc):
                qv = qbuf_v[pl.ds(i2 * LANES, LANES)]
                return acc + jnp.where(qv == 0.0, 1, 0)
            zacc0 = lax.fori_loop(0, QIN, count_z,
                                  jnp.zeros((16,), jnp.int32), unroll=8)
            nz = _allsum(zacc0)

            def find(zz):
                z1, z2 = zz

                def fbody(i2, zz2):
                    z1, z2 = zz2
                    qv = qbuf_v[pl.ds(i2 * LANES, LANES)]
                    for l in range(LANES):
                        is0 = qv[l] == 0.0
                        gidx = c * QCH + i2 * LANES + l
                        first = is0 & (z1 >= V)
                        second = is0 & (z1 < V) & (z2 >= V) & (gidx != z1)
                        z1 = jnp.where(first, gidx, z1)
                        z2 = jnp.where(second, gidx, z2)
                    return z1, z2
                return lax.fori_loop(0, QIN, fbody, (z1, z2))

            z1, z2 = lax.cond(nz > 0, find, lambda zz: zz, (z1, z2))
            return z1, z2, zc + nz
        zq1, zq2, _ = lax.fori_loop(
            0, 10, qscan_c, (jnp.int32(V), jnp.int32(V), jnp.int32(0)))

        NSL = CAND // LANES
        cks, cis, cifs, valids, vs = [], [], [], [], []
        mvec = jnp.full((16,), NEG_BIG, jnp.float32)
        for s in range(NSL):
            ck = ck_v[pl.ds(s * LANES, LANES)]
            ci = ci_v[pl.ds(s * LANES, LANES)]
            slot = lane + s * LANES
            valid = slot < cnt
            v = lax.bitcast_convert_type(_key_from_bits(ck), jnp.float32)
            cks.append(ck); cis.append(ci); valids.append(valid); vs.append(v)
            cifs.append(ci.astype(jnp.float32))
            mvec = jnp.maximum(mvec, jnp.where(valid, v, NEG_BIG))
            cic = jnp.minimum(jnp.maximum(ci, 0), V - 1)
            qi_v[pl.ds(s * LANES, LANES)] = cic + rowoff
        pltpu.async_copy(qf_hbm.at[qi_v], q_v, sem).wait()
        m = _allmax(mvec)

        es = []
        zacc = jnp.zeros((16,), jnp.float32)
        for s in range(NSL):
            e = jnp.where(valids[s], jnp.exp(vs[s] - m), 0.0)
            es.append(e)
            zacc = zacc + e
        Z0 = _allsum(zacc)
        pvs = []
        for s in range(NSL):
            pv = es[s] / Z0
            pvs.append(pv)
            probs_v[pl.ds(s * LANES, LANES)] = pv

        imaxv = jnp.full((16,), -1.0, jnp.float32)
        for s in range(NSL):
            imaxv = jnp.maximum(
                imaxv, jnp.where(valids[s] & (vs[s] == m), cifs[s], -1.0))
        imax = _allmax(imaxv)

        def jbody(jj, caccs):
            kj = _sload(ck_v, jj)
            ij = _sload(ci_v, jj)
            pj = _sload(probs_v, jj)
            out = []
            for s in range(NSL):
                le = (kj < cks[s]) | ((kj == cks[s]) & (ij <= cis[s]))
                out.append(caccs[s] + jnp.where(le, pj, 0.0))
            return tuple(out)
        caccs = lax.fori_loop(
            0, cnt, jbody,
            tuple(jnp.zeros((16,), jnp.float32) for _ in range(NSL)))

        omp = jnp.float32(1.0) - prow
        keeps = []
        z2acc = jnp.zeros((16,), jnp.float32)
        for s in range(NSL):
            keep = valids[s] & ((caccs[s] > omp)
                                | ((vs[s] == m) & (cifs[s] == imax)))
            keeps.append(keep)
            z2acc = z2acc + jnp.where(keep, es[s], 0.0)
        Z2 = _allsum(z2acc)

        rs, qs = [], []
        rmaxv = jnp.zeros((16,), jnp.float32)
        for s in range(NSL):
            qv = q_v[pl.ds(s * LANES, LANES)]
            rr = jnp.where(keeps[s], (es[s] / Z2) / qv, 0.0)
            rs.append(rr)
            qs.append(qv)
            rmaxv = jnp.maximum(rmaxv, rr)
        rmax = _allmax(rmaxv)
        wv = jnp.full((16,), float(V), jnp.float32)
        nanv = jnp.full((16,), float(V), jnp.float32)
        for s in range(NSL):
            wv = jnp.minimum(
                wv, jnp.where(keeps[s] & (rs[s] == rmax), cifs[s], float(V)))
            nanv = jnp.minimum(
                nanv, jnp.where(valids[s] & (~keeps[s]) & (qs[s] == 0.0),
                                cifs[s], float(V)))
        winner = _allmin(wv).astype(jnp.int32)
        mem1v = jnp.zeros((16,), jnp.int32)
        mem2v = jnp.zeros((16,), jnp.int32)
        for s in range(NSL):
            mem1v = jnp.maximum(
                mem1v, jnp.where(valids[s] & (cis[s] == zq1), 1, 0))
            mem2v = jnp.maximum(
                mem2v, jnp.where(valids[s] & (cis[s] == zq2), 1, 0))
        mem1 = _allmax(mem1v) > 0
        mem2 = _allmax(mem2v) > 0
        zmin_noncand = jnp.where(
            (zq1 < V) & (~mem1), zq1,
            jnp.where((zq2 < V) & (~mem2), zq2, jnp.int32(V)))
        nanw = jnp.minimum(_allmin(nanv).astype(jnp.int32), zmin_noncand)
        winner = jnp.where(nanw < V, nanw, winner)

        return jnp.where(lane == j, winner, winners)

    winners = lax.fori_loop(0, ROWS, row_body, jnp.zeros((16,), jnp.int32))
    outb_v[...] = winners
    pltpu.sync_copy(outb_v, out_hbm.at[wid])


@functools.partial(jax.jit, static_argnums=(4, 5))
def _run(kb, kvec, pvec, qf, V, ROWS):
    body = functools.partial(_sc_body, V, ROWS)
    f = pl.kernel(
        body,
        out_type=jax.ShapeDtypeStruct((NW, 16), jnp.int32),
        mesh=plsc.VectorSubcoreMesh(core_axis_name="c", subcore_axis_name="s"),
        compiler_params=pltpu.CompilerParams(needs_layout_passes=False),
        scratch_types=[
            pltpu.VMEM((V,), jnp.int32),
            pltpu.VMEM((V // 10,), jnp.float32),
            pltpu.VMEM((POOL + LANES,), jnp.int32),
            pltpu.VMEM((POOL + LANES,), jnp.int32),
            pltpu.VMEM((CAND_PAD + LANES,), jnp.int32),
            pltpu.VMEM((CAND_PAD + LANES,), jnp.int32),
            pltpu.VMEM((CAND + LANES,), jnp.float32),
            pltpu.VMEM((CAND,), jnp.int32),
            pltpu.VMEM((CAND,), jnp.float32),
            pltpu.VMEM((NW * ROWS + LANES,), jnp.int32),
            pltpu.VMEM((NW * ROWS + LANES,), jnp.float32),
            pltpu.VMEM((16,), jnp.int32),
            pltpu.SemaphoreType.DMA,
        ],
    )
    return f(kb, kvec, pvec, qf, qf.reshape(-1, V // 10))


def kernel(logits, k, p, q):
    B, V = logits.shape
    ROWS = B // NW
    kb = lax.bitcast_convert_type(logits.astype(jnp.float32), jnp.int32)
    out = _run(kb, k.astype(jnp.int32), p.astype(jnp.float32),
               q.astype(jnp.float32).reshape(-1), V, ROWS)
    return out[:, :ROWS].reshape(B)

# --- scband reference (transcript-rebuilt; emitter-appended) ---
"""Pipeline reference for scband-top-ktop-psampler-17824114278633 (READ-ONLY COPY).

The authoritative reference and input builder live on the scoring server;
editing this copy changes nothing except your own understanding.
"""

import jax, jax.numpy as jnp
import numpy as np

B, V = 128, 100000

def setup_inputs(seed: int = 0) -> dict:
    key = jax.random.key(seed)
    k1, k2, k3, k4 = jax.random.split(key, 4)
    logits = jax.random.normal(k1, (B, V), dtype=jnp.float32)
    # per-row top-k values in [1, 64) so that (V - k) is a valid gather index
    k = jax.random.randint(k2, (B,), 1, 64, dtype=jnp.int32)
    p = jax.random.uniform(k3, (B,), dtype=jnp.float32)
    # exponential noise for Gumbel-max style sampling (matches q.exponential_() in torch)
    q = jax.random.exponential(k4, (B, V), dtype=jnp.float32)
    return {"logits": logits, "k": k, "p": p, "q": q}

def reference(logits, k, p, q):
    # Faithful port of TopKTopPSampler.forward_native with tensor k and tensor p
    # (the general sort-based path), followed by random_sample (exp-noise argmax).
    Vv = logits.shape[-1]
    # ascending sort, like torch logits.sort(dim=-1, descending=False)
    logits_idx = jnp.argsort(logits, axis=-1)
    logits_sort = jnp.take_along_axis(logits, logits_idx, axis=-1)
    # top-k mask: threshold = value at position (V - k) in ascending order
    thresh_idx = (Vv - k.astype(jnp.int32))[:, None]
    thresh = jnp.take_along_axis(logits_sort, thresh_idx, axis=-1)
    logits_sort = jnp.where(logits_sort < thresh, -jnp.inf, logits_sort)
    # top-p mask
    probs_sort = jax.nn.softmax(logits_sort.astype(jnp.float32), axis=-1)
    probs_sum = jnp.cumsum(probs_sort, axis=-1)
    top_p_mask = probs_sum <= (1.0 - p)[:, None]
    top_p_mask = top_p_mask.at[:, -1].set(False)
    logits_sort = jnp.where(top_p_mask, -jnp.inf, logits_sort)
    # scatter back to original order (inverse permutation of the sort)
    inv = jnp.argsort(logits_idx, axis=-1)
    masked = jnp.take_along_axis(logits_sort, inv, axis=-1)
    # random_sample: probs / exp_noise, argmax  (Gumbel-max equivalent)
    probs = jax.nn.softmax(masked, axis=-1)
    next_token_ids = jnp.argmax(probs / q, axis=-1)
    return next_token_ids.reshape(-1)

if __name__ == "__main__":
    import jax
    _d = setup_inputs()
    print(jax.jit(kernel)(*tuple(_d.values())))

</pallas_src>

<mosaic_0001>
#map = affine_map<(d0, d1) -> (0, 0)>
#map1 = affine_map<(d0, d1) -> (0)>
module attributes {stable_mosaic.version = 14 : i64} {
  func.func @_sc_body(%arg0: i32, %arg1: i32, %arg2: memref<128x100000xi32, #tpu.memory_space<hbm>>, %arg3: memref<128xi32, #tpu.memory_space<hbm>>, %arg4: memref<128xf32, #tpu.memory_space<hbm>>, %arg5: memref<12800000xf32, #tpu.memory_space<hbm>>, %arg6: memref<1280x10000xf32, #tpu.memory_space<hbm>>, %arg7: memref<32x16xi32, #tpu.memory_space<hbm>>, %arg8: memref<100000xi32, #tpu.memory_space<vmem>>, %arg9: memref<10000xf32, #tpu.memory_space<vmem>>, %arg10: memref<528xi32, #tpu.memory_space<vmem>>, %arg11: memref<528xi32, #tpu.memory_space<vmem>>, %arg12: memref<176xi32, #tpu.memory_space<vmem>>, %arg13: memref<176xi32, #tpu.memory_space<vmem>>, %arg14: memref<144xf32, #tpu.memory_space<vmem>>, %arg15: memref<128xi32, #tpu.memory_space<vmem>>, %arg16: memref<128xf32, #tpu.memory_space<vmem>>, %arg17: memref<144xi32, #tpu.memory_space<vmem>>, %arg18: memref<144xf32, #tpu.memory_space<vmem>>, %arg19: memref<16xi32, #tpu.memory_space<vmem>>, %arg20: memref<!tpu.dma_semaphore, #tpu.memory_space<semaphore_mem>>) attributes {dimension_semantics = [#tpu.dimension_semantics<core_parallel>, #tpu.dimension_semantics<subcore_parallel>], iteration_bounds = array<i64: 2, 16>, scalar_prefetch = 0 : i64, scratch_operands = 13 : i64, tpu.core_type = #tpu.core_type<sc_vector_subcore>, window_params = [{transform_indices = #map}, {transform_indices = #map1}, {transform_indices = #map1}, {transform_indices = #map1}, {transform_indices = #map}, {transform_indices = #map}]} {
    %mul3A = arith.constant 2 : i32
    %mul3A_0 = arith.muli %arg1, %mul3A : i32
    %add3A = arith.addi %mul3A_0, %arg0 : i32
    %mul3A_1 = arith.constant 4 : i32
    %mul3A_2 = arith.muli %add3A, %mul3A_1 : i32
    %iota3A = tpu.iota {dimensions = array<i32: 0>} : vector<16xi32>
    "tpu.region"() ({
      %run_scoped3A = tpu.sem_alloc : memref<!tpu.dma_semaphore, #tpu.memory_space<semaphore_mem>>
      %dma_start3A = arith.constant 0 : i32
      %dma_start3A_10 = tpu.memref_slice %arg17[%dma_start3A] : memref<144xi32, #tpu.memory_space<vmem>> -> memref<128xi32, #tpu.memory_space<vmem>>
      %dma_start3A_11 = arith.constant 0 : i32
      %dma_start3A_12 = tpu.memref_slice %arg17[%dma_start3A_11] : memref<144xi32, #tpu.memory_space<vmem>> -> memref<128xi32, #tpu.memory_space<vmem>>
      tpu.enqueue_dma source(%arg3 : memref<128xi32, #tpu.memory_space<hbm>>) target(%dma_start3A_12 : memref<128xi32, #tpu.memory_space<vmem>>) target_semaphore(%run_scoped3A : memref<!tpu.dma_semaphore, #tpu.memory_space<semaphore_mem>>)
      %dma_wait3A = arith.constant 0 : i32
      %dma_wait3A_13 = tpu.memref_slice %arg17[%dma_wait3A] : memref<144xi32, #tpu.memory_space<vmem>> -> memref<128xi32, #tpu.memory_space<vmem>>
      %dma_wait3A_14 = arith.constant 0 : i32
      %dma_wait3A_15 = tpu.memref_slice %arg17[%dma_wait3A_14] : memref<144xi32, #tpu.memory_space<vmem>> -> memref<128xi32, #tpu.memory_space<vmem>>
      tpu.wait_dma2 semaphore(%run_scoped3A : memref<!tpu.dma_semaphore, #tpu.memory_space<semaphore_mem>>) src(%arg3 : memref<128xi32, #tpu.memory_space<hbm>>) dst(%dma_wait3A_15 : memref<128xi32, #tpu.memory_space<vmem>>)
      tpu.yield
    }) : () -> ()
    "tpu.region"() ({
      %run_scoped3A = tpu.sem_alloc : memref<!tpu.dma_semaphore, #tpu.memory_space<semaphore_mem>>
      %dma_start3A = arith.constant 0 : i32
      %dma_start3A_10 = tpu.memref_slice %arg18[%dma_start3A] : memref<144xf32, #tpu.memory_space<vmem>> -> memref<128xf32, #tpu.memory_space<vmem>>
      %dma_start3A_11 = arith.constant 0 : i32
      %dma_start3A_12 = tpu.memref_slice %arg18[%dma_start3A_11] : memref<144xf32, #tpu.memory_space<vmem>> -> memref<128xf32, #tpu.memory_space<vmem>>
      tpu.enqueue_dma source(%arg4 : memref<128xf32, #tpu.memory_space<hbm>>) target(%dma_start3A_12 : memref<128xf32, #tpu.memory_space<vmem>>) target_semaphore(%run_scoped3A : memref<!tpu.dma_semaphore, #tpu.memory_space<semaphore_mem>>)
      %dma_wait3A = arith.constant 0 : i32
      %dma_wait3A_13 = tpu.memref_slice %arg18[%dma_wait3A] : memref<144xf32, #tpu.memory_space<vmem>> -> memref<128xf32, #tpu.memory_space<vmem>>
      %dma_wait3A_14 = arith.constant 0 : i32
      %dma_wait3A_15 = tpu.memref_slice %arg18[%dma_wait3A_14] : memref<144xf32, #tpu.memory_space<vmem>> -> memref<128xf32, #tpu.memory_space<vmem>>
      tpu.wait_dma2 semaphore(%run_scoped3A : memref<!tpu.dma_semaphore, #tpu.memory_space<semaphore_mem>>) src(%arg4 : memref<128xf32, #tpu.memory_space<hbm>>) dst(%dma_wait3A_15 : memref<128xf32, #tpu.memory_space<vmem>>)
      tpu.yield
    }) : () -> ()
    %broadcast_in_dim3A = arith.constant 0 : i32
    %broadcast_in_dim3A_3 = vector.broadcast %broadcast_in_dim3A : i32 to vector<16xi32>
    %scan3A = arith.constant 0 : i32
    %scan3A_4 = arith.constant 4 : i32
    %scan3A_5 = arith.addi %scan3A, %scan3A_4 : i32
    %scan3A_6 = arith.constant 1 : i32
    %scan3A_7 = scf.for %scan3A_10 = %scan3A to %scan3A_5 step %scan3A_6 iter_args(%scan3A_11 = %broadcast_in_dim3A_3) -> (vector<16xi32>)  : i32 {
      %add3A_12 = arith.addi %mul3A_2, %scan3A_10 : i32
      "tpu.region"() ({
        %run_scoped3A = tpu.sem_alloc : memref<!tpu.dma_semaphore, #tpu.memory_space<semaphore_mem>>
        %dma_start3A_1603 = arith.constant 0 : i32
        %dma_start3A_1604 = tpu.memref_slice %arg2[%add3A_12, %dma_start3A_1603] : memref<128x100000xi32, #tpu.memory_space<hbm>> -> memref<1x100000xi32, #tpu.memory_space<hbm>>
        %dma_start3A_1605 = tpu.memref_squeeze %dma_start3A_1604 : memref<1x100000xi32, #tpu.memory_space<hbm>> -> memref<100000xi32, #tpu.memory_space<hbm>>
        %dma_start3A_1606 = arith.constant 0 : i32
        %dma_start3A_1607 = tpu.memref_slice %arg2[%add3A_12, %dma_start3A_1606] : memref<128x100000xi32, #tpu.memory_space<hbm>> -> memref<1x100000xi32, #tpu.memory_space<hbm>>
        %dma_start3A_1608 = tpu.memref_squeeze %dma_start3A_1607 : memref<1x100000xi32, #tpu.memory_space<hbm>> -> memref<100000xi32, #tpu.memory_space<hbm>>
        tpu.enqueue_dma source(%dma_start3A_1608 : memref<100000xi32, #tpu.memory_space<hbm>>) target(%arg8 : memref<100000xi32, #tpu.memory_space<vmem>>) target_semaphore(%run_scoped3A : memref<!tpu.dma_semaphore, #tpu.memory_space<semaphore_mem>>)
        %dma_wait3A_1609 = arith.constant 0 : i32
        %dma_wait3A_1610 = tpu.memref_slice %arg2[%add3A_12, %dma_wait3A_1609] : memref<128x100000xi32, #tpu.memory_space<hbm>> -> memref<1x100000xi32, #tpu.memory_space<hbm>>
        %dma_wait3A_1611 = tpu.memref_squeeze %dma_wait3A_1610 : memref<1x100000xi32, #tpu.memory_space<hbm>> -> memref<100000xi32, #tpu.memory_space<hbm>>
        %dma_wait3A_1612 = arith.constant 0 : i32
        %dma_wait3A_1613 = tpu.memref_slice %arg2[%add3A_12, %dma_wait3A_1612] : memref<128x100000xi32, #tpu.memory_space<hbm>> -> memref<1x100000xi32, #tpu.memory_space<hbm>>
        %dma_wait3A_1614 = tpu.memref_squeeze %dma_wait3A_1613 : memref<1x100000xi32, #tpu.memory_space<hbm>> -> memref<100000xi32, #tpu.memory_space<hbm>>
        tpu.wait_dma2 semaphore(%run_scoped3A : memref<!tpu.dma_semaphore, #tpu.memory_space<semaphore_mem>>) src(%dma_wait3A_1614 : memref<100000xi32, #tpu.memory_space<hbm>>) dst(%arg8 : memref<100000xi32, #tpu.memory_space<vmem>>)
        tpu.yield
      }) : () -> ()
      %scan3A_13 = arith.constant 0 : i32
      %scan3A_14 = arith.constant 0 : i32
      %scan3A_15 = arith.constant 6248 : i32
      %scan3A_16 = arith.addi %scan3A_14, %scan3A_15 : i32
      %scan3A_17 = arith.constant 8 : i32
      scf.for %scan3A_1603 = %scan3A_14 to %scan3A_16 step %scan3A_17  : i32 {
        %mul3A_1604 = arith.constant 16 : i32
        %mul3A_1605 = arith.muli %scan3A_1603, %mul3A_1604 : i32
        %get3A_1606 = arith.index_cast %mul3A_1605 : i32 to index
        %get3A_1607 = tpu.vector_load %arg8[%get3A_1606] {strides = array<i32>} : memref<100000xi32, #tpu.memory_space<vmem>>, vector<16xi32>,
        %ge3A_1608 = arith.constant 0 : i32
        %ge3A_1609 = vector.broadcast %ge3A_1608 : i32 to vector<16xi32>
        %ge3A_1610 = arith.cmpi sge, %get3A_1607, %ge3A_1609 : vector<16xi32>
        %sub3A_1611 = arith.constant -2147483648 : i32
        %sub3A_1612 = vector.broadcast %sub3A_1611 : i32 to vector<16xi32>
        %sub3A_1613 = arith.subi %sub3A_1612, %get3A_1607 : vector<16xi32>
        %select_n3A_1614 = arith.select %ge3A_1610, %get3A_1607, %sub3A_1613 : vector<16xi1>, vector<16xi32>
        %swap3A_1615 = arith.index_cast %mul3A_1605 : i32 to index
        %swap3A_1616 = tpu.vector_load %arg8[%swap3A_1615] {strides = array<i32>} : memref<100000xi32, #tpu.memory_space<vmem>>, vector<16xi32>,
        tpu.vector_store %arg8[%swap3A_1615], %select_n3A_1614 {strides = array<i32>} : memref<100000xi32, #tpu.memory_space<vmem>>, vector<16xi32>,
        %scan3A_1617 = arith.constant 1 : i32
        %scan3A_1618 = arith.addi %scan3A_1603, %scan3A_1617 : i32
        %mul3A_1619 = arith.constant 16 : i32
        %mul3A_1620 = arith.muli %scan3A_1618, %mul3A_1619 : i32
        %get3A_1621 = arith.index_cast %mul3A_1620 : i32 to index
        %get3A_1622 = tpu.vector_load %arg8[%get3A_1621] {strides = array<i32>} : memref<100000xi32, #tpu.memory_space<vmem>>, vector<16xi32>,
        %ge3A_1623 = arith.constant 0 : i32
        %ge3A_1624 = vector.broadcast %ge3A_1623 : i32 to vector<16xi32>
        %ge3A_1625 = arith.cmpi sge, %get3A_1622, %ge3A_1624 : vector<16xi32>
        %sub3A_1626 = arith.constant -2147483648 : i32
        %sub3A_1627 = vector.broadcast %sub3A_1626 : i32 to vector<16xi32>
        %sub3A_1628 = arith.subi %sub3A_1627, %get3A_1622 : vector<16xi32>
        %select_n3A_1629 = arith.select %ge3A_1625, %get3A_1622, %sub3A_1628 : vector<16xi1>, vector<16xi32>
        %swap3A_1630 = arith.index_cast %mul3A_1620 : i32 to index
        %swap3A_1631 = tpu.vector_load %arg8[%swap3A_1630] {strides = array<i32>} : memref<100000xi32, #tpu.memory_space<vmem>>, vector<16xi32>,
        tpu.vector_store %arg8[%swap3A_1630], %select_n3A_1629 {strides = array<i32>} : memref<100000xi32, #tpu.memory_space<vmem>>, vector<16xi32>,
        %scan3A_1632 = arith.constant 2 : i32
        %scan3A_1633 = arith.addi %scan3A_1603, %scan3A_1632 : i32
        %mul3A_1634 = arith.constant 16 : i32
        %mul3A_1635 = arith.muli %scan3A_1633, %mul3A_1634 : i32
        %get3A_1636 = arith.index_cast %mul3A_1635 : i32 to index
        %get3A_1637 = tpu.vector_load %arg8[%get3A_1636] {strides = array<i32>} : memref<100000xi32, #tpu.memory_space<vmem>>, vector<16xi32>,
        %ge3A_1638 = arith.constant 0 : i32
        %ge3A_1639 = vector.broadcast %ge3A_1638 : i32 to vector<16xi32>
        %ge3A_1640 = arith.cmpi sge, %get3A_1637, %ge3A_1639 : vector<16xi32>
        %sub3A_1641 = arith.constant -2147483648 : i32
        %sub3A_1642 = vector.broadcast %sub3A_1641 : i32 to vector<16xi32>
        %sub3A_1643 = arith.subi %sub3A_1642, %get3A_1637 : vector<16xi32>
        %select_n3A_1644 = arith.select %ge3A_1640, %get3A_1637, %sub3A_1643 : vector<16xi1>, vector<16xi32>
        %swap3A_1645 = arith.index_cast %mul3A_1635 : i32 to index
        %swap3A_1646 = tpu.vector_load %arg8[%swap3A_1645] {strides = array<i32>} : memref<100000xi32, #tpu.memory_space<vmem>>, vector<16xi32>,
        tpu.vector_store %arg8[%swap3A_1645], %select_n3A_1644 {strides = array<i32>} : memref<100000xi32, #tpu.memory_space<vmem>>, vector<16xi32>,
        %scan3A_1647 = arith.constant 3 : i32
        %scan3A_1648 = arith.addi %scan3A_1603, %scan3A_1647 : i32
        %mul3A_1649 = arith.constant 16 : i32
        %mul3A_1650 = arith.muli %scan3A_1648, %mul3A_1649 : i32
        %get3A_1651 = arith.index_cast %mul3A_1650 : i32 to index
        %get3A_1652 = tpu.vector_load %arg8[%get3A_1651] {strides = array<i32>} : memref<100000xi32, #tpu.memory_space<vmem>>, vector<16xi32>,
        %ge3A_1653 = arith.constant 0 : i32
        %ge3A_1654 = vector.broadcast %ge3A_1653 : i32 to vector<16xi32>
        %ge3A_1655 = arith.cmpi sge, %get3A_1652, %ge3A_1654 : vector<16xi32>
        %sub3A_1656 = arith.constant -2147483648 : i32
        %sub3A_1657 = vector.broadcast %sub3A_1656 : i32 to vector<16xi32>
        %sub3A_1658 = arith.subi %sub3A_1657, %get3A_1652 : vector<16xi32>
        %select_n3A_1659 = arith.select %ge3A_1655, %get3A_1652, %sub3A_1658 : vector<16xi1>, vector<16xi32>
        %swap3A_1660 = arith.index_cast %mul3A_1650 : i32 to index
        %swap3A_1661 = tpu.vector_load %arg8[%swap3A_1660] {strides = array<i32>} : memref<100000xi32, #tpu.memory_space<vmem>>, vector<16xi32>,
        tpu.vector_store %arg8[%swap3A_1660], %select_n3A_1659 {strides = array<i32>} : memref<100000xi32, #tpu.memory_space<vmem>>, vector<16xi32>,
        %scan3A_1662 = arith.constant 4 : i32
        %scan3A_1663 = arith.addi %scan3A_1603, %scan3A_1662 : i32
        %mul3A_1664 = arith.constant 16 : i32
        %mul3A_1665 = arith.muli %scan3A_1663, %mul3A_1664 : i32
        %get3A_1666 = arith.index_cast %mul3A_1665 : i32 to index
        %get3A_1667 = tpu.vector_load %arg8[%get3A_1666] {strides = array<i32>} : memref<100000xi32, #tpu.memory_space<vmem>>, vector<16xi32>,
        %ge3A_1668 = arith.constant 0 : i32
        %ge3A_1669 = vector.broadcast %ge3A_1668 : i32 to vector<16xi32>
        %ge3A_1670 = arith.cmpi sge, %get3A_1667, %ge3A_1669 : vector<16xi32>
        %sub3A_1671 = arith.constant -2147483648 : i32
        %sub3A_1672 = vector.broadcast %sub3A_1671 : i32 to vector<16xi32>
        %sub3A_1673 = arith.subi %sub3A_1672, %get3A_1667 : vector<16xi32>
        %select_n3A_1674 = arith.select %ge3A_1670, %get3A_1667, %sub3A_1673 : vector<16xi1>, vector<16xi32>
        %swap3A_1675 = arith.index_cast %mul3A_1665 : i32 to index
        %swap3A_1676 = tpu.vector_load %arg8[%swap3A_1675] {strides = array<i32>} : memref<100000xi32, #tpu.memory_space<vmem>>, vector<16xi32>,
        tpu.vector_store %arg8[%swap3A_1675], %select_n3A_1674 {strides = array<i32>} : memref<100000xi32, #tpu.memory_space<vmem>>, vector<16xi32>,
        %scan3A_1677 = arith.constant 5 : i32
        %scan3A_1678 = arith.addi %scan3A_1603, %scan3A_1677 : i32
        %mul3A_1679 = arith.constant 16 : i32
        %mul3A_1680 = arith.muli %scan3A_1678, %mul3A_1679 : i32
        %get3A_1681 = arith.index_cast %mul3A_1680 : i32 to index
        %get3A_1682 = tpu.vector_load %arg8[%get3A_1681] {strides = array<i32>} : memref<100000xi32, #tpu.memory_space<vmem>>, vector<16xi32>,
        %ge3A_1683 = arith.constant 0 : i32
        %ge3A_1684 = vector.broadcast %ge3A_1683 : i32 to vector<16xi32>
        %ge3A_1685 = arith.cmpi sge, %get3A_1682, %ge3A_1684 : vector<16xi32>
        %sub3A_1686 = arith.constant -2147483648 : i32
        %sub3A_1687 = vector.broadcast %sub3A_1686 : i32 to vector<16xi32>
        %sub3A_1688 = arith.subi %sub3A_1687, %get3A_1682 : vector<16xi32>
        %select_n3A_1689 = arith.select %ge3A_1685, %get3A_1682, %sub3A_1688 : vector<16xi1>, vector<16xi32>
        %swap3A_1690 = arith.index_cast %mul3A_1680 : i32 to index
        %swap3A_1691 = tpu.vector_load %arg8[%swap3A_1690] {strides = array<i32>} : memref<100000xi32, #tpu.memory_space<vmem>>, vector<16xi32>,
        tpu.vector_store %arg8[%swap3A_1690], %select_n3A_1689 {strides = array<i32>} : memref<100000xi32, #tpu.memory_space<vmem>>, vector<16xi32>,
        %scan3A_1692 = arith.constant 6 : i32
        %scan3A_1693 = arith.addi %scan3A_1603, %scan3A_1692 : i32
        %mul3A_1694 = arith.constant 16 : i32
        %mul3A_1695 = arith.muli %scan3A_1693, %mul3A_1694 : i32
        %get3A_1696 = arith.index_cast %mul3A_1695 : i32 to index
        %get3A_1697 = tpu.vector_load %arg8[%get3A_1696] {strides = array<i32>} : memref<100000xi32, #tpu.memory_space<vmem>>, vector<16xi32>,
        %ge3A_1698 = arith.constant 0 : i32
        %ge3A_1699 = vector.broadcast %ge3A_1698 : i32 to vector<16xi32>
        %ge3A_1700 = arith.cmpi sge, %get3A_1697, %ge3A_1699 : vector<16xi32>
        %sub3A_1701 = arith.constant -2147483648 : i32
        %sub3A_1702 = vector.broadcast %sub3A_1701 : i32 to vector<16xi32>
        %sub3A_1703 = arith.subi %sub3A_1702, %get3A_1697 : vector<16xi32>
        %select_n3A_1704 = arith.select %ge3A_1700, %get3A_1697, %sub3A_1703 : vector<16xi1>, vector<16xi32>
        %swap3A_1705 = arith.index_cast %mul3A_1695 : i32 to index
        %swap3A_1706 = tpu.vector_load %arg8[%swap3A_1705] {strides = array<i32>} : memref<100000xi32, #tpu.memory_space<vmem>>, vector<16xi32>,
        tpu.vector_store %arg8[%swap3A_1705], %select_n3A_1704 {strides = array<i32>} : memref<100000xi32, #tpu.memory_space<vmem>>, vector<16xi32>,
        %scan3A_1707 = arith.constant 7 : i32
        %scan3A_1708 = arith.addi %scan3A_1603, %scan3A_1707 : i32
        %mul3A_1709 = arith.constant 16 : i32
        %mul3A_1710 = arith.muli %scan3A_1708, %mul3A_1709 : i32
        %get3A_1711 = arith.index_cast %mul3A_1710 : i32 to index
        %get3A_1712 = tpu.vector_load %arg8[%get3A_1711] {strides = array<i32>} : memref<100000xi32, #tpu.memory_space<vmem>>, vector<16xi32>,
        %ge3A_1713 = arith.constant 0 : i32
        %ge3A_1714 = vector.broadcast %ge3A_1713 : i32 to vector<16xi32>
        %ge3A_1715 = arith.cmpi sge, %get3A_1712, %ge3A_1714 : vector<16xi32>
        %sub3A_1716 = arith.constant -2147483648 : i32
        %sub3A_1717 = vector.broadcast %sub3A_1716 : i32 to vector<16xi32>
        %sub3A_1718 = arith.subi %sub3A_1717, %get3A_1712 : vector<16xi32>
        %select_n3A_1719 = arith.select %ge3A_1715, %get3A_1712, %sub3A_1718 : vector<16xi1>, vector<16xi32>
        %swap3A_1720 = arith.index_cast %mul3A_1710 : i32 to index
        %swap3A_1721 = tpu.vector_load %arg8[%swap3A_1720] {strides = array<i32>} : memref<100000xi32, #tpu.memory_space<vmem>>, vector<16xi32>,
        tpu.vector_store %arg8[%swap3A_1720], %select_n3A_1719 {strides = array<i32>} : memref<100000xi32, #tpu.memory_space<vmem>>, vector<16xi32>,
      }
      %scan3A_18 = arith.constant 6248 : i32
      %scan3A_19 = arith.addi %scan3A_14, %scan3A_18 : i32
      %mul3A_20 = arith.constant 16 : i32
      %mul3A_21 = arith.muli %scan3A_19, %mul3A_20 : i32
      %get3A = arith.index_cast %mul3A_21 : i32 to index
      %get3A_22 = tpu.vector_load %arg8[%get3A] {strides = array<i32>} : memref<100000xi32, #tpu.memory_space<vmem>>, vector<16xi32>,
      %ge3A = arith.constant 0 : i32
      %ge3A_23 = vector.broadcast %ge3A : i32 to vector<16xi32>
      %ge3A_24 = arith.cmpi sge, %get3A_22, %ge3A_23 : vector<16xi32>
      %sub3A = arith.constant -2147483648 : i32
      %sub3A_25 = vector.broadcast %sub3A : i32 to vector<16xi32>
      %sub3A_26 = arith.subi %sub3A_25, %get3A_22 : vector<16xi32>
      %select_n3A = arith.select %ge3A_24, %get3A_22, %sub3A_26 : vector<16xi1>, vector<16xi32>
      %swap3A_27 = arith.index_cast %mul3A_21 : i32 to index
      %swap3A_28 = tpu.vector_load %arg8[%swap3A_27] {strides = array<i32>} : memref<100000xi32, #tpu.memory_space<vmem>>, vector<16xi32>,
      tpu.vector_store %arg8[%swap3A_27], %select_n3A {strides = array<i32>} : memref<100000xi32, #tpu.memory_space<vmem>>, vector<16xi32>,
      %scan3A_29 = arith.constant 6249 : i32
      %scan3A_30 = arith.addi %scan3A_14, %scan3A_29 : i32
      %mul3A_31 = arith.constant 16 : i32
      %mul3A_32 = arith.muli %scan3A_30, %mul3A_31 : i32
      %get3A_33 = arith.index_cast %mul3A_32 : i32 to index
      %get3A_34 = tpu.vector_load %arg8[%get3A_33] {strides = array<i32>} : memref<100000xi32, #tpu.memory_space<vmem>>, vector<16xi32>,
      %ge3A_35 = arith.constant 0 : i32
      %ge3A_36 = vector.broadcast %ge3A_35 : i32 to vector<16xi32>
      %ge3A_37 = arith.cmpi sge, %get3A_34, %ge3A_36 : vector<16xi32>
      %sub3A_38 = arith.constant -2147483648 : i32
      %sub3A_39 = vector.broadcast %sub3A_38 : i32 to vector<16xi32>
      %sub3A_40 = arith.subi %sub3A_39, %get3A_34 : vector<16xi32>
      %select_n3A_41 = arith.select %ge3A_37, %get3A_34, %sub3A_40 : vector<16xi1>, vector<16xi32>
      %swap3A_42 = arith.index_cast %mul3A_32 : i32 to index
      %swap3A_43 = tpu.vector_load %arg8[%swap3A_42] {strides = array<i32>} : memref<100000xi32, #tpu.memory_space<vmem>>, vector<16xi32>,
      tpu.vector_store %arg8[%swap3A_42], %select_n3A_41 {strides = array<i32>} : memref<100000xi32, #tpu.memory_space<vmem>>, vector<16xi32>,
      %scan3A_44 = arith.constant 6250 : i32
      %get3A_45 = arith.index_cast %add3A_12 : i32 to index
      %get3A_46 = tpu.vector_load %arg17[%get3A_45] {strides = array<i32>} : memref<144xi32, #tpu.memory_space<vmem>>, vector<16xi32>,
      %slice3A = vector.extract_strided_slice %get3A_46 {offsets = [0], sizes = [1], strides = [1]} : vector<16xi32> to vector<1xi32>
      %squeeze3A = vector.extract %slice3A[0] : i32 from vector<1xi32>
      %get3A_47 = arith.index_cast %add3A_12 : i32 to index
      %get3A_48 = tpu.vector_load %arg18[%get3A_47] {strides = array<i32>} : memref<144xf32, #tpu.memory_space<vmem>>, vector<16xf32>,
      %slice3A_49 = vector.extract_strided_slice %get3A_48 {offsets = [0], sizes = [1], strides = [1]} : vector<16xf32> to vector<1xf32>
      %squeeze3A_50 = vector.extract %slice3A_49[0] : f32 from vector<1xf32>
      %broadcast_in_dim3A_51 = arith.constant 0 : i32
      %broadcast_in_dim3A_52 = vector.broadcast %broadcast_in_dim3A_51 : i32 to vector<16xi32>
      %scan3A_53 = arith.constant 0 : i32
      %scan3A_54 = arith.constant 0 : i32
      %scan3A_55 = arith.constant 6248 : i32
      %scan3A_56 = arith.addi %scan3A_54, %scan3A_55 : i32
      %scan3A_57 = arith.constant 8 : i32
      %scan3A_58 = scf.for %scan3A_1603 = %scan3A_54 to %scan3A_56 step %scan3A_57 iter_args(%scan3A_1604 = %broadcast_in_dim3A_52) -> (vector<16xi32>)  : i32 {
        %mul3A_1605 = arith.constant 16 : i32
        %mul3A_1606 = arith.muli %scan3A_1603, %mul3A_1605 : i32
        %get3A_1607 = arith.index_cast %mul3A_1606 : i32 to index
        %get3A_1608 = tpu.vector_load %arg8[%get3A_1607] {strides = array<i32>} : memref<100000xi32, #tpu.memory_space<vmem>>, vector<16xi32>,
        %ge3A_1609 = vector.broadcast %scan3A_53 : i32 to vector<16xi32>
        %ge3A_1610 = arith.cmpi sge, %get3A_1608, %ge3A_1609 : vector<16xi32>
        %jit3A_1611 = arith.constant 1 : i32
        %jit3A_1612 = arith.constant 0 : i32
        %broadcast_in_dim3A_1613 = vector.broadcast %jit3A_1611 : i32 to vector<16xi32>
        %broadcast_in_dim3A_1614 = vector.broadcast %jit3A_1612 : i32 to vector<16xi32>
        %select_n3A_1615 = arith.select %ge3A_1610, %broadcast_in_dim3A_1613, %broadcast_in_dim3A_1614 : vector<16xi1>, vector<16xi32>
        %add3A_1616 = arith.addi %scan3A_1604, %select_n3A_1615 : vector<16xi32>
        %scan3A_1617 = arith.constant 1 : i32
        %scan3A_1618 = arith.addi %scan3A_1603, %scan3A_1617 : i32
        %mul3A_1619 = arith.constant 16 : i32
        %mul3A_1620 = arith.muli %scan3A_1618, %mul3A_1619 : i32
        %get3A_1621 = arith.index_cast %mul3A_1620 : i32 to index
        %get3A_1622 = tpu.vector_load %arg8[%get3A_1621] {strides = array<i32>} : memref<100000xi32, #tpu.memory_space<vmem>>, vector<16xi32>,
        %ge3A_1623 = vector.broadcast %scan3A_53 : i32 to vector<16xi32>
        %ge3A_1624 = arith.cmpi sge, %get3A_1622, %ge3A_1623 : vector<16xi32>
        %jit3A_1625 = arith.constant 1 : i32
        %jit3A_1626 = arith.constant 0 : i32
        %broadcast_in_dim3A_1627 = vector.broadcast %jit3A_1625 : i32 to vector<16xi32>
        %broadcast_in_dim3A_1628 = vector.broadcast %jit3A_1626 : i32 to vector<16xi32>
        %select_n3A_1629 = arith.select %ge3A_1624, %broadcast_in_dim3A_1627, %broadcast_in_dim3A_1628 : vector<16xi1>, vector<16xi32>
        %add3A_1630 = arith.addi %add3A_1616, %select_n3A_1629 : vector<16xi32>
        %scan3A_1631 = arith.constant 2 : i32
        %scan3A_1632 = arith.addi %scan3A_1603, %scan3A_1631 : i32
        %mul3A_1633 = arith.constant 16 : i32
        %mul3A_1634 = arith.muli %scan3A_1632, %mul3A_1633 : i32
        %get3A_1635 = arith.index_cast %mul3A_1634 : i32 to index
        %get3A_1636 = tpu.vector_load %arg8[%get3A_1635] {strides = array<i32>} : memref<100000xi32, #tpu.memory_space<vmem>>, vector<16xi32>,
        %ge3A_1637 = vector.broadcast %scan3A_53 : i32 to vector<16xi32>
        %ge3A_1638 = arith.cmpi sge, %get3A_1636, %ge3A_1637 : vector<16xi32>
        %jit3A_1639 = arith.constant 1 : i32
        %jit3A_1640 = arith.constant 0 : i32
        %broadcast_in_dim3A_1641 = vector.broadcast %jit3A_1639 : i32 to vector<16xi32>
        %broadcast_in_dim3A_1642 = vector.broadcast %jit3A_1640 : i32 to vector<16xi32>
        %select_n3A_1643 = arith.select %ge3A_1638, %broadcast_in_dim3A_1641, %broadcast_in_dim3A_1642 : vector<16xi1>, vector<16xi32>
        %add3A_1644 = arith.addi %add3A_1630, %select_n3A_1643 : vector<16xi32>
        %scan3A_1645 = arith.constant 3 : i32
        %scan3A_1646 = arith.addi %scan3A_1603, %scan3A_1645 : i32
        %mul3A_1647 = arith.constant 16 : i32
        %mul3A_1648 = arith.muli %scan3A_1646, %mul3A_1647 : i32
        %get3A_1649 = arith.index_cast %mul3A_1648 : i32 to index
        %get3A_1650 = tpu.vector_load %arg8[%get3A_1649] {strides = array<i32>} : memref<100000xi32, #tpu.memory_space<vmem>>, vector<16xi32>,
        %ge3A_1651 = vector.broadcast %scan3A_53 : i32 to vector<16xi32>
        %ge3A_1652 = arith.cmpi sge, %get3A_1650, %ge3A_1651 : vector<16xi32>
        %jit3A_1653 = arith.constant 1 : i32
        %jit3A_1654 = arith.constant 0 : i32
        %broadcast_in_dim3A_1655 = vector.broadcast %jit3A_1653 : i32 to vector<16xi32>
        %broadcast_in_dim3A_1656 = vector.broadcast %jit3A_1654 : i32 to vector<16xi32>
        %select_n3A_1657 = arith.select %ge3A_1652, %broadcast_in_dim3A_1655, %broadcast_in_dim3A_1656 : vector<16xi1>, vector<16xi32>
        %add3A_1658 = arith.addi %add3A_1644, %select_n3A_1657 : vector<16xi32>
        %scan3A_1659 = arith.constant 4 : i32
        %scan3A_1660 = arith.addi %scan3A_1603, %scan3A_1659 : i32
        %mul3A_1661 = arith.constant 16 : i32
        %mul3A_1662 = arith.muli %scan3A_1660, %mul3A_1661 : i32
        %get3A_1663 = arith.index_cast %mul3A_1662 : i32 to index
        %get3A_1664 = tpu.vector_load %arg8[%get3A_1663] {strides = array<i32>} : memref<100000xi32, #tpu.memory_space<vmem>>, vector<16xi32>,
        %ge3A_1665 = vector.broadcast %scan3A_53 : i32 to vector<16xi32>
        %ge3A_1666 = arith.cmpi sge, %get3A_1664, %ge3A_1665 : vector<16xi32>
        %jit3A_1667 = arith.constant 1 : i32
        %jit3A_1668 = arith.constant 0 : i32
        %broadcast_in_dim3A_1669 = vector.broadcast %jit3A_1667 : i32 to vector<16xi32>
        %broadcast_in_dim3A_1670 = vector.broadcast %jit3A_1668 : i32 to vector<16xi32>
        %select_n3A_1671 = arith.select %ge3A_1666, %broadcast_in_dim3A_1669, %broadcast_in_dim3A_1670 : vector<16xi1>, vector<16xi32>
        %add3A_1672 = arith.addi %add3A_1658, %select_n3A_1671 : vector<16xi32>
        %scan3A_1673 = arith.constant 5 : i32
        %scan3A_1674 = arith.addi %scan3A_1603, %scan3A_1673 : i32
        %mul3A_1675 = arith.constant 16 : i32
        %mul3A_1676 = arith.muli %scan3A_1674, %mul3A_1675 : i32
        %get3A_1677 = arith.index_cast %mul3A_1676 : i32 to index
        %get3A_1678 = tpu.vector_load %arg8[%get3A_1677] {strides = array<i32>} : memref<100000xi32, #tpu.memory_space<vmem>>, vector<16xi32>,
        %ge3A_1679 = vector.broadcast %scan3A_53 : i32 to vector<16xi32>
        %ge3A_1680 = arith.cmpi sge, %get3A_1678, %ge3A_1679 : vector<16xi32>
        %jit3A_1681 = arith.constant 1 : i32
        %jit3A_1682 = arith.constant 0 : i32
        %broadcast_in_dim3A_1683 = vector.broadcast %jit3A_1681 : i32 to vector<16xi32>
        %broadcast_in_dim3A_1684 = vector.broadcast %jit3A_1682 : i32 to vector<16xi32>
        %select_n3A_1685 = arith.select %ge3A_1680, %broadcast_in_dim3A_1683, %broadcast_in_dim3A_1684 : vector<16xi1>, vector<16xi32>
        %add3A_1686 = arith.addi %add3A_1672, %select_n3A_1685 : vector<16xi32>
        %scan3A_1687 = arith.constant 6 : i32
        %scan3A_1688 = arith.addi %scan3A_1603, %scan3A_1687 : i32
        %mul3A_1689 = arith.constant 16 : i32
        %mul3A_1690 = arith.muli %scan3A_1688, %mul3A_1689 : i32
        %get3A_1691 = arith.index_cast %mul3A_1690 : i32 to index
        %get3A_1692 = tpu.vector_load %arg8[%get3A_1691] {strides = array<i32>} : memref<100000xi32, #tpu.memory_space<vmem>>, vector<16xi32>,
        %ge3A_1693 = vector.broadcast %scan3A_53 : i32 to vector<16xi32>
        %ge3A_1694 = arith.cmpi sge, %get3A_1692, %ge3A_1693 : vector<16xi32>
        %jit3A_1695 = arith.constant 1 : i32
        %jit3A_1696 = arith.constant 0 : i32
        %broadcast_in_dim3A_1697 = vector.broadcast %jit3A_1695 : i32 to vector<16xi32>
        %broadcast_in_dim3A_1698 = vector.broadcast %jit3A_1696 : i32 to vector<16xi32>
        %select_n3A_1699 = arith.select %ge3A_1694, %broadcast_in_dim3A_1697, %broadcast_in_dim3A_1698 : vector<16xi1>, vector<16xi32>
        %add3A_1700 = arith.addi %add3A_1686, %select_n3A_1699 : vector<16xi32>
        %scan3A_1701 = arith.constant 7 : i32
        %scan3A_1702 = arith.addi %scan3A_1603, %scan3A_1701 : i32
        %mul3A_1703 = arith.constant 16 : i32
        %mul3A_1704 = arith.muli %scan3A_1702, %mul3A_1703 : i32
        %get3A_1705 = arith.index_cast %mul3A_1704 : i32 to index
        %get3A_1706 = tpu.vector_load %arg8[%get3A_1705] {strides = array<i32>} : memref<100000xi32, #tpu.memory_space<vmem>>, vector<16xi32>,
        %ge3A_1707 = vector.broadcast %scan3A_53 : i32 to vector<16xi32>
        %ge3A_1708 = arith.cmpi sge, %get3A_1706, %ge3A_1707 : vector<16xi32>
        %jit3A_1709 = arith.constant 1 : i32
        %jit3A_1710 = arith.constant 0 : i32
        %broadcast_in_dim3A_1711 = vector.broadcast %jit3A_1709 : i32 to vector<16xi32>
        %broadcast_in_dim3A_1712 = vector.broadcast %jit3A_1710 : i32 to vector<16xi32>
        %select_n3A_1713 = arith.select %ge3A_1708, %broadcast_in_dim3A_1711, %broadcast_in_dim3A_1712 : vector<16xi1>, vector<16xi32>
        %add3A_1714 = arith.addi %add3A_1700, %select_n3A_1713 : vector<16xi32>
        scf.yield %add3A_1714 : vector<16xi32>
      }
      %scan3A_59 = arith.constant 6248 : i32
      %scan3A_60 = arith.addi %scan3A_54, %scan3A_59 : i32
      %mul3A_61 = arith.constant 16 : i32
      %mul3A_62 = arith.muli %scan3A_60, %mul3A_61 : i32
      %get3A_63 = arith.index_cast %mul3A_62 : i32 to index
      %get3A_64 = tpu.vector_load %arg8[%get3A_63] {strides = array<i32>} : memref<100000xi32, #tpu.memory_space<vmem>>, vector<16xi32>,
      %ge3A_65 = vector.broadcast %scan3A_53 : i32 to vector<16xi32>
      %ge3A_66 = arith.cmpi sge, %get3A_64, %ge3A_65 : vector<16xi32>
      %jit3A = arith.constant 1 : i32
      %jit3A_67 = arith.constant 0 : i32
      %broadcast_in_dim3A_68 = vector.broadcast %jit3A : i32 to vector<16xi32>
      %broadcast_in_dim3A_69 = vector.broadcast %jit3A_67 : i32 to vector<16xi32>
      %select_n3A_70 = arith.select %ge3A_66, %broadcast_in_dim3A_68, %broadcast_in_dim3A_69 : vector<16xi1>, vector<16xi32>
      %add3A_71 = arith.addi %scan3A_58, %select_n3A_70 : vector<16xi32>
      %scan3A_72 = arith.constant 6249 : i32
      %scan3A_73 = arith.addi %scan3A_54, %scan3A_72 : i32
      %mul3A_74 = arith.constant 16 : i32
      %mul3A_75 = arith.muli %scan3A_73, %mul3A_74 : i32
      %get3A_76 = arith.index_cast %mul3A_75 : i32 to index
      %get3A_77 = tpu.vector_load %arg8[%get3A_76] {strides = array<i32>} : memref<100000xi32, #tpu.memory_space<vmem>>, vector<16xi32>,
      %ge3A_78 = vector.broadcast %scan3A_53 : i32 to vector<16xi32>
      %ge3A_79 = arith.cmpi sge, %get3A_77, %ge3A_78 : vector<16xi32>
      %jit3A_80 = arith.constant 1 : i32
      %jit3A_81 = arith.constant 0 : i32
      %broadcast_in_dim3A_82 = vector.broadcast %jit3A_80 : i32 to vector<16xi32>
      %broadcast_in_dim3A_83 = vector.broadcast %jit3A_81 : i32 to vector<16xi32>
      %select_n3A_84 = arith.select %ge3A_79, %broadcast_in_dim3A_82, %broadcast_in_dim3A_83 : vector<16xi1>, vector<16xi32>
      %add3A_85 = arith.addi %add3A_71, %select_n3A_84 : vector<16xi32>
      %scan3A_86 = arith.constant 6250 : i32
      %slice3A_87 = vector.extract_strided_slice %add3A_85 {offsets = [0], sizes = [1], strides = [1]} : vector<16xi32> to vector<1xi32>
      %squeeze3A_88 = vector.extract %slice3A_87[0] : i32 from vector<1xi32>
      %slice3A_89 = vector.extract_strided_slice %add3A_85 {offsets = [1], sizes = [1], strides = [1]} : vector<16xi32> to vector<1xi32>
      %squeeze3A_90 = vector.extract %slice3A_89[0] : i32 from vector<1xi32>
      %slice3A_91 = vector.extract_strided_slice %add3A_85 {offsets = [2], sizes = [1], strides = [1]} : vector<16xi32> to vector<1xi32>
      %squeeze3A_92 = vector.extract %slice3A_91[0] : i32 from vector<1xi32>
      %slice3A_93 = vector.extract_strided_slice %add3A_85 {offsets = [3], sizes = [1], strides = [1]} : vector<16xi32> to vector<1xi32>
      %squeeze3A_94 = vector.extract %slice3A_93[0] : i32 from vector<1xi32>
      %slice3A_95 = vector.extract_strided_slice %add3A_85 {offsets = [4], sizes = [1], strides = [1]} : vector<16xi32> to vector<1xi32>
      %squeeze3A_96 = vector.extract %slice3A_95[0] : i32 from vector<1xi32>
      %slice3A_97 = vector.extract_strided_slice %add3A_85 {offsets = [5], sizes = [1], strides = [1]} : vector<16xi32> to vector<1xi32>
      %squeeze3A_98 = vector.extract %slice3A_97[0] : i32 from vector<1xi32>
      %slice3A_99 = vector.extract_strided_slice %add3A_85 {offsets = [6], sizes = [1], strides = [1]} : vector<16xi32> to vector<1xi32>
      %squeeze3A_100 = vector.extract %slice3A_99[0] : i32 from vector<1xi32>
      %slice3A_101 = vector.extract_strided_slice %add3A_85 {offsets = [7], sizes = [1], strides = [1]} : vector<16xi32> to vector<1xi32>
      %squeeze3A_102 = vector.extract %slice3A_101[0] : i32 from vector<1xi32>
      %slice3A_103 = vector.extract_strided_slice %add3A_85 {offsets = [8], sizes = [1], strides = [1]} : vector<16xi32> to vector<1xi32>
      %squeeze3A_104 = vector.extract %slice3A_103[0] : i32 from vector<1xi32>
      %slice3A_105 = vector.extract_strided_slice %add3A_85 {offsets = [9], sizes = [1], strides = [1]} : vector<16xi32> to vector<1xi32>
      %squeeze3A_106 = vector.extract %slice3A_105[0] : i32 from vector<1xi32>
      %slice3A_107 = vector.extract_strided_slice %add3A_85 {offsets = [10], sizes = [1], strides = [1]} : vector<16xi32> to vector<1xi32>
      %squeeze3A_108 = vector.extract %slice3A_107[0] : i32 from vector<1xi32>
      %slice3A_109 = vector.extract_strided_slice %add3A_85 {offsets = [11], sizes = [1], strides = [1]} : vector<16xi32> to vector<1xi32>
      %squeeze3A_110 = vector.extract %slice3A_109[0] : i32 from vector<1xi32>
      %slice3A_111 = vector.extract_strided_slice %add3A_85 {offsets = [12], sizes = [1], strides = [1]} : vector<16xi32> to vector<1xi32>
      %squeeze3A_112 = vector.extract %slice3A_111[0] : i32 from vector<1xi32>
      %slice3A_113 = vector.extract_strided_slice %add3A_85 {offsets = [13], sizes = [1], strides = [1]} : vector<16xi32> to vector<1xi32>
      %squeeze3A_114 = vector.extract %slice3A_113[0] : i32 from vector<1xi32>
      %slice3A_115 = vector.extract_strided_slice %add3A_85 {offsets = [14], sizes = [1], strides = [1]} : vector<16xi32> to vector<1xi32>
      %squeeze3A_116 = vector.extract %slice3A_115[0] : i32 from vector<1xi32>
      %slice3A_117 = vector.extract_strided_slice %add3A_85 {offsets = [15], sizes = [1], strides = [1]} : vector<16xi32> to vector<1xi32>
      %squeeze3A_118 = vector.extract %slice3A_117[0] : i32 from vector<1xi32>
      %add3A_119 = arith.addi %squeeze3A_88, %squeeze3A_90 : i32
      %add3A_120 = arith.addi %squeeze3A_92, %squeeze3A_94 : i32
      %add3A_121 = arith.addi %squeeze3A_96, %squeeze3A_98 : i32
      %add3A_122 = arith.addi %squeeze3A_100, %squeeze3A_102 : i32
      %add3A_123 = arith.addi %squeeze3A_104, %squeeze3A_106 : i32
      %add3A_124 = arith.addi %squeeze3A_108, %squeeze3A_110 : i32
      %add3A_125 = arith.addi %squeeze3A_112, %squeeze3A_114 : i32
      %add3A_126 = arith.addi %squeeze3A_116, %squeeze3A_118 : i32
      %add3A_127 = arith.addi %add3A_119, %add3A_120 : i32
      %add3A_128 = arith.addi %add3A_121, %add3A_122 : i32
      %add3A_129 = arith.addi %add3A_123, %add3A_124 : i32
      %add3A_130 = arith.addi %add3A_125, %add3A_126 : i32
      %add3A_131 = arith.addi %add3A_127, %add3A_128 : i32
      %add3A_132 = arith.addi %add3A_129, %add3A_130 : i32
      %add3A_133 = arith.addi %add3A_131, %add3A_132 : i32
      %ge3A_134 = arith.cmpi sge, %add3A_133, %squeeze3A : i32
      %jit3A_135 = arith.constant 0 : i32
      %jit3A_136 = arith.constant -2147483648 : i32
      %select_n3A_137 = arith.select %ge3A_134, %jit3A_135, %jit3A_136 : i32
      %scan3A_138 = arith.constant 0 : i32
      %scan3A_139 = arith.constant 0 : i32
      %scan3A_140 = arith.constant 12 : i32
      %scan3A_141 = arith.addi %scan3A_139, %scan3A_140 : i32
      %scan3A_142 = arith.constant 1 : i32
      %scan3A_143 = scf.for %scan3A_1603 = %scan3A_139 to %scan3A_141 step %scan3A_142 iter_args(%scan3A_1604 = %scan3A_138) -> (i32)  : i32 {
        %sub3A_1605 = arith.constant 30 : i32
        %sub3A_1606 = arith.subi %sub3A_1605, %scan3A_1603 : i32
        %shift_left3A = arith.constant 1 : i32
        %shift_left3A_1607 = arith.shli %shift_left3A, %sub3A_1606 : i32
        %or3A_1608 = arith.ori %select_n3A_137, %scan3A_1604 : i32
        %or3A_1609 = arith.ori %or3A_1608, %shift_left3A_1607 : i32
        %broadcast_in_dim3A_1610 = arith.constant 0 : i32
        %broadcast_in_dim3A_1611 = vector.broadcast %broadcast_in_dim3A_1610 : i32 to vector<16xi32>
        %scan3A_1612 = arith.constant 0 : i32
        %scan3A_1613 = arith.constant 6248 : i32
        %scan3A_1614 = arith.addi %scan3A_1612, %scan3A_1613 : i32
        %scan3A_1615 = arith.constant 8 : i32
        %scan3A_1616 = scf.for %scan3A_1696 = %scan3A_1612 to %scan3A_1614 step %scan3A_1615 iter_args(%scan3A_1697 = %broadcast_in_dim3A_1611) -> (vector<16xi32>)  : i32 {
          %mul3A_1698 = arith.constant 16 : i32
          %mul3A_1699 = arith.muli %scan3A_1696, %mul3A_1698 : i32
          %get3A_1700 = arith.index_cast %mul3A_1699 : i32 to index
          %get3A_1701 = tpu.vector_load %arg8[%get3A_1700] {strides = array<i32>} : memref<100000xi32, #tpu.memory_space<vmem>>, vector<16xi32>,
          %ge3A_1702 = vector.broadcast %or3A_1609 : i32 to vector<16xi32>
          %ge3A_1703 = arith.cmpi sge, %get3A_1701, %ge3A_1702 : vector<16xi32>
          %jit3A_1704 = arith.constant 1 : i32
          %jit3A_1705 = arith.constant 0 : i32
          %broadcast_in_dim3A_1706 = vector.broadcast %jit3A_1704 : i32 to vector<16xi32>
          %broadcast_in_dim3A_1707 = vector.broadcast %jit3A_1705 : i32 to vector<16xi32>
          %select_n3A_1708 = arith.select %ge3A_1703, %broadcast_in_dim3A_1706, %broadcast_in_dim3A_1707 : vector<16xi1>, vector<16xi32>
          %add3A_1709 = arith.addi %scan3A_1697, %select_n3A_1708 : vector<16xi32>
          %scan3A_1710 = arith.constant 1 : i32
          %scan3A_1711 = arith.addi %scan3A_1696, %scan3A_1710 : i32
          %mul3A_1712 = arith.constant 16 : i32
          %mul3A_1713 = arith.muli %scan3A_1711, %mul3A_1712 : i32
          %get3A_1714 = arith.index_cast %mul3A_1713 : i32 to index
          %get3A_1715 = tpu.vector_load %arg8[%get3A_1714] {strides = array<i32>} : memref<100000xi32, #tpu.memory_space<vmem>>, vector<16xi32>,
          %ge3A_1716 = vector.broadcast %or3A_1609 : i32 to vector<16xi32>
          %ge3A_1717 = arith.cmpi sge, %get3A_1715, %ge3A_1716 : vector<16xi32>
          %jit3A_1718 = arith.constant 1 : i32
          %jit3A_1719 = arith.constant 0 : i32
          %broadcast_in_dim3A_1720 = vector.broadcast %jit3A_1718 : i32 to vector<16xi32>
          %broadcast_in_dim3A_1721 = vector.broadcast %jit3A_1719 : i32 to vector<16xi32>
          %select_n3A_1722 = arith.select %ge3A_1717, %broadcast_in_dim3A_1720, %broadcast_in_dim3A_1721 : vector<16xi1>, vector<16xi32>
          %add3A_1723 = arith.addi %add3A_1709, %select_n3A_1722 : vector<16xi32>
          %scan3A_1724 = arith.constant 2 : i32
          %scan3A_1725 = arith.addi %scan3A_1696, %scan3A_1724 : i32
          %mul3A_1726 = arith.constant 16 : i32
          %mul3A_1727 = arith.muli %scan3A_1725, %mul3A_1726 : i32
          %get3A_1728 = arith.index_cast %mul3A_1727 : i32 to index
          %get3A_1729 = tpu.vector_load %arg8[%get3A_1728] {strides = array<i32>} : memref<100000xi32, #tpu.memory_space<vmem>>, vector<16xi32>,
          %ge3A_1730 = vector.broadcast %or3A_1609 : i32 to vector<16xi32>
          %ge3A_1731 = arith.cmpi sge, %get3A_1729, %ge3A_1730 : vector<16xi32>
          %jit3A_1732 = arith.constant 1 : i32
          %jit3A_1733 = arith.constant 0 : i32
          %broadcast_in_dim3A_1734 = vector.broadcast %jit3A_1732 : i32 to vector<16xi32>
          %broadcast_in_dim3A_1735 = vector.broadcast %jit3A_1733 : i32 to vector<16xi32>
          %select_n3A_1736 = arith.select %ge3A_1731, %broadcast_in_dim3A_1734, %broadcast_in_dim3A_1735 : vector<16xi1>, vector<16xi32>
          %add3A_1737 = arith.addi %add3A_1723, %select_n3A_1736 : vector<16xi32>
          %scan3A_1738 = arith.constant 3 : i32
          %scan3A_1739 = arith.addi %scan3A_1696, %scan3A_1738 : i32
          %mul3A_1740 = arith.constant 16 : i32
          %mul3A_1741 = arith.muli %scan3A_1739, %mul3A_1740 : i32
          %get3A_1742 = arith.index_cast %mul3A_1741 : i32 to index
          %get3A_1743 = tpu.vector_load %arg8[%get3A_1742] {strides = array<i32>} : memref<100000xi32, #tpu.memory_space<vmem>>, vector<16xi32>,
          %ge3A_1744 = vector.broadcast %or3A_1609 : i32 to vector<16xi32>
          %ge3A_1745 = arith.cmpi sge, %get3A_1743, %ge3A_1744 : vector<16xi32>
          %jit3A_1746 = arith.constant 1 : i32
          %jit3A_1747 = arith.constant 0 : i32
          %broadcast_in_dim3A_1748 = vector.broadcast %jit3A_1746 : i32 to vector<16xi32>
          %broadcast_in_dim3A_1749 = vector.broadcast %jit3A_1747 : i32 to vector<16xi32>
          %select_n3A_1750 = arith.select %ge3A_1745, %broadcast_in_dim3A_1748, %broadcast_in_dim3A_1749 : vector<16xi1>, vector<16xi32>
          %add3A_1751 = arith.addi %add3A_1737, %select_n3A_1750 : vector<16xi32>
          %scan3A_1752 = arith.constant 4 : i32
          %scan3A_1753 = arith.addi %scan3A_1696, %scan3A_1752 : i32
          %mul3A_1754 = arith.constant 16 : i32
          %mul3A_1755 = arith.muli %scan3A_1753, %mul3A_1754 : i32
          %get3A_1756 = arith.index_cast %mul3A_1755 : i32 to index
          %get3A_1757 = tpu.vector_load %arg8[%get3A_1756] {strides = array<i32>} : memref<100000xi32, #tpu.memory_space<vmem>>, vector<16xi32>,
          %ge3A_1758 = vector.broadcast %or3A_1609 : i32 to vector<16xi32>
          %ge3A_1759 = arith.cmpi sge, %get3A_1757, %ge3A_1758 : vector<16xi32>
          %jit3A_1760 = arith.constant 1 : i32
          %jit3A_1761 = arith.constant 0 : i32
          %broadcast_in_dim3A_1762 = vector.broadcast %jit3A_1760 : i32 to vector<16xi32>
          %broadcast_in_dim3A_1763 = vector.broadcast %jit3A_1761 : i32 to vector<16xi32>
          %select_n3A_1764 = arith.select %ge3A_1759, %broadcast_in_dim3A_1762, %broadcast_in_dim3A_1763 : vector<16xi1>, vector<16xi32>
          %add3A_1765 = arith.addi %add3A_1751, %select_n3A_1764 : vector<16xi32>
          %scan3A_1766 = arith.constant 5 : i32
          %scan3A_1767 = arith.addi %scan3A_1696, %scan3A_1766 : i32
          %mul3A_1768 = arith.constant 16 : i32
          %mul3A_1769 = arith.muli %scan3A_1767, %mul3A_1768 : i32
          %get3A_1770 = arith.index_cast %mul3A_1769 : i32 to index
          %get3A_1771 = tpu.vector_load %arg8[%get3A_1770] {strides = array<i32>} : memref<100000xi32, #tpu.memory_space<vmem>>, vector<16xi32>,
          %ge3A_1772 = vector.broadcast %or3A_1609 : i32 to vector<16xi32>
          %ge3A_1773 = arith.cmpi sge, %get3A_1771, %ge3A_1772 : vector<16xi32>
          %jit3A_1774 = arith.constant 1 : i32
          %jit3A_1775 = arith.constant 0 : i32
          %broadcast_in_dim3A_1776 = vector.broadcast %jit3A_1774 : i32 to vector<16xi32>
          %broadcast_in_dim3A_1777 = vector.broadcast %jit3A_1775 : i32 to vector<16xi32>
          %select_n3A_1778 = arith.select %ge3A_1773, %broadcast_in_dim3A_1776, %broadcast_in_dim3A_1777 : vector<16xi1>, vector<16xi32>
          %add3A_1779 = arith.addi %add3A_1765, %select_n3A_1778 : vector<16xi32>
          %scan3A_1780 = arith.constant 6 : i32
          %scan3A_1781 = arith.addi %scan3A_1696, %scan3A_1780 : i32
          %mul3A_1782 = arith.constant 16 : i32
          %mul3A_1783 = arith.muli %scan3A_1781, %mul3A_1782 : i32
          %get3A_1784 = arith.index_cast %mul3A_1783 : i32 to index
          %get3A_1785 = tpu.vector_load %arg8[%get3A_1784] {strides = array<i32>} : memref<100000xi32, #tpu.memory_space<vmem>>, vector<16xi32>,
          %ge3A_1786 = vector.broadcast %or3A_1609 : i32 to vector<16xi32>
          %ge3A_1787 = arith.cmpi sge, %get3A_1785, %ge3A_1786 : vector<16xi32>
          %jit3A_1788 = arith.constant 1 : i32
          %jit3A_1789 = arith.constant 0 : i32
          %broadcast_in_dim3A_1790 = vector.broadcast %jit3A_1788 : i32 to vector<16xi32>
          %broadcast_in_dim3A_1791 = vector.broadcast %jit3A_1789 : i32 to vector<16xi32>
          %select_n3A_1792 = arith.select %ge3A_1787, %broadcast_in_dim3A_1790, %broadcast_in_dim3A_1791 : vector<16xi1>, vector<16xi32>
          %add3A_1793 = arith.addi %add3A_1779, %select_n3A_1792 : vector<16xi32>
          %scan3A_1794 = arith.constant 7 : i32
          %scan3A_1795 = arith.addi %scan3A_1696, %scan3A_1794 : i32
          %mul3A_1796 = arith.constant 16 : i32
          %mul3A_1797 = arith.muli %scan3A_1795, %mul3A_1796 : i32
          %get3A_1798 = arith.index_cast %mul3A_1797 : i32 to index
          %get3A_1799 = tpu.vector_load %arg8[%get3A_1798] {strides = array<i32>} : memref<100000xi32, #tpu.memory_space<vmem>>, vector<16xi32>,
          %ge3A_1800 = vector.broadcast %or3A_1609 : i32 to vector<16xi32>
          %ge3A_1801 = arith.cmpi sge, %get3A_1799, %ge3A_1800 : vector<16xi32>
          %jit3A_1802 = arith.constant 1 : i32
          %jit3A_1803 = arith.constant 0 : i32
          %broadcast_in_dim3A_1804 = vector.broadcast %jit3A_1802 : i32 to vector<16xi32>
          %broadcast_in_dim3A_1805 = vector.broadcast %jit3A_1803 : i32 to vector<16xi32>
          %select_n3A_1806 = arith.select %ge3A_1801, %broadcast_in_dim3A_1804, %broadcast_in_dim3A_1805 : vector<16xi1>, vector<16xi32>
          %add3A_1807 = arith.addi %add3A_1793, %select_n3A_1806 : vector<16xi32>
          scf.yield %add3A_1807 : vector<16xi32>
        }
        %scan3A_1617 = arith.constant 6248 : i32
        %scan3A_1618 = arith.addi %scan3A_1612, %scan3A_1617 : i32
        %mul3A_1619 = arith.constant 16 : i32
        %mul3A_1620 = arith.muli %scan3A_1618, %mul3A_1619 : i32
        %get3A_1621 = arith.index_cast %mul3A_1620 : i32 to index
        %get3A_1622 = tpu.vector_load %arg8[%get3A_1621] {strides = array<i32>} : memref<100000xi32, #tpu.memory_space<vmem>>, vector<16xi32>,
        %ge3A_1623 = vector.broadcast %or3A_1609 : i32 to vector<16xi32>
        %ge3A_1624 = arith.cmpi sge, %get3A_1622, %ge3A_1623 : vector<16xi32>
        %jit3A_1625 = arith.constant 1 : i32
        %jit3A_1626 = arith.constant 0 : i32
        %broadcast_in_dim3A_1627 = vector.broadcast %jit3A_1625 : i32 to vector<16xi32>
        %broadcast_in_dim3A_1628 = vector.broadcast %jit3A_1626 : i32 to vector<16xi32>
        %select_n3A_1629 = arith.select %ge3A_1624, %broadcast_in_dim3A_1627, %broadcast_in_dim3A_1628 : vector<16xi1>, vector<16xi32>
        %add3A_1630 = arith.addi %scan3A_1616, %select_n3A_1629 : vector<16xi32>
        %scan3A_1631 = arith.constant 6249 : i32
        %scan3A_1632 = arith.addi %scan3A_1612, %scan3A_1631 : i32
        %mul3A_1633 = arith.constant 16 : i32
        %mul3A_1634 = arith.muli %scan3A_1632, %mul3A_1633 : i32
        %get3A_1635 = arith.index_cast %mul3A_1634 : i32 to index
        %get3A_1636 = tpu.vector_load %arg8[%get3A_1635] {strides = array<i32>} : memref<100000xi32, #tpu.memory_space<vmem>>, vector<16xi32>,
        %ge3A_1637 = vector.broadcast %or3A_1609 : i32 to vector<16xi32>
        %ge3A_1638 = arith.cmpi sge, %get3A_1636, %ge3A_1637 : vector<16xi32>
        %jit3A_1639 = arith.constant 1 : i32
        %jit3A_1640 = arith.constant 0 : i32
        %broadcast_in_dim3A_1641 = vector.broadcast %jit3A_1639 : i32 to vector<16xi32>
        %broadcast_in_dim3A_1642 = vector.broadcast %jit3A_1640 : i32 to vector<16xi32>
        %select_n3A_1643 = arith.select %ge3A_1638, %broadcast_in_dim3A_1641, %broadcast_in_dim3A_1642 : vector<16xi1>, vector<16xi32>
        %add3A_1644 = arith.addi %add3A_1630, %select_n3A_1643 : vector<16xi32>
        %scan3A_1645 = arith.constant 6250 : i32
        %slice3A_1646 = vector.extract_strided_slice %add3A_1644 {offsets = [0], sizes = [1], strides = [1]} : vector<16xi32> to vector<1xi32>
        %squeeze3A_1647 = vector.extract %slice3A_1646[0] : i32 from vector<1xi32>
        %slice3A_1648 = vector.extract_strided_slice %add3A_1644 {offsets = [1], sizes = [1], strides = [1]} : vector<16xi32> to vector<1xi32>
        %squeeze3A_1649 = vector.extract %slice3A_1648[0] : i32 from vector<1xi32>
        %slice3A_1650 = vector.extract_strided_slice %add3A_1644 {offsets = [2], sizes = [1], strides = [1]} : vector<16xi32> to vector<1xi32>
        %squeeze3A_1651 = vector.extract %slice3A_1650[0] : i32 from vector<1xi32>
        %slice3A_1652 = vector.extract_strided_slice %add3A_1644 {offsets = [3], sizes = [1], strides = [1]} : vector<16xi32> to vector<1xi32>
        %squeeze3A_1653 = vector.extract %slice3A_1652[0] : i32 from vector<1xi32>
        %slice3A_1654 = vector.extract_strided_slice %add3A_1644 {offsets = [4], sizes = [1], strides = [1]} : vector<16xi32> to vector<1xi32>
        %squeeze3A_1655 = vector.extract %slice3A_1654[0] : i32 from vector<1xi32>
        %slice3A_1656 = vector.extract_strided_slice %add3A_1644 {offsets = [5], sizes = [1], strides = [1]} : vector<16xi32> to vector<1xi32>
        %squeeze3A_1657 = vector.extract %slice3A_1656[0] : i32 from vector<1xi32>
        %slice3A_1658 = vector.extract_strided_slice %add3A_1644 {offsets = [6], sizes = [1], strides = [1]} : vector<16xi32> to vector<1xi32>
        %squeeze3A_1659 = vector.extract %slice3A_1658[0] : i32 from vector<1xi32>
        %slice3A_1660 = vector.extract_strided_slice %add3A_1644 {offsets = [7], sizes = [1], strides = [1]} : vector<16xi32> to vector<1xi32>
        %squeeze3A_1661 = vector.extract %slice3A_1660[0] : i32 from vector<1xi32>
        %slice3A_1662 = vector.extract_strided_slice %add3A_1644 {offsets = [8], sizes = [1], strides = [1]} : vector<16xi32> to vector<1xi32>
        %squeeze3A_1663 = vector.extract %slice3A_1662[0] : i32 from vector<1xi32>
        %slice3A_1664 = vector.extract_strided_slice %add3A_1644 {offsets = [9], sizes = [1], strides = [1]} : vector<16xi32> to vector<1xi32>
        %squeeze3A_1665 = vector.extract %slice3A_1664[0] : i32 from vector<1xi32>
        %slice3A_1666 = vector.extract_strided_slice %add3A_1644 {offsets = [10], sizes = [1], strides = [1]} : vector<16xi32> to vector<1xi32>
        %squeeze3A_1667 = vector.extract %slice3A_1666[0] : i32 from vector<1xi32>
        %slice3A_1668 = vector.extract_strided_slice %add3A_1644 {offsets = [11], sizes = [1], strides = [1]} : vector<16xi32> to vector<1xi32>
        %squeeze3A_1669 = vector.extract %slice3A_1668[0] : i32 from vector<1xi32>
        %slice3A_1670 = vector.extract_strided_slice %add3A_1644 {offsets = [12], sizes = [1], strides = [1]} : vector<16xi32> to vector<1xi32>
        %squeeze3A_1671 = vector.extract %slice3A_1670[0] : i32 from vector<1xi32>
        %slice3A_1672 = vector.extract_strided_slice %add3A_1644 {offsets = [13], sizes = [1], strides = [1]} : vector<16xi32> to vector<1xi32>
        %squeeze3A_1673 = vector.extract %slice3A_1672[0] : i32 from vector<1xi32>
        %slice3A_1674 = vector.extract_strided_slice %add3A_1644 {offsets = [14], sizes = [1], strides = [1]} : vector<16xi32> to vector<1xi32>
        %squeeze3A_1675 = vector.extract %slice3A_1674[0] : i32 from vector<1xi32>
        %slice3A_1676 = vector.extract_strided_slice %add3A_1644 {offsets = [15], sizes = [1], strides = [1]} : vector<16xi32> to vector<1xi32>
        %squeeze3A_1677 = vector.extract %slice3A_1676[0] : i32 from vector<1xi32>
        %add3A_1678 = arith.addi %squeeze3A_1647, %squeeze3A_1649 : i32
        %add3A_1679 = arith.addi %squeeze3A_1651, %squeeze3A_1653 : i32
        %add3A_1680 = arith.addi %squeeze3A_1655, %squeeze3A_1657 : i32
        %add3A_1681 = arith.addi %squeeze3A_1659, %squeeze3A_1661 : i32
        %add3A_1682 = arith.addi %squeeze3A_1663, %squeeze3A_1665 : i32
        %add3A_1683 = arith.addi %squeeze3A_1667, %squeeze3A_1669 : i32
        %add3A_1684 = arith.addi %squeeze3A_1671, %squeeze3A_1673 : i32
        %add3A_1685 = arith.addi %squeeze3A_1675, %squeeze3A_1677 : i32
        %add3A_1686 = arith.addi %add3A_1678, %add3A_1679 : i32
        %add3A_1687 = arith.addi %add3A_1680, %add3A_1681 : i32
        %add3A_1688 = arith.addi %add3A_1682, %add3A_1683 : i32
        %add3A_1689 = arith.addi %add3A_1684, %add3A_1685 : i32
        %add3A_1690 = arith.addi %add3A_1686, %add3A_1687 : i32
        %add3A_1691 = arith.addi %add3A_1688, %add3A_1689 : i32
        %add3A_1692 = arith.addi %add3A_1690, %add3A_1691 : i32
        %ge3A_1693 = arith.cmpi sge, %add3A_1692, %squeeze3A : i32
        %or3A_1694 = arith.ori %scan3A_1604, %shift_left3A_1607 : i32
        %select_n3A_1695 = arith.select %ge3A_1693, %or3A_1694, %scan3A_1604 : i32
        scf.yield %select_n3A_1695 : i32
      }
      %scan3A_144 = arith.constant 12 : i32
      %or3A = arith.ori %select_n3A_137, %scan3A_143 : i32
      %scan3A_145 = arith.constant 0 : i32
      %scan3A_146 = arith.constant 0 : i32
      %scan3A_147 = arith.constant 6248 : i32
      %scan3A_148 = arith.addi %scan3A_146, %scan3A_147 : i32
      %scan3A_149 = arith.constant 4 : i32
      %scan3A_150 = scf.for %scan3A_1603 = %scan3A_146 to %scan3A_148 step %scan3A_149 iter_args(%scan3A_1604 = %scan3A_145) -> (i32)  : i32 {
        %mul3A_1605 = arith.constant 16 : i32
        %mul3A_1606 = arith.muli %scan3A_1603, %mul3A_1605 : i32
        %get3A_1607 = arith.index_cast %mul3A_1606 : i32 to index
        %get3A_1608 = tpu.vector_load %arg8[%get3A_1607] {strides = array<i32>} : memref<100000xi32, #tpu.memory_space<vmem>>, vector<16xi32>,
        %ge3A_1609 = vector.broadcast %or3A : i32 to vector<16xi32>
        %ge3A_1610 = arith.cmpi sge, %get3A_1608, %ge3A_1609 : vector<16xi32>
        %jit3A_1611 = arith.constant 1 : i32
        %jit3A_1612 = arith.constant 0 : i32
        %broadcast_in_dim3A_1613 = vector.broadcast %jit3A_1611 : i32 to vector<16xi32>
        %broadcast_in_dim3A_1614 = vector.broadcast %jit3A_1612 : i32 to vector<16xi32>
        %select_n3A_1615 = arith.select %ge3A_1610, %broadcast_in_dim3A_1613, %broadcast_in_dim3A_1614 : vector<16xi1>, vector<16xi32>
        %broadcast_in_dim3A_1616 = arith.constant true
        %broadcast_in_dim3A_1617 = vector.broadcast %broadcast_in_dim3A_1616 : i1 to vector<16xi1>
        %masked_cumsum3A_1618 = tpu.scan <sum>, %select_n3A_1615 masked %broadcast_in_dim3A_1617 : vector<16xi32>, vector<16xi1> -> vector<16xi32>
        %add3A_1619 = vector.broadcast %scan3A_1604 : i32 to vector<16xi32>
        %add3A_1620 = arith.addi %add3A_1619, %masked_cumsum3A_1618 : vector<16xi32>
        %sub3A_1621 = arith.constant 1 : i32
        %sub3A_1622 = vector.broadcast %sub3A_1621 : i32 to vector<16xi32>
        %sub3A_1623 = arith.subi %add3A_1620, %sub3A_1622 : vector<16xi32>
        %min3A_1624 = arith.constant 511 : i32
        %min3A_1625 = vector.broadcast %min3A_1624 : i32 to vector<16xi32>
        %min3A_1626 = arith.minsi %sub3A_1623, %min3A_1625 : vector<16xi32>
        %add3A_1627 = arith.constant 512 : i32
        %add3A_1628 = vector.broadcast %add3A_1627 : i32 to vector<16xi32>
        %add3A_1629 = arith.addi %add3A_1628, %iota3A : vector<16xi32>
        %select_n3A_1630 = arith.select %ge3A_1610, %min3A_1626, %add3A_1629 : vector<16xi1>, vector<16xi32>
        tpu.vector_store_idx %arg10[%select_n3A_1630], %get3A_1608 : memref<528xi32, #tpu.memory_space<vmem>>[vector<16xi32>], vector<16xi32>,
        %mul3A_1631 = arith.constant 16 : i32
        %mul3A_1632 = arith.muli %scan3A_1603, %mul3A_1631 : i32
        %add3A_1633 = vector.broadcast %mul3A_1632 : i32 to vector<16xi32>
        %add3A_1634 = arith.addi %iota3A, %add3A_1633 : vector<16xi32>
        tpu.vector_store_idx %arg11[%select_n3A_1630], %add3A_1634 : memref<528xi32, #tpu.memory_space<vmem>>[vector<16xi32>], vector<16xi32>,
        %slice3A_1635 = vector.extract_strided_slice %masked_cumsum3A_1618 {offsets = [15], sizes = [1], strides = [1]} : vector<16xi32> to vector<1xi32>
        %squeeze3A_1636 = vector.extract %slice3A_1635[0] : i32 from vector<1xi32>
        %add3A_1637 = arith.addi %scan3A_1604, %squeeze3A_1636 : i32
        %scan3A_1638 = arith.constant 1 : i32
        %scan3A_1639 = arith.addi %scan3A_1603, %scan3A_1638 : i32
        %mul3A_1640 = arith.constant 16 : i32
        %mul3A_1641 = arith.muli %scan3A_1639, %mul3A_1640 : i32
        %get3A_1642 = arith.index_cast %mul3A_1641 : i32 to index
        %get3A_1643 = tpu.vector_load %arg8[%get3A_1642] {strides = array<i32>} : memref<100000xi32, #tpu.memory_space<vmem>>, vector<16xi32>,
        %ge3A_1644 = vector.broadcast %or3A : i32 to vector<16xi32>
        %ge3A_1645 = arith.cmpi sge, %get3A_1643, %ge3A_1644 : vector<16xi32>
        %jit3A_1646 = arith.constant 1 : i32
        %jit3A_1647 = arith.constant 0 : i32
        %broadcast_in_dim3A_1648 = vector.broadcast %jit3A_1646 : i32 to vector<16xi32>
        %broadcast_in_dim3A_1649 = vector.broadcast %jit3A_1647 : i32 to vector<16xi32>
        %select_n3A_1650 = arith.select %ge3A_1645, %broadcast_in_dim3A_1648, %broadcast_in_dim3A_1649 : vector<16xi1>, vector<16xi32>
        %broadcast_in_dim3A_1651 = arith.constant true
        %broadcast_in_dim3A_1652 = vector.broadcast %broadcast_in_dim3A_1651 : i1 to vector<16xi1>
        %masked_cumsum3A_1653 = tpu.scan <sum>, %select_n3A_1650 masked %broadcast_in_dim3A_1652 : vector<16xi32>, vector<16xi1> -> vector<16xi32>
        %add3A_1654 = vector.broadcast %add3A_1637 : i32 to vector<16xi32>
        %add3A_1655 = arith.addi %add3A_1654, %masked_cumsum3A_1653 : vector<16xi32>
        %sub3A_1656 = arith.constant 1 : i32
        %sub3A_1657 = vector.broadcast %sub3A_1656 : i32 to vector<16xi32>
        %sub3A_1658 = arith.subi %add3A_1655, %sub3A_1657 : vector<16xi32>
        %min3A_1659 = arith.constant 511 : i32
        %min3A_1660 = vector.broadcast %min3A_1659 : i32 to vector<16xi32>
        %min3A_1661 = arith.minsi %sub3A_1658, %min3A_1660 : vector<16xi32>
        %add3A_1662 = arith.constant 512 : i32
        %add3A_1663 = vector.broadcast %add3A_1662 : i32 to vector<16xi32>
        %add3A_1664 = arith.addi %add3A_1663, %iota3A : vector<16xi32>
        %select_n3A_1665 = arith.select %ge3A_1645, %min3A_1661, %add3A_1664 : vector<16xi1>, vector<16xi32>
        tpu.vector_store_idx %arg10[%select_n3A_1665], %get3A_1643 : memref<528xi32, #tpu.memory_space<vmem>>[vector<16xi32>], vector<16xi32>,
        %mul3A_1666 = arith.constant 16 : i32
        %mul3A_1667 = arith.muli %scan3A_1639, %mul3A_1666 : i32
        %add3A_1668 = vector.broadcast %mul3A_1667 : i32 to vector<16xi32>
        %add3A_1669 = arith.addi %iota3A, %add3A_1668 : vector<16xi32>
        tpu.vector_store_idx %arg11[%select_n3A_1665], %add3A_1669 : memref<528xi32, #tpu.memory_space<vmem>>[vector<16xi32>], vector<16xi32>,
        %slice3A_1670 = vector.extract_strided_slice %masked_cumsum3A_1653 {offsets = [15], sizes = [1], strides = [1]} : vector<16xi32> to vector<1xi32>
        %squeeze3A_1671 = vector.extract %slice3A_1670[0] : i32 from vector<1xi32>
        %add3A_1672 = arith.addi %add3A_1637, %squeeze3A_1671 : i32
        %scan3A_1673 = arith.constant 2 : i32
        %scan3A_1674 = arith.addi %scan3A_1603, %scan3A_1673 : i32
        %mul3A_1675 = arith.constant 16 : i32
        %mul3A_1676 = arith.muli %scan3A_1674, %mul3A_1675 : i32
        %get3A_1677 = arith.index_cast %mul3A_1676 : i32 to index
        %get3A_1678 = tpu.vector_load %arg8[%get3A_1677] {strides = array<i32>} : memref<100000xi32, #tpu.memory_space<vmem>>, vector<16xi32>,
        %ge3A_1679 = vector.broadcast %or3A : i32 to vector<16xi32>
        %ge3A_1680 = arith.cmpi sge, %get3A_1678, %ge3A_1679 : vector<16xi32>
        %jit3A_1681 = arith.constant 1 : i32
        %jit3A_1682 = arith.constant 0 : i32
        %broadcast_in_dim3A_1683 = vector.broadcast %jit3A_1681 : i32 to vector<16xi32>
        %broadcast_in_dim3A_1684 = vector.broadcast %jit3A_1682 : i32 to vector<16xi32>
        %select_n3A_1685 = arith.select %ge3A_1680, %broadcast_in_dim3A_1683, %broadcast_in_dim3A_1684 : vector<16xi1>, vector<16xi32>
        %broadcast_in_dim3A_1686 = arith.constant true
        %broadcast_in_dim3A_1687 = vector.broadcast %broadcast_in_dim3A_1686 : i1 to vector<16xi1>
        %masked_cumsum3A_1688 = tpu.scan <sum>, %select_n3A_1685 masked %broadcast_in_dim3A_1687 : vector<16xi32>, vector<16xi1> -> vector<16xi32>
        %add3A_1689 = vector.broadcast %add3A_1672 : i32 to vector<16xi32>
        %add3A_1690 = arith.addi %add3A_1689, %masked_cumsum3A_1688 : vector<16xi32>
        %sub3A_1691 = arith.constant 1 : i32
        %sub3A_1692 = vector.broadcast %sub3A_1691 : i32 to vector<16xi32>
        %sub3A_1693 = arith.subi %add3A_1690, %sub3A_1692 : vector<16xi32>
        %min3A_1694 = arith.constant 511 : i32
        %min3A_1695 = vector.broadcast %min3A_1694 : i32 to vector<16xi32>
        %min3A_1696 = arith.minsi %sub3A_1693, %min3A_1695 : vector<16xi32>
        %add3A_1697 = arith.constant 512 : i32
        %add3A_1698 = vector.broadcast %add3A_1697 : i32 to vector<16xi32>
        %add3A_1699 = arith.addi %add3A_1698, %iota3A : vector<16xi32>
        %select_n3A_1700 = arith.select %ge3A_1680, %min3A_1696, %add3A_1699 : vector<16xi1>, vector<16xi32>
        tpu.vector_store_idx %arg10[%select_n3A_1700], %get3A_1678 : memref<528xi32, #tpu.memory_space<vmem>>[vector<16xi32>], vector<16xi32>,
        %mul3A_1701 = arith.constant 16 : i32
        %mul3A_1702 = arith.muli %scan3A_1674, %mul3A_1701 : i32
        %add3A_1703 = vector.broadcast %mul3A_1702 : i32 to vector<16xi32>
        %add3A_1704 = arith.addi %iota3A, %add3A_1703 : vector<16xi32>
        tpu.vector_store_idx %arg11[%select_n3A_1700], %add3A_1704 : memref<528xi32, #tpu.memory_space<vmem>>[vector<16xi32>], vector<16xi32>,
        %slice3A_1705 = vector.extract_strided_slice %masked_cumsum3A_1688 {offsets = [15], sizes = [1], strides = [1]} : vector<16xi32> to vector<1xi32>
        %squeeze3A_1706 = vector.extract %slice3A_1705[0] : i32 from vector<1xi32>
        %add3A_1707 = arith.addi %add3A_1672, %squeeze3A_1706 : i32
        %scan3A_1708 = arith.constant 3 : i32
        %scan3A_1709 = arith.addi %scan3A_1603, %scan3A_1708 : i32
        %mul3A_1710 = arith.constant 16 : i32
        %mul3A_1711 = arith.muli %scan3A_1709, %mul3A_1710 : i32
        %get3A_1712 = arith.index_cast %mul3A_1711 : i32 to index
        %get3A_1713 = tpu.vector_load %arg8[%get3A_1712] {strides = array<i32>} : memref<100000xi32, #tpu.memory_space<vmem>>, vector<16xi32>,
        %ge3A_1714 = vector.broadcast %or3A : i32 to vector<16xi32>
        %ge3A_1715 = arith.cmpi sge, %get3A_1713, %ge3A_1714 : vector<16xi32>
        %jit3A_1716 = arith.constant 1 : i32
        %jit3A_1717 = arith.constant 0 : i32
        %broadcast_in_dim3A_1718 = vector.broadcast %jit3A_1716 : i32 to vector<16xi32>
        %broadcast_in_dim3A_1719 = vector.broadcast %jit3A_1717 : i32 to vector<16xi32>
        %select_n3A_1720 = arith.select %ge3A_1715, %broadcast_in_dim3A_1718, %broadcast_in_dim3A_1719 : vector<16xi1>, vector<16xi32>
        %broadcast_in_dim3A_1721 = arith.constant true
        %broadcast_in_dim3A_1722 = vector.broadcast %broadcast_in_dim3A_1721 : i1 to vector<16xi1>
        %masked_cumsum3A_1723 = tpu.scan <sum>, %select_n3A_1720 masked %broadcast_in_dim3A_1722 : vector<16xi32>, vector<16xi1> -> vector<16xi32>
        %add3A_1724 = vector.broadcast %add3A_1707 : i32 to vector<16xi32>
        %add3A_1725 = arith.addi %add3A_1724, %masked_cumsum3A_1723 : vector<16xi32>
        %sub3A_1726 = arith.constant 1 : i32
        %sub3A_1727 = vector.broadcast %sub3A_1726 : i32 to vector<16xi32>
        %sub3A_1728 = arith.subi %add3A_1725, %sub3A_1727 : vector<16xi32>
        %min3A_1729 = arith.constant 511 : i32
        %min3A_1730 = vector.broadcast %min3A_1729 : i32 to vector<16xi32>
        %min3A_1731 = arith.minsi %sub3A_1728, %min3A_1730 : vector<16xi32>
        %add3A_1732 = arith.constant 512 : i32
        %add3A_1733 = vector.broadcast %add3A_1732 : i32 to vector<16xi32>
        %add3A_1734 = arith.addi %add3A_1733, %iota3A : vector<16xi32>
        %select_n3A_1735 = arith.select %ge3A_1715, %min3A_1731, %add3A_1734 : vector<16xi1>, vector<16xi32>
        tpu.vector_store_idx %arg10[%select_n3A_1735], %get3A_1713 : memref<528xi32, #tpu.memory_space<vmem>>[vector<16xi32>], vector<16xi32>,
        %mul3A_1736 = arith.constant 16 : i32
        %mul3A_1737 = arith.muli %scan3A_1709, %mul3A_1736 : i32
        %add3A_1738 = vector.broadcast %mul3A_1737 : i32 to vector<16xi32>
        %add3A_1739 = arith.addi %iota3A, %add3A_1738 : vector<16xi32>
        tpu.vector_store_idx %arg11[%select_n3A_1735], %add3A_1739 : memref<528xi32, #tpu.memory_space<vmem>>[vector<16xi32>], vector<16xi32>,
        %slice3A_1740 = vector.extract_strided_slice %masked_cumsum3A_1723 {offsets = [15], sizes = [1], strides = [1]} : vector<16xi32> to vector<1xi32>
        %squeeze3A_1741 = vector.extract %slice3A_1740[0] : i32 from vector<1xi32>
        %add3A_1742 = arith.addi %add3A_1707, %squeeze3A_1741 : i32
        scf.yield %add3A_1742 : i32
      }
      %scan3A_151 = arith.constant 6248 : i32
      %scan3A_152 = arith.addi %scan3A_146, %scan3A_151 : i32
      %mul3A_153 = arith.constant 16 : i32
      %mul3A_154 = arith.muli %scan3A_152, %mul3A_153 : i32
      %get3A_155 = arith.index_cast %mul3A_154 : i32 to index
      %get3A_156 = tpu.vector_load %arg8[%get3A_155] {strides = array<i32>} : memref<100000xi32, #tpu.memory_space<vmem>>, vector<16xi32>,
      %ge3A_157 = vector.broadcast %or3A : i32 to vector<16xi32>
      %ge3A_158 = arith.cmpi sge, %get3A_156, %ge3A_157 : vector<16xi32>
      %jit3A_159 = arith.constant 1 : i32
      %jit3A_160 = arith.constant 0 : i32
      %broadcast_in_dim3A_161 = vector.broadcast %jit3A_159 : i32 to vector<16xi32>
      %broadcast_in_dim3A_162 = vector.broadcast %jit3A_160 : i32 to vector<16xi32>
      %select_n3A_163 = arith.select %ge3A_158, %broadcast_in_dim3A_161, %broadcast_in_dim3A_162 : vector<16xi1>, vector<16xi32>
      %broadcast_in_dim3A_164 = arith.constant true
      %broadcast_in_dim3A_165 = vector.broadcast %broadcast_in_dim3A_164 : i1 to vector<16xi1>
      %masked_cumsum3A = tpu.scan <sum>, %select_n3A_163 masked %broadcast_in_dim3A_165 : vector<16xi32>, vector<16xi1> -> vector<16xi32>
      %add3A_166 = vector.broadcast %scan3A_150 : i32 to vector<16xi32>
      %add3A_167 = arith.addi %add3A_166, %masked_cumsum3A : vector<16xi32>
      %sub3A_168 = arith.constant 1 : i32
      %sub3A_169 = vector.broadcast %sub3A_168 : i32 to vector<16xi32>
      %sub3A_170 = arith.subi %add3A_167, %sub3A_169 : vector<16xi32>
      %min3A = arith.constant 511 : i32
      %min3A_171 = vector.broadcast %min3A : i32 to vector<16xi32>
      %min3A_172 = arith.minsi %sub3A_170, %min3A_171 : vector<16xi32>
      %add3A_173 = arith.constant 512 : i32
      %add3A_174 = vector.broadcast %add3A_173 : i32 to vector<16xi32>
      %add3A_175 = arith.addi %add3A_174, %iota3A : vector<16xi32>
      %select_n3A_176 = arith.select %ge3A_158, %min3A_172, %add3A_175 : vector<16xi1>, vector<16xi32>
      tpu.vector_store_idx %arg10[%select_n3A_176], %get3A_156 : memref<528xi32, #tpu.memory_space<vmem>>[vector<16xi32>], vector<16xi32>,
      %mul3A_177 = arith.constant 16 : i32
      %mul3A_178 = arith.muli %scan3A_152, %mul3A_177 : i32
      %add3A_179 = vector.broadcast %mul3A_178 : i32 to vector<16xi32>
      %add3A_180 = arith.addi %iota3A, %add3A_179 : vector<16xi32>
      tpu.vector_store_idx %arg11[%select_n3A_176], %add3A_180 : memref<528xi32, #tpu.memory_space<vmem>>[vector<16xi32>], vector<16xi32>,
      %slice3A_181 = vector.extract_strided_slice %masked_cumsum3A {offsets = [15], sizes = [1], strides = [1]} : vector<16xi32> to vector<1xi32>
      %squeeze3A_182 = vector.extract %slice3A_181[0] : i32 from vector<1xi32>
      %add3A_183 = arith.addi %scan3A_150, %squeeze3A_182 : i32
      %scan3A_184 = arith.constant 6249 : i32
      %scan3A_185 = arith.addi %scan3A_146, %scan3A_184 : i32
      %mul3A_186 = arith.constant 16 : i32
      %mul3A_187 = arith.muli %scan3A_185, %mul3A_186 : i32
      %get3A_188 = arith.index_cast %mul3A_187 : i32 to index
      %get3A_189 = tpu.vector_load %arg8[%get3A_188] {strides = array<i32>} : memref<100000xi32, #tpu.memory_space<vmem>>, vector<16xi32>,
      %ge3A_190 = vector.broadcast %or3A : i32 to vector<16xi32>
      %ge3A_191 = arith.cmpi sge, %get3A_189, %ge3A_190 : vector<16xi32>
      %jit3A_192 = arith.constant 1 : i32
      %jit3A_193 = arith.constant 0 : i32
      %broadcast_in_dim3A_194 = vector.broadcast %jit3A_192 : i32 to vector<16xi32>
      %broadcast_in_dim3A_195 = vector.broadcast %jit3A_193 : i32 to vector<16xi32>
      %select_n3A_196 = arith.select %ge3A_191, %broadcast_in_dim3A_194, %broadcast_in_dim3A_195 : vector<16xi1>, vector<16xi32>
      %broadcast_in_dim3A_197 = arith.constant true
      %broadcast_in_dim3A_198 = vector.broadcast %broadcast_in_dim3A_197 : i1 to vector<16xi1>
      %masked_cumsum3A_199 = tpu.scan <sum>, %select_n3A_196 masked %broadcast_in_dim3A_198 : vector<16xi32>, vector<16xi1> -> vector<16xi32>
      %add3A_200 = vector.broadcast %add3A_183 : i32 to vector<16xi32>
      %add3A_201 = arith.addi %add3A_200, %masked_cumsum3A_199 : vector<16xi32>
      %sub3A_202 = arith.constant 1 : i32
      %sub3A_203 = vector.broadcast %sub3A_202 : i32 to vector<16xi32>
      %sub3A_204 = arith.subi %add3A_201, %sub3A_203 : vector<16xi32>
      %min3A_205 = arith.constant 511 : i32
      %min3A_206 = vector.broadcast %min3A_205 : i32 to vector<16xi32>
      %min3A_207 = arith.minsi %sub3A_204, %min3A_206 : vector<16xi32>
      %add3A_208 = arith.constant 512 : i32
      %add3A_209 = vector.broadcast %add3A_208 : i32 to vector<16xi32>
      %add3A_210 = arith.addi %add3A_209, %iota3A : vector<16xi32>
      %select_n3A_211 = arith.select %ge3A_191, %min3A_207, %add3A_210 : vector<16xi1>, vector<16xi32>
      tpu.vector_store_idx %arg10[%select_n3A_211], %get3A_189 : memref<528xi32, #tpu.memory_space<vmem>>[vector<16xi32>], vector<16xi32>,
      %mul3A_212 = arith.constant 16 : i32
      %mul3A_213 = arith.muli %scan3A_185, %mul3A_212 : i32
      %add3A_214 = vector.broadcast %mul3A_213 : i32 to vector<16xi32>
      %add3A_215 = arith.addi %iota3A, %add3A_214 : vector<16xi32>
      tpu.vector_store_idx %arg11[%select_n3A_211], %add3A_215 : memref<528xi32, #tpu.memory_space<vmem>>[vector<16xi32>], vector<16xi32>,
      %slice3A_216 = vector.extract_strided_slice %masked_cumsum3A_199 {offsets = [15], sizes = [1], strides = [1]} : vector<16xi32> to vector<1xi32>
      %squeeze3A_217 = vector.extract %slice3A_216[0] : i32 from vector<1xi32>
      %add3A_218 = arith.addi %add3A_183, %squeeze3A_217 : i32
      %scan3A_219 = arith.constant 6250 : i32
      %le3A = arith.constant 512 : i32
      %le3A_220 = arith.cmpi sle, %add3A_218, %le3A : i32
      %convert_element_type3A = arith.extui %le3A_220 : i1 to i32
      %cond3A = arith.constant 0 : i32
      %cond3A_221 = arith.constant 0 : i32
      %cond3A_222 = arith.cmpi ne, %convert_element_type3A, %cond3A_221 : i32
      %cond3A_223 = scf.if %cond3A_222 -> (i32) {
        %scan3A_1603 = arith.constant 0 : i32
        %scan3A_1604 = arith.constant 0 : i32
        %scan3A_1605 = arith.constant 19 : i32
        %scan3A_1606 = arith.addi %scan3A_1604, %scan3A_1605 : i32
        %scan3A_1607 = arith.constant 1 : i32
        %scan3A_1608 = scf.for %scan3A_1611 = %scan3A_1604 to %scan3A_1606 step %scan3A_1607 iter_args(%scan3A_1612 = %scan3A_1603) -> (i32)  : i32 {
          %sub3A_1613 = arith.constant 18 : i32
          %sub3A_1614 = arith.subi %sub3A_1613, %scan3A_1611 : i32
          %shift_left3A = arith.constant 1 : i32
          %shift_left3A_1615 = arith.shli %shift_left3A, %sub3A_1614 : i32
          %or3A_1616 = arith.ori %or3A, %scan3A_1612 : i32
          %or3A_1617 = arith.ori %or3A_1616, %shift_left3A_1615 : i32
          %broadcast_in_dim3A_1618 = arith.constant 0 : i32
          %broadcast_in_dim3A_1619 = vector.broadcast %broadcast_in_dim3A_1618 : i32 to vector<16xi32>
          %scan3A_1620 = arith.constant 0 : i32
          %scan3A_1621 = arith.constant 32 : i32
          %scan3A_1622 = arith.addi %scan3A_1620, %scan3A_1621 : i32
          %scan3A_1623 = arith.constant 1 : i32
          %scan3A_1624 = scf.for %scan3A_1676 = %scan3A_1620 to %scan3A_1622 step %scan3A_1623 iter_args(%scan3A_1677 = %broadcast_in_dim3A_1619) -> (vector<16xi32>)  : i32 {
            %mul3A_1678 = arith.constant 16 : i32
            %mul3A_1679 = arith.muli %scan3A_1676, %mul3A_1678 : i32
            %get3A_1680 = arith.index_cast %mul3A_1679 : i32 to index
            %get3A_1681 = tpu.vector_load %arg10[%get3A_1680] {strides = array<i32>} : memref<528xi32, #tpu.memory_space<vmem>>, vector<16xi32>,
            %ge3A_1682 = vector.broadcast %or3A_1617 : i32 to vector<16xi32>
            %ge3A_1683 = arith.cmpi sge, %get3A_1681, %ge3A_1682 : vector<16xi32>
            %mul3A_1684 = arith.constant 16 : i32
            %mul3A_1685 = arith.muli %scan3A_1676, %mul3A_1684 : i32
            %add3A_1686 = vector.broadcast %mul3A_1685 : i32 to vector<16xi32>
            %add3A_1687 = arith.addi %add3A_1686, %iota3A : vector<16xi32>
            %lt3A_1688 = vector.broadcast %add3A_218 : i32 to vector<16xi32>
            %lt3A_1689 = arith.cmpi slt, %add3A_1687, %lt3A_1688 : vector<16xi32>
            %and3A_1690 = arith.andi %ge3A_1683, %lt3A_1689 : vector<16xi1>
            %jit3A_1691 = arith.constant 1 : i32
            %jit3A_1692 = arith.constant 0 : i32
            %broadcast_in_dim3A_1693 = vector.broadcast %jit3A_1691 : i32 to vector<16xi32>
            %broadcast_in_dim3A_1694 = vector.broadcast %jit3A_1692 : i32 to vector<16xi32>
            %select_n3A_1695 = arith.select %and3A_1690, %broadcast_in_dim3A_1693, %broadcast_in_dim3A_1694 : vector<16xi1>, vector<16xi32>
            %add3A_1696 = arith.addi %scan3A_1677, %select_n3A_1695 : vector<16xi32>
            scf.yield %add3A_1696 : vector<16xi32>
          }
          %scan3A_1625 = arith.constant 32 : i32
          %slice3A_1626 = vector.extract_strided_slice %scan3A_1624 {offsets = [0], sizes = [1], strides = [1]} : vector<16xi32> to vector<1xi32>
          %squeeze3A_1627 = vector.extract %slice3A_1626[0] : i32 from vector<1xi32>
          %slice3A_1628 = vector.extract_strided_slice %scan3A_1624 {offsets = [1], sizes = [1], strides = [1]} : vector<16xi32> to vector<1xi32>
          %squeeze3A_1629 = vector.extract %slice3A_1628[0] : i32 from vector<1xi32>
          %slice3A_1630 = vector.extract_strided_slice %scan3A_1624 {offsets = [2], sizes = [1], strides = [1]} : vector<16xi32> to vector<1xi32>
          %squeeze3A_1631 = vector.extract %slice3A_1630[0] : i32 from vector<1xi32>
          %slice3A_1632 = vector.extract_strided_slice %scan3A_1624 {offsets = [3], sizes = [1], strides = [1]} : vector<16xi32> to vector<1xi32>
          %squeeze3A_1633 = vector.extract %slice3A_1632[0] : i32 from vector<1xi32>
          %slice3A_1634 = vector.extract_strided_slice %scan3A_1624 {offsets = [4], sizes = [1], strides = [1]} : vector<16xi32> to vector<1xi32>
          %squeeze3A_1635 = vector.extract %slice3A_1634[0] : i32 from vector<1xi32>
          %slice3A_1636 = vector.extract_strided_slice %scan3A_1624 {offsets = [5], sizes = [1], strides = [1]} : vector<16xi32> to vector<1xi32>
          %squeeze3A_1637 = vector.extract %slice3A_1636[0] : i32 from vector<1xi32>
          %slice3A_1638 = vector.extract_strided_slice %scan3A_1624 {offsets = [6], sizes = [1], strides = [1]} : vector<16xi32> to vector<1xi32>
          %squeeze3A_1639 = vector.extract %slice3A_1638[0] : i32 from vector<1xi32>
          %slice3A_1640 = vector.extract_strided_slice %scan3A_1624 {offsets = [7], sizes = [1], strides = [1]} : vector<16xi32> to vector<1xi32>
          %squeeze3A_1641 = vector.extract %slice3A_1640[0] : i32 from vector<1xi32>
          %slice3A_1642 = vector.extract_strided_slice %scan3A_1624 {offsets = [8], sizes = [1], strides = [1]} : vector<16xi32> to vector<1xi32>
          %squeeze3A_1643 = vector.extract %slice3A_1642[0] : i32 from vector<1xi32>
          %slice3A_1644 = vector.extract_strided_slice %scan3A_1624 {offsets = [9], sizes = [1], strides = [1]} : vector<16xi32> to vector<1xi32>
          %squeeze3A_1645 = vector.extract %slice3A_1644[0] : i32 from vector<1xi32>
          %slice3A_1646 = vector.extract_strided_slice %scan3A_1624 {offsets = [10], sizes = [1], strides = [1]} : vector<16xi32> to vector<1xi32>
          %squeeze3A_1647 = vector.extract %slice3A_1646[0] : i32 from vector<1xi32>
          %slice3A_1648 = vector.extract_strided_slice %scan3A_1624 {offsets = [11], sizes = [1], strides = [1]} : vector<16xi32> to vector<1xi32>
          %squeeze3A_1649 = vector.extract %slice3A_1648[0] : i32 from vector<1xi32>
          %slice3A_1650 = vector.extract_strided_slice %scan3A_1624 {offsets = [12], sizes = [1], strides = [1]} : vector<16xi32> to vector<1xi32>
          %squeeze3A_1651 = vector.extract %slice3A_1650[0] : i32 from vector<1xi32>
          %slice3A_1652 = vector.extract_strided_slice %scan3A_1624 {offsets = [13], sizes = [1], strides = [1]} : vector<16xi32> to vector<1xi32>
          %squeeze3A_1653 = vector.extract %slice3A_1652[0] : i32 from vector<1xi32>
          %slice3A_1654 = vector.extract_strided_slice %scan3A_1624 {offsets = [14], sizes = [1], strides = [1]} : vector<16xi32> to vector<1xi32>
          %squeeze3A_1655 = vector.extract %slice3A_1654[0] : i32 from vector<1xi32>
          %slice3A_1656 = vector.extract_strided_slice %scan3A_1624 {offsets = [15], sizes = [1], strides = [1]} : vector<16xi32> to vector<1xi32>
          %squeeze3A_1657 = vector.extract %slice3A_1656[0] : i32 from vector<1xi32>
          %add3A_1658 = arith.addi %squeeze3A_1627, %squeeze3A_1629 : i32
          %add3A_1659 = arith.addi %squeeze3A_1631, %squeeze3A_1633 : i32
          %add3A_1660 = arith.addi %squeeze3A_1635, %squeeze3A_1637 : i32
          %add3A_1661 = arith.addi %squeeze3A_1639, %squeeze3A_1641 : i32
          %add3A_1662 = arith.addi %squeeze3A_1643, %squeeze3A_1645 : i32
          %add3A_1663 = arith.addi %squeeze3A_1647, %squeeze3A_1649 : i32
          %add3A_1664 = arith.addi %squeeze3A_1651, %squeeze3A_1653 : i32
          %add3A_1665 = arith.addi %squeeze3A_1655, %squeeze3A_1657 : i32
          %add3A_1666 = arith.addi %add3A_1658, %add3A_1659 : i32
          %add3A_1667 = arith.addi %add3A_1660, %add3A_1661 : i32
          %add3A_1668 = arith.addi %add3A_1662, %add3A_1663 : i32
          %add3A_1669 = arith.addi %add3A_1664, %add3A_1665 : i32
          %add3A_1670 = arith.addi %add3A_1666, %add3A_1667 : i32
          %add3A_1671 = arith.addi %add3A_1668, %add3A_1669 : i32
          %add3A_1672 = arith.addi %add3A_1670, %add3A_1671 : i32
          %ge3A_1673 = arith.cmpi sge, %add3A_1672, %squeeze3A : i32
          %or3A_1674 = arith.ori %scan3A_1612, %shift_left3A_1615 : i32
          %select_n3A_1675 = arith.select %ge3A_1673, %or3A_1674, %scan3A_1612 : i32
          scf.yield %select_n3A_1675 : i32
        }
        %scan3A_1609 = arith.constant 19 : i32
        %or3A_1610 = arith.ori %or3A, %scan3A_1608 : i32
        scf.yield %or3A_1610 : i32
      } else {
        %scan3A_1603 = arith.constant 0 : i32
        %scan3A_1604 = arith.constant 12 : i32
        %scan3A_1605 = arith.constant 19 : i32
        %scan3A_1606 = arith.addi %scan3A_1604, %scan3A_1605 : i32
        %scan3A_1607 = arith.constant 1 : i32
        %scan3A_1608 = scf.for %scan3A_1611 = %scan3A_1604 to %scan3A_1606 step %scan3A_1607 iter_args(%scan3A_1612 = %scan3A_1603) -> (i32)  : i32 {
          %sub3A_1613 = arith.constant 30 : i32
          %sub3A_1614 = arith.subi %sub3A_1613, %scan3A_1611 : i32
          %shift_left3A = arith.constant 1 : i32
          %shift_left3A_1615 = arith.shli %shift_left3A, %sub3A_1614 : i32
          %or3A_1616 = arith.ori %select_n3A_137, %scan3A_143 : i32
          %or3A_1617 = arith.ori %or3A_1616, %scan3A_1612 : i32
          %or3A_1618 = arith.ori %or3A_1617, %shift_left3A_1615 : i32
          %broadcast_in_dim3A_1619 = arith.constant 0 : i32
          %broadcast_in_dim3A_1620 = vector.broadcast %broadcast_in_dim3A_1619 : i32 to vector<16xi32>
          %scan3A_1621 = arith.constant 0 : i32
          %scan3A_1622 = arith.constant 6248 : i32
          %scan3A_1623 = arith.addi %scan3A_1621, %scan3A_1622 : i32
          %scan3A_1624 = arith.constant 8 : i32
          %scan3A_1625 = scf.for %scan3A_1705 = %scan3A_1621 to %scan3A_1623 step %scan3A_1624 iter_args(%scan3A_1706 = %broadcast_in_dim3A_1620) -> (vector<16xi32>)  : i32 {
            %mul3A_1707 = arith.constant 16 : i32
            %mul3A_1708 = arith.muli %scan3A_1705, %mul3A_1707 : i32
            %get3A_1709 = arith.index_cast %mul3A_1708 : i32 to index
            %get3A_1710 = tpu.vector_load %arg8[%get3A_1709] {strides = array<i32>} : memref<100000xi32, #tpu.memory_space<vmem>>, vector<16xi32>,
            %ge3A_1711 = vector.broadcast %or3A_1618 : i32 to vector<16xi32>
            %ge3A_1712 = arith.cmpi sge, %get3A_1710, %ge3A_1711 : vector<16xi32>
            %jit3A_1713 = arith.constant 1 : i32
            %jit3A_1714 = arith.constant 0 : i32
            %broadcast_in_dim3A_1715 = vector.broadcast %jit3A_1713 : i32 to vector<16xi32>
            %broadcast_in_dim3A_1716 = vector.broadcast %jit3A_1714 : i32 to vector<16xi32>
            %select_n3A_1717 = arith.select %ge3A_1712, %broadcast_in_dim3A_1715, %broadcast_in_dim3A_1716 : vector<16xi1>, vector<16xi32>
            %add3A_1718 = arith.addi %scan3A_1706, %select_n3A_1717 : vector<16xi32>
            %scan3A_1719 = arith.constant 1 : i32
            %scan3A_1720 = arith.addi %scan3A_1705, %scan3A_1719 : i32
            %mul3A_1721 = arith.constant 16 : i32
            %mul3A_1722 = arith.muli %scan3A_1720, %mul3A_1721 : i32
            %get3A_1723 = arith.index_cast %mul3A_1722 : i32 to index
            %get3A_1724 = tpu.vector_load %arg8[%get3A_1723] {strides = array<i32>} : memref<100000xi32, #tpu.memory_space<vmem>>, vector<16xi32>,
            %ge3A_1725 = vector.broadcast %or3A_1618 : i32 to vector<16xi32>
            %ge3A_1726 = arith.cmpi sge, %get3A_1724, %ge3A_1725 : vector<16xi32>
            %jit3A_1727 = arith.constant 1 : i32
            %jit3A_1728 = arith.constant 0 : i32
            %broadcast_in_dim3A_1729 = vector.broadcast %jit3A_1727 : i32 to vector<16xi32>
            %broadcast_in_dim3A_1730 = vector.broadcast %jit3A_1728 : i32 to vector<16xi32>
            %select_n3A_1731 = arith.select %ge3A_1726, %broadcast_in_dim3A_1729, %broadcast_in_dim3A_1730 : vector<16xi1>, vector<16xi32>
            %add3A_1732 = arith.addi %add3A_1718, %select_n3A_1731 : vector<16xi32>
            %scan3A_1733 = arith.constant 2 : i32
            %scan3A_1734 = arith.addi %scan3A_1705, %scan3A_1733 : i32
            %mul3A_1735 = arith.constant 16 : i32
            %mul3A_1736 = arith.muli %scan3A_1734, %mul3A_1735 : i32
            %get3A_1737 = arith.index_cast %mul3A_1736 : i32 to index
            %get3A_1738 = tpu.vector_load %arg8[%get3A_1737] {strides = array<i32>} : memref<100000xi32, #tpu.memory_space<vmem>>, vector<16xi32>,
            %ge3A_1739 = vector.broadcast %or3A_1618 : i32 to vector<16xi32>
            %ge3A_1740 = arith.cmpi sge, %get3A_1738, %ge3A_1739 : vector<16xi32>
            %jit3A_1741 = arith.constant 1 : i32
            %jit3A_1742 = arith.constant 0 : i32
            %broadcast_in_dim3A_1743 = vector.broadcast %jit3A_1741 : i32 to vector<16xi32>
            %broadcast_in_dim3A_1744 = vector.broadcast %jit3A_1742 : i32 to vector<16xi32>
            %select_n3A_1745 = arith.select %ge3A_1740, %broadcast_in_dim3A_1743, %broadcast_in_dim3A_1744 : vector<16xi1>, vector<16xi32>
            %add3A_1746 = arith.addi %add3A_1732, %select_n3A_1745 : vector<16xi32>
            %scan3A_1747 = arith.constant 3 : i32
            %scan3A_1748 = arith.addi %scan3A_1705, %scan3A_1747 : i32
            %mul3A_1749 = arith.constant 16 : i32
            %mul3A_1750 = arith.muli %scan3A_1748, %mul3A_1749 : i32
            %get3A_1751 = arith.index_cast %mul3A_1750 : i32 to index
            %get3A_1752 = tpu.vector_load %arg8[%get3A_1751] {strides = array<i32>} : memref<100000xi32, #tpu.memory_space<vmem>>, vector<16xi32>,
            %ge3A_1753 = vector.broadcast %or3A_1618 : i32 to vector<16xi32>
            %ge3A_1754 = arith.cmpi sge, %get3A_1752, %ge3A_1753 : vector<16xi32>
            %jit3A_1755 = arith.constant 1 : i32
            %jit3A_1756 = arith.constant 0 : i32
            %broadcast_in_dim3A_1757 = vector.broadcast %jit3A_1755 : i32 to vector<16xi32>
            %broadcast_in_dim3A_1758 = vector.broadcast %jit3A_1756 : i32 to vector<16xi32>
            %select_n3A_1759 = arith.select %ge3A_1754, %broadcast_in_dim3A_1757, %broadcast_in_dim3A_1758 : vector<16xi1>, vector<16xi32>
            %add3A_1760 = arith.addi %add3A_1746, %select_n3A_1759 : vector<16xi32>
            %scan3A_1761 = arith.constant 4 : i32
            %scan3A_1762 = arith.addi %scan3A_1705, %scan3A_1761 : i32
            %mul3A_1763 = arith.constant 16 : i32
            %mul3A_1764 = arith.muli %scan3A_1762, %mul3A_1763 : i32
            %get3A_1765 = arith.index_cast %mul3A_1764 : i32 to index
            %get3A_1766 = tpu.vector_load %arg8[%get3A_1765] {strides = array<i32>} : memref<100000xi32, #tpu.memory_space<vmem>>, vector<16xi32>,
            %ge3A_1767 = vector.broadcast %or3A_1618 : i32 to vector<16xi32>
            %ge3A_1768 = arith.cmpi sge, %get3A_1766, %ge3A_1767 : vector<16xi32>
            %jit3A_1769 = arith.constant 1 : i32
            %jit3A_1770 = arith.constant 0 : i32
            %broadcast_in_dim3A_1771 = vector.broadcast %jit3A_1769 : i32 to vector<16xi32>
            %broadcast_in_dim3A_1772 = vector.broadcast %jit3A_1770 : i32 to vector<16xi32>
            %select_n3A_1773 = arith.select %ge3A_1768, %broadcast_in_dim3A_1771, %broadcast_in_dim3A_1772 : vector<16xi1>, vector<16xi32>
            %add3A_1774 = arith.addi %add3A_1760, %select_n3A_1773 : vector<16xi32>
            %scan3A_1775 = arith.constant 5 : i32
            %scan3A_1776 = arith.addi %scan3A_1705, %scan3A_1775 : i32
            %mul3A_1777 = arith.constant 16 : i32
            %mul3A_1778 = arith.muli %scan3A_1776, %mul3A_1777 : i32
            %get3A_1779 = arith.index_cast %mul3A_1778 : i32 to index
            %get3A_1780 = tpu.vector_load %arg8[%get3A_1779] {strides = array<i32>} : memref<100000xi32, #tpu.memory_space<vmem>>, vector<16xi32>,
            %ge3A_1781 = vector.broadcast %or3A_1618 : i32 to vector<16xi32>
            %ge3A_1782 = arith.cmpi sge, %get3A_1780, %ge3A_1781 : vector<16xi32>
            %jit3A_1783 = arith.constant 1 : i32
            %jit3A_1784 = arith.constant 0 : i32
            %broadcast_in_dim3A_1785 = vector.broadcast %jit3A_1783 : i32 to vector<16xi32>
            %broadcast_in_dim3A_1786 = vector.broadcast %jit3A_1784 : i32 to vector<16xi32>
            %select_n3A_1787 = arith.select %ge3A_1782, %broadcast_in_dim3A_1785, %broadcast_in_dim3A_1786 : vector<16xi1>, vector<16xi32>
            %add3A_1788 = arith.addi %add3A_1774, %select_n3A_1787 : vector<16xi32>
            %scan3A_1789 = arith.constant 6 : i32
            %scan3A_1790 = arith.addi %scan3A_1705, %scan3A_1789 : i32
            %mul3A_1791 = arith.constant 16 : i32
            %mul3A_1792 = arith.muli %scan3A_1790, %mul3A_1791 : i32
            %get3A_1793 = arith.index_cast %mul3A_1792 : i32 to index
            %get3A_1794 = tpu.vector_load %arg8[%get3A_1793] {strides = array<i32>} : memref<100000xi32, #tpu.memory_space<vmem>>, vector<16xi32>,
            %ge3A_1795 = vector.broadcast %or3A_1618 : i32 to vector<16xi32>
            %ge3A_1796 = arith.cmpi sge, %get3A_1794, %ge3A_1795 : vector<16xi32>
            %jit3A_1797 = arith.constant 1 : i32
            %jit3A_1798 = arith.constant 0 : i32
            %broadcast_in_dim3A_1799 = vector.broadcast %jit3A_1797 : i32 to vector<16xi32>
            %broadcast_in_dim3A_1800 = vector.broadcast %jit3A_1798 : i32 to vector<16xi32>
            %select_n3A_1801 = arith.select %ge3A_1796, %broadcast_in_dim3A_1799, %broadcast_in_dim3A_1800 : vector<16xi1>, vector<16xi32>
            %add3A_1802 = arith.addi %add3A_1788, %select_n3A_1801 : vector<16xi32>
            %scan3A_1803 = arith.constant 7 : i32
            %scan3A_1804 = arith.addi %scan3A_1705, %scan3A_1803 : i32
            %mul3A_1805 = arith.constant 16 : i32
            %mul3A_1806 = arith.muli %scan3A_1804, %mul3A_1805 : i32
            %get3A_1807 = arith.index_cast %mul3A_1806 : i32 to index
            %get3A_1808 = tpu.vector_load %arg8[%get3A_1807] {strides = array<i32>} : memref<100000xi32, #tpu.memory_space<vmem>>, vector<16xi32>,
            %ge3A_1809 = vector.broadcast %or3A_1618 : i32 to vector<16xi32>
            %ge3A_1810 = arith.cmpi sge, %get3A_1808, %ge3A_1809 : vector<16xi32>
            %jit3A_1811 = arith.constant 1 : i32
            %jit3A_1812 = arith.constant 0 : i32
            %broadcast_in_dim3A_1813 = vector.broadcast %jit3A_1811 : i32 to vector<16xi32>
            %broadcast_in_dim3A_1814 = vector.broadcast %jit3A_1812 : i32 to vector<16xi32>
            %select_n3A_1815 = arith.select %ge3A_1810, %broadcast_in_dim3A_1813, %broadcast_in_dim3A_1814 : vector<16xi1>, vector<16xi32>
            %add3A_1816 = arith.addi %add3A_1802, %select_n3A_1815 : vector<16xi32>
            scf.yield %add3A_1816 : vector<16xi32>
          }
          %scan3A_1626 = arith.constant 6248 : i32
          %scan3A_1627 = arith.addi %scan3A_1621, %scan3A_1626 : i32
          %mul3A_1628 = arith.constant 16 : i32
          %mul3A_1629 = arith.muli %scan3A_1627, %mul3A_1628 : i32
          %get3A_1630 = arith.index_cast %mul3A_1629 : i32 to index
          %get3A_1631 = tpu.vector_load %arg8[%get3A_1630] {strides = array<i32>} : memref<100000xi32, #tpu.memory_space<vmem>>, vector<16xi32>,
          %ge3A_1632 = vector.broadcast %or3A_1618 : i32 to vector<16xi32>
          %ge3A_1633 = arith.cmpi sge, %get3A_1631, %ge3A_1632 : vector<16xi32>
          %jit3A_1634 = arith.constant 1 : i32
          %jit3A_1635 = arith.constant 0 : i32
          %broadcast_in_dim3A_1636 = vector.broadcast %jit3A_1634 : i32 to vector<16xi32>
          %broadcast_in_dim3A_1637 = vector.broadcast %jit3A_1635 : i32 to vector<16xi32>
          %select_n3A_1638 = arith.select %ge3A_1633, %broadcast_in_dim3A_1636, %broadcast_in_dim3A_1637 : vector<16xi1>, vector<16xi32>
          %add3A_1639 = arith.addi %scan3A_1625, %select_n3A_1638 : vector<16xi32>
          %scan3A_1640 = arith.constant 6249 : i32
          %scan3A_1641 = arith.addi %scan3A_1621, %scan3A_1640 : i32
          %mul3A_1642 = arith.constant 16 : i32
          %mul3A_1643 = arith.muli %scan3A_1641, %mul3A_1642 : i32
          %get3A_1644 = arith.index_cast %mul3A_1643 : i32 to index
          %get3A_1645 = tpu.vector_load %arg8[%get3A_1644] {strides = array<i32>} : memref<100000xi32, #tpu.memory_space<vmem>>, vector<16xi32>,
          %ge3A_1646 = vector.broadcast %or3A_1618 : i32 to vector<16xi32>
          %ge3A_1647 = arith.cmpi sge, %get3A_1645, %ge3A_1646 : vector<16xi32>
          %jit3A_1648 = arith.constant 1 : i32
          %jit3A_1649 = arith.constant 0 : i32
          %broadcast_in_dim3A_1650 = vector.broadcast %jit3A_1648 : i32 to vector<16xi32>
          %broadcast_in_dim3A_1651 = vector.broadcast %jit3A_1649 : i32 to vector<16xi32>
          %select_n3A_1652 = arith.select %ge3A_1647, %broadcast_in_dim3A_1650, %broadcast_in_dim3A_1651 : vector<16xi1>, vector<16xi32>
          %add3A_1653 = arith.addi %add3A_1639, %select_n3A_1652 : vector<16xi32>
          %scan3A_1654 = arith.constant 6250 : i32
          %slice3A_1655 = vector.extract_strided_slice %add3A_1653 {offsets = [0], sizes = [1], strides = [1]} : vector<16xi32> to vector<1xi32>
          %squeeze3A_1656 = vector.extract %slice3A_1655[0] : i32 from vector<1xi32>
          %slice3A_1657 = vector.extract_strided_slice %add3A_1653 {offsets = [1], sizes = [1], strides = [1]} : vector<16xi32> to vector<1xi32>
          %squeeze3A_1658 = vector.extract %slice3A_1657[0] : i32 from vector<1xi32>
          %slice3A_1659 = vector.extract_strided_slice %add3A_1653 {offsets = [2], sizes = [1], strides = [1]} : vector<16xi32> to vector<1xi32>
          %squeeze3A_1660 = vector.extract %slice3A_1659[0] : i32 from vector<1xi32>
          %slice3A_1661 = vector.extract_strided_slice %add3A_1653 {offsets = [3], sizes = [1], strides = [1]} : vector<16xi32> to vector<1xi32>
          %squeeze3A_1662 = vector.extract %slice3A_1661[0] : i32 from vector<1xi32>
          %slice3A_1663 = vector.extract_strided_slice %add3A_1653 {offsets = [4], sizes = [1], strides = [1]} : vector<16xi32> to vector<1xi32>
          %squeeze3A_1664 = vector.extract %slice3A_1663[0] : i32 from vector<1xi32>
          %slice3A_1665 = vector.extract_strided_slice %add3A_1653 {offsets = [5], sizes = [1], strides = [1]} : vector<16xi32> to vector<1xi32>
          %squeeze3A_1666 = vector.extract %slice3A_1665[0] : i32 from vector<1xi32>
          %slice3A_1667 = vector.extract_strided_slice %add3A_1653 {offsets = [6], sizes = [1], strides = [1]} : vector<16xi32> to vector<1xi32>
          %squeeze3A_1668 = vector.extract %slice3A_1667[0] : i32 from vector<1xi32>
          %slice3A_1669 = vector.extract_strided_slice %add3A_1653 {offsets = [7], sizes = [1], strides = [1]} : vector<16xi32> to vector<1xi32>
          %squeeze3A_1670 = vector.extract %slice3A_1669[0] : i32 from vector<1xi32>
          %slice3A_1671 = vector.extract_strided_slice %add3A_1653 {offsets = [8], sizes = [1], strides = [1]} : vector<16xi32> to vector<1xi32>
          %squeeze3A_1672 = vector.extract %slice3A_1671[0] : i32 from vector<1xi32>
          %slice3A_1673 = vector.extract_strided_slice %add3A_1653 {offsets = [9], sizes = [1], strides = [1]} : vector<16xi32> to vector<1xi32>
          %squeeze3A_1674 = vector.extract %slice3A_1673[0] : i32 from vector<1xi32>
          %slice3A_1675 = vector.extract_strided_slice %add3A_1653 {offsets = [10], sizes = [1], strides = [1]} : vector<16xi32> to vector<1xi32>
          %squeeze3A_1676 = vector.extract %slice3A_1675[0] : i32 from vector<1xi32>
          %slice3A_1677 = vector.extract_strided_slice %add3A_1653 {offsets = [11], sizes = [1], strides = [1]} : vector<16xi32> to vector<1xi32>
          %squeeze3A_1678 = vector.extract %slice3A_1677[0] : i32 from vector<1xi32>
          %slice3A_1679 = vector.extract_strided_slice %add3A_1653 {offsets = [12], sizes = [1], strides = [1]} : vector<16xi32> to vector<1xi32>
          %squeeze3A_1680 = vector.extract %slice3A_1679[0] : i32 from vector<1xi32>
          %slice3A_1681 = vector.extract_strided_slice %add3A_1653 {offsets = [13], sizes = [1], strides = [1]} : vector<16xi32> to vector<1xi32>
          %squeeze3A_1682 = vector.extract %slice3A_1681[0] : i32 from vector<1xi32>
          %slice3A_1683 = vector.extract_strided_slice %add3A_1653 {offsets = [14], sizes = [1], strides = [1]} : vector<16xi32> to vector<1xi32>
          %squeeze3A_1684 = vector.extract %slice3A_1683[0] : i32 from vector<1xi32>
          %slice3A_1685 = vector.extract_strided_slice %add3A_1653 {offsets = [15], sizes = [1], strides = [1]} : vector<16xi32> to vector<1xi32>
          %squeeze3A_1686 = vector.extract %slice3A_1685[0] : i32 from vector<1xi32>
          %add3A_1687 = arith.addi %squeeze3A_1656, %squeeze3A_1658 : i32
          %add3A_1688 = arith.addi %squeeze3A_1660, %squeeze3A_1662 : i32
          %add3A_1689 = arith.addi %squeeze3A_1664, %squeeze3A_1666 : i32
          %add3A_1690 = arith.addi %squeeze3A_1668, %squeeze3A_1670 : i32
          %add3A_1691 = arith.addi %squeeze3A_1672, %squeeze3A_1674 : i32
          %add3A_1692 = arith.addi %squeeze3A_1676, %squeeze3A_1678 : i32
          %add3A_1693 = arith.addi %squeeze3A_1680, %squeeze3A_1682 : i32
          %add3A_1694 = arith.addi %squeeze3A_1684, %squeeze3A_1686 : i32
          %add3A_1695 = arith.addi %add3A_1687, %add3A_1688 : i32
          %add3A_1696 = arith.addi %add3A_1689, %add3A_1690 : i32
          %add3A_1697 = arith.addi %add3A_1691, %add3A_1692 : i32
          %add3A_1698 = arith.addi %add3A_1693, %add3A_1694 : i32
          %add3A_1699 = arith.addi %add3A_1695, %add3A_1696 : i32
          %add3A_1700 = arith.addi %add3A_1697, %add3A_1698 : i32
          %add3A_1701 = arith.addi %add3A_1699, %add3A_1700 : i32
          %ge3A_1702 = arith.cmpi sge, %add3A_1701, %squeeze3A : i32
          %or3A_1703 = arith.ori %scan3A_1612, %shift_left3A_1615 : i32
          %select_n3A_1704 = arith.select %ge3A_1702, %or3A_1703, %scan3A_1612 : i32
          scf.yield %select_n3A_1704 : i32
        }
        %scan3A_1609 = arith.constant 19 : i32
        %or3A_1610 = arith.ori %or3A, %scan3A_1608 : i32
        scf.yield %or3A_1610 : i32
      }
      %le3A_224 = arith.constant 512 : i32
      %le3A_225 = arith.cmpi sle, %add3A_218, %le3A_224 : i32
      %convert_element_type3A_226 = arith.extui %le3A_225 : i1 to i32
      %cond3A_227 = arith.constant 0 : i32
      %cond3A_228 = arith.cmpi ne, %convert_element_type3A_226, %cond3A_227 : i32
      %cond3A_229 = scf.if %cond3A_228 -> (i32) {
        scf.yield %add3A_218 : i32
      } else {
        %scan3A_1603 = arith.constant 0 : i32
        %scan3A_1604 = arith.constant 0 : i32
        %scan3A_1605 = arith.constant 6248 : i32
        %scan3A_1606 = arith.addi %scan3A_1604, %scan3A_1605 : i32
        %scan3A_1607 = arith.constant 4 : i32
        %scan3A_1608 = scf.for %scan3A_1680 = %scan3A_1604 to %scan3A_1606 step %scan3A_1607 iter_args(%scan3A_1681 = %scan3A_1603) -> (i32)  : i32 {
          %mul3A_1682 = arith.constant 16 : i32
          %mul3A_1683 = arith.muli %scan3A_1680, %mul3A_1682 : i32
          %get3A_1684 = arith.index_cast %mul3A_1683 : i32 to index
          %get3A_1685 = tpu.vector_load %arg8[%get3A_1684] {strides = array<i32>} : memref<100000xi32, #tpu.memory_space<vmem>>, vector<16xi32>,
          %ge3A_1686 = vector.broadcast %cond3A_223 : i32 to vector<16xi32>
          %ge3A_1687 = arith.cmpi sge, %get3A_1685, %ge3A_1686 : vector<16xi32>
          %jit3A_1688 = arith.constant 1 : i32
          %jit3A_1689 = arith.constant 0 : i32
          %broadcast_in_dim3A_1690 = vector.broadcast %jit3A_1688 : i32 to vector<16xi32>
          %broadcast_in_dim3A_1691 = vector.broadcast %jit3A_1689 : i32 to vector<16xi32>
          %select_n3A_1692 = arith.select %ge3A_1687, %broadcast_in_dim3A_1690, %broadcast_in_dim3A_1691 : vector<16xi1>, vector<16xi32>
          %broadcast_in_dim3A_1693 = arith.constant true
          %broadcast_in_dim3A_1694 = vector.broadcast %broadcast_in_dim3A_1693 : i1 to vector<16xi1>
          %masked_cumsum3A_1695 = tpu.scan <sum>, %select_n3A_1692 masked %broadcast_in_dim3A_1694 : vector<16xi32>, vector<16xi1> -> vector<16xi32>
          %add3A_1696 = vector.broadcast %scan3A_1681 : i32 to vector<16xi32>
          %add3A_1697 = arith.addi %add3A_1696, %masked_cumsum3A_1695 : vector<16xi32>
          %sub3A_1698 = arith.constant 1 : i32
          %sub3A_1699 = vector.broadcast %sub3A_1698 : i32 to vector<16xi32>
          %sub3A_1700 = arith.subi %add3A_1697, %sub3A_1699 : vector<16xi32>
          %min3A_1701 = arith.constant 511 : i32
          %min3A_1702 = vector.broadcast %min3A_1701 : i32 to vector<16xi32>
          %min3A_1703 = arith.minsi %sub3A_1700, %min3A_1702 : vector<16xi32>
          %add3A_1704 = arith.constant 512 : i32
          %add3A_1705 = vector.broadcast %add3A_1704 : i32 to vector<16xi32>
          %add3A_1706 = arith.addi %add3A_1705, %iota3A : vector<16xi32>
          %select_n3A_1707 = arith.select %ge3A_1687, %min3A_1703, %add3A_1706 : vector<16xi1>, vector<16xi32>
          tpu.vector_store_idx %arg10[%select_n3A_1707], %get3A_1685 : memref<528xi32, #tpu.memory_space<vmem>>[vector<16xi32>], vector<16xi32>,
          %mul3A_1708 = arith.constant 16 : i32
          %mul3A_1709 = arith.muli %scan3A_1680, %mul3A_1708 : i32
          %add3A_1710 = vector.broadcast %mul3A_1709 : i32 to vector<16xi32>
          %add3A_1711 = arith.addi %iota3A, %add3A_1710 : vector<16xi32>
          tpu.vector_store_idx %arg11[%select_n3A_1707], %add3A_1711 : memref<528xi32, #tpu.memory_space<vmem>>[vector<16xi32>], vector<16xi32>,
          %slice3A_1712 = vector.extract_strided_slice %masked_cumsum3A_1695 {offsets = [15], sizes = [1], strides = [1]} : vector<16xi32> to vector<1xi32>
          %squeeze3A_1713 = vector.extract %slice3A_1712[0] : i32 from vector<1xi32>
          %add3A_1714 = arith.addi %scan3A_1681, %squeeze3A_1713 : i32
          %scan3A_1715 = arith.constant 1 : i32
          %scan3A_1716 = arith.addi %scan3A_1680, %scan3A_1715 : i32
          %mul3A_1717 = arith.constant 16 : i32
          %mul3A_1718 = arith.muli %scan3A_1716, %mul3A_1717 : i32
          %get3A_1719 = arith.index_cast %mul3A_1718 : i32 to index
          %get3A_1720 = tpu.vector_load %arg8[%get3A_1719] {strides = array<i32>} : memref<100000xi32, #tpu.memory_space<vmem>>, vector<16xi32>,
          %ge3A_1721 = vector.broadcast %cond3A_223 : i32 to vector<16xi32>
          %ge3A_1722 = arith.cmpi sge, %get3A_1720, %ge3A_1721 : vector<16xi32>
          %jit3A_1723 = arith.constant 1 : i32
          %jit3A_1724 = arith.constant 0 : i32
          %broadcast_in_dim3A_1725 = vector.broadcast %jit3A_1723 : i32 to vector<16xi32>
          %broadcast_in_dim3A_1726 = vector.broadcast %jit3A_1724 : i32 to vector<16xi32>
          %select_n3A_1727 = arith.select %ge3A_1722, %broadcast_in_dim3A_1725, %broadcast_in_dim3A_1726 : vector<16xi1>, vector<16xi32>
          %broadcast_in_dim3A_1728 = arith.constant true
          %broadcast_in_dim3A_1729 = vector.broadcast %broadcast_in_dim3A_1728 : i1 to vector<16xi1>
          %masked_cumsum3A_1730 = tpu.scan <sum>, %select_n3A_1727 masked %broadcast_in_dim3A_1729 : vector<16xi32>, vector<16xi1> -> vector<16xi32>
          %add3A_1731 = vector.broadcast %add3A_1714 : i32 to vector<16xi32>
          %add3A_1732 = arith.addi %add3A_1731, %masked_cumsum3A_1730 : vector<16xi32>
          %sub3A_1733 = arith.constant 1 : i32
          %sub3A_1734 = vector.broadcast %sub3A_1733 : i32 to vector<16xi32>
          %sub3A_1735 = arith.subi %add3A_1732, %sub3A_1734 : vector<16xi32>
          %min3A_1736 = arith.constant 511 : i32
          %min3A_1737 = vector.broadcast %min3A_1736 : i32 to vector<16xi32>
          %min3A_1738 = arith.minsi %sub3A_1735, %min3A_1737 : vector<16xi32>
          %add3A_1739 = arith.constant 512 : i32
          %add3A_1740 = vector.broadcast %add3A_1739 : i32 to vector<16xi32>
          %add3A_1741 = arith.addi %add3A_1740, %iota3A : vector<16xi32>
          %select_n3A_1742 = arith.select %ge3A_1722, %min3A_1738, %add3A_1741 : vector<16xi1>, vector<16xi32>
          tpu.vector_store_idx %arg10[%select_n3A_1742], %get3A_1720 : memref<528xi32, #tpu.memory_space<vmem>>[vector<16xi32>], vector<16xi32>,
          %mul3A_1743 = arith.constant 16 : i32
          %mul3A_1744 = arith.muli %scan3A_1716, %mul3A_1743 : i32
          %add3A_1745 = vector.broadcast %mul3A_1744 : i32 to vector<16xi32>
          %add3A_1746 = arith.addi %iota3A, %add3A_1745 : vector<16xi32>
          tpu.vector_store_idx %arg11[%select_n3A_1742], %add3A_1746 : memref<528xi32, #tpu.memory_space<vmem>>[vector<16xi32>], vector<16xi32>,
          %slice3A_1747 = vector.extract_strided_slice %masked_cumsum3A_1730 {offsets = [15], sizes = [1], strides = [1]} : vector<16xi32> to vector<1xi32>
          %squeeze3A_1748 = vector.extract %slice3A_1747[0] : i32 from vector<1xi32>
          %add3A_1749 = arith.addi %add3A_1714, %squeeze3A_1748 : i32
          %scan3A_1750 = arith.constant 2 : i32
          %scan3A_1751 = arith.addi %scan3A_1680, %scan3A_1750 : i32
          %mul3A_1752 = arith.constant 16 : i32
          %mul3A_1753 = arith.muli %scan3A_1751, %mul3A_1752 : i32
          %get3A_1754 = arith.index_cast %mul3A_1753 : i32 to index
          %get3A_1755 = tpu.vector_load %arg8[%get3A_1754] {strides = array<i32>} : memref<100000xi32, #tpu.memory_space<vmem>>, vector<16xi32>,
          %ge3A_1756 = vector.broadcast %cond3A_223 : i32 to vector<16xi32>
          %ge3A_1757 = arith.cmpi sge, %get3A_1755, %ge3A_1756 : vector<16xi32>
          %jit3A_1758 = arith.constant 1 : i32
          %jit3A_1759 = arith.constant 0 : i32
          %broadcast_in_dim3A_1760 = vector.broadcast %jit3A_1758 : i32 to vector<16xi32>
          %broadcast_in_dim3A_1761 = vector.broadcast %jit3A_1759 : i32 to vector<16xi32>
          %select_n3A_1762 = arith.select %ge3A_1757, %broadcast_in_dim3A_1760, %broadcast_in_dim3A_1761 : vector<16xi1>, vector<16xi32>
          %broadcast_in_dim3A_1763 = arith.constant true
          %broadcast_in_dim3A_1764 = vector.broadcast %broadcast_in_dim3A_1763 : i1 to vector<16xi1>
          %masked_cumsum3A_1765 = tpu.scan <sum>, %select_n3A_1762 masked %broadcast_in_dim3A_1764 : vector<16xi32>, vector<16xi1> -> vector<16xi32>
          %add3A_1766 = vector.broadcast %add3A_1749 : i32 to vector<16xi32>
          %add3A_1767 = arith.addi %add3A_1766, %masked_cumsum3A_1765 : vector<16xi32>
          %sub3A_1768 = arith.constant 1 : i32
          %sub3A_1769 = vector.broadcast %sub3A_1768 : i32 to vector<16xi32>
          %sub3A_1770 = arith.subi %add3A_1767, %sub3A_1769 : vector<16xi32>
          %min3A_1771 = arith.constant 511 : i32
          %min3A_1772 = vector.broadcast %min3A_1771 : i32 to vector<16xi32>
          %min3A_1773 = arith.minsi %sub3A_1770, %min3A_1772 : vector<16xi32>
          %add3A_1774 = arith.constant 512 : i32
          %add3A_1775 = vector.broadcast %add3A_1774 : i32 to vector<16xi32>
          %add3A_1776 = arith.addi %add3A_1775, %iota3A : vector<16xi32>
          %select_n3A_1777 = arith.select %ge3A_1757, %min3A_1773, %add3A_1776 : vector<16xi1>, vector<16xi32>
          tpu.vector_store_idx %arg10[%select_n3A_1777], %get3A_1755 : memref<528xi32, #tpu.memory_space<vmem>>[vector<16xi32>], vector<16xi32>,
          %mul3A_1778 = arith.constant 16 : i32
          %mul3A_1779 = arith.muli %scan3A_1751, %mul3A_1778 : i32
          %add3A_1780 = vector.broadcast %mul3A_1779 : i32 to vector<16xi32>
          %add3A_1781 = arith.addi %iota3A, %add3A_1780 : vector<16xi32>
          tpu.vector_store_idx %arg11[%select_n3A_1777], %add3A_1781 : memref<528xi32, #tpu.memory_space<vmem>>[vector<16xi32>], vector<16xi32>,
          %slice3A_1782 = vector.extract_strided_slice %masked_cumsum3A_1765 {offsets = [15], sizes = [1], strides = [1]} : vector<16xi32> to vector<1xi32>
          %squeeze3A_1783 = vector.extract %slice3A_1782[0] : i32 from vector<1xi32>
          %add3A_1784 = arith.addi %add3A_1749, %squeeze3A_1783 : i32
          %scan3A_1785 = arith.constant 3 : i32
          %scan3A_1786 = arith.addi %scan3A_1680, %scan3A_1785 : i32
          %mul3A_1787 = arith.constant 16 : i32
          %mul3A_1788 = arith.muli %scan3A_1786, %mul3A_1787 : i32
          %get3A_1789 = arith.index_cast %mul3A_1788 : i32 to index
          %get3A_1790 = tpu.vector_load %arg8[%get3A_1789] {strides = array<i32>} : memref<100000xi32, #tpu.memory_space<vmem>>, vector<16xi32>,
          %ge3A_1791 = vector.broadcast %cond3A_223 : i32 to vector<16xi32>
          %ge3A_1792 = arith.cmpi sge, %get3A_1790, %ge3A_1791 : vector<16xi32>
          %jit3A_1793 = arith.constant 1 : i32
          %jit3A_1794 = arith.constant 0 : i32
          %broadcast_in_dim3A_1795 = vector.broadcast %jit3A_1793 : i32 to vector<16xi32>
          %broadcast_in_dim3A_1796 = vector.broadcast %jit3A_1794 : i32 to vector<16xi32>
          %select_n3A_1797 = arith.select %ge3A_1792, %broadcast_in_dim3A_1795, %broadcast_in_dim3A_1796 : vector<16xi1>, vector<16xi32>
          %broadcast_in_dim3A_1798 = arith.constant true
          %broadcast_in_dim3A_1799 = vector.broadcast %broadcast_in_dim3A_1798 : i1 to vector<16xi1>
          %masked_cumsum3A_1800 = tpu.scan <sum>, %select_n3A_1797 masked %broadcast_in_dim3A_1799 : vector<16xi32>, vector<16xi1> -> vector<16xi32>
          %add3A_1801 = vector.broadcast %add3A_1784 : i32 to vector<16xi32>
          %add3A_1802 = arith.addi %add3A_1801, %masked_cumsum3A_1800 : vector<16xi32>
          %sub3A_1803 = arith.constant 1 : i32
          %sub3A_1804 = vector.broadcast %sub3A_1803 : i32 to vector<16xi32>
          %sub3A_1805 = arith.subi %add3A_1802, %sub3A_1804 : vector<16xi32>
          %min3A_1806 = arith.constant 511 : i32
          %min3A_1807 = vector.broadcast %min3A_1806 : i32 to vector<16xi32>
          %min3A_1808 = arith.minsi %sub3A_1805, %min3A_1807 : vector<16xi32>
          %add3A_1809 = arith.constant 512 : i32
          %add3A_1810 = vector.broadcast %add3A_1809 : i32 to vector<16xi32>
          %add3A_1811 = arith.addi %add3A_1810, %iota3A : vector<16xi32>
          %select_n3A_1812 = arith.select %ge3A_1792, %min3A_1808, %add3A_1811 : vector<16xi1>, vector<16xi32>
          tpu.vector_store_idx %arg10[%select_n3A_1812], %get3A_1790 : memref<528xi32, #tpu.memory_space<vmem>>[vector<16xi32>], vector<16xi32>,
          %mul3A_1813 = arith.constant 16 : i32
          %mul3A_1814 = arith.muli %scan3A_1786, %mul3A_1813 : i32
          %add3A_1815 = vector.broadcast %mul3A_1814 : i32 to vector<16xi32>
          %add3A_1816 = arith.addi %iota3A, %add3A_1815 : vector<16xi32>
          tpu.vector_store_idx %arg11[%select_n3A_1812], %add3A_1816 : memref<528xi32, #tpu.memory_space<vmem>>[vector<16xi32>], vector<16xi32>,
          %slice3A_1817 = vector.extract_strided_slice %masked_cumsum3A_1800 {offsets = [15], sizes = [1], strides = [1]} : vector<16xi32> to vector<1xi32>
          %squeeze3A_1818 = vector.extract %slice3A_1817[0] : i32 from vector<1xi32>
          %add3A_1819 = arith.addi %add3A_1784, %squeeze3A_1818 : i32
          scf.yield %add3A_1819 : i32
        }
        %scan3A_1609 = arith.constant 6248 : i32
        %scan3A_1610 = arith.addi %scan3A_1604, %scan3A_1609 : i32
        %mul3A_1611 = arith.constant 16 : i32
        %mul3A_1612 = arith.muli %scan3A_1610, %mul3A_1611 : i32
        %get3A_1613 = arith.index_cast %mul3A_1612 : i32 to index
        %get3A_1614 = tpu.vector_load %arg8[%get3A_1613] {strides = array<i32>} : memref<100000xi32, #tpu.memory_space<vmem>>, vector<16xi32>,
        %ge3A_1615 = vector.broadcast %cond3A_223 : i32 to vector<16xi32>
        %ge3A_1616 = arith.cmpi sge, %get3A_1614, %ge3A_1615 : vector<16xi32>
        %jit3A_1617 = arith.constant 1 : i32
        %jit3A_1618 = arith.constant 0 : i32
        %broadcast_in_dim3A_1619 = vector.broadcast %jit3A_1617 : i32 to vector<16xi32>
        %broadcast_in_dim3A_1620 = vector.broadcast %jit3A_1618 : i32 to vector<16xi32>
        %select_n3A_1621 = arith.select %ge3A_1616, %broadcast_in_dim3A_1619, %broadcast_in_dim3A_1620 : vector<16xi1>, vector<16xi32>
        %broadcast_in_dim3A_1622 = arith.constant true
        %broadcast_in_dim3A_1623 = vector.broadcast %broadcast_in_dim3A_1622 : i1 to vector<16xi1>
        %masked_cumsum3A_1624 = tpu.scan <sum>, %select_n3A_1621 masked %broadcast_in_dim3A_1623 : vector<16xi32>, vector<16xi1> -> vector<16xi32>
        %add3A_1625 = vector.broadcast %scan3A_1608 : i32 to vector<16xi32>
        %add3A_1626 = arith.addi %add3A_1625, %masked_cumsum3A_1624 : vector<16xi32>
        %sub3A_1627 = arith.constant 1 : i32
        %sub3A_1628 = vector.broadcast %sub3A_1627 : i32 to vector<16xi32>
        %sub3A_1629 = arith.subi %add3A_1626, %sub3A_1628 : vector<16xi32>
        %min3A_1630 = arith.constant 511 : i32
        %min3A_1631 = vector.broadcast %min3A_1630 : i32 to vector<16xi32>
        %min3A_1632 = arith.minsi %sub3A_1629, %min3A_1631 : vector<16xi32>
        %add3A_1633 = arith.constant 512 : i32
        %add3A_1634 = vector.broadcast %add3A_1633 : i32 to vector<16xi32>
        %add3A_1635 = arith.addi %add3A_1634, %iota3A : vector<16xi32>
        %select_n3A_1636 = arith.select %ge3A_1616, %min3A_1632, %add3A_1635 : vector<16xi1>, vector<16xi32>
        tpu.vector_store_idx %arg10[%select_n3A_1636], %get3A_1614 : memref<528xi32, #tpu.memory_space<vmem>>[vector<16xi32>], vector<16xi32>,
        %mul3A_1637 = arith.constant 16 : i32
        %mul3A_1638 = arith.muli %scan3A_1610, %mul3A_1637 : i32
        %add3A_1639 = vector.broadcast %mul3A_1638 : i32 to vector<16xi32>
        %add3A_1640 = arith.addi %iota3A, %add3A_1639 : vector<16xi32>
        tpu.vector_store_idx %arg11[%select_n3A_1636], %add3A_1640 : memref<528xi32, #tpu.memory_space<vmem>>[vector<16xi32>], vector<16xi32>,
        %slice3A_1641 = vector.extract_strided_slice %masked_cumsum3A_1624 {offsets = [15], sizes = [1], strides = [1]} : vector<16xi32> to vector<1xi32>
        %squeeze3A_1642 = vector.extract %slice3A_1641[0] : i32 from vector<1xi32>
        %add3A_1643 = arith.addi %scan3A_1608, %squeeze3A_1642 : i32
        %scan3A_1644 = arith.constant 6249 : i32
        %scan3A_1645 = arith.addi %scan3A_1604, %scan3A_1644 : i32
        %mul3A_1646 = arith.constant 16 : i32
        %mul3A_1647 = arith.muli %scan3A_1645, %mul3A_1646 : i32
        %get3A_1648 = arith.index_cast %mul3A_1647 : i32 to index
        %get3A_1649 = tpu.vector_load %arg8[%get3A_1648] {strides = array<i32>} : memref<100000xi32, #tpu.memory_space<vmem>>, vector<16xi32>,
        %ge3A_1650 = vector.broadcast %cond3A_223 : i32 to vector<16xi32>
        %ge3A_1651 = arith.cmpi sge, %get3A_1649, %ge3A_1650 : vector<16xi32>
        %jit3A_1652 = arith.constant 1 : i32
        %jit3A_1653 = arith.constant 0 : i32
        %broadcast_in_dim3A_1654 = vector.broadcast %jit3A_1652 : i32 to vector<16xi32>
        %broadcast_in_dim3A_1655 = vector.broadcast %jit3A_1653 : i32 to vector<16xi32>
        %select_n3A_1656 = arith.select %ge3A_1651, %broadcast_in_dim3A_1654, %broadcast_in_dim3A_1655 : vector<16xi1>, vector<16xi32>
        %broadcast_in_dim3A_1657 = arith.constant true
        %broadcast_in_dim3A_1658 = vector.broadcast %broadcast_in_dim3A_1657 : i1 to vector<16xi1>
        %masked_cumsum3A_1659 = tpu.scan <sum>, %select_n3A_1656 masked %broadcast_in_dim3A_1658 : vector<16xi32>, vector<16xi1> -> vector<16xi32>
        %add3A_1660 = vector.broadcast %add3A_1643 : i32 to vector<16xi32>
        %add3A_1661 = arith.addi %add3A_1660, %masked_cumsum3A_1659 : vector<16xi32>
        %sub3A_1662 = arith.constant 1 : i32
        %sub3A_1663 = vector.broadcast %sub3A_1662 : i32 to vector<16xi32>
        %sub3A_1664 = arith.subi %add3A_1661, %sub3A_1663 : vector<16xi32>
        %min3A_1665 = arith.constant 511 : i32
        %min3A_1666 = vector.broadcast %min3A_1665 : i32 to vector<16xi32>
        %min3A_1667 = arith.minsi %sub3A_1664, %min3A_1666 : vector<16xi32>
        %add3A_1668 = arith.constant 512 : i32
        %add3A_1669 = vector.broadcast %add3A_1668 : i32 to vector<16xi32>
        %add3A_1670 = arith.addi %add3A_1669, %iota3A : vector<16xi32>
        %select_n3A_1671 = arith.select %ge3A_1651, %min3A_1667, %add3A_1670 : vector<16xi1>, vector<16xi32>
        tpu.vector_store_idx %arg10[%select_n3A_1671], %get3A_1649 : memref<528xi32, #tpu.memory_space<vmem>>[vector<16xi32>], vector<16xi32>,
        %mul3A_1672 = arith.constant 16 : i32
        %mul3A_1673 = arith.muli %scan3A_1645, %mul3A_1672 : i32
        %add3A_1674 = vector.broadcast %mul3A_1673 : i32 to vector<16xi32>
        %add3A_1675 = arith.addi %iota3A, %add3A_1674 : vector<16xi32>
        tpu.vector_store_idx %arg11[%select_n3A_1671], %add3A_1675 : memref<528xi32, #tpu.memory_space<vmem>>[vector<16xi32>], vector<16xi32>,
        %slice3A_1676 = vector.extract_strided_slice %masked_cumsum3A_1659 {offsets = [15], sizes = [1], strides = [1]} : vector<16xi32> to vector<1xi32>
        %squeeze3A_1677 = vector.extract %slice3A_1676[0] : i32 from vector<1xi32>
        %add3A_1678 = arith.addi %add3A_1643, %squeeze3A_1677 : i32
        %scan3A_1679 = arith.constant 6250 : i32
        scf.yield %add3A_1678 : i32
      }
      %scan3A_230 = arith.constant 0 : i32
      %scan3A_231 = arith.constant 0 : i32
      %scan3A_232 = arith.constant 32 : i32
      %scan3A_233 = arith.addi %scan3A_231, %scan3A_232 : i32
      %scan3A_234 = arith.constant 4 : i32
      %scan3A_235 = scf.for %scan3A_1603 = %scan3A_231 to %scan3A_233 step %scan3A_234 iter_args(%scan3A_1604 = %scan3A_230) -> (i32)  : i32 {
        %mul3A_1605 = arith.constant 16 : i32
        %mul3A_1606 = arith.muli %scan3A_1603, %mul3A_1605 : i32
        %get3A_1607 = arith.index_cast %mul3A_1606 : i32 to index
        %get3A_1608 = tpu.vector_load %arg10[%get3A_1607] {strides = array<i32>} : memref<528xi32, #tpu.memory_space<vmem>>, vector<16xi32>,
        %mul3A_1609 = arith.constant 16 : i32
        %mul3A_1610 = arith.muli %scan3A_1603, %mul3A_1609 : i32
        %get3A_1611 = arith.index_cast %mul3A_1610 : i32 to index
        %get3A_1612 = tpu.vector_load %arg11[%get3A_1611] {strides = array<i32>} : memref<528xi32, #tpu.memory_space<vmem>>, vector<16xi32>,
        %ge3A_1613 = vector.broadcast %cond3A_223 : i32 to vector<16xi32>
        %ge3A_1614 = arith.cmpi sge, %get3A_1608, %ge3A_1613 : vector<16xi32>
        %mul3A_1615 = arith.constant 16 : i32
        %mul3A_1616 = arith.muli %scan3A_1603, %mul3A_1615 : i32
        %add3A_1617 = vector.broadcast %mul3A_1616 : i32 to vector<16xi32>
        %add3A_1618 = arith.addi %iota3A, %add3A_1617 : vector<16xi32>
        %lt3A_1619 = vector.broadcast %cond3A_229 : i32 to vector<16xi32>
        %lt3A_1620 = arith.cmpi slt, %add3A_1618, %lt3A_1619 : vector<16xi32>
        %and3A_1621 = arith.andi %ge3A_1614, %lt3A_1620 : vector<16xi1>
        %jit3A_1622 = arith.constant 1 : i32
        %jit3A_1623 = arith.constant 0 : i32
        %broadcast_in_dim3A_1624 = vector.broadcast %jit3A_1622 : i32 to vector<16xi32>
        %broadcast_in_dim3A_1625 = vector.broadcast %jit3A_1623 : i32 to vector<16xi32>
        %select_n3A_1626 = arith.select %and3A_1621, %broadcast_in_dim3A_1624, %broadcast_in_dim3A_1625 : vector<16xi1>, vector<16xi32>
        %broadcast_in_dim3A_1627 = arith.constant true
        %broadcast_in_dim3A_1628 = vector.broadcast %broadcast_in_dim3A_1627 : i1 to vector<16xi1>
        %masked_cumsum3A_1629 = tpu.scan <sum>, %select_n3A_1626 masked %broadcast_in_dim3A_1628 : vector<16xi32>, vector<16xi1> -> vector<16xi32>
        %add3A_1630 = vector.broadcast %scan3A_1604 : i32 to vector<16xi32>
        %add3A_1631 = arith.addi %add3A_1630, %masked_cumsum3A_1629 : vector<16xi32>
        %sub3A_1632 = arith.constant 1 : i32
        %sub3A_1633 = vector.broadcast %sub3A_1632 : i32 to vector<16xi32>
        %sub3A_1634 = arith.subi %add3A_1631, %sub3A_1633 : vector<16xi32>
        %min3A_1635 = arith.constant 159 : i32
        %min3A_1636 = vector.broadcast %min3A_1635 : i32 to vector<16xi32>
        %min3A_1637 = arith.minsi %sub3A_1634, %min3A_1636 : vector<16xi32>
        %add3A_1638 = arith.constant 160 : i32
        %add3A_1639 = vector.broadcast %add3A_1638 : i32 to vector<16xi32>
        %add3A_1640 = arith.addi %add3A_1639, %iota3A : vector<16xi32>
        %select_n3A_1641 = arith.select %and3A_1621, %min3A_1637, %add3A_1640 : vector<16xi1>, vector<16xi32>
        tpu.vector_store_idx %arg12[%select_n3A_1641], %get3A_1608 : memref<176xi32, #tpu.memory_space<vmem>>[vector<16xi32>], vector<16xi32>,
        tpu.vector_store_idx %arg13[%select_n3A_1641], %get3A_1612 : memref<176xi32, #tpu.memory_space<vmem>>[vector<16xi32>], vector<16xi32>,
        %slice3A_1642 = vector.extract_strided_slice %masked_cumsum3A_1629 {offsets = [15], sizes = [1], strides = [1]} : vector<16xi32> to vector<1xi32>
        %squeeze3A_1643 = vector.extract %slice3A_1642[0] : i32 from vector<1xi32>
        %add3A_1644 = arith.addi %scan3A_1604, %squeeze3A_1643 : i32
        %scan3A_1645 = arith.constant 1 : i32
        %scan3A_1646 = arith.addi %scan3A_1603, %scan3A_1645 : i32
        %mul3A_1647 = arith.constant 16 : i32
        %mul3A_1648 = arith.muli %scan3A_1646, %mul3A_1647 : i32
        %get3A_1649 = arith.index_cast %mul3A_1648 : i32 to index
        %get3A_1650 = tpu.vector_load %arg10[%get3A_1649] {strides = array<i32>} : memref<528xi32, #tpu.memory_space<vmem>>, vector<16xi32>,
        %mul3A_1651 = arith.constant 16 : i32
        %mul3A_1652 = arith.muli %scan3A_1646, %mul3A_1651 : i32
        %get3A_1653 = arith.index_cast %mul3A_1652 : i32 to index
        %get3A_1654 = tpu.vector_load %arg11[%get3A_1653] {strides = array<i32>} : memref<528xi32, #tpu.memory_space<vmem>>, vector<16xi32>,
        %ge3A_1655 = vector.broadcast %cond3A_223 : i32 to vector<16xi32>
        %ge3A_1656 = arith.cmpi sge, %get3A_1650, %ge3A_1655 : vector<16xi32>
        %mul3A_1657 = arith.constant 16 : i32
        %mul3A_1658 = arith.muli %scan3A_1646, %mul3A_1657 : i32
        %add3A_1659 = vector.broadcast %mul3A_1658 : i32 to vector<16xi32>
        %add3A_1660 = arith.addi %iota3A, %add3A_1659 : vector<16xi32>
        %lt3A_1661 = vector.broadcast %cond3A_229 : i32 to vector<16xi32>
        %lt3A_1662 = arith.cmpi slt, %add3A_1660, %lt3A_1661 : vector<16xi32>
        %and3A_1663 = arith.andi %ge3A_1656, %lt3A_1662 : vector<16xi1>
        %jit3A_1664 = arith.constant 1 : i32
        %jit3A_1665 = arith.constant 0 : i32
        %broadcast_in_dim3A_1666 = vector.broadcast %jit3A_1664 : i32 to vector<16xi32>
        %broadcast_in_dim3A_1667 = vector.broadcast %jit3A_1665 : i32 to vector<16xi32>
        %select_n3A_1668 = arith.select %and3A_1663, %broadcast_in_dim3A_1666, %broadcast_in_dim3A_1667 : vector<16xi1>, vector<16xi32>
        %broadcast_in_dim3A_1669 = arith.constant true
        %broadcast_in_dim3A_1670 = vector.broadcast %broadcast_in_dim3A_1669 : i1 to vector<16xi1>
        %masked_cumsum3A_1671 = tpu.scan <sum>, %select_n3A_1668 masked %broadcast_in_dim3A_1670 : vector<16xi32>, vector<16xi1> -> vector<16xi32>
        %add3A_1672 = vector.broadcast %add3A_1644 : i32 to vector<16xi32>
        %add3A_1673 = arith.addi %add3A_1672, %masked_cumsum3A_1671 : vector<16xi32>
        %sub3A_1674 = arith.constant 1 : i32
        %sub3A_1675 = vector.broadcast %sub3A_1674 : i32 to vector<16xi32>
        %sub3A_1676 = arith.subi %add3A_1673, %sub3A_1675 : vector<16xi32>
        %min3A_1677 = arith.constant 159 : i32
        %min3A_1678 = vector.broadcast %min3A_1677 : i32 to vector<16xi32>
        %min3A_1679 = arith.minsi %sub3A_1676, %min3A_1678 : vector<16xi32>
        %add3A_1680 = arith.constant 160 : i32
        %add3A_1681 = vector.broadcast %add3A_1680 : i32 to vector<16xi32>
        %add3A_1682 = arith.addi %add3A_1681, %iota3A : vector<16xi32>
        %select_n3A_1683 = arith.select %and3A_1663, %min3A_1679, %add3A_1682 : vector<16xi1>, vector<16xi32>
        tpu.vector_store_idx %arg12[%select_n3A_1683], %get3A_1650 : memref<176xi32, #tpu.memory_space<vmem>>[vector<16xi32>], vector<16xi32>,
        tpu.vector_store_idx %arg13[%select_n3A_1683], %get3A_1654 : memref<176xi32, #tpu.memory_space<vmem>>[vector<16xi32>], vector<16xi32>,
        %slice3A_1684 = vector.extract_strided_slice %masked_cumsum3A_1671 {offsets = [15], sizes = [1], strides = [1]} : vector<16xi32> to vector<1xi32>
        %squeeze3A_1685 = vector.extract %slice3A_1684[0] : i32 from vector<1xi32>
        %add3A_1686 = arith.addi %add3A_1644, %squeeze3A_1685 : i32
        %scan3A_1687 = arith.constant 2 : i32
        %scan3A_1688 = arith.addi %scan3A_1603, %scan3A_1687 : i32
        %mul3A_1689 = arith.constant 16 : i32
        %mul3A_1690 = arith.muli %scan3A_1688, %mul3A_1689 : i32
        %get3A_1691 = arith.index_cast %mul3A_1690 : i32 to index
        %get3A_1692 = tpu.vector_load %arg10[%get3A_1691] {strides = array<i32>} : memref<528xi32, #tpu.memory_space<vmem>>, vector<16xi32>,
        %mul3A_1693 = arith.constant 16 : i32
        %mul3A_1694 = arith.muli %scan3A_1688, %mul3A_1693 : i32
        %get3A_1695 = arith.index_cast %mul3A_1694 : i32 to index
        %get3A_1696 = tpu.vector_load %arg11[%get3A_1695] {strides = array<i32>} : memref<528xi32, #tpu.memory_space<vmem>>, vector<16xi32>,
        %ge3A_1697 = vector.broadcast %cond3A_223 : i32 to vector<16xi32>
        %ge3A_1698 = arith.cmpi sge, %get3A_1692, %ge3A_1697 : vector<16xi32>
        %mul3A_1699 = arith.constant 16 : i32
        %mul3A_1700 = arith.muli %scan3A_1688, %mul3A_1699 : i32
        %add3A_1701 = vector.broadcast %mul3A_1700 : i32 to vector<16xi32>
        %add3A_1702 = arith.addi %iota3A, %add3A_1701 : vector<16xi32>
        %lt3A_1703 = vector.broadcast %cond3A_229 : i32 to vector<16xi32>
        %lt3A_1704 = arith.cmpi slt, %add3A_1702, %lt3A_1703 : vector<16xi32>
        %and3A_1705 = arith.andi %ge3A_1698, %lt3A_1704 : vector<16xi1>
        %jit3A_1706 = arith.constant 1 : i32
        %jit3A_1707 = arith.constant 0 : i32
        %broadcast_in_dim3A_1708 = vector.broadcast %jit3A_1706 : i32 to vector<16xi32>
        %broadcast_in_dim3A_1709 = vector.broadcast %jit3A_1707 : i32 to vector<16xi32>
        %select_n3A_1710 = arith.select %and3A_1705, %broadcast_in_dim3A_1708, %broadcast_in_dim3A_1709 : vector<16xi1>, vector<16xi32>
        %broadcast_in_dim3A_1711 = arith.constant true
        %broadcast_in_dim3A_1712 = vector.broadcast %broadcast_in_dim3A_1711 : i1 to vector<16xi1>
        %masked_cumsum3A_1713 = tpu.scan <sum>, %select_n3A_1710 masked %broadcast_in_dim3A_1712 : vector<16xi32>, vector<16xi1> -> vector<16xi32>
        %add3A_1714 = vector.broadcast %add3A_1686 : i32 to vector<16xi32>
        %add3A_1715 = arith.addi %add3A_1714, %masked_cumsum3A_1713 : vector<16xi32>
        %sub3A_1716 = arith.constant 1 : i32
        %sub3A_1717 = vector.broadcast %sub3A_1716 : i32 to vector<16xi32>
        %sub3A_1718 = arith.subi %add3A_1715, %sub3A_1717 : vector<16xi32>
        %min3A_1719 = arith.constant 159 : i32
        %min3A_1720 = vector.broadcast %min3A_1719 : i32 to vector<16xi32>
        %min3A_1721 = arith.minsi %sub3A_1718, %min3A_1720 : vector<16xi32>
        %add3A_1722 = arith.constant 160 : i32
        %add3A_1723 = vector.broadcast %add3A_1722 : i32 to vector<16xi32>
        %add3A_1724 = arith.addi %add3A_1723, %iota3A : vector<16xi32>
        %select_n3A_1725 = arith.select %and3A_1705, %min3A_1721, %add3A_1724 : vector<16xi1>, vector<16xi32>
        tpu.vector_store_idx %arg12[%select_n3A_1725], %get3A_1692 : memref<176xi32, #tpu.memory_space<vmem>>[vector<16xi32>], vector<16xi32>,
        tpu.vector_store_idx %arg13[%select_n3A_1725], %get3A_1696 : memref<176xi32, #tpu.memory_space<vmem>>[vector<16xi32>], vector<16xi32>,
        %slice3A_1726 = vector.extract_strided_slice %masked_cumsum3A_1713 {offsets = [15], sizes = [1], strides = [1]} : vector<16xi32> to vector<1xi32>
        %squeeze3A_1727 = vector.extract %slice3A_1726[0] : i32 from vector<1xi32>
        %add3A_1728 = arith.addi %add3A_1686, %squeeze3A_1727 : i32
        %scan3A_1729 = arith.constant 3 : i32
        %scan3A_1730 = arith.addi %scan3A_1603, %scan3A_1729 : i32
        %mul3A_1731 = arith.constant 16 : i32
        %mul3A_1732 = arith.muli %scan3A_1730, %mul3A_1731 : i32
        %get3A_1733 = arith.index_cast %mul3A_1732 : i32 to index
        %get3A_1734 = tpu.vector_load %arg10[%get3A_1733] {strides = array<i32>} : memref<528xi32, #tpu.memory_space<vmem>>, vector<16xi32>,
        %mul3A_1735 = arith.constant 16 : i32
        %mul3A_1736 = arith.muli %scan3A_1730, %mul3A_1735 : i32
        %get3A_1737 = arith.index_cast %mul3A_1736 : i32 to index
        %get3A_1738 = tpu.vector_load %arg11[%get3A_1737] {strides = array<i32>} : memref<528xi32, #tpu.memory_space<vmem>>, vector<16xi32>,
        %ge3A_1739 = vector.broadcast %cond3A_223 : i32 to vector<16xi32>
        %ge3A_1740 = arith.cmpi sge, %get3A_1734, %ge3A_1739 : vector<16xi32>
        %mul3A_1741 = arith.constant 16 : i32
        %mul3A_1742 = arith.muli %scan3A_1730, %mul3A_1741 : i32
        %add3A_1743 = vector.broadcast %mul3A_1742 : i32 to vector<16xi32>
        %add3A_1744 = arith.addi %iota3A, %add3A_1743 : vector<16xi32>
        %lt3A_1745 = vector.broadcast %cond3A_229 : i32 to vector<16xi32>
        %lt3A_1746 = arith.cmpi slt, %add3A_1744, %lt3A_1745 : vector<16xi32>
        %and3A_1747 = arith.andi %ge3A_1740, %lt3A_1746 : vector<16xi1>
        %jit3A_1748 = arith.constant 1 : i32
        %jit3A_1749 = arith.constant 0 : i32
        %broadcast_in_dim3A_1750 = vector.broadcast %jit3A_1748 : i32 to vector<16xi32>
        %broadcast_in_dim3A_1751 = vector.broadcast %jit3A_1749 : i32 to vector<16xi32>
        %select_n3A_1752 = arith.select %and3A_1747, %broadcast_in_dim3A_1750, %broadcast_in_dim3A_1751 : vector<16xi1>, vector<16xi32>
        %broadcast_in_dim3A_1753 = arith.constant true
        %broadcast_in_dim3A_1754 = vector.broadcast %broadcast_in_dim3A_1753 : i1 to vector<16xi1>
        %masked_cumsum3A_1755 = tpu.scan <sum>, %select_n3A_1752 masked %broadcast_in_dim3A_1754 : vector<16xi32>, vector<16xi1> -> vector<16xi32>
        %add3A_1756 = vector.broadcast %add3A_1728 : i32 to vector<16xi32>
        %add3A_1757 = arith.addi %add3A_1756, %masked_cumsum3A_1755 : vector<16xi32>
        %sub3A_1758 = arith.constant 1 : i32
        %sub3A_1759 = vector.broadcast %sub3A_1758 : i32 to vector<16xi32>
        %sub3A_1760 = arith.subi %add3A_1757, %sub3A_1759 : vector<16xi32>
        %min3A_1761 = arith.constant 159 : i32
        %min3A_1762 = vector.broadcast %min3A_1761 : i32 to vector<16xi32>
        %min3A_1763 = arith.minsi %sub3A_1760, %min3A_1762 : vector<16xi32>
        %add3A_1764 = arith.constant 160 : i32
        %add3A_1765 = vector.broadcast %add3A_1764 : i32 to vector<16xi32>
        %add3A_1766 = arith.addi %add3A_1765, %iota3A : vector<16xi32>
        %select_n3A_1767 = arith.select %and3A_1747, %min3A_1763, %add3A_1766 : vector<16xi1>, vector<16xi32>
        tpu.vector_store_idx %arg12[%select_n3A_1767], %get3A_1734 : memref<176xi32, #tpu.memory_space<vmem>>[vector<16xi32>], vector<16xi32>,
        tpu.vector_store_idx %arg13[%select_n3A_1767], %get3A_1738 : memref<176xi32, #tpu.memory_space<vmem>>[vector<16xi32>], vector<16xi32>,
        %slice3A_1768 = vector.extract_strided_slice %masked_cumsum3A_1755 {offsets = [15], sizes = [1], strides = [1]} : vector<16xi32> to vector<1xi32>
        %squeeze3A_1769 = vector.extract %slice3A_1768[0] : i32 from vector<1xi32>
        %add3A_1770 = arith.addi %add3A_1728, %squeeze3A_1769 : i32
        scf.yield %add3A_1770 : i32
      }
      %scan3A_236 = arith.constant 32 : i32
      %min3A_237 = arith.constant 128 : i32
      %min3A_238 = arith.minsi %scan3A_235, %min3A_237 : i32
      %mul3A_239 = arith.constant 100000 : i32
      %mul3A_240 = arith.muli %add3A_12, %mul3A_239 : i32
      %scan3A_241 = arith.constant 100000 : i32
      %scan3A_242 = arith.constant 100000 : i32
      %scan3A_243 = arith.constant 0 : i32
      %scan3A_244 = arith.constant 0 : i32
      %scan3A_245 = arith.constant 10 : i32
      %scan3A_246 = arith.addi %scan3A_244, %scan3A_245 : i32
      %scan3A_247 = arith.constant 1 : i32
      %scan3A_248:3 = scf.for %scan3A_1603 = %scan3A_244 to %scan3A_246 step %scan3A_247 iter_args(%scan3A_1604 = %scan3A_241, %scan3A_1605 = %scan3A_242, %scan3A_1606 = %scan3A_243) -> (i32, i32, i32)  : i32 {
        %mul3A_1607 = arith.constant 10 : i32
        %mul3A_1608 = arith.muli %add3A_12, %mul3A_1607 : i32
        %add3A_1609 = arith.addi %mul3A_1608, %scan3A_1603 : i32
        "tpu.region"() ({
          %run_scoped3A = tpu.sem_alloc : memref<!tpu.dma_semaphore, #tpu.memory_space<semaphore_mem>>
          %dma_start3A_1687 = arith.constant 0 : i32
          %dma_start3A_1688 = tpu.memref_slice %arg6[%add3A_1609, %dma_start3A_1687] : memref<1280x10000xf32, #tpu.memory_space<hbm>> -> memref<1x10000xf32, #tpu.memory_space<hbm>>
          %dma_start3A_1689 = tpu.memref_squeeze %dma_start3A_1688 : memref<1x10000xf32, #tpu.memory_space<hbm>> -> memref<10000xf32, #tpu.memory_space<hbm>>
          %dma_start3A_1690 = arith.constant 0 : i32
          %dma_start3A_1691 = tpu.memref_slice %arg6[%add3A_1609, %dma_start3A_1690] : memref<1280x10000xf32, #tpu.memory_space<hbm>> -> memref<1x10000xf32, #tpu.memory_space<hbm>>
          %dma_start3A_1692 = tpu.memref_squeeze %dma_start3A_1691 : memref<1x10000xf32, #tpu.memory_space<hbm>> -> memref<10000xf32, #tpu.memory_space<hbm>>
          tpu.enqueue_dma source(%dma_start3A_1692 : memref<10000xf32, #tpu.memory_space<hbm>>) target(%arg9 : memref<10000xf32, #tpu.memory_space<vmem>>) target_semaphore(%run_scoped3A : memref<!tpu.dma_semaphore, #tpu.memory_space<semaphore_mem>>)
          %dma_wait3A_1693 = arith.constant 0 : i32
          %dma_wait3A_1694 = tpu.memref_slice %arg6[%add3A_1609, %dma_wait3A_1693] : memref<1280x10000xf32, #tpu.memory_space<hbm>> -> memref<1x10000xf32, #tpu.memory_space<hbm>>
          %dma_wait3A_1695 = tpu.memref_squeeze %dma_wait3A_1694 : memref<1x10000xf32, #tpu.memory_space<hbm>> -> memref<10000xf32, #tpu.memory_space<hbm>>
          %dma_wait3A_1696 = arith.constant 0 : i32
          %dma_wait3A_1697 = tpu.memref_slice %arg6[%add3A_1609, %dma_wait3A_1696] : memref<1280x10000xf32, #tpu.memory_space<hbm>> -> memref<1x10000xf32, #tpu.memory_space<hbm>>
          %dma_wait3A_1698 = tpu.memref_squeeze %dma_wait3A_1697 : memref<1x10000xf32, #tpu.memory_space<hbm>> -> memref<10000xf32, #tpu.memory_space<hbm>>
          tpu.wait_dma2 semaphore(%run_scoped3A : memref<!tpu.dma_semaphore, #tpu.memory_space<semaphore_mem>>) src(%dma_wait3A_1698 : memref<10000xf32, #tpu.memory_space<hbm>>) dst(%arg9 : memref<10000xf32, #tpu.memory_space<vmem>>)
          tpu.yield
        }) : () -> ()
        %broadcast_in_dim3A_1610 = arith.constant 0 : i32
        %broadcast_in_dim3A_1611 = vector.broadcast %broadcast_in_dim3A_1610 : i32 to vector<16xi32>
        %scan3A_1612 = arith.constant 0 : i32
        %scan3A_1613 = arith.constant 624 : i32
        %scan3A_1614 = arith.addi %scan3A_1612, %scan3A_1613 : i32
        %scan3A_1615 = arith.constant 8 : i32
        %scan3A_1616 = scf.for %scan3A_1687 = %scan3A_1612 to %scan3A_1614 step %scan3A_1615 iter_args(%scan3A_1688 = %broadcast_in_dim3A_1611) -> (vector<16xi32>)  : i32 {
          %mul3A_1689 = arith.constant 16 : i32
          %mul3A_1690 = arith.muli %scan3A_1687, %mul3A_1689 : i32
          %get3A_1691 = arith.index_cast %mul3A_1690 : i32 to index
          %get3A_1692 = tpu.vector_load %arg9[%get3A_1691] {strides = array<i32>} : memref<10000xf32, #tpu.memory_space<vmem>>, vector<16xf32>,
          %eq3A_1693 = arith.constant 0.000000e+00 : f32
          %eq3A_1694 = vector.broadcast %eq3A_1693 : f32 to vector<16xf32>
          %eq3A_1695 = arith.cmpf oeq, %get3A_1692, %eq3A_1694 : vector<16xf32>
          %jit3A_1696 = arith.constant 1 : i32
          %jit3A_1697 = arith.constant 0 : i32
          %broadcast_in_dim3A_1698 = vector.broadcast %jit3A_1696 : i32 to vector<16xi32>
          %broadcast_in_dim3A_1699 = vector.broadcast %jit3A_1697 : i32 to vector<16xi32>
          %select_n3A_1700 = arith.select %eq3A_1695, %broadcast_in_dim3A_1698, %broadcast_in_dim3A_1699 : vector<16xi1>, vector<16xi32>
          %add3A_1701 = arith.addi %scan3A_1688, %select_n3A_1700 : vector<16xi32>
          %scan3A_1702 = arith.constant 1 : i32
          %scan3A_1703 = arith.addi %scan3A_1687, %scan3A_1702 : i32
          %mul3A_1704 = arith.constant 16 : i32
          %mul3A_1705 = arith.muli %scan3A_1703, %mul3A_1704 : i32
          %get3A_1706 = arith.index_cast %mul3A_1705 : i32 to index
          %get3A_1707 = tpu.vector_load %arg9[%get3A_1706] {strides = array<i32>} : memref<10000xf32, #tpu.memory_space<vmem>>, vector<16xf32>,
          %eq3A_1708 = arith.constant 0.000000e+00 : f32
          %eq3A_1709 = vector.broadcast %eq3A_1708 : f32 to vector<16xf32>
          %eq3A_1710 = arith.cmpf oeq, %get3A_1707, %eq3A_1709 : vector<16xf32>
          %jit3A_1711 = arith.constant 1 : i32
          %jit3A_1712 = arith.constant 0 : i32
          %broadcast_in_dim3A_1713 = vector.broadcast %jit3A_1711 : i32 to vector<16xi32>
          %broadcast_in_dim3A_1714 = vector.broadcast %jit3A_1712 : i32 to vector<16xi32>
          %select_n3A_1715 = arith.select %eq3A_1710, %broadcast_in_dim3A_1713, %broadcast_in_dim3A_1714 : vector<16xi1>, vector<16xi32>
          %add3A_1716 = arith.addi %add3A_1701, %select_n3A_1715 : vector<16xi32>
          %scan3A_1717 = arith.constant 2 : i32
          %scan3A_1718 = arith.addi %scan3A_1687, %scan3A_1717 : i32
          %mul3A_1719 = arith.constant 16 : i32
          %mul3A_1720 = arith.muli %scan3A_1718, %mul3A_1719 : i32
          %get3A_1721 = arith.index_cast %mul3A_1720 : i32 to index
          %get3A_1722 = tpu.vector_load %arg9[%get3A_1721] {strides = array<i32>} : memref<10000xf32, #tpu.memory_space<vmem>>, vector<16xf32>,
          %eq3A_1723 = arith.constant 0.000000e+00 : f32
          %eq3A_1724 = vector.broadcast %eq3A_1723 : f32 to vector<16xf32>
          %eq3A_1725 = arith.cmpf oeq, %get3A_1722, %eq3A_1724 : vector<16xf32>
          %jit3A_1726 = arith.constant 1 : i32
          %jit3A_1727 = arith.constant 0 : i32
          %broadcast_in_dim3A_1728 = vector.broadcast %jit3A_1726 : i32 to vector<16xi32>
          %broadcast_in_dim3A_1729 = vector.broadcast %jit3A_1727 : i32 to vector<16xi32>
          %select_n3A_1730 = arith.select %eq3A_1725, %broadcast_in_dim3A_1728, %broadcast_in_dim3A_1729 : vector<16xi1>, vector<16xi32>
          %add3A_1731 = arith.addi %add3A_1716, %select_n3A_1730 : vector<16xi32>
          %scan3A_1732 = arith.constant 3 : i32
          %scan3A_1733 = arith.addi %scan3A_1687, %scan3A_1732 : i32
          %mul3A_1734 = arith.constant 16 : i32
          %mul3A_1735 = arith.muli %scan3A_1733, %mul3A_1734 : i32
          %get3A_1736 = arith.index_cast %mul3A_1735 : i32 to index
          %get3A_1737 = tpu.vector_load %arg9[%get3A_1736] {strides = array<i32>} : memref<10000xf32, #tpu.memory_space<vmem>>, vector<16xf32>,
          %eq3A_1738 = arith.constant 0.000000e+00 : f32
          %eq3A_1739 = vector.broadcast %eq3A_1738 : f32 to vector<16xf32>
          %eq3A_1740 = arith.cmpf oeq, %get3A_1737, %eq3A_1739 : vector<16xf32>
          %jit3A_1741 = arith.constant 1 : i32
          %jit3A_1742 = arith.constant 0 : i32
          %broadcast_in_dim3A_1743 = vector.broadcast %jit3A_1741 : i32 to vector<16xi32>
          %broadcast_in_dim3A_1744 = vector.broadcast %jit3A_1742 : i32 to vector<16xi32>
          %select_n3A_1745 = arith.select %eq3A_1740, %broadcast_in_dim3A_1743, %broadcast_in_dim3A_1744 : vector<16xi1>, vector<16xi32>
          %add3A_1746 = arith.addi %add3A_1731, %select_n3A_1745 : vector<16xi32>
          %scan3A_1747 = arith.constant 4 : i32
          %scan3A_1748 = arith.addi %scan3A_1687, %scan3A_1747 : i32
          %mul3A_1749 = arith.constant 16 : i32
          %mul3A_1750 = arith.muli %scan3A_1748, %mul3A_1749 : i32
          %get3A_1751 = arith.index_cast %mul3A_1750 : i32 to index
          %get3A_1752 = tpu.vector_load %arg9[%get3A_1751] {strides = array<i32>} : memref<10000xf32, #tpu.memory_space<vmem>>, vector<16xf32>,
          %eq3A_1753 = arith.constant 0.000000e+00 : f32
          %eq3A_1754 = vector.broadcast %eq3A_1753 : f32 to vector<16xf32>
          %eq3A_1755 = arith.cmpf oeq, %get3A_1752, %eq3A_1754 : vector<16xf32>
          %jit3A_1756 = arith.constant 1 : i32
          %jit3A_1757 = arith.constant 0 : i32
          %broadcast_in_dim3A_1758 = vector.broadcast %jit3A_1756 : i32 to vector<16xi32>
          %broadcast_in_dim3A_1759 = vector.broadcast %jit3A_1757 : i32 to vector<16xi32>
          %select_n3A_1760 = arith.select %eq3A_1755, %broadcast_in_dim3A_1758, %broadcast_in_dim3A_1759 : vector<16xi1>, vector<16xi32>
          %add3A_1761 = arith.addi %add3A_1746, %select_n3A_1760 : vector<16xi32>
          %scan3A_1762 = arith.constant 5 : i32
          %scan3A_1763 = arith.addi %scan3A_1687, %scan3A_1762 : i32
          %mul3A_1764 = arith.constant 16 : i32
          %mul3A_1765 = arith.muli %scan3A_1763, %mul3A_1764 : i32
          %get3A_1766 = arith.index_cast %mul3A_1765 : i32 to index
          %get3A_1767 = tpu.vector_load %arg9[%get3A_1766] {strides = array<i32>} : memref<10000xf32, #tpu.memory_space<vmem>>, vector<16xf32>,
          %eq3A_1768 = arith.constant 0.000000e+00 : f32
          %eq3A_1769 = vector.broadcast %eq3A_1768 : f32 to vector<16xf32>
          %eq3A_1770 = arith.cmpf oeq, %get3A_1767, %eq3A_1769 : vector<16xf32>
          %jit3A_1771 = arith.constant 1 : i32
          %jit3A_1772 = arith.constant 0 : i32
          %broadcast_in_dim3A_1773 = vector.broadcast %jit3A_1771 : i32 to vector<16xi32>
          %broadcast_in_dim3A_1774 = vector.broadcast %jit3A_1772 : i32 to vector<16xi32>
          %select_n3A_1775 = arith.select %eq3A_1770, %broadcast_in_dim3A_1773, %broadcast_in_dim3A_1774 : vector<16xi1>, vector<16xi32>
          %add3A_1776 = arith.addi %add3A_1761, %select_n3A_1775 : vector<16xi32>
          %scan3A_1777 = arith.constant 6 : i32
          %scan3A_1778 = arith.addi %scan3A_1687, %scan3A_1777 : i32
          %mul3A_1779 = arith.constant 16 : i32
          %mul3A_1780 = arith.muli %scan3A_1778, %mul3A_1779 : i32
          %get3A_1781 = arith.index_cast %mul3A_1780 : i32 to index
          %get3A_1782 = tpu.vector_load %arg9[%get3A_1781] {strides = array<i32>} : memref<10000xf32, #tpu.memory_space<vmem>>, vector<16xf32>,
          %eq3A_1783 = arith.constant 0.000000e+00 : f32
          %eq3A_1784 = vector.broadcast %eq3A_1783 : f32 to vector<16xf32>
          %eq3A_1785 = arith.cmpf oeq, %get3A_1782, %eq3A_1784 : vector<16xf32>
          %jit3A_1786 = arith.constant 1 : i32
          %jit3A_1787 = arith.constant 0 : i32
          %broadcast_in_dim3A_1788 = vector.broadcast %jit3A_1786 : i32 to vector<16xi32>
          %broadcast_in_dim3A_1789 = vector.broadcast %jit3A_1787 : i32 to vector<16xi32>
          %select_n3A_1790 = arith.select %eq3A_1785, %broadcast_in_dim3A_1788, %broadcast_in_dim3A_1789 : vector<16xi1>, vector<16xi32>
          %add3A_1791 = arith.addi %add3A_1776, %select_n3A_1790 : vector<16xi32>
          %scan3A_1792 = arith.constant 7 : i32
          %scan3A_1793 = arith.addi %scan3A_1687, %scan3A_1792 : i32
          %mul3A_1794 = arith.constant 16 : i32
          %mul3A_1795 = arith.muli %scan3A_1793, %mul3A_1794 : i32
          %get3A_1796 = arith.index_cast %mul3A_1795 : i32 to index
          %get3A_1797 = tpu.vector_load %arg9[%get3A_1796] {strides = array<i32>} : memref<10000xf32, #tpu.memory_space<vmem>>, vector<16xf32>,
          %eq3A_1798 = arith.constant 0.000000e+00 : f32
          %eq3A_1799 = vector.broadcast %eq3A_1798 : f32 to vector<16xf32>
          %eq3A_1800 = arith.cmpf oeq, %get3A_1797, %eq3A_1799 : vector<16xf32>
          %jit3A_1801 = arith.constant 1 : i32
          %jit3A_1802 = arith.constant 0 : i32
          %broadcast_in_dim3A_1803 = vector.broadcast %jit3A_1801 : i32 to vector<16xi32>
          %broadcast_in_dim3A_1804 = vector.broadcast %jit3A_1802 : i32 to vector<16xi32>
          %select_n3A_1805 = arith.select %eq3A_1800, %broadcast_in_dim3A_1803, %broadcast_in_dim3A_1804 : vector<16xi1>, vector<16xi32>
          %add3A_1806 = arith.addi %add3A_1791, %select_n3A_1805 : vector<16xi32>
          scf.yield %add3A_1806 : vector<16xi32>
        }
        %scan3A_1617 = arith.constant 624 : i32
        %scan3A_1618 = arith.addi %scan3A_1612, %scan3A_1617 : i32
        %mul3A_1619 = arith.constant 16 : i32
        %mul3A_1620 = arith.muli %scan3A_1618, %mul3A_1619 : i32
        %get3A_1621 = arith.index_cast %mul3A_1620 : i32 to index
        %get3A_1622 = tpu.vector_load %arg9[%get3A_1621] {strides = array<i32>} : memref<10000xf32, #tpu.memory_space<vmem>>, vector<16xf32>,
        %eq3A_1623 = arith.constant 0.000000e+00 : f32
        %eq3A_1624 = vector.broadcast %eq3A_1623 : f32 to vector<16xf32>
        %eq3A_1625 = arith.cmpf oeq, %get3A_1622, %eq3A_1624 : vector<16xf32>
        %jit3A_1626 = arith.constant 1 : i32
        %jit3A_1627 = arith.constant 0 : i32
        %broadcast_in_dim3A_1628 = vector.broadcast %jit3A_1626 : i32 to vector<16xi32>
        %broadcast_in_dim3A_1629 = vector.broadcast %jit3A_1627 : i32 to vector<16xi32>
        %select_n3A_1630 = arith.select %eq3A_1625, %broadcast_in_dim3A_1628, %broadcast_in_dim3A_1629 : vector<16xi1>, vector<16xi32>
        %add3A_1631 = arith.addi %scan3A_1616, %select_n3A_1630 : vector<16xi32>
        %scan3A_1632 = arith.constant 625 : i32
        %slice3A_1633 = vector.extract_strided_slice %add3A_1631 {offsets = [0], sizes = [1], strides = [1]} : vector<16xi32> to vector<1xi32>
        %squeeze3A_1634 = vector.extract %slice3A_1633[0] : i32 from vector<1xi32>
        %slice3A_1635 = vector.extract_strided_slice %add3A_1631 {offsets = [1], sizes = [1], strides = [1]} : vector<16xi32> to vector<1xi32>
        %squeeze3A_1636 = vector.extract %slice3A_1635[0] : i32 from vector<1xi32>
        %slice3A_1637 = vector.extract_strided_slice %add3A_1631 {offsets = [2], sizes = [1], strides = [1]} : vector<16xi32> to vector<1xi32>
        %squeeze3A_1638 = vector.extract %slice3A_1637[0] : i32 from vector<1xi32>
        %slice3A_1639 = vector.extract_strided_slice %add3A_1631 {offsets = [3], sizes = [1], strides = [1]} : vector<16xi32> to vector<1xi32>
        %squeeze3A_1640 = vector.extract %slice3A_1639[0] : i32 from vector<1xi32>
        %slice3A_1641 = vector.extract_strided_slice %add3A_1631 {offsets = [4], sizes = [1], strides = [1]} : vector<16xi32> to vector<1xi32>
        %squeeze3A_1642 = vector.extract %slice3A_1641[0] : i32 from vector<1xi32>
        %slice3A_1643 = vector.extract_strided_slice %add3A_1631 {offsets = [5], sizes = [1], strides = [1]} : vector<16xi32> to vector<1xi32>
        %squeeze3A_1644 = vector.extract %slice3A_1643[0] : i32 from vector<1xi32>
        %slice3A_1645 = vector.extract_strided_slice %add3A_1631 {offsets = [6], sizes = [1], strides = [1]} : vector<16xi32> to vector<1xi32>
        %squeeze3A_1646 = vector.extract %slice3A_1645[0] : i32 from vector<1xi32>
        %slice3A_1647 = vector.extract_strided_slice %add3A_1631 {offsets = [7], sizes = [1], strides = [1]} : vector<16xi32> to vector<1xi32>
        %squeeze3A_1648 = vector.extract %slice3A_1647[0] : i32 from vector<1xi32>
        %slice3A_1649 = vector.extract_strided_slice %add3A_1631 {offsets = [8], sizes = [1], strides = [1]} : vector<16xi32> to vector<1xi32>
        %squeeze3A_1650 = vector.extract %slice3A_1649[0] : i32 from vector<1xi32>
        %slice3A_1651 = vector.extract_strided_slice %add3A_1631 {offsets = [9], sizes = [1], strides = [1]} : vector<16xi32> to vector<1xi32>
        %squeeze3A_1652 = vector.extract %slice3A_1651[0] : i32 from vector<1xi32>
        %slice3A_1653 = vector.extract_strided_slice %add3A_1631 {offsets = [10], sizes = [1], strides = [1]} : vector<16xi32> to vector<1xi32>
        %squeeze3A_1654 = vector.extract %slice3A_1653[0] : i32 from vector<1xi32>
        %slice3A_1655 = vector.extract_strided_slice %add3A_1631 {offsets = [11], sizes = [1], strides = [1]} : vector<16xi32> to vector<1xi32>
        %squeeze3A_1656 = vector.extract %slice3A_1655[0] : i32 from vector<1xi32>
        %slice3A_1657 = vector.extract_strided_slice %add3A_1631 {offsets = [12], sizes = [1], strides = [1]} : vector<16xi32> to vector<1xi32>
        %squeeze3A_1658 = vector.extract %slice3A_1657[0] : i32 from vector<1xi32>
        %slice3A_1659 = vector.extract_strided_slice %add3A_1631 {offsets = [13], sizes = [1], strides = [1]} : vector<16xi32> to vector<1xi32>
        %squeeze3A_1660 = vector.extract %slice3A_1659[0] : i32 from vector<1xi32>
        %slice3A_1661 = vector.extract_strided_slice %add3A_1631 {offsets = [14], sizes = [1], strides = [1]} : vector<16xi32> to vector<1xi32>
        %squeeze3A_1662 = vector.extract %slice3A_1661[0] : i32 from vector<1xi32>
        %slice3A_1663 = vector.extract_strided_slice %add3A_1631 {offsets = [15], sizes = [1], strides = [1]} : vector<16xi32> to vector<1xi32>
        %squeeze3A_1664 = vector.extract %slice3A_1663[0] : i32 from vector<1xi32>
        %add3A_1665 = arith.addi %squeeze3A_1634, %squeeze3A_1636 : i32
        %add3A_1666 = arith.addi %squeeze3A_1638, %squeeze3A_1640 : i32
        %add3A_1667 = arith.addi %squeeze3A_1642, %squeeze3A_1644 : i32
        %add3A_1668 = arith.addi %squeeze3A_1646, %squeeze3A_1648 : i32
        %add3A_1669 = arith.addi %squeeze3A_1650, %squeeze3A_1652 : i32
        %add3A_1670 = arith.addi %squeeze3A_1654, %squeeze3A_1656 : i32
        %add3A_1671 = arith.addi %squeeze3A_1658, %squeeze3A_1660 : i32
        %add3A_1672 = arith.addi %squeeze3A_1662, %squeeze3A_1664 : i32
        %add3A_1673 = arith.addi %add3A_1665, %add3A_1666 : i32
        %add3A_1674 = arith.addi %add3A_1667, %add3A_1668 : i32
        %add3A_1675 = arith.addi %add3A_1669, %add3A_1670 : i32
        %add3A_1676 = arith.addi %add3A_1671, %add3A_1672 : i32
        %add3A_1677 = arith.addi %add3A_1673, %add3A_1674 : i32
        %add3A_1678 = arith.addi %add3A_1675, %add3A_1676 : i32
        %add3A_1679 = arith.addi %add3A_1677, %add3A_1678 : i32
        %gt3A_1680 = arith.constant 0 : i32
        %gt3A_1681 = arith.cmpi sgt, %add3A_1679, %gt3A_1680 : i32
        %convert_element_type3A_1682 = arith.extui %gt3A_1681 : i1 to i32
        %cond3A_1683 = arith.constant 0 : i32
        %cond3A_1684 = arith.cmpi ne, %convert_element_type3A_1682, %cond3A_1683 : i32
        %cond3A_1685:2 = scf.if %cond3A_1684 -> (i32, i32) {
          %scan3A_1687 = arith.constant 0 : i32
          %scan3A_1688 = arith.constant 625 : i32
          %scan3A_1689 = arith.addi %scan3A_1687, %scan3A_1688 : i32
          %scan3A_1690 = arith.constant 1 : i32
          %scan3A_1691:2 = scf.for %scan3A_1693 = %scan3A_1687 to %scan3A_1689 step %scan3A_1690 iter_args(%scan3A_1694 = %scan3A_1604, %scan3A_1695 = %scan3A_1605) -> (i32, i32)  : i32 {
            %mul3A_1696 = arith.constant 16 : i32
            %mul3A_1697 = arith.muli %scan3A_1693, %mul3A_1696 : i32
            %get3A_1698 = arith.index_cast %mul3A_1697 : i32 to index
            %get3A_1699 = tpu.vector_load %arg9[%get3A_1698] {strides = array<i32>} : memref<10000xf32, #tpu.memory_space<vmem>>, vector<16xf32>,
            %slice3A_1700 = vector.extract_strided_slice %get3A_1699 {offsets = [0], sizes = [1], strides = [1]} : vector<16xf32> to vector<1xf32>
            %squeeze3A_1701 = vector.extract %slice3A_1700[0] : f32 from vector<1xf32>
            %eq3A_1702 = arith.constant 0.000000e+00 : f32
            %eq3A_1703 = arith.cmpf oeq, %squeeze3A_1701, %eq3A_1702 : f32
            %mul3A_1704 = arith.constant 10000 : i32
            %mul3A_1705 = arith.muli %scan3A_1603, %mul3A_1704 : i32
            %mul3A_1706 = arith.constant 16 : i32
            %mul3A_1707 = arith.muli %scan3A_1693, %mul3A_1706 : i32
            %add3A_1708 = arith.addi %mul3A_1705, %mul3A_1707 : i32
            %add3A_1709 = arith.constant 0 : i32
            %add3A_1710 = arith.addi %add3A_1708, %add3A_1709 : i32
            %ge3A_1711 = arith.constant 100000 : i32
            %ge3A_1712 = arith.cmpi sge, %scan3A_1694, %ge3A_1711 : i32
            %and3A_1713 = arith.andi %eq3A_1703, %ge3A_1712 : i1
            %lt3A_1714 = arith.constant 100000 : i32
            %lt3A_1715 = arith.cmpi slt, %scan3A_1694, %lt3A_1714 : i32
            %and3A_1716 = arith.andi %eq3A_1703, %lt3A_1715 : i1
            %ge3A_1717 = arith.constant 100000 : i32
            %ge3A_1718 = arith.cmpi sge, %scan3A_1695, %ge3A_1717 : i32
            %and3A_1719 = arith.andi %and3A_1716, %ge3A_1718 : i1
            %ne3A = arith.cmpi ne, %add3A_1710, %scan3A_1694 : i32
            %and3A_1720 = arith.andi %and3A_1719, %ne3A : i1
            %select_n3A_1721 = arith.select %and3A_1713, %add3A_1710, %scan3A_1694 : i32
            %select_n3A_1722 = arith.select %and3A_1720, %add3A_1710, %scan3A_1695 : i32
            %slice3A_1723 = vector.extract_strided_slice %get3A_1699 {offsets = [1], sizes = [1], strides = [1]} : vector<16xf32> to vector<1xf32>
            %squeeze3A_1724 = vector.extract %slice3A_1723[0] : f32 from vector<1xf32>
            %eq3A_1725 = arith.constant 0.000000e+00 : f32
            %eq3A_1726 = arith.cmpf oeq, %squeeze3A_1724, %eq3A_1725 : f32
            %mul3A_1727 = arith.constant 10000 : i32
            %mul3A_1728 = arith.muli %scan3A_1603, %mul3A_1727 : i32
            %mul3A_1729 = arith.constant 16 : i32
            %mul3A_1730 = arith.muli %scan3A_1693, %mul3A_1729 : i32
            %add3A_1731 = arith.addi %mul3A_1728, %mul3A_1730 : i32
            %add3A_1732 = arith.constant 1 : i32
            %add3A_1733 = arith.addi %add3A_1731, %add3A_1732 : i32
            %ge3A_1734 = arith.constant 100000 : i32
            %ge3A_1735 = arith.cmpi sge, %select_n3A_1721, %ge3A_1734 : i32
            %and3A_1736 = arith.andi %eq3A_1726, %ge3A_1735 : i1
            %lt3A_1737 = arith.constant 100000 : i32
            %lt3A_1738 = arith.cmpi slt, %select_n3A_1721, %lt3A_1737 : i32
            %and3A_1739 = arith.andi %eq3A_1726, %lt3A_1738 : i1
            %ge3A_1740 = arith.constant 100000 : i32
            %ge3A_1741 = arith.cmpi sge, %select_n3A_1722, %ge3A_1740 : i32
            %and3A_1742 = arith.andi %and3A_1739, %ge3A_1741 : i1
            %ne3A_1743 = arith.cmpi ne, %add3A_1733, %select_n3A_1721 : i32
            %and3A_1744 = arith.andi %and3A_1742, %ne3A_1743 : i1
            %select_n3A_1745 = arith.select %and3A_1736, %add3A_1733, %select_n3A_1721 : i32
            %select_n3A_1746 = arith.select %and3A_1744, %add3A_1733, %select_n3A_1722 : i32
            %slice3A_1747 = vector.extract_strided_slice %get3A_1699 {offsets = [2], sizes = [1], strides = [1]} : vector<16xf32> to vector<1xf32>
            %squeeze3A_1748 = vector.extract %slice3A_1747[0] : f32 from vector<1xf32>
            %eq3A_1749 = arith.constant 0.000000e+00 : f32
            %eq3A_1750 = arith.cmpf oeq, %squeeze3A_1748, %eq3A_1749 : f32
            %mul3A_1751 = arith.constant 10000 : i32
            %mul3A_1752 = arith.muli %scan3A_1603, %mul3A_1751 : i32
            %mul3A_1753 = arith.constant 16 : i32
            %mul3A_1754 = arith.muli %scan3A_1693, %mul3A_1753 : i32
            %add3A_1755 = arith.addi %mul3A_1752, %mul3A_1754 : i32
            %add3A_1756 = arith.constant 2 : i32
            %add3A_1757 = arith.addi %add3A_1755, %add3A_1756 : i32
            %ge3A_1758 = arith.constant 100000 : i32
            %ge3A_1759 = arith.cmpi sge, %select_n3A_1745, %ge3A_1758 : i32
            %and3A_1760 = arith.andi %eq3A_1750, %ge3A_1759 : i1
            %lt3A_1761 = arith.constant 100000 : i32
            %lt3A_1762 = arith.cmpi slt, %select_n3A_1745, %lt3A_1761 : i32
            %and3A_1763 = arith.andi %eq3A_1750, %lt3A_1762 : i1
            %ge3A_1764 = arith.constant 100000 : i32
            %ge3A_1765 = arith.cmpi sge, %select_n3A_1746, %ge3A_1764 : i32
            %and3A_1766 = arith.andi %and3A_1763, %ge3A_1765 : i1
            %ne3A_1767 = arith.cmpi ne, %add3A_1757, %select_n3A_1745 : i32
            %and3A_1768 = arith.andi %and3A_1766, %ne3A_1767 : i1
            %select_n3A_1769 = arith.select %and3A_1760, %add3A_1757, %select_n3A_1745 : i32
            %select_n3A_1770 = arith.select %and3A_1768, %add3A_1757, %select_n3A_1746 : i32
            %slice3A_1771 = vector.extract_strided_slice %get3A_1699 {offsets = [3], sizes = [1], strides = [1]} : vector<16xf32> to vector<1xf32>
            %squeeze3A_1772 = vector.extract %slice3A_1771[0] : f32 from vector<1xf32>
            %eq3A_1773 = arith.constant 0.000000e+00 : f32
            %eq3A_1774 = arith.cmpf oeq, %squeeze3A_1772, %eq3A_1773 : f32
            %mul3A_1775 = arith.constant 10000 : i32
            %mul3A_1776 = arith.muli %scan3A_1603, %mul3A_1775 : i32
            %mul3A_1777 = arith.constant 16 : i32
            %mul3A_1778 = arith.muli %scan3A_1693, %mul3A_1777 : i32
            %add3A_1779 = arith.addi %mul3A_1776, %mul3A_1778 : i32
            %add3A_1780 = arith.constant 3 : i32
            %add3A_1781 = arith.addi %add3A_1779, %add3A_1780 : i32
            %ge3A_1782 = arith.constant 100000 : i32
            %ge3A_1783 = arith.cmpi sge, %select_n3A_1769, %ge3A_1782 : i32
            %and3A_1784 = arith.andi %eq3A_1774, %ge3A_1783 : i1
            %lt3A_1785 = arith.constant 100000 : i32
            %lt3A_1786 = arith.cmpi slt, %select_n3A_1769, %lt3A_1785 : i32
            %and3A_1787 = arith.andi %eq3A_1774, %lt3A_1786 : i1
            %ge3A_1788 = arith.constant 100000 : i32
            %ge3A_1789 = arith.cmpi sge, %select_n3A_1770, %ge3A_1788 : i32
            %and3A_1790 = arith.andi %and3A_1787, %ge3A_1789 : i1
            %ne3A_1791 = arith.cmpi ne, %add3A_1781, %select_n3A_1769 : i32
            %and3A_1792 = arith.andi %and3A_1790, %ne3A_1791 : i1
            %select_n3A_1793 = arith.select %and3A_1784, %add3A_1781, %select_n3A_1769 : i32
            %select_n3A_1794 = arith.select %and3A_1792, %add3A_1781, %select_n3A_1770 : i32
            %slice3A_1795 = vector.extract_strided_slice %get3A_1699 {offsets = [4], sizes = [1], strides = [1]} : vector<16xf32> to vector<1xf32>
            %squeeze3A_1796 = vector.extract %slice3A_1795[0] : f32 from vector<1xf32>
            %eq3A_1797 = arith.constant 0.000000e+00 : f32
            %eq3A_1798 = arith.cmpf oeq, %squeeze3A_1796, %eq3A_1797 : f32
            %mul3A_1799 = arith.constant 10000 : i32
            %mul3A_1800 = arith.muli %scan3A_1603, %mul3A_1799 : i32
            %mul3A_1801 = arith.constant 16 : i32
            %mul3A_1802 = arith.muli %scan3A_1693, %mul3A_1801 : i32
            %add3A_1803 = arith.addi %mul3A_1800, %mul3A_1802 : i32
            %add3A_1804 = arith.constant 4 : i32
            %add3A_1805 = arith.addi %add3A_1803, %add3A_1804 : i32
            %ge3A_1806 = arith.constant 100000 : i32
            %ge3A_1807 = arith.cmpi sge, %select_n3A_1793, %ge3A_1806 : i32
            %and3A_1808 = arith.andi %eq3A_1798, %ge3A_1807 : i1
            %lt3A_1809 = arith.constant 100000 : i32
            %lt3A_1810 = arith.cmpi slt, %select_n3A_1793, %lt3A_1809 : i32
            %and3A_1811 = arith.andi %eq3A_1798, %lt3A_1810 : i1
            %ge3A_1812 = arith.constant 100000 : i32
            %ge3A_1813 = arith.cmpi sge, %select_n3A_1794, %ge3A_1812 : i32
            %and3A_1814 = arith.andi %and3A_1811, %ge3A_1813 : i1
            %ne3A_1815 = arith.cmpi ne, %add3A_1805, %select_n3A_1793 : i32
            %and3A_1816 = arith.andi %and3A_1814, %ne3A_1815 : i1
            %select_n3A_1817 = arith.select %and3A_1808, %add3A_1805, %select_n3A_1793 : i32
            %select_n3A_1818 = arith.select %and3A_1816, %add3A_1805, %select_n3A_1794 : i32
            %slice3A_1819 = vector.extract_strided_slice %get3A_1699 {offsets = [5], sizes = [1], strides = [1]} : vector<16xf32> to vector<1xf32>
            %squeeze3A_1820 = vector.extract %slice3A_1819[0] : f32 from vector<1xf32>
            %eq3A_1821 = arith.constant 0.000000e+00 : f32
            %eq3A_1822 = arith.cmpf oeq, %squeeze3A_1820, %eq3A_1821 : f32
            %mul3A_1823 = arith.constant 10000 : i32
            %mul3A_1824 = arith.muli %scan3A_1603, %mul3A_1823 : i32
            %mul3A_1825 = arith.constant 16 : i32
            %mul3A_1826 = arith.muli %scan3A_1693, %mul3A_1825 : i32
            %add3A_1827 = arith.addi %mul3A_1824, %mul3A_1826 : i32
            %add3A_1828 = arith.constant 5 : i32
            %add3A_1829 = arith.addi %add3A_1827, %add3A_1828 : i32
            %ge3A_1830 = arith.constant 100000 : i32
            %ge3A_1831 = arith.cmpi sge, %select_n3A_1817, %ge3A_1830 : i32
            %and3A_1832 = arith.andi %eq3A_1822, %ge3A_1831 : i1
            %lt3A_1833 = arith.constant 100000 : i32
            %lt3A_1834 = arith.cmpi slt, %select_n3A_1817, %lt3A_1833 : i32
            %and3A_1835 = arith.andi %eq3A_1822, %lt3A_1834 : i1
            %ge3A_1836 = arith.constant 100000 : i32
            %ge3A_1837 = arith.cmpi sge, %select_n3A_1818, %ge3A_1836 : i32
            %and3A_1838 = arith.andi %and3A_1835, %ge3A_1837 : i1
            %ne3A_1839 = arith.cmpi ne, %add3A_1829, %select_n3A_1817 : i32
            %and3A_1840 = arith.andi %and3A_1838, %ne3A_1839 : i1
            %select_n3A_1841 = arith.select %and3A_1832, %add3A_1829, %select_n3A_1817 : i32
            %select_n3A_1842 = arith.select %and3A_1840, %add3A_1829, %select_n3A_1818 : i32
            %slice3A_1843 = vector.extract_strided_slice %get3A_1699 {offsets = [6], sizes = [1], strides = [1]} : vector<16xf32> to vector<1xf32>
            %squeeze3A_1844 = vector.extract %slice3A_1843[0] : f32 from vector<1xf32>
            %eq3A_1845 = arith.constant 0.000000e+00 : f32
            %eq3A_1846 = arith.cmpf oeq, %squeeze3A_1844, %eq3A_1845 : f32
            %mul3A_1847 = arith.constant 10000 : i32
            %mul3A_1848 = arith.muli %scan3A_1603, %mul3A_1847 : i32
            %mul3A_1849 = arith.constant 16 : i32
            %mul3A_1850 = arith.muli %scan3A_1693, %mul3A_1849 : i32
            %add3A_1851 = arith.addi %mul3A_1848, %mul3A_1850 : i32
            %add3A_1852 = arith.constant 6 : i32
            %add3A_1853 = arith.addi %add3A_1851, %add3A_1852 : i32
            %ge3A_1854 = arith.constant 100000 : i32
            %ge3A_1855 = arith.cmpi sge, %select_n3A_1841, %ge3A_1854 : i32
            %and3A_1856 = arith.andi %eq3A_1846, %ge3A_1855 : i1
            %lt3A_1857 = arith.constant 100000 : i32
            %lt3A_1858 = arith.cmpi slt, %select_n3A_1841, %lt3A_1857 : i32
            %and3A_1859 = arith.andi %eq3A_1846, %lt3A_1858 : i1
            %ge3A_1860 = arith.constant 100000 : i32
            %ge3A_1861 = arith.cmpi sge, %select_n3A_1842, %ge3A_1860 : i32
            %and3A_1862 = arith.andi %and3A_1859, %ge3A_1861 : i1
            %ne3A_1863 = arith.cmpi ne, %add3A_1853, %select_n3A_1841 : i32
            %and3A_1864 = arith.andi %and3A_1862, %ne3A_1863 : i1
            %select_n3A_1865 = arith.select %and3A_1856, %add3A_1853, %select_n3A_1841 : i32
            %select_n3A_1866 = arith.select %and3A_1864, %add3A_1853, %select_n3A_1842 : i32
            %slice3A_1867 = vector.extract_strided_slice %get3A_1699 {offsets = [7], sizes = [1], strides = [1]} : vector<16xf32> to vector<1xf32>
            %squeeze3A_1868 = vector.extract %slice3A_1867[0] : f32 from vector<1xf32>
            %eq3A_1869 = arith.constant 0.000000e+00 : f32
            %eq3A_1870 = arith.cmpf oeq, %squeeze3A_1868, %eq3A_1869 : f32
            %mul3A_1871 = arith.constant 10000 : i32
            %mul3A_1872 = arith.muli %scan3A_1603, %mul3A_1871 : i32
            %mul3A_1873 = arith.constant 16 : i32
            %mul3A_1874 = arith.muli %scan3A_1693, %mul3A_1873 : i32
            %add3A_1875 = arith.addi %mul3A_1872, %mul3A_1874 : i32
            %add3A_1876 = arith.constant 7 : i32
            %add3A_1877 = arith.addi %add3A_1875, %add3A_1876 : i32
            %ge3A_1878 = arith.constant 100000 : i32
            %ge3A_1879 = arith.cmpi sge, %select_n3A_1865, %ge3A_1878 : i32
            %and3A_1880 = arith.andi %eq3A_1870, %ge3A_1879 : i1
            %lt3A_1881 = arith.constant 100000 : i32
            %lt3A_1882 = arith.cmpi slt, %select_n3A_1865, %lt3A_1881 : i32
            %and3A_1883 = arith.andi %eq3A_1870, %lt3A_1882 : i1
            %ge3A_1884 = arith.constant 100000 : i32
            %ge3A_1885 = arith.cmpi sge, %select_n3A_1866, %ge3A_1884 : i32
            %and3A_1886 = arith.andi %and3A_1883, %ge3A_1885 : i1
            %ne3A_1887 = arith.cmpi ne, %add3A_1877, %select_n3A_1865 : i32
            %and3A_1888 = arith.andi %and3A_1886, %ne3A_1887 : i1
            %select_n3A_1889 = arith.select %and3A_1880, %add3A_1877, %select_n3A_1865 : i32
            %select_n3A_1890 = arith.select %and3A_1888, %add3A_1877, %select_n3A_1866 : i32
            %slice3A_1891 = vector.extract_strided_slice %get3A_1699 {offsets = [8], sizes = [1], strides = [1]} : vector<16xf32> to vector<1xf32>
            %squeeze3A_1892 = vector.extract %slice3A_1891[0] : f32 from vector<1xf32>
            %eq3A_1893 = arith.constant 0.000000e+00 : f32
            %eq3A_1894 = arith.cmpf oeq, %squeeze3A_1892, %eq3A_1893 : f32
            %mul3A_1895 = arith.constant 10000 : i32
            %mul3A_1896 = arith.muli %scan3A_1603, %mul3A_1895 : i32
            %mul3A_1897 = arith.constant 16 : i32
            %mul3A_1898 = arith.muli %scan3A_1693, %mul3A_1897 : i32
            %add3A_1899 = arith.addi %mul3A_1896, %mul3A_1898 : i32
            %add3A_1900 = arith.constant 8 : i32
            %add3A_1901 = arith.addi %add3A_1899, %add3A_1900 : i32
            %ge3A_1902 = arith.constant 100000 : i32
            %ge3A_1903 = arith.cmpi sge, %select_n3A_1889, %ge3A_1902 : i32
            %and3A_1904 = arith.andi %eq3A_1894, %ge3A_1903 : i1
            %lt3A_1905 = arith.constant 100000 : i32
            %lt3A_1906 = arith.cmpi slt, %select_n3A_1889, %lt3A_1905 : i32
            %and3A_1907 = arith.andi %eq3A_1894, %lt3A_1906 : i1
            %ge3A_1908 = arith.constant 100000 : i32
            %ge3A_1909 = arith.cmpi sge, %select_n3A_1890, %ge3A_1908 : i32
            %and3A_1910 = arith.andi %and3A_1907, %ge3A_1909 : i1
            %ne3A_1911 = arith.cmpi ne, %add3A_1901, %select_n3A_1889 : i32
            %and3A_1912 = arith.andi %and3A_1910, %ne3A_1911 : i1
            %select_n3A_1913 = arith.select %and3A_1904, %add3A_1901, %select_n3A_1889 : i32
            %select_n3A_1914 = arith.select %and3A_1912, %add3A_1901, %select_n3A_1890 : i32
            %slice3A_1915 = vector.extract_strided_slice %get3A_1699 {offsets = [9], sizes = [1], strides = [1]} : vector<16xf32> to vector<1xf32>
            %squeeze3A_1916 = vector.extract %slice3A_1915[0] : f32 from vector<1xf32>
            %eq3A_1917 = arith.constant 0.000000e+00 : f32
            %eq3A_1918 = arith.cmpf oeq, %squeeze3A_1916, %eq3A_1917 : f32
            %mul3A_1919 = arith.constant 10000 : i32
            %mul3A_1920 = arith.muli %scan3A_1603, %mul3A_1919 : i32
            %mul3A_1921 = arith.constant 16 : i32
            %mul3A_1922 = arith.muli %scan3A_1693, %mul3A_1921 : i32
            %add3A_1923 = arith.addi %mul3A_1920, %mul3A_1922 : i32
            %add3A_1924 = arith.constant 9 : i32
            %add3A_1925 = arith.addi %add3A_1923, %add3A_1924 : i32
            %ge3A_1926 = arith.constant 100000 : i32
            %ge3A_1927 = arith.cmpi sge, %select_n3A_1913, %ge3A_1926 : i32
            %and3A_1928 = arith.andi %eq3A_1918, %ge3A_1927 : i1
            %lt3A_1929 = arith.constant 100000 : i32
            %lt3A_1930 = arith.cmpi slt, %select_n3A_1913, %lt3A_1929 : i32
            %and3A_1931 = arith.andi %eq3A_1918, %lt3A_1930 : i1
            %ge3A_1932 = arith.constant 100000 : i32
            %ge3A_1933 = arith.cmpi sge, %select_n3A_1914, %ge3A_1932 : i32
            %and3A_1934 = arith.andi %and3A_1931, %ge3A_1933 : i1
            %ne3A_1935 = arith.cmpi ne, %add3A_1925, %select_n3A_1913 : i32
            %and3A_1936 = arith.andi %and3A_1934, %ne3A_1935 : i1
            %select_n3A_1937 = arith.select %and3A_1928, %add3A_1925, %select_n3A_1913 : i32
            %select_n3A_1938 = arith.select %and3A_1936, %add3A_1925, %select_n3A_1914 : i32
            %slice3A_1939 = vector.extract_strided_slice %get3A_1699 {offsets = [10], sizes = [1], strides = [1]} : vector<16xf32> to vector<1xf32>
            %squeeze3A_1940 = vector.extract %slice3A_1939[0] : f32 from vector<1xf32>
            %eq3A_1941 = arith.constant 0.000000e+00 : f32
            %eq3A_1942 = arith.cmpf oeq, %squeeze3A_1940, %eq3A_1941 : f32
            %mul3A_1943 = arith.constant 10000 : i32
            %mul3A_1944 = arith.muli %scan3A_1603, %mul3A_1943 : i32
            %mul3A_1945 = arith.constant 16 : i32
            %mul3A_1946 = arith.muli %scan3A_1693, %mul3A_1945 : i32
            %add3A_1947 = arith.addi %mul3A_1944, %mul3A_1946 : i32
            %add3A_1948 = arith.constant 10 : i32
            %add3A_1949 = arith.addi %add3A_1947, %add3A_1948 : i32
            %ge3A_1950 = arith.constant 100000 : i32
            %ge3A_1951 = arith.cmpi sge, %select_n3A_1937, %ge3A_1950 : i32
            %and3A_1952 = arith.andi %eq3A_1942, %ge3A_1951 : i1
            %lt3A_1953 = arith.constant 100000 : i32
            %lt3A_1954 = arith.cmpi slt, %select_n3A_1937, %lt3A_1953 : i32
            %and3A_1955 = arith.andi %eq3A_1942, %lt3A_1954 : i1
            %ge3A_1956 = arith.constant 100000 : i32
            %ge3A_1957 = arith.cmpi sge, %select_n3A_1938, %ge3A_1956 : i32
            %and3A_1958 = arith.andi %and3A_1955, %ge3A_1957 : i1
            %ne3A_1959 = arith.cmpi ne, %add3A_1949, %select_n3A_1937 : i32
            %and3A_1960 = arith.andi %and3A_1958, %ne3A_1959 : i1
            %select_n3A_1961 = arith.select %and3A_1952, %add3A_1949, %select_n3A_1937 : i32
            %select_n3A_1962 = arith.select %and3A_1960, %add3A_1949, %select_n3A_1938 : i32
            %slice3A_1963 = vector.extract_strided_slice %get3A_1699 {offsets = [11], sizes = [1], strides = [1]} : vector<16xf32> to vector<1xf32>
            %squeeze3A_1964 = vector.extract %slice3A_1963[0] : f32 from vector<1xf32>
            %eq3A_1965 = arith.constant 0.000000e+00 : f32
            %eq3A_1966 = arith.cmpf oeq, %squeeze3A_1964, %eq3A_1965 : f32
            %mul3A_1967 = arith.constant 10000 : i32
            %mul3A_1968 = arith.muli %scan3A_1603, %mul3A_1967 : i32
            %mul3A_1969 = arith.constant 16 : i32
            %mul3A_1970 = arith.muli %scan3A_1693, %mul3A_1969 : i32
            %add3A_1971 = arith.addi %mul3A_1968, %mul3A_1970 : i32
            %add3A_1972 = arith.constant 11 : i32
            %add3A_1973 = arith.addi %add3A_1971, %add3A_1972 : i32
            %ge3A_1974 = arith.constant 100000 : i32
            %ge3A_1975 = arith.cmpi sge, %select_n3A_1961, %ge3A_1974 : i32
            %and3A_1976 = arith.andi %eq3A_1966, %ge3A_1975 : i1
            %lt3A_1977 = arith.constant 100000 : i32
            %lt3A_1978 = arith.cmpi slt, %select_n3A_1961, %lt3A_1977 : i32
            %and3A_1979 = arith.andi %eq3A_1966, %lt3A_1978 : i1
            %ge3A_1980 = arith.constant 100000 : i32
            %ge3A_1981 = arith.cmpi sge, %select_n3A_1962, %ge3A_1980 : i32
            %and3A_1982 = arith.andi %and3A_1979, %ge3A_1981 : i1
            %ne3A_1983 = arith.cmpi ne, %add3A_1973, %select_n3A_1961 : i32
            %and3A_1984 = arith.andi %and3A_1982, %ne3A_1983 : i1
            %select_n3A_1985 = arith.select %and3A_1976, %add3A_1973, %select_n3A_1961 : i32
            %select_n3A_1986 = arith.select %and3A_1984, %add3A_1973, %select_n3A_1962 : i32
            %slice3A_1987 = vector.extract_strided_slice %get3A_1699 {offsets = [12], sizes = [1], strides = [1]} : vector<16xf32> to vector<1xf32>
            %squeeze3A_1988 = vector.extract %slice3A_1987[0] : f32 from vector<1xf32>
            %eq3A_1989 = arith.constant 0.000000e+00 : f32
            %eq3A_1990 = arith.cmpf oeq, %squeeze3A_1988, %eq3A_1989 : f32
            %mul3A_1991 = arith.constant 10000 : i32
            %mul3A_1992 = arith.muli %scan3A_1603, %mul3A_1991 : i32
            %mul3A_1993 = arith.constant 16 : i32
            %mul3A_1994 = arith.muli %scan3A_1693, %mul3A_1993 : i32
            %add3A_1995 = arith.addi %mul3A_1992, %mul3A_1994 : i32
            %add3A_1996 = arith.constant 12 : i32
            %add3A_1997 = arith.addi %add3A_1995, %add3A_1996 : i32
            %ge3A_1998 = arith.constant 100000 : i32
            %ge3A_1999 = arith.cmpi sge, %select_n3A_1985, %ge3A_1998 : i32
            %and3A_2000 = arith.andi %eq3A_1990, %ge3A_1999 : i1
            %lt3A_2001 = arith.constant 100000 : i32
            %lt3A_2002 = arith.cmpi slt, %select_n3A_1985, %lt3A_2001 : i32
            %and3A_2003 = arith.andi %eq3A_1990, %lt3A_2002 : i1
            %ge3A_2004 = arith.constant 100000 : i32
            %ge3A_2005 = arith.cmpi sge, %select_n3A_1986, %ge3A_2004 : i32
            %and3A_2006 = arith.andi %and3A_2003, %ge3A_2005 : i1
            %ne3A_2007 = arith.cmpi ne, %add3A_1997, %select_n3A_1985 : i32
            %and3A_2008 = arith.andi %and3A_2006, %ne3A_2007 : i1
            %select_n3A_2009 = arith.select %and3A_2000, %add3A_1997, %select_n3A_1985 : i32
            %select_n3A_2010 = arith.select %and3A_2008, %add3A_1997, %select_n3A_1986 : i32
            %slice3A_2011 = vector.extract_strided_slice %get3A_1699 {offsets = [13], sizes = [1], strides = [1]} : vector<16xf32> to vector<1xf32>
            %squeeze3A_2012 = vector.extract %slice3A_2011[0] : f32 from vector<1xf32>
            %eq3A_2013 = arith.constant 0.000000e+00 : f32
            %eq3A_2014 = arith.cmpf oeq, %squeeze3A_2012, %eq3A_2013 : f32
            %mul3A_2015 = arith.constant 10000 : i32
            %mul3A_2016 = arith.muli %scan3A_1603, %mul3A_2015 : i32
            %mul3A_2017 = arith.constant 16 : i32
            %mul3A_2018 = arith.muli %scan3A_1693, %mul3A_2017 : i32
            %add3A_2019 = arith.addi %mul3A_2016, %mul3A_2018 : i32
            %add3A_2020 = arith.constant 13 : i32
            %add3A_2021 = arith.addi %add3A_2019, %add3A_2020 : i32
            %ge3A_2022 = arith.constant 100000 : i32
            %ge3A_2023 = arith.cmpi sge, %select_n3A_2009, %ge3A_2022 : i32
            %and3A_2024 = arith.andi %eq3A_2014, %ge3A_2023 : i1
            %lt3A_2025 = arith.constant 100000 : i32
            %lt3A_2026 = arith.cmpi slt, %select_n3A_2009, %lt3A_2025 : i32
            %and3A_2027 = arith.andi %eq3A_2014, %lt3A_2026 : i1
            %ge3A_2028 = arith.constant 100000 : i32
            %ge3A_2029 = arith.cmpi sge, %select_n3A_2010, %ge3A_2028 : i32
            %and3A_2030 = arith.andi %and3A_2027, %ge3A_2029 : i1
            %ne3A_2031 = arith.cmpi ne, %add3A_2021, %select_n3A_2009 : i32
            %and3A_2032 = arith.andi %and3A_2030, %ne3A_2031 : i1
            %select_n3A_2033 = arith.select %and3A_2024, %add3A_2021, %select_n3A_2009 : i32
            %select_n3A_2034 = arith.select %and3A_2032, %add3A_2021, %select_n3A_2010 : i32
            %slice3A_2035 = vector.extract_strided_slice %get3A_1699 {offsets = [14], sizes = [1], strides = [1]} : vector<16xf32> to vector<1xf32>
            %squeeze3A_2036 = vector.extract %slice3A_2035[0] : f32 from vector<1xf32>
            %eq3A_2037 = arith.constant 0.000000e+00 : f32
            %eq3A_2038 = arith.cmpf oeq, %squeeze3A_2036, %eq3A_2037 : f32
            %mul3A_2039 = arith.constant 10000 : i32
            %mul3A_2040 = arith.muli %scan3A_1603, %mul3A_2039 : i32
            %mul3A_2041 = arith.constant 16 : i32
            %mul3A_2042 = arith.muli %scan3A_1693, %mul3A_2041 : i32
            %add3A_2043 = arith.addi %mul3A_2040, %mul3A_2042 : i32
            %add3A_2044 = arith.constant 14 : i32
            %add3A_2045 = arith.addi %add3A_2043, %add3A_2044 : i32
            %ge3A_2046 = arith.constant 100000 : i32
            %ge3A_2047 = arith.cmpi sge, %select_n3A_2033, %ge3A_2046 : i32
            %and3A_2048 = arith.andi %eq3A_2038, %ge3A_2047 : i1
            %lt3A_2049 = arith.constant 100000 : i32
            %lt3A_2050 = arith.cmpi slt, %select_n3A_2033, %lt3A_2049 : i32
            %and3A_2051 = arith.andi %eq3A_2038, %lt3A_2050 : i1
            %ge3A_2052 = arith.constant 100000 : i32
            %ge3A_2053 = arith.cmpi sge, %select_n3A_2034, %ge3A_2052 : i32
            %and3A_2054 = arith.andi %and3A_2051, %ge3A_2053 : i1
            %ne3A_2055 = arith.cmpi ne, %add3A_2045, %select_n3A_2033 : i32
            %and3A_2056 = arith.andi %and3A_2054, %ne3A_2055 : i1
            %select_n3A_2057 = arith.select %and3A_2048, %add3A_2045, %select_n3A_2033 : i32
            %select_n3A_2058 = arith.select %and3A_2056, %add3A_2045, %select_n3A_2034 : i32
            %slice3A_2059 = vector.extract_strided_slice %get3A_1699 {offsets = [15], sizes = [1], strides = [1]} : vector<16xf32> to vector<1xf32>
            %squeeze3A_2060 = vector.extract %slice3A_2059[0] : f32 from vector<1xf32>
            %eq3A_2061 = arith.constant 0.000000e+00 : f32
            %eq3A_2062 = arith.cmpf oeq, %squeeze3A_2060, %eq3A_2061 : f32
            %mul3A_2063 = arith.constant 10000 : i32
            %mul3A_2064 = arith.muli %scan3A_1603, %mul3A_2063 : i32
            %mul3A_2065 = arith.constant 16 : i32
            %mul3A_2066 = arith.muli %scan3A_1693, %mul3A_2065 : i32
            %add3A_2067 = arith.addi %mul3A_2064, %mul3A_2066 : i32
            %add3A_2068 = arith.constant 15 : i32
            %add3A_2069 = arith.addi %add3A_2067, %add3A_2068 : i32
            %ge3A_2070 = arith.constant 100000 : i32
            %ge3A_2071 = arith.cmpi sge, %select_n3A_2057, %ge3A_2070 : i32
            %and3A_2072 = arith.andi %eq3A_2062, %ge3A_2071 : i1
            %lt3A_2073 = arith.constant 100000 : i32
            %lt3A_2074 = arith.cmpi slt, %select_n3A_2057, %lt3A_2073 : i32
            %and3A_2075 = arith.andi %eq3A_2062, %lt3A_2074 : i1
            %ge3A_2076 = arith.constant 100000 : i32
            %ge3A_2077 = arith.cmpi sge, %select_n3A_2058, %ge3A_2076 : i32
            %and3A_2078 = arith.andi %and3A_2075, %ge3A_2077 : i1
            %ne3A_2079 = arith.cmpi ne, %add3A_2069, %select_n3A_2057 : i32
            %and3A_2080 = arith.andi %and3A_2078, %ne3A_2079 : i1
            %select_n3A_2081 = arith.select %and3A_2072, %add3A_2069, %select_n3A_2057 : i32
            %select_n3A_2082 = arith.select %and3A_2080, %add3A_2069, %select_n3A_2058 : i32
            scf.yield %select_n3A_2081, %select_n3A_2082 : i32, i32
          }
          %scan3A_1692 = arith.constant 625 : i32
          scf.yield %scan3A_1691#0, %scan3A_1691#1 : i32, i32
        } else {
          scf.yield %scan3A_1604, %scan3A_1605 : i32, i32
        }
        %add3A_1686 = arith.addi %scan3A_1606, %add3A_1679 : i32
        scf.yield %cond3A_1685#0, %cond3A_1685#1, %add3A_1686 : i32, i32, i32
      }
      %scan3A_249 = arith.constant 10 : i32
      %broadcast_in_dim3A_250 = arith.constant -3.000000e+38 : f32
      %broadcast_in_dim3A_251 = vector.broadcast %broadcast_in_dim3A_250 : f32 to vector<16xf32>
      %get3A_252 = arith.constant 0 : index
      %get3A_253 = tpu.vector_load %arg12[%get3A_252] {strides = array<i32>} : memref<176xi32, #tpu.memory_space<vmem>>, vector<16xi32>,
      %get3A_254 = arith.constant 0 : index
      %get3A_255 = tpu.vector_load %arg13[%get3A_254] {strides = array<i32>} : memref<176xi32, #tpu.memory_space<vmem>>, vector<16xi32>,
      %add3A_256 = arith.constant 0 : i32
      %add3A_257 = vector.broadcast %add3A_256 : i32 to vector<16xi32>
      %add3A_258 = arith.addi %iota3A, %add3A_257 : vector<16xi32>
      %lt3A = vector.broadcast %min3A_238 : i32 to vector<16xi32>
      %lt3A_259 = arith.cmpi slt, %add3A_258, %lt3A : vector<16xi32>
      %ge3A_260 = arith.constant 0 : i32
      %ge3A_261 = vector.broadcast %ge3A_260 : i32 to vector<16xi32>
      %ge3A_262 = arith.cmpi sge, %get3A_253, %ge3A_261 : vector<16xi32>
      %sub3A_263 = arith.constant -2147483648 : i32
      %sub3A_264 = vector.broadcast %sub3A_263 : i32 to vector<16xi32>
      %sub3A_265 = arith.subi %sub3A_264, %get3A_253 : vector<16xi32>
      %select_n3A_266 = arith.select %ge3A_262, %get3A_253, %sub3A_265 : vector<16xi1>, vector<16xi32>
      %bitcast_convert_type3A = tpu.bitcast %select_n3A_266 : vector<16xi32> -> vector<16xf32>
      %convert_element_type3A_267 = arith.sitofp %get3A_255 : vector<16xi32> to vector<16xf32>
      %jit3A_268 = arith.constant -3.000000e+38 : f32
      %broadcast_in_dim3A_269 = vector.broadcast %jit3A_268 : f32 to vector<16xf32>
      %select_n3A_270 = arith.select %lt3A_259, %bitcast_convert_type3A, %broadcast_in_dim3A_269 : vector<16xi1>, vector<16xf32>
      %max3A = arith.maximumf %broadcast_in_dim3A_251, %select_n3A_270 : vector<16xf32>
      %max3A_271 = arith.constant 0 : i32
      %max3A_272 = vector.broadcast %max3A_271 : i32 to vector<16xi32>
      %max3A_273 = arith.maxsi %get3A_255, %max3A_272 : vector<16xi32>
      %min3A_274 = arith.constant 99999 : i32
      %min3A_275 = vector.broadcast %min3A_274 : i32 to vector<16xi32>
      %min3A_276 = arith.minsi %max3A_273, %min3A_275 : vector<16xi32>
      %add3A_277 = vector.broadcast %mul3A_240 : i32 to vector<16xi32>
      %add3A_278 = arith.addi %min3A_276, %add3A_277 : vector<16xi32>
      %swap3A_279 = arith.constant 0 : index
      %swap3A_280 = tpu.vector_load %arg15[%swap3A_279] {strides = array<i32>} : memref<128xi32, #tpu.memory_space<vmem>>, vector<16xi32>,
      tpu.vector_store %arg15[%swap3A_279], %add3A_278 {strides = array<i32>} : memref<128xi32, #tpu.memory_space<vmem>>, vector<16xi32>,
      %get3A_281 = arith.constant 16 : index
      %get3A_282 = tpu.vector_load %arg12[%get3A_281] {strides = array<i32>} : memref<176xi32, #tpu.memory_space<vmem>>, vector<16xi32>,
      %get3A_283 = arith.constant 16 : index
      %get3A_284 = tpu.vector_load %arg13[%get3A_283] {strides = array<i32>} : memref<176xi32, #tpu.memory_space<vmem>>, vector<16xi32>,
      %add3A_285 = arith.constant 16 : i32
      %add3A_286 = vector.broadcast %add3A_285 : i32 to vector<16xi32>
      %add3A_287 = arith.addi %iota3A, %add3A_286 : vector<16xi32>
      %lt3A_288 = vector.broadcast %min3A_238 : i32 to vector<16xi32>
      %lt3A_289 = arith.cmpi slt, %add3A_287, %lt3A_288 : vector<16xi32>
      %ge3A_290 = arith.constant 0 : i32
      %ge3A_291 = vector.broadcast %ge3A_290 : i32 to vector<16xi32>
      %ge3A_292 = arith.cmpi sge, %get3A_282, %ge3A_291 : vector<16xi32>
      %sub3A_293 = arith.constant -2147483648 : i32
      %sub3A_294 = vector.broadcast %sub3A_293 : i32 to vector<16xi32>
      %sub3A_295 = arith.subi %sub3A_294, %get3A_282 : vector<16xi32>
      %select_n3A_296 = arith.select %ge3A_292, %get3A_282, %sub3A_295 : vector<16xi1>, vector<16xi32>
      %bitcast_convert_type3A_297 = tpu.bitcast %select_n3A_296 : vector<16xi32> -> vector<16xf32>
      %convert_element_type3A_298 = arith.sitofp %get3A_284 : vector<16xi32> to vector<16xf32>
      %jit3A_299 = arith.constant -3.000000e+38 : f32
      %broadcast_in_dim3A_300 = vector.broadcast %jit3A_299 : f32 to vector<16xf32>
      %select_n3A_301 = arith.select %lt3A_289, %bitcast_convert_type3A_297, %broadcast_in_dim3A_300 : vector<16xi1>, vector<16xf32>
      %max3A_302 = arith.maximumf %max3A, %select_n3A_301 : vector<16xf32>
      %max3A_303 = arith.constant 0 : i32
      %max3A_304 = vector.broadcast %max3A_303 : i32 to vector<16xi32>
      %max3A_305 = arith.maxsi %get3A_284, %max3A_304 : vector<16xi32>
      %min3A_306 = arith.constant 99999 : i32
      %min3A_307 = vector.broadcast %min3A_306 : i32 to vector<16xi32>
      %min3A_308 = arith.minsi %max3A_305, %min3A_307 : vector<16xi32>
      %add3A_309 = vector.broadcast %mul3A_240 : i32 to vector<16xi32>
      %add3A_310 = arith.addi %min3A_308, %add3A_309 : vector<16xi32>
      %swap3A_311 = arith.constant 16 : index
      %swap3A_312 = tpu.vector_load %arg15[%swap3A_311] {strides = array<i32>} : memref<128xi32, #tpu.memory_space<vmem>>, vector<16xi32>,
      tpu.vector_store %arg15[%swap3A_311], %add3A_310 {strides = array<i32>} : memref<128xi32, #tpu.memory_space<vmem>>, vector<16xi32>,
      %get3A_313 = arith.constant 32 : index
      %get3A_314 = tpu.vector_load %arg12[%get3A_313] {strides = array<i32>} : memref<176xi32, #tpu.memory_space<vmem>>, vector<16xi32>,
      %get3A_315 = arith.constant 32 : index
      %get3A_316 = tpu.vector_load %arg13[%get3A_315] {strides = array<i32>} : memref<176xi32, #tpu.memory_space<vmem>>, vector<16xi32>,
      %add3A_317 = arith.constant 32 : i32
      %add3A_318 = vector.broadcast %add3A_317 : i32 to vector<16xi32>
      %add3A_319 = arith.addi %iota3A, %add3A_318 : vector<16xi32>
      %lt3A_320 = vector.broadcast %min3A_238 : i32 to vector<16xi32>
      %lt3A_321 = arith.cmpi slt, %add3A_319, %lt3A_320 : vector<16xi32>
      %ge3A_322 = arith.constant 0 : i32
      %ge3A_323 = vector.broadcast %ge3A_322 : i32 to vector<16xi32>
      %ge3A_324 = arith.cmpi sge, %get3A_314, %ge3A_323 : vector<16xi32>
      %sub3A_325 = arith.constant -2147483648 : i32
      %sub3A_326 = vector.broadcast %sub3A_325 : i32 to vector<16xi32>
      %sub3A_327 = arith.subi %sub3A_326, %get3A_314 : vector<16xi32>
      %select_n3A_328 = arith.select %ge3A_324, %get3A_314, %sub3A_327 : vector<16xi1>, vector<16xi32>
      %bitcast_convert_type3A_329 = tpu.bitcast %select_n3A_328 : vector<16xi32> -> vector<16xf32>
      %convert_element_type3A_330 = arith.sitofp %get3A_316 : vector<16xi32> to vector<16xf32>
      %jit3A_331 = arith.constant -3.000000e+38 : f32
      %broadcast_in_dim3A_332 = vector.broadcast %jit3A_331 : f32 to vector<16xf32>
      %select_n3A_333 = arith.select %lt3A_321, %bitcast_convert_type3A_329, %broadcast_in_dim3A_332 : vector<16xi1>, vector<16xf32>
      %max3A_334 = arith.maximumf %max3A_302, %select_n3A_333 : vector<16xf32>
      %max3A_335 = arith.constant 0 : i32
      %max3A_336 = vector.broadcast %max3A_335 : i32 to vector<16xi32>
      %max3A_337 = arith.maxsi %get3A_316, %max3A_336 : vector<16xi32>
      %min3A_338 = arith.constant 99999 : i32
      %min3A_339 = vector.broadcast %min3A_338 : i32 to vector<16xi32>
      %min3A_340 = arith.minsi %max3A_337, %min3A_339 : vector<16xi32>
      %add3A_341 = vector.broadcast %mul3A_240 : i32 to vector<16xi32>
      %add3A_342 = arith.addi %min3A_340, %add3A_341 : vector<16xi32>
      %swap3A_343 = arith.constant 32 : index
      %swap3A_344 = tpu.vector_load %arg15[%swap3A_343] {strides = array<i32>} : memref<128xi32, #tpu.memory_space<vmem>>, vector<16xi32>,
      tpu.vector_store %arg15[%swap3A_343], %add3A_342 {strides = array<i32>} : memref<128xi32, #tpu.memory_space<vmem>>, vector<16xi32>,
      %get3A_345 = arith.constant 48 : index
      %get3A_346 = tpu.vector_load %arg12[%get3A_345] {strides = array<i32>} : memref<176xi32, #tpu.memory_space<vmem>>, vector<16xi32>,
      %get3A_347 = arith.constant 48 : index
      %get3A_348 = tpu.vector_load %arg13[%get3A_347] {strides = array<i32>} : memref<176xi32, #tpu.memory_space<vmem>>, vector<16xi32>,
      %add3A_349 = arith.constant 48 : i32
      %add3A_350 = vector.broadcast %add3A_349 : i32 to vector<16xi32>
      %add3A_351 = arith.addi %iota3A, %add3A_350 : vector<16xi32>
      %lt3A_352 = vector.broadcast %min3A_238 : i32 to vector<16xi32>
      %lt3A_353 = arith.cmpi slt, %add3A_351, %lt3A_352 : vector<16xi32>
      %ge3A_354 = arith.constant 0 : i32
      %ge3A_355 = vector.broadcast %ge3A_354 : i32 to vector<16xi32>
      %ge3A_356 = arith.cmpi sge, %get3A_346, %ge3A_355 : vector<16xi32>
      %sub3A_357 = arith.constant -2147483648 : i32
      %sub3A_358 = vector.broadcast %sub3A_357 : i32 to vector<16xi32>
      %sub3A_359 = arith.subi %sub3A_358, %get3A_346 : vector<16xi32>
      %select_n3A_360 = arith.select %ge3A_356, %get3A_346, %sub3A_359 : vector<16xi1>, vector<16xi32>
      %bitcast_convert_type3A_361 = tpu.bitcast %select_n3A_360 : vector<16xi32> -> vector<16xf32>
      %convert_element_type3A_362 = arith.sitofp %get3A_348 : vector<16xi32> to vector<16xf32>
      %jit3A_363 = arith.constant -3.000000e+38 : f32
      %broadcast_in_dim3A_364 = vector.broadcast %jit3A_363 : f32 to vector<16xf32>
      %select_n3A_365 = arith.select %lt3A_353, %bitcast_convert_type3A_361, %broadcast_in_dim3A_364 : vector<16xi1>, vector<16xf32>
      %max3A_366 = arith.maximumf %max3A_334, %select_n3A_365 : vector<16xf32>
      %max3A_367 = arith.constant 0 : i32
      %max3A_368 = vector.broadcast %max3A_367 : i32 to vector<16xi32>
      %max3A_369 = arith.maxsi %get3A_348, %max3A_368 : vector<16xi32>
      %min3A_370 = arith.constant 99999 : i32
      %min3A_371 = vector.broadcast %min3A_370 : i32 to vector<16xi32>
      %min3A_372 = arith.minsi %max3A_369, %min3A_371 : vector<16xi32>
      %add3A_373 = vector.broadcast %mul3A_240 : i32 to vector<16xi32>
      %add3A_374 = arith.addi %min3A_372, %add3A_373 : vector<16xi32>
      %swap3A_375 = arith.constant 48 : index
      %swap3A_376 = tpu.vector_load %arg15[%swap3A_375] {strides = array<i32>} : memref<128xi32, #tpu.memory_space<vmem>>, vector<16xi32>,
      tpu.vector_store %arg15[%swap3A_375], %add3A_374 {strides = array<i32>} : memref<128xi32, #tpu.memory_space<vmem>>, vector<16xi32>,
      %get3A_377 = arith.constant 64 : index
      %get3A_378 = tpu.vector_load %arg12[%get3A_377] {strides = array<i32>} : memref<176xi32, #tpu.memory_space<vmem>>, vector<16xi32>,
      %get3A_379 = arith.constant 64 : index
      %get3A_380 = tpu.vector_load %arg13[%get3A_379] {strides = array<i32>} : memref<176xi32, #tpu.memory_space<vmem>>, vector<16xi32>,
      %add3A_381 = arith.constant 64 : i32
      %add3A_382 = vector.broadcast %add3A_381 : i32 to vector<16xi32>
      %add3A_383 = arith.addi %iota3A, %add3A_382 : vector<16xi32>
      %lt3A_384 = vector.broadcast %min3A_238 : i32 to vector<16xi32>
      %lt3A_385 = arith.cmpi slt, %add3A_383, %lt3A_384 : vector<16xi32>
      %ge3A_386 = arith.constant 0 : i32
      %ge3A_387 = vector.broadcast %ge3A_386 : i32 to vector<16xi32>
      %ge3A_388 = arith.cmpi sge, %get3A_378, %ge3A_387 : vector<16xi32>
      %sub3A_389 = arith.constant -2147483648 : i32
      %sub3A_390 = vector.broadcast %sub3A_389 : i32 to vector<16xi32>
      %sub3A_391 = arith.subi %sub3A_390, %get3A_378 : vector<16xi32>
      %select_n3A_392 = arith.select %ge3A_388, %get3A_378, %sub3A_391 : vector<16xi1>, vector<16xi32>
      %bitcast_convert_type3A_393 = tpu.bitcast %select_n3A_392 : vector<16xi32> -> vector<16xf32>
      %convert_element_type3A_394 = arith.sitofp %get3A_380 : vector<16xi32> to vector<16xf32>
      %jit3A_395 = arith.constant -3.000000e+38 : f32
      %broadcast_in_dim3A_396 = vector.broadcast %jit3A_395 : f32 to vector<16xf32>
      %select_n3A_397 = arith.select %lt3A_385, %bitcast_convert_type3A_393, %broadcast_in_dim3A_396 : vector<16xi1>, vector<16xf32>
      %max3A_398 = arith.maximumf %max3A_366, %select_n3A_397 : vector<16xf32>
      %max3A_399 = arith.constant 0 : i32
      %max3A_400 = vector.broadcast %max3A_399 : i32 to vector<16xi32>
      %max3A_401 = arith.maxsi %get3A_380, %max3A_400 : vector<16xi32>
      %min3A_402 = arith.constant 99999 : i32
      %min3A_403 = vector.broadcast %min3A_402 : i32 to vector<16xi32>
      %min3A_404 = arith.minsi %max3A_401, %min3A_403 : vector<16xi32>
      %add3A_405 = vector.broadcast %mul3A_240 : i32 to vector<16xi32>
      %add3A_406 = arith.addi %min3A_404, %add3A_405 : vector<16xi32>
      %swap3A_407 = arith.constant 64 : index
      %swap3A_408 = tpu.vector_load %arg15[%swap3A_407] {strides = array<i32>} : memref<128xi32, #tpu.memory_space<vmem>>, vector<16xi32>,
      tpu.vector_store %arg15[%swap3A_407], %add3A_406 {strides = array<i32>} : memref<128xi32, #tpu.memory_space<vmem>>, vector<16xi32>,
      %get3A_409 = arith.constant 80 : index
      %get3A_410 = tpu.vector_load %arg12[%get3A_409] {strides = array<i32>} : memref<176xi32, #tpu.memory_space<vmem>>, vector<16xi32>,
      %get3A_411 = arith.constant 80 : index
      %get3A_412 = tpu.vector_load %arg13[%get3A_411] {strides = array<i32>} : memref<176xi32, #tpu.memory_space<vmem>>, vector<16xi32>,
      %add3A_413 = arith.constant 80 : i32
      %add3A_414 = vector.broadcast %add3A_413 : i32 to vector<16xi32>
      %add3A_415 = arith.addi %iota3A, %add3A_414 : vector<16xi32>
      %lt3A_416 = vector.broadcast %min3A_238 : i32 to vector<16xi32>
      %lt3A_417 = arith.cmpi slt, %add3A_415, %lt3A_416 : vector<16xi32>
      %ge3A_418 = arith.constant 0 : i32
      %ge3A_419 = vector.broadcast %ge3A_418 : i32 to vector<16xi32>
      %ge3A_420 = arith.cmpi sge, %get3A_410, %ge3A_419 : vector<16xi32>
      %sub3A_421 = arith.constant -2147483648 : i32
      %sub3A_422 = vector.broadcast %sub3A_421 : i32 to vector<16xi32>
      %sub3A_423 = arith.subi %sub3A_422, %get3A_410 : vector<16xi32>
      %select_n3A_424 = arith.select %ge3A_420, %get3A_410, %sub3A_423 : vector<16xi1>, vector<16xi32>
      %bitcast_convert_type3A_425 = tpu.bitcast %select_n3A_424 : vector<16xi32> -> vector<16xf32>
      %convert_element_type3A_426 = arith.sitofp %get3A_412 : vector<16xi32> to vector<16xf32>
      %jit3A_427 = arith.constant -3.000000e+38 : f32
      %broadcast_in_dim3A_428 = vector.broadcast %jit3A_427 : f32 to vector<16xf32>
      %select_n3A_429 = arith.select %lt3A_417, %bitcast_convert_type3A_425, %broadcast_in_dim3A_428 : vector<16xi1>, vector<16xf32>
      %max3A_430 = arith.maximumf %max3A_398, %select_n3A_429 : vector<16xf32>
      %max3A_431 = arith.constant 0 : i32
      %max3A_432 = vector.broadcast %max3A_431 : i32 to vector<16xi32>
      %max3A_433 = arith.maxsi %get3A_412, %max3A_432 : vector<16xi32>
      %min3A_434 = arith.constant 99999 : i32
      %min3A_435 = vector.broadcast %min3A_434 : i32 to vector<16xi32>
      %min3A_436 = arith.minsi %max3A_433, %min3A_435 : vector<16xi32>
      %add3A_437 = vector.broadcast %mul3A_240 : i32 to vector<16xi32>
      %add3A_438 = arith.addi %min3A_436, %add3A_437 : vector<16xi32>
      %swap3A_439 = arith.constant 80 : index
      %swap3A_440 = tpu.vector_load %arg15[%swap3A_439] {strides = array<i32>} : memref<128xi32, #tpu.memory_space<vmem>>, vector<16xi32>,
      tpu.vector_store %arg15[%swap3A_439], %add3A_438 {strides = array<i32>} : memref<128xi32, #tpu.memory_space<vmem>>, vector<16xi32>,
      %get3A_441 = arith.constant 96 : index
      %get3A_442 = tpu.vector_load %arg12[%get3A_441] {strides = array<i32>} : memref<176xi32, #tpu.memory_space<vmem>>, vector<16xi32>,
      %get3A_443 = arith.constant 96 : index
      %get3A_444 = tpu.vector_load %arg13[%get3A_443] {strides = array<i32>} : memref<176xi32, #tpu.memory_space<vmem>>, vector<16xi32>,
      %add3A_445 = arith.constant 96 : i32
      %add3A_446 = vector.broadcast %add3A_445 : i32 to vector<16xi32>
      %add3A_447 = arith.addi %iota3A, %add3A_446 : vector<16xi32>
      %lt3A_448 = vector.broadcast %min3A_238 : i32 to vector<16xi32>
      %lt3A_449 = arith.cmpi slt, %add3A_447, %lt3A_448 : vector<16xi32>
      %ge3A_450 = arith.constant 0 : i32
      %ge3A_451 = vector.broadcast %ge3A_450 : i32 to vector<16xi32>
      %ge3A_452 = arith.cmpi sge, %get3A_442, %ge3A_451 : vector<16xi32>
      %sub3A_453 = arith.constant -2147483648 : i32
      %sub3A_454 = vector.broadcast %sub3A_453 : i32 to vector<16xi32>
      %sub3A_455 = arith.subi %sub3A_454, %get3A_442 : vector<16xi32>
      %select_n3A_456 = arith.select %ge3A_452, %get3A_442, %sub3A_455 : vector<16xi1>, vector<16xi32>
      %bitcast_convert_type3A_457 = tpu.bitcast %select_n3A_456 : vector<16xi32> -> vector<16xf32>
      %convert_element_type3A_458 = arith.sitofp %get3A_444 : vector<16xi32> to vector<16xf32>
      %jit3A_459 = arith.constant -3.000000e+38 : f32
      %broadcast_in_dim3A_460 = vector.broadcast %jit3A_459 : f32 to vector<16xf32>
      %select_n3A_461 = arith.select %lt3A_449, %bitcast_convert_type3A_457, %broadcast_in_dim3A_460 : vector<16xi1>, vector<16xf32>
      %max3A_462 = arith.maximumf %max3A_430, %select_n3A_461 : vector<16xf32>
      %max3A_463 = arith.constant 0 : i32
      %max3A_464 = vector.broadcast %max3A_463 : i32 to vector<16xi32>
      %max3A_465 = arith.maxsi %get3A_444, %max3A_464 : vector<16xi32>
      %min3A_466 = arith.constant 99999 : i32
      %min3A_467 = vector.broadcast %min3A_466 : i32 to vector<16xi32>
      %min3A_468 = arith.minsi %max3A_465, %min3A_467 : vector<16xi32>
      %add3A_469 = vector.broadcast %mul3A_240 : i32 to vector<16xi32>
      %add3A_470 = arith.addi %min3A_468, %add3A_469 : vector<16xi32>
      %swap3A_471 = arith.constant 96 : index
      %swap3A_472 = tpu.vector_load %arg15[%swap3A_471] {strides = array<i32>} : memref<128xi32, #tpu.memory_space<vmem>>, vector<16xi32>,
      tpu.vector_store %arg15[%swap3A_471], %add3A_470 {strides = array<i32>} : memref<128xi32, #tpu.memory_space<vmem>>, vector<16xi32>,
      %get3A_473 = arith.constant 112 : index
      %get3A_474 = tpu.vector_load %arg12[%get3A_473] {strides = array<i32>} : memref<176xi32, #tpu.memory_space<vmem>>, vector<16xi32>,
      %get3A_475 = arith.constant 112 : index
      %get3A_476 = tpu.vector_load %arg13[%get3A_475] {strides = array<i32>} : memref<176xi32, #tpu.memory_space<vmem>>, vector<16xi32>,
      %add3A_477 = arith.constant 112 : i32
      %add3A_478 = vector.broadcast %add3A_477 : i32 to vector<16xi32>
      %add3A_479 = arith.addi %iota3A, %add3A_478 : vector<16xi32>
      %lt3A_480 = vector.broadcast %min3A_238 : i32 to vector<16xi32>
      %lt3A_481 = arith.cmpi slt, %add3A_479, %lt3A_480 : vector<16xi32>
      %ge3A_482 = arith.constant 0 : i32
      %ge3A_483 = vector.broadcast %ge3A_482 : i32 to vector<16xi32>
      %ge3A_484 = arith.cmpi sge, %get3A_474, %ge3A_483 : vector<16xi32>
      %sub3A_485 = arith.constant -2147483648 : i32
      %sub3A_486 = vector.broadcast %sub3A_485 : i32 to vector<16xi32>
      %sub3A_487 = arith.subi %sub3A_486, %get3A_474 : vector<16xi32>
      %select_n3A_488 = arith.select %ge3A_484, %get3A_474, %sub3A_487 : vector<16xi1>, vector<16xi32>
      %bitcast_convert_type3A_489 = tpu.bitcast %select_n3A_488 : vector<16xi32> -> vector<16xf32>
      %convert_element_type3A_490 = arith.sitofp %get3A_476 : vector<16xi32> to vector<16xf32>
      %jit3A_491 = arith.constant -3.000000e+38 : f32
      %broadcast_in_dim3A_492 = vector.broadcast %jit3A_491 : f32 to vector<16xf32>
      %select_n3A_493 = arith.select %lt3A_481, %bitcast_convert_type3A_489, %broadcast_in_dim3A_492 : vector<16xi1>, vector<16xf32>
      %max3A_494 = arith.maximumf %max3A_462, %select_n3A_493 : vector<16xf32>
      %max3A_495 = arith.constant 0 : i32
      %max3A_496 = vector.broadcast %max3A_495 : i32 to vector<16xi32>
      %max3A_497 = arith.maxsi %get3A_476, %max3A_496 : vector<16xi32>
      %min3A_498 = arith.constant 99999 : i32
      %min3A_499 = vector.broadcast %min3A_498 : i32 to vector<16xi32>
      %min3A_500 = arith.minsi %max3A_497, %min3A_499 : vector<16xi32>
      %add3A_501 = vector.broadcast %mul3A_240 : i32 to vector<16xi32>
      %add3A_502 = arith.addi %min3A_500, %add3A_501 : vector<16xi32>
      %swap3A_503 = arith.constant 112 : index
      %swap3A_504 = tpu.vector_load %arg15[%swap3A_503] {strides = array<i32>} : memref<128xi32, #tpu.memory_space<vmem>>, vector<16xi32>,
      tpu.vector_store %arg15[%swap3A_503], %add3A_502 {strides = array<i32>} : memref<128xi32, #tpu.memory_space<vmem>>, vector<16xi32>,
      %dma_start3A = arith.constant 0 : i32
      %dma_start3A_505 = tpu.memref_slice %arg5[%dma_start3A] : memref<12800000xf32, #tpu.memory_space<hbm>> -> memref<12800000xf32, #tpu.memory_space<hbm>>
      tpu.enqueue_indirect_dma source(%dma_start3A_505 : memref<12800000xf32, #tpu.memory_space<hbm>>) target(%arg16 : memref<128xf32, #tpu.memory_space<vmem>>) offsets(%arg15 : memref<128xi32, #tpu.memory_space<vmem>>) semaphore(%arg20 : memref<!tpu.dma_semaphore, #tpu.memory_space<semaphore_mem>>)
      %dma_wait3A = arith.constant 0 : i32
      %dma_wait3A_506 = tpu.memref_slice %arg5[%dma_wait3A] : memref<12800000xf32, #tpu.memory_space<hbm>> -> memref<12800000xf32, #tpu.memory_space<hbm>>
      tpu.wait_indirect_dma semaphore(%arg20 : memref<!tpu.dma_semaphore, #tpu.memory_space<semaphore_mem>>) src(%dma_wait3A_506 : memref<12800000xf32, #tpu.memory_space<hbm>>) dst(%arg16 : memref<128xf32, #tpu.memory_space<vmem>>)
      %slice3A_507 = vector.extract_strided_slice %max3A_494 {offsets = [0], sizes = [1], strides = [1]} : vector<16xf32> to vector<1xf32>
      %squeeze3A_508 = vector.extract %slice3A_507[0] : f32 from vector<1xf32>
      %slice3A_509 = vector.extract_strided_slice %max3A_494 {offsets = [1], sizes = [1], strides = [1]} : vector<16xf32> to vector<1xf32>
      %squeeze3A_510 = vector.extract %slice3A_509[0] : f32 from vector<1xf32>
      %slice3A_511 = vector.extract_strided_slice %max3A_494 {offsets = [2], sizes = [1], strides = [1]} : vector<16xf32> to vector<1xf32>
      %squeeze3A_512 = vector.extract %slice3A_511[0] : f32 from vector<1xf32>
      %slice3A_513 = vector.extract_strided_slice %max3A_494 {offsets = [3], sizes = [1], strides = [1]} : vector<16xf32> to vector<1xf32>
      %squeeze3A_514 = vector.extract %slice3A_513[0] : f32 from vector<1xf32>
      %slice3A_515 = vector.extract_strided_slice %max3A_494 {offsets = [4], sizes = [1], strides = [1]} : vector<16xf32> to vector<1xf32>
      %squeeze3A_516 = vector.extract %slice3A_515[0] : f32 from vector<1xf32>
      %slice3A_517 = vector.extract_strided_slice %max3A_494 {offsets = [5], sizes = [1], strides = [1]} : vector<16xf32> to vector<1xf32>
      %squeeze3A_518 = vector.extract %slice3A_517[0] : f32 from vector<1xf32>
      %slice3A_519 = vector.extract_strided_slice %max3A_494 {offsets = [6], sizes = [1], strides = [1]} : vector<16xf32> to vector<1xf32>
      %squeeze3A_520 = vector.extract %slice3A_519[0] : f32 from vector<1xf32>
      %slice3A_521 = vector.extract_strided_slice %max3A_494 {offsets = [7], sizes = [1], strides = [1]} : vector<16xf32> to vector<1xf32>
      %squeeze3A_522 = vector.extract %slice3A_521[0] : f32 from vector<1xf32>
      %slice3A_523 = vector.extract_strided_slice %max3A_494 {offsets = [8], sizes = [1], strides = [1]} : vector<16xf32> to vector<1xf32>
      %squeeze3A_524 = vector.extract %slice3A_523[0] : f32 from vector<1xf32>
      %slice3A_525 = vector.extract_strided_slice %max3A_494 {offsets = [9], sizes = [1], strides = [1]} : vector<16xf32> to vector<1xf32>
      %squeeze3A_526 = vector.extract %slice3A_525[0] : f32 from vector<1xf32>
      %slice3A_527 = vector.extract_strided_slice %max3A_494 {offsets = [10], sizes = [1], strides = [1]} : vector<16xf32> to vector<1xf32>
      %squeeze3A_528 = vector.extract %slice3A_527[0] : f32 from vector<1xf32>
      %slice3A_529 = vector.extract_strided_slice %max3A_494 {offsets = [11], sizes = [1], strides = [1]} : vector<16xf32> to vector<1xf32>
      %squeeze3A_530 = vector.extract %slice3A_529[0] : f32 from vector<1xf32>
      %slice3A_531 = vector.extract_strided_slice %max3A_494 {offsets = [12], sizes = [1], strides = [1]} : vector<16xf32> to vector<1xf32>
      %squeeze3A_532 = vector.extract %slice3A_531[0] : f32 from vector<1xf32>
      %slice3A_533 = vector.extract_strided_slice %max3A_494 {offsets = [13], sizes = [1], strides = [1]} : vector<16xf32> to vector<1xf32>
      %squeeze3A_534 = vector.extract %slice3A_533[0] : f32 from vector<1xf32>
      %slice3A_535 = vector.extract_strided_slice %max3A_494 {offsets = [14], sizes = [1], strides = [1]} : vector<16xf32> to vector<1xf32>
      %squeeze3A_536 = vector.extract %slice3A_535[0] : f32 from vector<1xf32>
      %slice3A_537 = vector.extract_strided_slice %max3A_494 {offsets = [15], sizes = [1], strides = [1]} : vector<16xf32> to vector<1xf32>
      %squeeze3A_538 = vector.extract %slice3A_537[0] : f32 from vector<1xf32>
      %max3A_539 = arith.maximumf %squeeze3A_508, %squeeze3A_510 : f32
      %max3A_540 = arith.maximumf %squeeze3A_512, %squeeze3A_514 : f32
      %max3A_541 = arith.maximumf %squeeze3A_516, %squeeze3A_518 : f32
      %max3A_542 = arith.maximumf %squeeze3A_520, %squeeze3A_522 : f32
      %max3A_543 = arith.maximumf %squeeze3A_524, %squeeze3A_526 : f32
      %max3A_544 = arith.maximumf %squeeze3A_528, %squeeze3A_530 : f32
      %max3A_545 = arith.maximumf %squeeze3A_532, %squeeze3A_534 : f32
      %max3A_546 = arith.maximumf %squeeze3A_536, %squeeze3A_538 : f32
      %max3A_547 = arith.maximumf %max3A_539, %max3A_540 : f32
      %max3A_548 = arith.maximumf %max3A_541, %max3A_542 : f32
      %max3A_549 = arith.maximumf %max3A_543, %max3A_544 : f32
      %max3A_550 = arith.maximumf %max3A_545, %max3A_546 : f32
      %max3A_551 = arith.maximumf %max3A_547, %max3A_548 : f32
      %max3A_552 = arith.maximumf %max3A_549, %max3A_550 : f32
      %max3A_553 = arith.maximumf %max3A_551, %max3A_552 : f32
      %broadcast_in_dim3A_554 = arith.constant 0.000000e+00 : f32
      %broadcast_in_dim3A_555 = vector.broadcast %broadcast_in_dim3A_554 : f32 to vector<16xf32>
      %sub3A_556 = vector.broadcast %max3A_553 : f32 to vector<16xf32>
      %sub3A_557 = arith.subf %bitcast_convert_type3A, %sub3A_556 : vector<16xf32>
      %exp3A = math.exp %sub3A_557 : vector<16xf32>
      %jit3A_558 = arith.constant 0.000000e+00 : f32
      %broadcast_in_dim3A_559 = vector.broadcast %jit3A_558 : f32 to vector<16xf32>
      %select_n3A_560 = arith.select %lt3A_259, %exp3A, %broadcast_in_dim3A_559 : vector<16xi1>, vector<16xf32>
      %add3A_561 = arith.addf %broadcast_in_dim3A_555, %select_n3A_560 : vector<16xf32>
      %sub3A_562 = vector.broadcast %max3A_553 : f32 to vector<16xf32>
      %sub3A_563 = arith.subf %bitcast_convert_type3A_297, %sub3A_562 : vector<16xf32>
      %exp3A_564 = math.exp %sub3A_563 : vector<16xf32>
      %jit3A_565 = arith.constant 0.000000e+00 : f32
      %broadcast_in_dim3A_566 = vector.broadcast %jit3A_565 : f32 to vector<16xf32>
      %select_n3A_567 = arith.select %lt3A_289, %exp3A_564, %broadcast_in_dim3A_566 : vector<16xi1>, vector<16xf32>
      %add3A_568 = arith.addf %add3A_561, %select_n3A_567 : vector<16xf32>
      %sub3A_569 = vector.broadcast %max3A_553 : f32 to vector<16xf32>
      %sub3A_570 = arith.subf %bitcast_convert_type3A_329, %sub3A_569 : vector<16xf32>
      %exp3A_571 = math.exp %sub3A_570 : vector<16xf32>
      %jit3A_572 = arith.constant 0.000000e+00 : f32
      %broadcast_in_dim3A_573 = vector.broadcast %jit3A_572 : f32 to vector<16xf32>
      %select_n3A_574 = arith.select %lt3A_321, %exp3A_571, %broadcast_in_dim3A_573 : vector<16xi1>, vector<16xf32>
      %add3A_575 = arith.addf %add3A_568, %select_n3A_574 : vector<16xf32>
      %sub3A_576 = vector.broadcast %max3A_553 : f32 to vector<16xf32>
      %sub3A_577 = arith.subf %bitcast_convert_type3A_361, %sub3A_576 : vector<16xf32>
      %exp3A_578 = math.exp %sub3A_577 : vector<16xf32>
      %jit3A_579 = arith.constant 0.000000e+00 : f32
      %broadcast_in_dim3A_580 = vector.broadcast %jit3A_579 : f32 to vector<16xf32>
      %select_n3A_581 = arith.select %lt3A_353, %exp3A_578, %broadcast_in_dim3A_580 : vector<16xi1>, vector<16xf32>
      %add3A_582 = arith.addf %add3A_575, %select_n3A_581 : vector<16xf32>
      %sub3A_583 = vector.broadcast %max3A_553 : f32 to vector<16xf32>
      %sub3A_584 = arith.subf %bitcast_convert_type3A_393, %sub3A_583 : vector<16xf32>
      %exp3A_585 = math.exp %sub3A_584 : vector<16xf32>
      %jit3A_586 = arith.constant 0.000000e+00 : f32
      %broadcast_in_dim3A_587 = vector.broadcast %jit3A_586 : f32 to vector<16xf32>
      %select_n3A_588 = arith.select %lt3A_385, %exp3A_585, %broadcast_in_dim3A_587 : vector<16xi1>, vector<16xf32>
      %add3A_589 = arith.addf %add3A_582, %select_n3A_588 : vector<16xf32>
      %sub3A_590 = vector.broadcast %max3A_553 : f32 to vector<16xf32>
      %sub3A_591 = arith.subf %bitcast_convert_type3A_425, %sub3A_590 : vector<16xf32>
      %exp3A_592 = math.exp %sub3A_591 : vector<16xf32>
      %jit3A_593 = arith.constant 0.000000e+00 : f32
      %broadcast_in_dim3A_594 = vector.broadcast %jit3A_593 : f32 to vector<16xf32>
      %select_n3A_595 = arith.select %lt3A_417, %exp3A_592, %broadcast_in_dim3A_594 : vector<16xi1>, vector<16xf32>
      %add3A_596 = arith.addf %add3A_589, %select_n3A_595 : vector<16xf32>
      %sub3A_597 = vector.broadcast %max3A_553 : f32 to vector<16xf32>
      %sub3A_598 = arith.subf %bitcast_convert_type3A_457, %sub3A_597 : vector<16xf32>
      %exp3A_599 = math.exp %sub3A_598 : vector<16xf32>
      %jit3A_600 = arith.constant 0.000000e+00 : f32
      %broadcast_in_dim3A_601 = vector.broadcast %jit3A_600 : f32 to vector<16xf32>
      %select_n3A_602 = arith.select %lt3A_449, %exp3A_599, %broadcast_in_dim3A_601 : vector<16xi1>, vector<16xf32>
      %add3A_603 = arith.addf %add3A_596, %select_n3A_602 : vector<16xf32>
      %sub3A_604 = vector.broadcast %max3A_553 : f32 to vector<16xf32>
      %sub3A_605 = arith.subf %bitcast_convert_type3A_489, %sub3A_604 : vector<16xf32>
      %exp3A_606 = math.exp %sub3A_605 : vector<16xf32>
      %jit3A_607 = arith.constant 0.000000e+00 : f32
      %broadcast_in_dim3A_608 = vector.broadcast %jit3A_607 : f32 to vector<16xf32>
      %select_n3A_609 = arith.select %lt3A_481, %exp3A_606, %broadcast_in_dim3A_608 : vector<16xi1>, vector<16xf32>
      %add3A_610 = arith.addf %add3A_603, %select_n3A_609 : vector<16xf32>
      %slice3A_611 = vector.extract_strided_slice %add3A_610 {offsets = [0], sizes = [1], strides = [1]} : vector<16xf32> to vector<1xf32>
      %squeeze3A_612 = vector.extract %slice3A_611[0] : f32 from vector<1xf32>
      %slice3A_613 = vector.extract_strided_slice %add3A_610 {offsets = [1], sizes = [1], strides = [1]} : vector<16xf32> to vector<1xf32>
      %squeeze3A_614 = vector.extract %slice3A_613[0] : f32 from vector<1xf32>
      %slice3A_615 = vector.extract_strided_slice %add3A_610 {offsets = [2], sizes = [1], strides = [1]} : vector<16xf32> to vector<1xf32>
      %squeeze3A_616 = vector.extract %slice3A_615[0] : f32 from vector<1xf32>
      %slice3A_617 = vector.extract_strided_slice %add3A_610 {offsets = [3], sizes = [1], strides = [1]} : vector<16xf32> to vector<1xf32>
      %squeeze3A_618 = vector.extract %slice3A_617[0] : f32 from vector<1xf32>
      %slice3A_619 = vector.extract_strided_slice %add3A_610 {offsets = [4], sizes = [1], strides = [1]} : vector<16xf32> to vector<1xf32>
      %squeeze3A_620 = vector.extract %slice3A_619[0] : f32 from vector<1xf32>
      %slice3A_621 = vector.extract_strided_slice %add3A_610 {offsets = [5], sizes = [1], strides = [1]} : vector<16xf32> to vector<1xf32>
      %squeeze3A_622 = vector.extract %slice3A_621[0] : f32 from vector<1xf32>
      %slice3A_623 = vector.extract_strided_slice %add3A_610 {offsets = [6], sizes = [1], strides = [1]} : vector<16xf32> to vector<1xf32>
      %squeeze3A_624 = vector.extract %slice3A_623[0] : f32 from vector<1xf32>
      %slice3A_625 = vector.extract_strided_slice %add3A_610 {offsets = [7], sizes = [1], strides = [1]} : vector<16xf32> to vector<1xf32>
      %squeeze3A_626 = vector.extract %slice3A_625[0] : f32 from vector<1xf32>
      %slice3A_627 = vector.extract_strided_slice %add3A_610 {offsets = [8], sizes = [1], strides = [1]} : vector<16xf32> to vector<1xf32>
      %squeeze3A_628 = vector.extract %slice3A_627[0] : f32 from vector<1xf32>
      %slice3A_629 = vector.extract_strided_slice %add3A_610 {offsets = [9], sizes = [1], strides = [1]} : vector<16xf32> to vector<1xf32>
      %squeeze3A_630 = vector.extract %slice3A_629[0] : f32 from vector<1xf32>
      %slice3A_631 = vector.extract_strided_slice %add3A_610 {offsets = [10], sizes = [1], strides = [1]} : vector<16xf32> to vector<1xf32>
      %squeeze3A_632 = vector.extract %slice3A_631[0] : f32 from vector<1xf32>
      %slice3A_633 = vector.extract_strided_slice %add3A_610 {offsets = [11], sizes = [1], strides = [1]} : vector<16xf32> to vector<1xf32>
      %squeeze3A_634 = vector.extract %slice3A_633[0] : f32 from vector<1xf32>
      %slice3A_635 = vector.extract_strided_slice %add3A_610 {offsets = [12], sizes = [1], strides = [1]} : vector<16xf32> to vector<1xf32>
      %squeeze3A_636 = vector.extract %slice3A_635[0] : f32 from vector<1xf32>
      %slice3A_637 = vector.extract_strided_slice %add3A_610 {offsets = [13], sizes = [1], strides = [1]} : vector<16xf32> to vector<1xf32>
      %squeeze3A_638 = vector.extract %slice3A_637[0] : f32 from vector<1xf32>
      %slice3A_639 = vector.extract_strided_slice %add3A_610 {offsets = [14], sizes = [1], strides = [1]} : vector<16xf32> to vector<1xf32>
      %squeeze3A_640 = vector.extract %slice3A_639[0] : f32 from vector<1xf32>
      %slice3A_641 = vector.extract_strided_slice %add3A_610 {offsets = [15], sizes = [1], strides = [1]} : vector<16xf32> to vector<1xf32>
      %squeeze3A_642 = vector.extract %slice3A_641[0] : f32 from vector<1xf32>
      %add3A_643 = arith.addf %squeeze3A_612, %squeeze3A_614 : f32
      %add3A_644 = arith.addf %squeeze3A_616, %squeeze3A_618 : f32
      %add3A_645 = arith.addf %squeeze3A_620, %squeeze3A_622 : f32
      %add3A_646 = arith.addf %squeeze3A_624, %squeeze3A_626 : f32
      %add3A_647 = arith.addf %squeeze3A_628, %squeeze3A_630 : f32
      %add3A_648 = arith.addf %squeeze3A_632, %squeeze3A_634 : f32
      %add3A_649 = arith.addf %squeeze3A_636, %squeeze3A_638 : f32
      %add3A_650 = arith.addf %squeeze3A_640, %squeeze3A_642 : f32
      %add3A_651 = arith.addf %add3A_643, %add3A_644 : f32
      %add3A_652 = arith.addf %add3A_645, %add3A_646 : f32
      %add3A_653 = arith.addf %add3A_647, %add3A_648 : f32
      %add3A_654 = arith.addf %add3A_649, %add3A_650 : f32
      %add3A_655 = arith.addf %add3A_651, %add3A_652 : f32
      %add3A_656 = arith.addf %add3A_653, %add3A_654 : f32
      %add3A_657 = arith.addf %add3A_655, %add3A_656 : f32
      %div3A = vector.broadcast %add3A_657 : f32 to vector<16xf32>
      %div3A_658 = arith.divf %select_n3A_560, %div3A : vector<16xf32>
      %swap3A_659 = arith.constant 0 : index
      %swap3A_660 = tpu.vector_load %arg14[%swap3A_659] {strides = array<i32>} : memref<144xf32, #tpu.memory_space<vmem>>, vector<16xf32>,
      tpu.vector_store %arg14[%swap3A_659], %div3A_658 {strides = array<i32>} : memref<144xf32, #tpu.memory_space<vmem>>, vector<16xf32>,
      %div3A_661 = vector.broadcast %add3A_657 : f32 to vector<16xf32>
      %div3A_662 = arith.divf %select_n3A_567, %div3A_661 : vector<16xf32>
      %swap3A_663 = arith.constant 16 : index
      %swap3A_664 = tpu.vector_load %arg14[%swap3A_663] {strides = array<i32>} : memref<144xf32, #tpu.memory_space<vmem>>, vector<16xf32>,
      tpu.vector_store %arg14[%swap3A_663], %div3A_662 {strides = array<i32>} : memref<144xf32, #tpu.memory_space<vmem>>, vector<16xf32>,
      %div3A_665 = vector.broadcast %add3A_657 : f32 to vector<16xf32>
      %div3A_666 = arith.divf %select_n3A_574, %div3A_665 : vector<16xf32>
      %swap3A_667 = arith.constant 32 : index
      %swap3A_668 = tpu.vector_load %arg14[%swap3A_667] {strides = array<i32>} : memref<144xf32, #tpu.memory_space<vmem>>, vector<16xf32>,
      tpu.vector_store %arg14[%swap3A_667], %div3A_666 {strides = array<i32>} : memref<144xf32, #tpu.memory_space<vmem>>, vector<16xf32>,
      %div3A_669 = vector.broadcast %add3A_657 : f32 to vector<16xf32>
      %div3A_670 = arith.divf %select_n3A_581, %div3A_669 : vector<16xf32>
      %swap3A_671 = arith.constant 48 : index
      %swap3A_672 = tpu.vector_load %arg14[%swap3A_671] {strides = array<i32>} : memref<144xf32, #tpu.memory_space<vmem>>, vector<16xf32>,
      tpu.vector_store %arg14[%swap3A_671], %div3A_670 {strides = array<i32>} : memref<144xf32, #tpu.memory_space<vmem>>, vector<16xf32>,
      %div3A_673 = vector.broadcast %add3A_657 : f32 to vector<16xf32>
      %div3A_674 = arith.divf %select_n3A_588, %div3A_673 : vector<16xf32>
      %swap3A_675 = arith.constant 64 : index
      %swap3A_676 = tpu.vector_load %arg14[%swap3A_675] {strides = array<i32>} : memref<144xf32, #tpu.memory_space<vmem>>, vector<16xf32>,
      tpu.vector_store %arg14[%swap3A_675], %div3A_674 {strides = array<i32>} : memref<144xf32, #tpu.memory_space<vmem>>, vector<16xf32>,
      %div3A_677 = vector.broadcast %add3A_657 : f32 to vector<16xf32>
      %div3A_678 = arith.divf %select_n3A_595, %div3A_677 : vector<16xf32>
      %swap3A_679 = arith.constant 80 : index
      %swap3A_680 = tpu.vector_load %arg14[%swap3A_679] {strides = array<i32>} : memref<144xf32, #tpu.memory_space<vmem>>, vector<16xf32>,
      tpu.vector_store %arg14[%swap3A_679], %div3A_678 {strides = array<i32>} : memref<144xf32, #tpu.memory_space<vmem>>, vector<16xf32>,
      %div3A_681 = vector.broadcast %add3A_657 : f32 to vector<16xf32>
      %div3A_682 = arith.divf %select_n3A_602, %div3A_681 : vector<16xf32>
      %swap3A_683 = arith.constant 96 : index
      %swap3A_684 = tpu.vector_load %arg14[%swap3A_683] {strides = array<i32>} : memref<144xf32, #tpu.memory_space<vmem>>, vector<16xf32>,
      tpu.vector_store %arg14[%swap3A_683], %div3A_682 {strides = array<i32>} : memref<144xf32, #tpu.memory_space<vmem>>, vector<16xf32>,
      %div3A_685 = vector.broadcast %add3A_657 : f32 to vector<16xf32>
      %div3A_686 = arith.divf %select_n3A_609, %div3A_685 : vector<16xf32>
      %swap3A_687 = arith.constant 112 : index
      %swap3A_688 = tpu.vector_load %arg14[%swap3A_687] {strides = array<i32>} : memref<144xf32, #tpu.memory_space<vmem>>, vector<16xf32>,
      tpu.vector_store %arg14[%swap3A_687], %div3A_686 {strides = array<i32>} : memref<144xf32, #tpu.memory_space<vmem>>, vector<16xf32>,
      %broadcast_in_dim3A_689 = arith.constant -1.000000e+00 : f32
      %broadcast_in_dim3A_690 = vector.broadcast %broadcast_in_dim3A_689 : f32 to vector<16xf32>
      %eq3A = vector.broadcast %max3A_553 : f32 to vector<16xf32>
      %eq3A_691 = arith.cmpf oeq, %bitcast_convert_type3A, %eq3A : vector<16xf32>
      %and3A = arith.andi %lt3A_259, %eq3A_691 : vector<16xi1>
      %jit3A_692 = arith.constant -1.000000e+00 : f32
      %broadcast_in_dim3A_693 = vector.broadcast %jit3A_692 : f32 to vector<16xf32>
      %select_n3A_694 = arith.select %and3A, %convert_element_type3A_267, %broadcast_in_dim3A_693 : vector<16xi1>, vector<16xf32>
      %max3A_695 = arith.maximumf %broadcast_in_dim3A_690, %select_n3A_694 : vector<16xf32>
      %eq3A_696 = vector.broadcast %max3A_553 : f32 to vector<16xf32>
      %eq3A_697 = arith.cmpf oeq, %bitcast_convert_type3A_297, %eq3A_696 : vector<16xf32>
      %and3A_698 = arith.andi %lt3A_289, %eq3A_697 : vector<16xi1>
      %jit3A_699 = arith.constant -1.000000e+00 : f32
      %broadcast_in_dim3A_700 = vector.broadcast %jit3A_699 : f32 to vector<16xf32>
      %select_n3A_701 = arith.select %and3A_698, %convert_element_type3A_298, %broadcast_in_dim3A_700 : vector<16xi1>, vector<16xf32>
      %max3A_702 = arith.maximumf %max3A_695, %select_n3A_701 : vector<16xf32>
      %eq3A_703 = vector.broadcast %max3A_553 : f32 to vector<16xf32>
      %eq3A_704 = arith.cmpf oeq, %bitcast_convert_type3A_329, %eq3A_703 : vector<16xf32>
      %and3A_705 = arith.andi %lt3A_321, %eq3A_704 : vector<16xi1>
      %jit3A_706 = arith.constant -1.000000e+00 : f32
      %broadcast_in_dim3A_707 = vector.broadcast %jit3A_706 : f32 to vector<16xf32>
      %select_n3A_708 = arith.select %and3A_705, %convert_element_type3A_330, %broadcast_in_dim3A_707 : vector<16xi1>, vector<16xf32>
      %max3A_709 = arith.maximumf %max3A_702, %select_n3A_708 : vector<16xf32>
      %eq3A_710 = vector.broadcast %max3A_553 : f32 to vector<16xf32>
      %eq3A_711 = arith.cmpf oeq, %bitcast_convert_type3A_361, %eq3A_710 : vector<16xf32>
      %and3A_712 = arith.andi %lt3A_353, %eq3A_711 : vector<16xi1>
      %jit3A_713 = arith.constant -1.000000e+00 : f32
      %broadcast_in_dim3A_714 = vector.broadcast %jit3A_713 : f32 to vector<16xf32>
      %select_n3A_715 = arith.select %and3A_712, %convert_element_type3A_362, %broadcast_in_dim3A_714 : vector<16xi1>, vector<16xf32>
      %max3A_716 = arith.maximumf %max3A_709, %select_n3A_715 : vector<16xf32>
      %eq3A_717 = vector.broadcast %max3A_553 : f32 to vector<16xf32>
      %eq3A_718 = arith.cmpf oeq, %bitcast_convert_type3A_393, %eq3A_717 : vector<16xf32>
      %and3A_719 = arith.andi %lt3A_385, %eq3A_718 : vector<16xi1>
      %jit3A_720 = arith.constant -1.000000e+00 : f32
      %broadcast_in_dim3A_721 = vector.broadcast %jit3A_720 : f32 to vector<16xf32>
      %select_n3A_722 = arith.select %and3A_719, %convert_element_type3A_394, %broadcast_in_dim3A_721 : vector<16xi1>, vector<16xf32>
      %max3A_723 = arith.maximumf %max3A_716, %select_n3A_722 : vector<16xf32>
      %eq3A_724 = vector.broadcast %max3A_553 : f32 to vector<16xf32>
      %eq3A_725 = arith.cmpf oeq, %bitcast_convert_type3A_425, %eq3A_724 : vector<16xf32>
      %and3A_726 = arith.andi %lt3A_417, %eq3A_725 : vector<16xi1>
      %jit3A_727 = arith.constant -1.000000e+00 : f32
      %broadcast_in_dim3A_728 = vector.broadcast %jit3A_727 : f32 to vector<16xf32>
      %select_n3A_729 = arith.select %and3A_726, %convert_element_type3A_426, %broadcast_in_dim3A_728 : vector<16xi1>, vector<16xf32>
      %max3A_730 = arith.maximumf %max3A_723, %select_n3A_729 : vector<16xf32>
      %eq3A_731 = vector.broadcast %max3A_553 : f32 to vector<16xf32>
      %eq3A_732 = arith.cmpf oeq, %bitcast_convert_type3A_457, %eq3A_731 : vector<16xf32>
      %and3A_733 = arith.andi %lt3A_449, %eq3A_732 : vector<16xi1>
      %jit3A_734 = arith.constant -1.000000e+00 : f32
      %broadcast_in_dim3A_735 = vector.broadcast %jit3A_734 : f32 to vector<16xf32>
      %select_n3A_736 = arith.select %and3A_733, %convert_element_type3A_458, %broadcast_in_dim3A_735 : vector<16xi1>, vector<16xf32>
      %max3A_737 = arith.maximumf %max3A_730, %select_n3A_736 : vector<16xf32>
      %eq3A_738 = vector.broadcast %max3A_553 : f32 to vector<16xf32>
      %eq3A_739 = arith.cmpf oeq, %bitcast_convert_type3A_489, %eq3A_738 : vector<16xf32>
      %and3A_740 = arith.andi %lt3A_481, %eq3A_739 : vector<16xi1>
      %jit3A_741 = arith.constant -1.000000e+00 : f32
      %broadcast_in_dim3A_742 = vector.broadcast %jit3A_741 : f32 to vector<16xf32>
      %select_n3A_743 = arith.select %and3A_740, %convert_element_type3A_490, %broadcast_in_dim3A_742 : vector<16xi1>, vector<16xf32>
      %max3A_744 = arith.maximumf %max3A_737, %select_n3A_743 : vector<16xf32>
      %slice3A_745 = vector.extract_strided_slice %max3A_744 {offsets = [0], sizes = [1], strides = [1]} : vector<16xf32> to vector<1xf32>
      %squeeze3A_746 = vector.extract %slice3A_745[0] : f32 from vector<1xf32>
      %slice3A_747 = vector.extract_strided_slice %max3A_744 {offsets = [1], sizes = [1], strides = [1]} : vector<16xf32> to vector<1xf32>
      %squeeze3A_748 = vector.extract %slice3A_747[0] : f32 from vector<1xf32>
      %slice3A_749 = vector.extract_strided_slice %max3A_744 {offsets = [2], sizes = [1], strides = [1]} : vector<16xf32> to vector<1xf32>
      %squeeze3A_750 = vector.extract %slice3A_749[0] : f32 from vector<1xf32>
      %slice3A_751 = vector.extract_strided_slice %max3A_744 {offsets = [3], sizes = [1], strides = [1]} : vector<16xf32> to vector<1xf32>
      %squeeze3A_752 = vector.extract %slice3A_751[0] : f32 from vector<1xf32>
      %slice3A_753 = vector.extract_strided_slice %max3A_744 {offsets = [4], sizes = [1], strides = [1]} : vector<16xf32> to vector<1xf32>
      %squeeze3A_754 = vector.extract %slice3A_753[0] : f32 from vector<1xf32>
      %slice3A_755 = vector.extract_strided_slice %max3A_744 {offsets = [5], sizes = [1], strides = [1]} : vector<16xf32> to vector<1xf32>
      %squeeze3A_756 = vector.extract %slice3A_755[0] : f32 from vector<1xf32>
      %slice3A_757 = vector.extract_strided_slice %max3A_744 {offsets = [6], sizes = [1], strides = [1]} : vector<16xf32> to vector<1xf32>
      %squeeze3A_758 = vector.extract %slice3A_757[0] : f32 from vector<1xf32>
      %slice3A_759 = vector.extract_strided_slice %max3A_744 {offsets = [7], sizes = [1], strides = [1]} : vector<16xf32> to vector<1xf32>
      %squeeze3A_760 = vector.extract %slice3A_759[0] : f32 from vector<1xf32>
      %slice3A_761 = vector.extract_strided_slice %max3A_744 {offsets = [8], sizes = [1], strides = [1]} : vector<16xf32> to vector<1xf32>
      %squeeze3A_762 = vector.extract %slice3A_761[0] : f32 from vector<1xf32>
      %slice3A_763 = vector.extract_strided_slice %max3A_744 {offsets = [9], sizes = [1], strides = [1]} : vector<16xf32> to vector<1xf32>
      %squeeze3A_764 = vector.extract %slice3A_763[0] : f32 from vector<1xf32>
      %slice3A_765 = vector.extract_strided_slice %max3A_744 {offsets = [10], sizes = [1], strides = [1]} : vector<16xf32> to vector<1xf32>
      %squeeze3A_766 = vector.extract %slice3A_765[0] : f32 from vector<1xf32>
      %slice3A_767 = vector.extract_strided_slice %max3A_744 {offsets = [11], sizes = [1], strides = [1]} : vector<16xf32> to vector<1xf32>
      %squeeze3A_768 = vector.extract %slice3A_767[0] : f32 from vector<1xf32>
      %slice3A_769 = vector.extract_strided_slice %max3A_744 {offsets = [12], sizes = [1], strides = [1]} : vector<16xf32> to vector<1xf32>
      %squeeze3A_770 = vector.extract %slice3A_769[0] : f32 from vector<1xf32>
      %slice3A_771 = vector.extract_strided_slice %max3A_744 {offsets = [13], sizes = [1], strides = [1]} : vector<16xf32> to vector<1xf32>
      %squeeze3A_772 = vector.extract %slice3A_771[0] : f32 from vector<1xf32>
      %slice3A_773 = vector.extract_strided_slice %max3A_744 {offsets = [14], sizes = [1], strides = [1]} : vector<16xf32> to vector<1xf32>
      %squeeze3A_774 = vector.extract %slice3A_773[0] : f32 from vector<1xf32>
      %slice3A_775 = vector.extract_strided_slice %max3A_744 {offsets = [15], sizes = [1], strides = [1]} : vector<16xf32> to vector<1xf32>
      %squeeze3A_776 = vector.extract %slice3A_775[0] : f32 from vector<1xf32>
      %max3A_777 = arith.maximumf %squeeze3A_746, %squeeze3A_748 : f32
      %max3A_778 = arith.maximumf %squeeze3A_750, %squeeze3A_752 : f32
      %max3A_779 = arith.maximumf %squeeze3A_754, %squeeze3A_756 : f32
      %max3A_780 = arith.maximumf %squeeze3A_758, %squeeze3A_760 : f32
      %max3A_781 = arith.maximumf %squeeze3A_762, %squeeze3A_764 : f32
      %max3A_782 = arith.maximumf %squeeze3A_766, %squeeze3A_768 : f32
      %max3A_783 = arith.maximumf %squeeze3A_770, %squeeze3A_772 : f32
      %max3A_784 = arith.maximumf %squeeze3A_774, %squeeze3A_776 : f32
      %max3A_785 = arith.maximumf %max3A_777, %max3A_778 : f32
      %max3A_786 = arith.maximumf %max3A_779, %max3A_780 : f32
      %max3A_787 = arith.maximumf %max3A_781, %max3A_782 : f32
      %max3A_788 = arith.maximumf %max3A_783, %max3A_784 : f32
      %max3A_789 = arith.maximumf %max3A_785, %max3A_786 : f32
      %max3A_790 = arith.maximumf %max3A_787, %max3A_788 : f32
      %max3A_791 = arith.maximumf %max3A_789, %max3A_790 : f32
      %broadcast_in_dim3A_792 = arith.constant 0.000000e+00 : f32
      %broadcast_in_dim3A_793 = vector.broadcast %broadcast_in_dim3A_792 : f32 to vector<16xf32>
      %broadcast_in_dim3A_794 = arith.constant 0.000000e+00 : f32
      %broadcast_in_dim3A_795 = vector.broadcast %broadcast_in_dim3A_794 : f32 to vector<16xf32>
      %broadcast_in_dim3A_796 = arith.constant 0.000000e+00 : f32
      %broadcast_in_dim3A_797 = vector.broadcast %broadcast_in_dim3A_796 : f32 to vector<16xf32>
      %broadcast_in_dim3A_798 = arith.constant 0.000000e+00 : f32
      %broadcast_in_dim3A_799 = vector.broadcast %broadcast_in_dim3A_798 : f32 to vector<16xf32>
      %broadcast_in_dim3A_800 = arith.constant 0.000000e+00 : f32
      %broadcast_in_dim3A_801 = vector.broadcast %broadcast_in_dim3A_800 : f32 to vector<16xf32>
      %broadcast_in_dim3A_802 = arith.constant 0.000000e+00 : f32
      %broadcast_in_dim3A_803 = vector.broadcast %broadcast_in_dim3A_802 : f32 to vector<16xf32>
      %broadcast_in_dim3A_804 = arith.constant 0.000000e+00 : f32
      %broadcast_in_dim3A_805 = vector.broadcast %broadcast_in_dim3A_804 : f32 to vector<16xf32>
      %broadcast_in_dim3A_806 = arith.constant 0.000000e+00 : f32
      %broadcast_in_dim3A_807 = vector.broadcast %broadcast_in_dim3A_806 : f32 to vector<16xf32>
      %while3A = arith.constant 0 : i32
      %while3A_808 = arith.subi %min3A_238, %while3A : i32
      %while3A_809 = arith.addi %while3A, %while3A_808 : i32
      %while3A_810 = arith.constant 1 : i32
      %while3A_811 = arith.divsi %while3A_808, %while3A_810 : i32
      %while3A_812 = arith.muli %while3A_811, %while3A_810 : i32
      %while3A_813 = arith.addi %while3A, %while3A_812 : i32
      %while3A_814 = arith.constant 1 : i32
      %while3A_815:8 = scf.for %while3A_1603 = %while3A to %while3A_813 step %while3A_814 iter_args(%while3A_1604 = %broadcast_in_dim3A_793, %while3A_1605 = %broadcast_in_dim3A_795, %while3A_1606 = %broadcast_in_dim3A_797, %while3A_1607 = %broadcast_in_dim3A_799, %while3A_1608 = %broadcast_in_dim3A_801, %while3A_1609 = %broadcast_in_dim3A_803, %while3A_1610 = %broadcast_in_dim3A_805, %while3A_1611 = %broadcast_in_dim3A_807) -> (vector<16xf32>, vector<16xf32>, vector<16xf32>, vector<16xf32>, vector<16xf32>, vector<16xf32>, vector<16xf32>, vector<16xf32>)  : i32 {
        %get3A_1612 = arith.index_cast %while3A_1603 : i32 to index
        %get3A_1613 = tpu.vector_load %arg12[%get3A_1612] {strides = array<i32>} : memref<176xi32, #tpu.memory_space<vmem>>, vector<16xi32>,
        %slice3A_1614 = vector.extract_strided_slice %get3A_1613 {offsets = [0], sizes = [1], strides = [1]} : vector<16xi32> to vector<1xi32>
        %squeeze3A_1615 = vector.extract %slice3A_1614[0] : i32 from vector<1xi32>
        %get3A_1616 = arith.index_cast %while3A_1603 : i32 to index
        %get3A_1617 = tpu.vector_load %arg13[%get3A_1616] {strides = array<i32>} : memref<176xi32, #tpu.memory_space<vmem>>, vector<16xi32>,
        %slice3A_1618 = vector.extract_strided_slice %get3A_1617 {offsets = [0], sizes = [1], strides = [1]} : vector<16xi32> to vector<1xi32>
        %squeeze3A_1619 = vector.extract %slice3A_1618[0] : i32 from vector<1xi32>
        %get3A_1620 = arith.index_cast %while3A_1603 : i32 to index
        %get3A_1621 = tpu.vector_load %arg14[%get3A_1620] {strides = array<i32>} : memref<144xf32, #tpu.memory_space<vmem>>, vector<16xf32>,
        %slice3A_1622 = vector.extract_strided_slice %get3A_1621 {offsets = [0], sizes = [1], strides = [1]} : vector<16xf32> to vector<1xf32>
        %squeeze3A_1623 = vector.extract %slice3A_1622[0] : f32 from vector<1xf32>
        %lt3A_1624 = vector.broadcast %squeeze3A_1615 : i32 to vector<16xi32>
        %lt3A_1625 = arith.cmpi slt, %lt3A_1624, %get3A_253 : vector<16xi32>
        %eq3A_1626 = vector.broadcast %squeeze3A_1615 : i32 to vector<16xi32>
        %eq3A_1627 = arith.cmpi eq, %eq3A_1626, %get3A_253 : vector<16xi32>
        %le3A_1628 = vector.broadcast %squeeze3A_1619 : i32 to vector<16xi32>
        %le3A_1629 = arith.cmpi sle, %le3A_1628, %get3A_255 : vector<16xi32>
        %and3A_1630 = arith.andi %eq3A_1627, %le3A_1629 : vector<16xi1>
        %or3A_1631 = arith.ori %lt3A_1625, %and3A_1630 : vector<16xi1>
        %jit3A_1632 = arith.constant 0.000000e+00 : f32
        %broadcast_in_dim3A_1633 = vector.broadcast %squeeze3A_1623 : f32 to vector<16xf32>
        %broadcast_in_dim3A_1634 = vector.broadcast %jit3A_1632 : f32 to vector<16xf32>
        %select_n3A_1635 = arith.select %or3A_1631, %broadcast_in_dim3A_1633, %broadcast_in_dim3A_1634 : vector<16xi1>, vector<16xf32>
        %add3A_1636 = arith.addf %while3A_1604, %select_n3A_1635 : vector<16xf32>
        %lt3A_1637 = vector.broadcast %squeeze3A_1615 : i32 to vector<16xi32>
        %lt3A_1638 = arith.cmpi slt, %lt3A_1637, %get3A_282 : vector<16xi32>
        %eq3A_1639 = vector.broadcast %squeeze3A_1615 : i32 to vector<16xi32>
        %eq3A_1640 = arith.cmpi eq, %eq3A_1639, %get3A_282 : vector<16xi32>
        %le3A_1641 = vector.broadcast %squeeze3A_1619 : i32 to vector<16xi32>
        %le3A_1642 = arith.cmpi sle, %le3A_1641, %get3A_284 : vector<16xi32>
        %and3A_1643 = arith.andi %eq3A_1640, %le3A_1642 : vector<16xi1>
        %or3A_1644 = arith.ori %lt3A_1638, %and3A_1643 : vector<16xi1>
        %jit3A_1645 = arith.constant 0.000000e+00 : f32
        %broadcast_in_dim3A_1646 = vector.broadcast %squeeze3A_1623 : f32 to vector<16xf32>
        %broadcast_in_dim3A_1647 = vector.broadcast %jit3A_1645 : f32 to vector<16xf32>
        %select_n3A_1648 = arith.select %or3A_1644, %broadcast_in_dim3A_1646, %broadcast_in_dim3A_1647 : vector<16xi1>, vector<16xf32>
        %add3A_1649 = arith.addf %while3A_1605, %select_n3A_1648 : vector<16xf32>
        %lt3A_1650 = vector.broadcast %squeeze3A_1615 : i32 to vector<16xi32>
        %lt3A_1651 = arith.cmpi slt, %lt3A_1650, %get3A_314 : vector<16xi32>
        %eq3A_1652 = vector.broadcast %squeeze3A_1615 : i32 to vector<16xi32>
        %eq3A_1653 = arith.cmpi eq, %eq3A_1652, %get3A_314 : vector<16xi32>
        %le3A_1654 = vector.broadcast %squeeze3A_1619 : i32 to vector<16xi32>
        %le3A_1655 = arith.cmpi sle, %le3A_1654, %get3A_316 : vector<16xi32>
        %and3A_1656 = arith.andi %eq3A_1653, %le3A_1655 : vector<16xi1>
        %or3A_1657 = arith.ori %lt3A_1651, %and3A_1656 : vector<16xi1>
        %jit3A_1658 = arith.constant 0.000000e+00 : f32
        %broadcast_in_dim3A_1659 = vector.broadcast %squeeze3A_1623 : f32 to vector<16xf32>
        %broadcast_in_dim3A_1660 = vector.broadcast %jit3A_1658 : f32 to vector<16xf32>
        %select_n3A_1661 = arith.select %or3A_1657, %broadcast_in_dim3A_1659, %broadcast_in_dim3A_1660 : vector<16xi1>, vector<16xf32>
        %add3A_1662 = arith.addf %while3A_1606, %select_n3A_1661 : vector<16xf32>
        %lt3A_1663 = vector.broadcast %squeeze3A_1615 : i32 to vector<16xi32>
        %lt3A_1664 = arith.cmpi slt, %lt3A_1663, %get3A_346 : vector<16xi32>
        %eq3A_1665 = vector.broadcast %squeeze3A_1615 : i32 to vector<16xi32>
        %eq3A_1666 = arith.cmpi eq, %eq3A_1665, %get3A_346 : vector<16xi32>
        %le3A_1667 = vector.broadcast %squeeze3A_1619 : i32 to vector<16xi32>
        %le3A_1668 = arith.cmpi sle, %le3A_1667, %get3A_348 : vector<16xi32>
        %and3A_1669 = arith.andi %eq3A_1666, %le3A_1668 : vector<16xi1>
        %or3A_1670 = arith.ori %lt3A_1664, %and3A_1669 : vector<16xi1>
        %jit3A_1671 = arith.constant 0.000000e+00 : f32
        %broadcast_in_dim3A_1672 = vector.broadcast %squeeze3A_1623 : f32 to vector<16xf32>
        %broadcast_in_dim3A_1673 = vector.broadcast %jit3A_1671 : f32 to vector<16xf32>
        %select_n3A_1674 = arith.select %or3A_1670, %broadcast_in_dim3A_1672, %broadcast_in_dim3A_1673 : vector<16xi1>, vector<16xf32>
        %add3A_1675 = arith.addf %while3A_1607, %select_n3A_1674 : vector<16xf32>
        %lt3A_1676 = vector.broadcast %squeeze3A_1615 : i32 to vector<16xi32>
        %lt3A_1677 = arith.cmpi slt, %lt3A_1676, %get3A_378 : vector<16xi32>
        %eq3A_1678 = vector.broadcast %squeeze3A_1615 : i32 to vector<16xi32>
        %eq3A_1679 = arith.cmpi eq, %eq3A_1678, %get3A_378 : vector<16xi32>
        %le3A_1680 = vector.broadcast %squeeze3A_1619 : i32 to vector<16xi32>
        %le3A_1681 = arith.cmpi sle, %le3A_1680, %get3A_380 : vector<16xi32>
        %and3A_1682 = arith.andi %eq3A_1679, %le3A_1681 : vector<16xi1>
        %or3A_1683 = arith.ori %lt3A_1677, %and3A_1682 : vector<16xi1>
        %jit3A_1684 = arith.constant 0.000000e+00 : f32
        %broadcast_in_dim3A_1685 = vector.broadcast %squeeze3A_1623 : f32 to vector<16xf32>
        %broadcast_in_dim3A_1686 = vector.broadcast %jit3A_1684 : f32 to vector<16xf32>
        %select_n3A_1687 = arith.select %or3A_1683, %broadcast_in_dim3A_1685, %broadcast_in_dim3A_1686 : vector<16xi1>, vector<16xf32>
        %add3A_1688 = arith.addf %while3A_1608, %select_n3A_1687 : vector<16xf32>
        %lt3A_1689 = vector.broadcast %squeeze3A_1615 : i32 to vector<16xi32>
        %lt3A_1690 = arith.cmpi slt, %lt3A_1689, %get3A_410 : vector<16xi32>
        %eq3A_1691 = vector.broadcast %squeeze3A_1615 : i32 to vector<16xi32>
        %eq3A_1692 = arith.cmpi eq, %eq3A_1691, %get3A_410 : vector<16xi32>
        %le3A_1693 = vector.broadcast %squeeze3A_1619 : i32 to vector<16xi32>
        %le3A_1694 = arith.cmpi sle, %le3A_1693, %get3A_412 : vector<16xi32>
        %and3A_1695 = arith.andi %eq3A_1692, %le3A_1694 : vector<16xi1>
        %or3A_1696 = arith.ori %lt3A_1690, %and3A_1695 : vector<16xi1>
        %jit3A_1697 = arith.constant 0.000000e+00 : f32
        %broadcast_in_dim3A_1698 = vector.broadcast %squeeze3A_1623 : f32 to vector<16xf32>
        %broadcast_in_dim3A_1699 = vector.broadcast %jit3A_1697 : f32 to vector<16xf32>
        %select_n3A_1700 = arith.select %or3A_1696, %broadcast_in_dim3A_1698, %broadcast_in_dim3A_1699 : vector<16xi1>, vector<16xf32>
        %add3A_1701 = arith.addf %while3A_1609, %select_n3A_1700 : vector<16xf32>
        %lt3A_1702 = vector.broadcast %squeeze3A_1615 : i32 to vector<16xi32>
        %lt3A_1703 = arith.cmpi slt, %lt3A_1702, %get3A_442 : vector<16xi32>
        %eq3A_1704 = vector.broadcast %squeeze3A_1615 : i32 to vector<16xi32>
        %eq3A_1705 = arith.cmpi eq, %eq3A_1704, %get3A_442 : vector<16xi32>
        %le3A_1706 = vector.broadcast %squeeze3A_1619 : i32 to vector<16xi32>
        %le3A_1707 = arith.cmpi sle, %le3A_1706, %get3A_444 : vector<16xi32>
        %and3A_1708 = arith.andi %eq3A_1705, %le3A_1707 : vector<16xi1>
        %or3A_1709 = arith.ori %lt3A_1703, %and3A_1708 : vector<16xi1>
        %jit3A_1710 = arith.constant 0.000000e+00 : f32
        %broadcast_in_dim3A_1711 = vector.broadcast %squeeze3A_1623 : f32 to vector<16xf32>
        %broadcast_in_dim3A_1712 = vector.broadcast %jit3A_1710 : f32 to vector<16xf32>
        %select_n3A_1713 = arith.select %or3A_1709, %broadcast_in_dim3A_1711, %broadcast_in_dim3A_1712 : vector<16xi1>, vector<16xf32>
        %add3A_1714 = arith.addf %while3A_1610, %select_n3A_1713 : vector<16xf32>
        %lt3A_1715 = vector.broadcast %squeeze3A_1615 : i32 to vector<16xi32>
        %lt3A_1716 = arith.cmpi slt, %lt3A_1715, %get3A_474 : vector<16xi32>
        %eq3A_1717 = vector.broadcast %squeeze3A_1615 : i32 to vector<16xi32>
        %eq3A_1718 = arith.cmpi eq, %eq3A_1717, %get3A_474 : vector<16xi32>
        %le3A_1719 = vector.broadcast %squeeze3A_1619 : i32 to vector<16xi32>
        %le3A_1720 = arith.cmpi sle, %le3A_1719, %get3A_476 : vector<16xi32>
        %and3A_1721 = arith.andi %eq3A_1718, %le3A_1720 : vector<16xi1>
        %or3A_1722 = arith.ori %lt3A_1716, %and3A_1721 : vector<16xi1>
        %jit3A_1723 = arith.constant 0.000000e+00 : f32
        %broadcast_in_dim3A_1724 = vector.broadcast %squeeze3A_1623 : f32 to vector<16xf32>
        %broadcast_in_dim3A_1725 = vector.broadcast %jit3A_1723 : f32 to vector<16xf32>
        %select_n3A_1726 = arith.select %or3A_1722, %broadcast_in_dim3A_1724, %broadcast_in_dim3A_1725 : vector<16xi1>, vector<16xf32>
        %add3A_1727 = arith.addf %while3A_1611, %select_n3A_1726 : vector<16xf32>
        scf.yield %add3A_1636, %add3A_1649, %add3A_1662, %add3A_1675, %add3A_1688, %add3A_1701, %add3A_1714, %add3A_1727 : vector<16xf32>, vector<16xf32>, vector<16xf32>, vector<16xf32>, vector<16xf32>, vector<16xf32>, vector<16xf32>, vector<16xf32>
      }
      %while3A_816 = arith.constant 1 : i32
      %while3A_817:8 = scf.for %while3A_1603 = %while3A_813 to %while3A_809 step %while3A_816 iter_args(%while3A_1604 = %while3A_815#0, %while3A_1605 = %while3A_815#1, %while3A_1606 = %while3A_815#2, %while3A_1607 = %while3A_815#3, %while3A_1608 = %while3A_815#4, %while3A_1609 = %while3A_815#5, %while3A_1610 = %while3A_815#6, %while3A_1611 = %while3A_815#7) -> (vector<16xf32>, vector<16xf32>, vector<16xf32>, vector<16xf32>, vector<16xf32>, vector<16xf32>, vector<16xf32>, vector<16xf32>)  : i32 {
        %get3A_1612 = arith.index_cast %while3A_1603 : i32 to index
        %get3A_1613 = tpu.vector_load %arg12[%get3A_1612] {strides = array<i32>} : memref<176xi32, #tpu.memory_space<vmem>>, vector<16xi32>,
        %slice3A_1614 = vector.extract_strided_slice %get3A_1613 {offsets = [0], sizes = [1], strides = [1]} : vector<16xi32> to vector<1xi32>
        %squeeze3A_1615 = vector.extract %slice3A_1614[0] : i32 from vector<1xi32>
        %get3A_1616 = arith.index_cast %while3A_1603 : i32 to index
        %get3A_1617 = tpu.vector_load %arg13[%get3A_1616] {strides = array<i32>} : memref<176xi32, #tpu.memory_space<vmem>>, vector<16xi32>,
        %slice3A_1618 = vector.extract_strided_slice %get3A_1617 {offsets = [0], sizes = [1], strides = [1]} : vector<16xi32> to vector<1xi32>
        %squeeze3A_1619 = vector.extract %slice3A_1618[0] : i32 from vector<1xi32>
        %get3A_1620 = arith.index_cast %while3A_1603 : i32 to index
        %get3A_1621 = tpu.vector_load %arg14[%get3A_1620] {strides = array<i32>} : memref<144xf32, #tpu.memory_space<vmem>>, vector<16xf32>,
        %slice3A_1622 = vector.extract_strided_slice %get3A_1621 {offsets = [0], sizes = [1], strides = [1]} : vector<16xf32> to vector<1xf32>
        %squeeze3A_1623 = vector.extract %slice3A_1622[0] : f32 from vector<1xf32>
        %lt3A_1624 = vector.broadcast %squeeze3A_1615 : i32 to vector<16xi32>
        %lt3A_1625 = arith.cmpi slt, %lt3A_1624, %get3A_253 : vector<16xi32>
        %eq3A_1626 = vector.broadcast %squeeze3A_1615 : i32 to vector<16xi32>
        %eq3A_1627 = arith.cmpi eq, %eq3A_1626, %get3A_253 : vector<16xi32>
        %le3A_1628 = vector.broadcast %squeeze3A_1619 : i32 to vector<16xi32>
        %le3A_1629 = arith.cmpi sle, %le3A_1628, %get3A_255 : vector<16xi32>
        %and3A_1630 = arith.andi %eq3A_1627, %le3A_1629 : vector<16xi1>
        %or3A_1631 = arith.ori %lt3A_1625, %and3A_1630 : vector<16xi1>
        %jit3A_1632 = arith.constant 0.000000e+00 : f32
        %broadcast_in_dim3A_1633 = vector.broadcast %squeeze3A_1623 : f32 to vector<16xf32>
        %broadcast_in_dim3A_1634 = vector.broadcast %jit3A_1632 : f32 to vector<16xf32>
        %select_n3A_1635 = arith.select %or3A_1631, %broadcast_in_dim3A_1633, %broadcast_in_dim3A_1634 : vector<16xi1>, vector<16xf32>
        %add3A_1636 = arith.addf %while3A_1604, %select_n3A_1635 : vector<16xf32>
        %lt3A_1637 = vector.broadcast %squeeze3A_1615 : i32 to vector<16xi32>
        %lt3A_1638 = arith.cmpi slt, %lt3A_1637, %get3A_282 : vector<16xi32>
        %eq3A_1639 = vector.broadcast %squeeze3A_1615 : i32 to vector<16xi32>
        %eq3A_1640 = arith.cmpi eq, %eq3A_1639, %get3A_282 : vector<16xi32>
        %le3A_1641 = vector.broadcast %squeeze3A_1619 : i32 to vector<16xi32>
        %le3A_1642 = arith.cmpi sle, %le3A_1641, %get3A_284 : vector<16xi32>
        %and3A_1643 = arith.andi %eq3A_1640, %le3A_1642 : vector<16xi1>
        %or3A_1644 = arith.ori %lt3A_1638, %and3A_1643 : vector<16xi1>
        %jit3A_1645 = arith.constant 0.000000e+00 : f32
        %broadcast_in_dim3A_1646 = vector.broadcast %squeeze3A_1623 : f32 to vector<16xf32>
        %broadcast_in_dim3A_1647 = vector.broadcast %jit3A_1645 : f32 to vector<16xf32>
        %select_n3A_1648 = arith.select %or3A_1644, %broadcast_in_dim3A_1646, %broadcast_in_dim3A_1647 : vector<16xi1>, vector<16xf32>
        %add3A_1649 = arith.addf %while3A_1605, %select_n3A_1648 : vector<16xf32>
        %lt3A_1650 = vector.broadcast %squeeze3A_1615 : i32 to vector<16xi32>
        %lt3A_1651 = arith.cmpi slt, %lt3A_1650, %get3A_314 : vector<16xi32>
        %eq3A_1652 = vector.broadcast %squeeze3A_1615 : i32 to vector<16xi32>
        %eq3A_1653 = arith.cmpi eq, %eq3A_1652, %get3A_314 : vector<16xi32>
        %le3A_1654 = vector.broadcast %squeeze3A_1619 : i32 to vector<16xi32>
        %le3A_1655 = arith.cmpi sle, %le3A_1654, %get3A_316 : vector<16xi32>
        %and3A_1656 = arith.andi %eq3A_1653, %le3A_1655 : vector<16xi1>
        %or3A_1657 = arith.ori %lt3A_1651, %and3A_1656 : vector<16xi1>
        %jit3A_1658 = arith.constant 0.000000e+00 : f32
        %broadcast_in_dim3A_1659 = vector.broadcast %squeeze3A_1623 : f32 to vector<16xf32>
        %broadcast_in_dim3A_1660 = vector.broadcast %jit3A_1658 : f32 to vector<16xf32>
        %select_n3A_1661 = arith.select %or3A_1657, %broadcast_in_dim3A_1659, %broadcast_in_dim3A_1660 : vector<16xi1>, vector<16xf32>
        %add3A_1662 = arith.addf %while3A_1606, %select_n3A_1661 : vector<16xf32>
        %lt3A_1663 = vector.broadcast %squeeze3A_1615 : i32 to vector<16xi32>
        %lt3A_1664 = arith.cmpi slt, %lt3A_1663, %get3A_346 : vector<16xi32>
        %eq3A_1665 = vector.broadcast %squeeze3A_1615 : i32 to vector<16xi32>
        %eq3A_1666 = arith.cmpi eq, %eq3A_1665, %get3A_346 : vector<16xi32>
        %le3A_1667 = vector.broadcast %squeeze3A_1619 : i32 to vector<16xi32>
        %le3A_1668 = arith.cmpi sle, %le3A_1667, %get3A_348 : vector<16xi32>
        %and3A_1669 = arith.andi %eq3A_1666, %le3A_1668 : vector<16xi1>
        %or3A_1670 = arith.ori %lt3A_1664, %and3A_1669 : vector<16xi1>
        %jit3A_1671 = arith.constant 0.000000e+00 : f32
        %broadcast_in_dim3A_1672 = vector.broadcast %squeeze3A_1623 : f32 to vector<16xf32>
        %broadcast_in_dim3A_1673 = vector.broadcast %jit3A_1671 : f32 to vector<16xf32>
        %select_n3A_1674 = arith.select %or3A_1670, %broadcast_in_dim3A_1672, %broadcast_in_dim3A_1673 : vector<16xi1>, vector<16xf32>
        %add3A_1675 = arith.addf %while3A_1607, %select_n3A_1674 : vector<16xf32>
        %lt3A_1676 = vector.broadcast %squeeze3A_1615 : i32 to vector<16xi32>
        %lt3A_1677 = arith.cmpi slt, %lt3A_1676, %get3A_378 : vector<16xi32>
        %eq3A_1678 = vector.broadcast %squeeze3A_1615 : i32 to vector<16xi32>
        %eq3A_1679 = arith.cmpi eq, %eq3A_1678, %get3A_378 : vector<16xi32>
        %le3A_1680 = vector.broadcast %squeeze3A_1619 : i32 to vector<16xi32>
        %le3A_1681 = arith.cmpi sle, %le3A_1680, %get3A_380 : vector<16xi32>
        %and3A_1682 = arith.andi %eq3A_1679, %le3A_1681 : vector<16xi1>
        %or3A_1683 = arith.ori %lt3A_1677, %and3A_1682 : vector<16xi1>
        %jit3A_1684 = arith.constant 0.000000e+00 : f32
        %broadcast_in_dim3A_1685 = vector.broadcast %squeeze3A_1623 : f32 to vector<16xf32>
        %broadcast_in_dim3A_1686 = vector.broadcast %jit3A_1684 : f32 to vector<16xf32>
        %select_n3A_1687 = arith.select %or3A_1683, %broadcast_in_dim3A_1685, %broadcast_in_dim3A_1686 : vector<16xi1>, vector<16xf32>
        %add3A_1688 = arith.addf %while3A_1608, %select_n3A_1687 : vector<16xf32>
        %lt3A_1689 = vector.broadcast %squeeze3A_1615 : i32 to vector<16xi32>
        %lt3A_1690 = arith.cmpi slt, %lt3A_1689, %get3A_410 : vector<16xi32>
        %eq3A_1691 = vector.broadcast %squeeze3A_1615 : i32 to vector<16xi32>
        %eq3A_1692 = arith.cmpi eq, %eq3A_1691, %get3A_410 : vector<16xi32>
        %le3A_1693 = vector.broadcast %squeeze3A_1619 : i32 to vector<16xi32>
        %le3A_1694 = arith.cmpi sle, %le3A_1693, %get3A_412 : vector<16xi32>
        %and3A_1695 = arith.andi %eq3A_1692, %le3A_1694 : vector<16xi1>
        %or3A_1696 = arith.ori %lt3A_1690, %and3A_1695 : vector<16xi1>
        %jit3A_1697 = arith.constant 0.000000e+00 : f32
        %broadcast_in_dim3A_1698 = vector.broadcast %squeeze3A_1623 : f32 to vector<16xf32>
        %broadcast_in_dim3A_1699 = vector.broadcast %jit3A_1697 : f32 to vector<16xf32>
        %select_n3A_1700 = arith.select %or3A_1696, %broadcast_in_dim3A_1698, %broadcast_in_dim3A_1699 : vector<16xi1>, vector<16xf32>
        %add3A_1701 = arith.addf %while3A_1609, %select_n3A_1700 : vector<16xf32>
        %lt3A_1702 = vector.broadcast %squeeze3A_1615 : i32 to vector<16xi32>
        %lt3A_1703 = arith.cmpi slt, %lt3A_1702, %get3A_442 : vector<16xi32>
        %eq3A_1704 = vector.broadcast %squeeze3A_1615 : i32 to vector<16xi32>
        %eq3A_1705 = arith.cmpi eq, %eq3A_1704, %get3A_442 : vector<16xi32>
        %le3A_1706 = vector.broadcast %squeeze3A_1619 : i32 to vector<16xi32>
        %le3A_1707 = arith.cmpi sle, %le3A_1706, %get3A_444 : vector<16xi32>
        %and3A_1708 = arith.andi %eq3A_1705, %le3A_1707 : vector<16xi1>
        %or3A_1709 = arith.ori %lt3A_1703, %and3A_1708 : vector<16xi1>
        %jit3A_1710 = arith.constant 0.000000e+00 : f32
        %broadcast_in_dim3A_1711 = vector.broadcast %squeeze3A_1623 : f32 to vector<16xf32>
        %broadcast_in_dim3A_1712 = vector.broadcast %jit3A_1710 : f32 to vector<16xf32>
        %select_n3A_1713 = arith.select %or3A_1709, %broadcast_in_dim3A_1711, %broadcast_in_dim3A_1712 : vector<16xi1>, vector<16xf32>
        %add3A_1714 = arith.addf %while3A_1610, %select_n3A_1713 : vector<16xf32>
        %lt3A_1715 = vector.broadcast %squeeze3A_1615 : i32 to vector<16xi32>
        %lt3A_1716 = arith.cmpi slt, %lt3A_1715, %get3A_474 : vector<16xi32>
        %eq3A_1717 = vector.broadcast %squeeze3A_1615 : i32 to vector<16xi32>
        %eq3A_1718 = arith.cmpi eq, %eq3A_1717, %get3A_474 : vector<16xi32>
        %le3A_1719 = vector.broadcast %squeeze3A_1619 : i32 to vector<16xi32>
        %le3A_1720 = arith.cmpi sle, %le3A_1719, %get3A_476 : vector<16xi32>
        %and3A_1721 = arith.andi %eq3A_1718, %le3A_1720 : vector<16xi1>
        %or3A_1722 = arith.ori %lt3A_1716, %and3A_1721 : vector<16xi1>
        %jit3A_1723 = arith.constant 0.000000e+00 : f32
        %broadcast_in_dim3A_1724 = vector.broadcast %squeeze3A_1623 : f32 to vector<16xf32>
        %broadcast_in_dim3A_1725 = vector.broadcast %jit3A_1723 : f32 to vector<16xf32>
        %select_n3A_1726 = arith.select %or3A_1722, %broadcast_in_dim3A_1724, %broadcast_in_dim3A_1725 : vector<16xi1>, vector<16xf32>
        %add3A_1727 = arith.addf %while3A_1611, %select_n3A_1726 : vector<16xf32>
        scf.yield %add3A_1636, %add3A_1649, %add3A_1662, %add3A_1675, %add3A_1688, %add3A_1701, %add3A_1714, %add3A_1727 : vector<16xf32>, vector<16xf32>, vector<16xf32>, vector<16xf32>, vector<16xf32>, vector<16xf32>, vector<16xf32>, vector<16xf32>
      }
      %sub3A_818 = arith.constant 1.000000e+00 : f32
      %sub3A_819 = arith.subf %sub3A_818, %squeeze3A_50 : f32
      %broadcast_in_dim3A_820 = arith.constant 0.000000e+00 : f32
      %broadcast_in_dim3A_821 = vector.broadcast %broadcast_in_dim3A_820 : f32 to vector<16xf32>
      %gt3A = vector.broadcast %sub3A_819 : f32 to vector<16xf32>
      %gt3A_822 = arith.cmpf ogt, %while3A_817#0, %gt3A : vector<16xf32>
      %eq3A_823 = vector.broadcast %max3A_553 : f32 to vector<16xf32>
      %eq3A_824 = arith.cmpf oeq, %bitcast_convert_type3A, %eq3A_823 : vector<16xf32>
      %eq3A_825 = vector.broadcast %max3A_791 : f32 to vector<16xf32>
      %eq3A_826 = arith.cmpf oeq, %convert_element_type3A_267, %eq3A_825 : vector<16xf32>
      %and3A_827 = arith.andi %eq3A_824, %eq3A_826 : vector<16xi1>
      %or3A_828 = arith.ori %gt3A_822, %and3A_827 : vector<16xi1>
      %and3A_829 = arith.andi %lt3A_259, %or3A_828 : vector<16xi1>
      %jit3A_830 = arith.constant 0.000000e+00 : f32
      %broadcast_in_dim3A_831 = vector.broadcast %jit3A_830 : f32 to vector<16xf32>
      %select_n3A_832 = arith.select %and3A_829, %select_n3A_560, %broadcast_in_dim3A_831 : vector<16xi1>, vector<16xf32>
      %add3A_833 = arith.addf %broadcast_in_dim3A_821, %select_n3A_832 : vector<16xf32>
      %gt3A_834 = vector.broadcast %sub3A_819 : f32 to vector<16xf32>
      %gt3A_835 = arith.cmpf ogt, %while3A_817#1, %gt3A_834 : vector<16xf32>
      %eq3A_836 = vector.broadcast %max3A_553 : f32 to vector<16xf32>
      %eq3A_837 = arith.cmpf oeq, %bitcast_convert_type3A_297, %eq3A_836 : vector<16xf32>
      %eq3A_838 = vector.broadcast %max3A_791 : f32 to vector<16xf32>
      %eq3A_839 = arith.cmpf oeq, %convert_element_type3A_298, %eq3A_838 : vector<16xf32>
      %and3A_840 = arith.andi %eq3A_837, %eq3A_839 : vector<16xi1>
      %or3A_841 = arith.ori %gt3A_835, %and3A_840 : vector<16xi1>
      %and3A_842 = arith.andi %lt3A_289, %or3A_841 : vector<16xi1>
      %jit3A_843 = arith.constant 0.000000e+00 : f32
      %broadcast_in_dim3A_844 = vector.broadcast %jit3A_843 : f32 to vector<16xf32>
      %select_n3A_845 = arith.select %and3A_842, %select_n3A_567, %broadcast_in_dim3A_844 : vector<16xi1>, vector<16xf32>
      %add3A_846 = arith.addf %add3A_833, %select_n3A_845 : vector<16xf32>
      %gt3A_847 = vector.broadcast %sub3A_819 : f32 to vector<16xf32>
      %gt3A_848 = arith.cmpf ogt, %while3A_817#2, %gt3A_847 : vector<16xf32>
      %eq3A_849 = vector.broadcast %max3A_553 : f32 to vector<16xf32>
      %eq3A_850 = arith.cmpf oeq, %bitcast_convert_type3A_329, %eq3A_849 : vector<16xf32>
      %eq3A_851 = vector.broadcast %max3A_791 : f32 to vector<16xf32>
      %eq3A_852 = arith.cmpf oeq, %convert_element_type3A_330, %eq3A_851 : vector<16xf32>
      %and3A_853 = arith.andi %eq3A_850, %eq3A_852 : vector<16xi1>
      %or3A_854 = arith.ori %gt3A_848, %and3A_853 : vector<16xi1>
      %and3A_855 = arith.andi %lt3A_321, %or3A_854 : vector<16xi1>
      %jit3A_856 = arith.constant 0.000000e+00 : f32
      %broadcast_in_dim3A_857 = vector.broadcast %jit3A_856 : f32 to vector<16xf32>
      %select_n3A_858 = arith.select %and3A_855, %select_n3A_574, %broadcast_in_dim3A_857 : vector<16xi1>, vector<16xf32>
      %add3A_859 = arith.addf %add3A_846, %select_n3A_858 : vector<16xf32>
      %gt3A_860 = vector.broadcast %sub3A_819 : f32 to vector<16xf32>
      %gt3A_861 = arith.cmpf ogt, %while3A_817#3, %gt3A_860 : vector<16xf32>
      %eq3A_862 = vector.broadcast %max3A_553 : f32 to vector<16xf32>
      %eq3A_863 = arith.cmpf oeq, %bitcast_convert_type3A_361, %eq3A_862 : vector<16xf32>
      %eq3A_864 = vector.broadcast %max3A_791 : f32 to vector<16xf32>
      %eq3A_865 = arith.cmpf oeq, %convert_element_type3A_362, %eq3A_864 : vector<16xf32>
      %and3A_866 = arith.andi %eq3A_863, %eq3A_865 : vector<16xi1>
      %or3A_867 = arith.ori %gt3A_861, %and3A_866 : vector<16xi1>
      %and3A_868 = arith.andi %lt3A_353, %or3A_867 : vector<16xi1>
      %jit3A_869 = arith.constant 0.000000e+00 : f32
      %broadcast_in_dim3A_870 = vector.broadcast %jit3A_869 : f32 to vector<16xf32>
      %select_n3A_871 = arith.select %and3A_868, %select_n3A_581, %broadcast_in_dim3A_870 : vector<16xi1>, vector<16xf32>
      %add3A_872 = arith.addf %add3A_859, %select_n3A_871 : vector<16xf32>
      %gt3A_873 = vector.broadcast %sub3A_819 : f32 to vector<16xf32>
      %gt3A_874 = arith.cmpf ogt, %while3A_817#4, %gt3A_873 : vector<16xf32>
      %eq3A_875 = vector.broadcast %max3A_553 : f32 to vector<16xf32>
      %eq3A_876 = arith.cmpf oeq, %bitcast_convert_type3A_393, %eq3A_875 : vector<16xf32>
      %eq3A_877 = vector.broadcast %max3A_791 : f32 to vector<16xf32>
      %eq3A_878 = arith.cmpf oeq, %convert_element_type3A_394, %eq3A_877 : vector<16xf32>
      %and3A_879 = arith.andi %eq3A_876, %eq3A_878 : vector<16xi1>
      %or3A_880 = arith.ori %gt3A_874, %and3A_879 : vector<16xi1>
      %and3A_881 = arith.andi %lt3A_385, %or3A_880 : vector<16xi1>
      %jit3A_882 = arith.constant 0.000000e+00 : f32
      %broadcast_in_dim3A_883 = vector.broadcast %jit3A_882 : f32 to vector<16xf32>
      %select_n3A_884 = arith.select %and3A_881, %select_n3A_588, %broadcast_in_dim3A_883 : vector<16xi1>, vector<16xf32>
      %add3A_885 = arith.addf %add3A_872, %select_n3A_884 : vector<16xf32>
      %gt3A_886 = vector.broadcast %sub3A_819 : f32 to vector<16xf32>
      %gt3A_887 = arith.cmpf ogt, %while3A_817#5, %gt3A_886 : vector<16xf32>
      %eq3A_888 = vector.broadcast %max3A_553 : f32 to vector<16xf32>
      %eq3A_889 = arith.cmpf oeq, %bitcast_convert_type3A_425, %eq3A_888 : vector<16xf32>
      %eq3A_890 = vector.broadcast %max3A_791 : f32 to vector<16xf32>
      %eq3A_891 = arith.cmpf oeq, %convert_element_type3A_426, %eq3A_890 : vector<16xf32>
      %and3A_892 = arith.andi %eq3A_889, %eq3A_891 : vector<16xi1>
      %or3A_893 = arith.ori %gt3A_887, %and3A_892 : vector<16xi1>
      %and3A_894 = arith.andi %lt3A_417, %or3A_893 : vector<16xi1>
      %jit3A_895 = arith.constant 0.000000e+00 : f32
      %broadcast_in_dim3A_896 = vector.broadcast %jit3A_895 : f32 to vector<16xf32>
      %select_n3A_897 = arith.select %and3A_894, %select_n3A_595, %broadcast_in_dim3A_896 : vector<16xi1>, vector<16xf32>
      %add3A_898 = arith.addf %add3A_885, %select_n3A_897 : vector<16xf32>
      %gt3A_899 = vector.broadcast %sub3A_819 : f32 to vector<16xf32>
      %gt3A_900 = arith.cmpf ogt, %while3A_817#6, %gt3A_899 : vector<16xf32>
      %eq3A_901 = vector.broadcast %max3A_553 : f32 to vector<16xf32>
      %eq3A_902 = arith.cmpf oeq, %bitcast_convert_type3A_457, %eq3A_901 : vector<16xf32>
      %eq3A_903 = vector.broadcast %max3A_791 : f32 to vector<16xf32>
      %eq3A_904 = arith.cmpf oeq, %convert_element_type3A_458, %eq3A_903 : vector<16xf32>
      %and3A_905 = arith.andi %eq3A_902, %eq3A_904 : vector<16xi1>
      %or3A_906 = arith.ori %gt3A_900, %and3A_905 : vector<16xi1>
      %and3A_907 = arith.andi %lt3A_449, %or3A_906 : vector<16xi1>
      %jit3A_908 = arith.constant 0.000000e+00 : f32
      %broadcast_in_dim3A_909 = vector.broadcast %jit3A_908 : f32 to vector<16xf32>
      %select_n3A_910 = arith.select %and3A_907, %select_n3A_602, %broadcast_in_dim3A_909 : vector<16xi1>, vector<16xf32>
      %add3A_911 = arith.addf %add3A_898, %select_n3A_910 : vector<16xf32>
      %gt3A_912 = vector.broadcast %sub3A_819 : f32 to vector<16xf32>
      %gt3A_913 = arith.cmpf ogt, %while3A_817#7, %gt3A_912 : vector<16xf32>
      %eq3A_914 = vector.broadcast %max3A_553 : f32 to vector<16xf32>
      %eq3A_915 = arith.cmpf oeq, %bitcast_convert_type3A_489, %eq3A_914 : vector<16xf32>
      %eq3A_916 = vector.broadcast %max3A_791 : f32 to vector<16xf32>
      %eq3A_917 = arith.cmpf oeq, %convert_element_type3A_490, %eq3A_916 : vector<16xf32>
      %and3A_918 = arith.andi %eq3A_915, %eq3A_917 : vector<16xi1>
      %or3A_919 = arith.ori %gt3A_913, %and3A_918 : vector<16xi1>
      %and3A_920 = arith.andi %lt3A_481, %or3A_919 : vector<16xi1>
      %jit3A_921 = arith.constant 0.000000e+00 : f32
      %broadcast_in_dim3A_922 = vector.broadcast %jit3A_921 : f32 to vector<16xf32>
      %select_n3A_923 = arith.select %and3A_920, %select_n3A_609, %broadcast_in_dim3A_922 : vector<16xi1>, vector<16xf32>
      %add3A_924 = arith.addf %add3A_911, %select_n3A_923 : vector<16xf32>
      %slice3A_925 = vector.extract_strided_slice %add3A_924 {offsets = [0], sizes = [1], strides = [1]} : vector<16xf32> to vector<1xf32>
      %squeeze3A_926 = vector.extract %slice3A_925[0] : f32 from vector<1xf32>
      %slice3A_927 = vector.extract_strided_slice %add3A_924 {offsets = [1], sizes = [1], strides = [1]} : vector<16xf32> to vector<1xf32>
      %squeeze3A_928 = vector.extract %slice3A_927[0] : f32 from vector<1xf32>
      %slice3A_929 = vector.extract_strided_slice %add3A_924 {offsets = [2], sizes = [1], strides = [1]} : vector<16xf32> to vector<1xf32>
      %squeeze3A_930 = vector.extract %slice3A_929[0] : f32 from vector<1xf32>
      %slice3A_931 = vector.extract_strided_slice %add3A_924 {offsets = [3], sizes = [1], strides = [1]} : vector<16xf32> to vector<1xf32>
      %squeeze3A_932 = vector.extract %slice3A_931[0] : f32 from vector<1xf32>
      %slice3A_933 = vector.extract_strided_slice %add3A_924 {offsets = [4], sizes = [1], strides = [1]} : vector<16xf32> to vector<1xf32>
      %squeeze3A_934 = vector.extract %slice3A_933[0] : f32 from vector<1xf32>
      %slice3A_935 = vector.extract_strided_slice %add3A_924 {offsets = [5], sizes = [1], strides = [1]} : vector<16xf32> to vector<1xf32>
      %squeeze3A_936 = vector.extract %slice3A_935[0] : f32 from vector<1xf32>
      %slice3A_937 = vector.extract_strided_slice %add3A_924 {offsets = [6], sizes = [1], strides = [1]} : vector<16xf32> to vector<1xf32>
      %squeeze3A_938 = vector.extract %slice3A_937[0] : f32 from vector<1xf32>
      %slice3A_939 = vector.extract_strided_slice %add3A_924 {offsets = [7], sizes = [1], strides = [1]} : vector<16xf32> to vector<1xf32>
      %squeeze3A_940 = vector.extract %slice3A_939[0] : f32 from vector<1xf32>
      %slice3A_941 = vector.extract_strided_slice %add3A_924 {offsets = [8], sizes = [1], strides = [1]} : vector<16xf32> to vector<1xf32>
      %squeeze3A_942 = vector.extract %slice3A_941[0] : f32 from vector<1xf32>
      %slice3A_943 = vector.extract_strided_slice %add3A_924 {offsets = [9], sizes = [1], strides = [1]} : vector<16xf32> to vector<1xf32>
      %squeeze3A_944 = vector.extract %slice3A_943[0] : f32 from vector<1xf32>
      %slice3A_945 = vector.extract_strided_slice %add3A_924 {offsets = [10], sizes = [1], strides = [1]} : vector<16xf32> to vector<1xf32>
      %squeeze3A_946 = vector.extract %slice3A_945[0] : f32 from vector<1xf32>
      %slice3A_947 = vector.extract_strided_slice %add3A_924 {offsets = [11], sizes = [1], strides = [1]} : vector<16xf32> to vector<1xf32>
      %squeeze3A_948 = vector.extract %slice3A_947[0] : f32 from vector<1xf32>
      %slice3A_949 = vector.extract_strided_slice %add3A_924 {offsets = [12], sizes = [1], strides = [1]} : vector<16xf32> to vector<1xf32>
      %squeeze3A_950 = vector.extract %slice3A_949[0] : f32 from vector<1xf32>
      %slice3A_951 = vector.extract_strided_slice %add3A_924 {offsets = [13], sizes = [1], strides = [1]} : vector<16xf32> to vector<1xf32>
      %squeeze3A_952 = vector.extract %slice3A_951[0] : f32 from vector<1xf32>
      %slice3A_953 = vector.extract_strided_slice %add3A_924 {offsets = [14], sizes = [1], strides = [1]} : vector<16xf32> to vector<1xf32>
      %squeeze3A_954 = vector.extract %slice3A_953[0] : f32 from vector<1xf32>
      %slice3A_955 = vector.extract_strided_slice %add3A_924 {offsets = [15], sizes = [1], strides = [1]} : vector<16xf32> to vector<1xf32>
      %squeeze3A_956 = vector.extract %slice3A_955[0] : f32 from vector<1xf32>
      %add3A_957 = arith.addf %squeeze3A_926, %squeeze3A_928 : f32
      %add3A_958 = arith.addf %squeeze3A_930, %squeeze3A_932 : f32
      %add3A_959 = arith.addf %squeeze3A_934, %squeeze3A_936 : f32
      %add3A_960 = arith.addf %squeeze3A_938, %squeeze3A_940 : f32
      %add3A_961 = arith.addf %squeeze3A_942, %squeeze3A_944 : f32
      %add3A_962 = arith.addf %squeeze3A_946, %squeeze3A_948 : f32
      %add3A_963 = arith.addf %squeeze3A_950, %squeeze3A_952 : f32
      %add3A_964 = arith.addf %squeeze3A_954, %squeeze3A_956 : f32
      %add3A_965 = arith.addf %add3A_957, %add3A_958 : f32
      %add3A_966 = arith.addf %add3A_959, %add3A_960 : f32
      %add3A_967 = arith.addf %add3A_961, %add3A_962 : f32
      %add3A_968 = arith.addf %add3A_963, %add3A_964 : f32
      %add3A_969 = arith.addf %add3A_965, %add3A_966 : f32
      %add3A_970 = arith.addf %add3A_967, %add3A_968 : f32
      %add3A_971 = arith.addf %add3A_969, %add3A_970 : f32
      %broadcast_in_dim3A_972 = arith.constant 0.000000e+00 : f32
      %broadcast_in_dim3A_973 = vector.broadcast %broadcast_in_dim3A_972 : f32 to vector<16xf32>
      %get3A_974 = arith.constant 0 : index
      %get3A_975 = tpu.vector_load %arg16[%get3A_974] {strides = array<i32>} : memref<128xf32, #tpu.memory_space<vmem>>, vector<16xf32>,
      %div3A_976 = vector.broadcast %add3A_971 : f32 to vector<16xf32>
      %div3A_977 = arith.divf %select_n3A_560, %div3A_976 : vector<16xf32>
      %div3A_978 = arith.divf %div3A_977, %get3A_975 : vector<16xf32>
      %jit3A_979 = arith.constant 0.000000e+00 : f32
      %broadcast_in_dim3A_980 = vector.broadcast %jit3A_979 : f32 to vector<16xf32>
      %select_n3A_981 = arith.select %and3A_829, %div3A_978, %broadcast_in_dim3A_980 : vector<16xi1>, vector<16xf32>
      %max3A_982 = arith.maximumf %broadcast_in_dim3A_973, %select_n3A_981 : vector<16xf32>
      %get3A_983 = arith.constant 16 : index
      %get3A_984 = tpu.vector_load %arg16[%get3A_983] {strides = array<i32>} : memref<128xf32, #tpu.memory_space<vmem>>, vector<16xf32>,
      %div3A_985 = vector.broadcast %add3A_971 : f32 to vector<16xf32>
      %div3A_986 = arith.divf %select_n3A_567, %div3A_985 : vector<16xf32>
      %div3A_987 = arith.divf %div3A_986, %get3A_984 : vector<16xf32>
      %jit3A_988 = arith.constant 0.000000e+00 : f32
      %broadcast_in_dim3A_989 = vector.broadcast %jit3A_988 : f32 to vector<16xf32>
      %select_n3A_990 = arith.select %and3A_842, %div3A_987, %broadcast_in_dim3A_989 : vector<16xi1>, vector<16xf32>
      %max3A_991 = arith.maximumf %max3A_982, %select_n3A_990 : vector<16xf32>
      %get3A_992 = arith.constant 32 : index
      %get3A_993 = tpu.vector_load %arg16[%get3A_992] {strides = array<i32>} : memref<128xf32, #tpu.memory_space<vmem>>, vector<16xf32>,
      %div3A_994 = vector.broadcast %add3A_971 : f32 to vector<16xf32>
      %div3A_995 = arith.divf %select_n3A_574, %div3A_994 : vector<16xf32>
      %div3A_996 = arith.divf %div3A_995, %get3A_993 : vector<16xf32>
      %jit3A_997 = arith.constant 0.000000e+00 : f32
      %broadcast_in_dim3A_998 = vector.broadcast %jit3A_997 : f32 to vector<16xf32>
      %select_n3A_999 = arith.select %and3A_855, %div3A_996, %broadcast_in_dim3A_998 : vector<16xi1>, vector<16xf32>
      %max3A_1000 = arith.maximumf %max3A_991, %select_n3A_999 : vector<16xf32>
      %get3A_1001 = arith.constant 48 : index
      %get3A_1002 = tpu.vector_load %arg16[%get3A_1001] {strides = array<i32>} : memref<128xf32, #tpu.memory_space<vmem>>, vector<16xf32>,
      %div3A_1003 = vector.broadcast %add3A_971 : f32 to vector<16xf32>
      %div3A_1004 = arith.divf %select_n3A_581, %div3A_1003 : vector<16xf32>
      %div3A_1005 = arith.divf %div3A_1004, %get3A_1002 : vector<16xf32>
      %jit3A_1006 = arith.constant 0.000000e+00 : f32
      %broadcast_in_dim3A_1007 = vector.broadcast %jit3A_1006 : f32 to vector<16xf32>
      %select_n3A_1008 = arith.select %and3A_868, %div3A_1005, %broadcast_in_dim3A_1007 : vector<16xi1>, vector<16xf32>
      %max3A_1009 = arith.maximumf %max3A_1000, %select_n3A_1008 : vector<16xf32>
      %get3A_1010 = arith.constant 64 : index
      %get3A_1011 = tpu.vector_load %arg16[%get3A_1010] {strides = array<i32>} : memref<128xf32, #tpu.memory_space<vmem>>, vector<16xf32>,
      %div3A_1012 = vector.broadcast %add3A_971 : f32 to vector<16xf32>
      %div3A_1013 = arith.divf %select_n3A_588, %div3A_1012 : vector<16xf32>
      %div3A_1014 = arith.divf %div3A_1013, %get3A_1011 : vector<16xf32>
      %jit3A_1015 = arith.constant 0.000000e+00 : f32
      %broadcast_in_dim3A_1016 = vector.broadcast %jit3A_1015 : f32 to vector<16xf32>
      %select_n3A_1017 = arith.select %and3A_881, %div3A_1014, %broadcast_in_dim3A_1016 : vector<16xi1>, vector<16xf32>
      %max3A_1018 = arith.maximumf %max3A_1009, %select_n3A_1017 : vector<16xf32>
      %get3A_1019 = arith.constant 80 : index
      %get3A_1020 = tpu.vector_load %arg16[%get3A_1019] {strides = array<i32>} : memref<128xf32, #tpu.memory_space<vmem>>, vector<16xf32>,
      %div3A_1021 = vector.broadcast %add3A_971 : f32 to vector<16xf32>
      %div3A_1022 = arith.divf %select_n3A_595, %div3A_1021 : vector<16xf32>
      %div3A_1023 = arith.divf %div3A_1022, %get3A_1020 : vector<16xf32>
      %jit3A_1024 = arith.constant 0.000000e+00 : f32
      %broadcast_in_dim3A_1025 = vector.broadcast %jit3A_1024 : f32 to vector<16xf32>
      %select_n3A_1026 = arith.select %and3A_894, %div3A_1023, %broadcast_in_dim3A_1025 : vector<16xi1>, vector<16xf32>
      %max3A_1027 = arith.maximumf %max3A_1018, %select_n3A_1026 : vector<16xf32>
      %get3A_1028 = arith.constant 96 : index
      %get3A_1029 = tpu.vector_load %arg16[%get3A_1028] {strides = array<i32>} : memref<128xf32, #tpu.memory_space<vmem>>, vector<16xf32>,
      %div3A_1030 = vector.broadcast %add3A_971 : f32 to vector<16xf32>
      %div3A_1031 = arith.divf %select_n3A_602, %div3A_1030 : vector<16xf32>
      %div3A_1032 = arith.divf %div3A_1031, %get3A_1029 : vector<16xf32>
      %jit3A_1033 = arith.constant 0.000000e+00 : f32
      %broadcast_in_dim3A_1034 = vector.broadcast %jit3A_1033 : f32 to vector<16xf32>
      %select_n3A_1035 = arith.select %and3A_907, %div3A_1032, %broadcast_in_dim3A_1034 : vector<16xi1>, vector<16xf32>
      %max3A_1036 = arith.maximumf %max3A_1027, %select_n3A_1035 : vector<16xf32>
      %get3A_1037 = arith.constant 112 : index
      %get3A_1038 = tpu.vector_load %arg16[%get3A_1037] {strides = array<i32>} : memref<128xf32, #tpu.memory_space<vmem>>, vector<16xf32>,
      %div3A_1039 = vector.broadcast %add3A_971 : f32 to vector<16xf32>
      %div3A_1040 = arith.divf %select_n3A_609, %div3A_1039 : vector<16xf32>
      %div3A_1041 = arith.divf %div3A_1040, %get3A_1038 : vector<16xf32>
      %jit3A_1042 = arith.constant 0.000000e+00 : f32
      %broadcast_in_dim3A_1043 = vector.broadcast %jit3A_1042 : f32 to vector<16xf32>
      %select_n3A_1044 = arith.select %and3A_920, %div3A_1041, %broadcast_in_dim3A_1043 : vector<16xi1>, vector<16xf32>
      %max3A_1045 = arith.maximumf %max3A_1036, %select_n3A_1044 : vector<16xf32>
      %slice3A_1046 = vector.extract_strided_slice %max3A_1045 {offsets = [0], sizes = [1], strides = [1]} : vector<16xf32> to vector<1xf32>
      %squeeze3A_1047 = vector.extract %slice3A_1046[0] : f32 from vector<1xf32>
      %slice3A_1048 = vector.extract_strided_slice %max3A_1045 {offsets = [1], sizes = [1], strides = [1]} : vector<16xf32> to vector<1xf32>
      %squeeze3A_1049 = vector.extract %slice3A_1048[0] : f32 from vector<1xf32>
      %slice3A_1050 = vector.extract_strided_slice %max3A_1045 {offsets = [2], sizes = [1], strides = [1]} : vector<16xf32> to vector<1xf32>
      %squeeze3A_1051 = vector.extract %slice3A_1050[0] : f32 from vector<1xf32>
      %slice3A_1052 = vector.extract_strided_slice %max3A_1045 {offsets = [3], sizes = [1], strides = [1]} : vector<16xf32> to vector<1xf32>
      %squeeze3A_1053 = vector.extract %slice3A_1052[0] : f32 from vector<1xf32>
      %slice3A_1054 = vector.extract_strided_slice %max3A_1045 {offsets = [4], sizes = [1], strides = [1]} : vector<16xf32> to vector<1xf32>
      %squeeze3A_1055 = vector.extract %slice3A_1054[0] : f32 from vector<1xf32>
      %slice3A_1056 = vector.extract_strided_slice %max3A_1045 {offsets = [5], sizes = [1], strides = [1]} : vector<16xf32> to vector<1xf32>
      %squeeze3A_1057 = vector.extract %slice3A_1056[0] : f32 from vector<1xf32>
      %slice3A_1058 = vector.extract_strided_slice %max3A_1045 {offsets = [6], sizes = [1], strides = [1]} : vector<16xf32> to vector<1xf32>
      %squeeze3A_1059 = vector.extract %slice3A_1058[0] : f32 from vector<1xf32>
      %slice3A_1060 = vector.extract_strided_slice %max3A_1045 {offsets = [7], sizes = [1], strides = [1]} : vector<16xf32> to vector<1xf32>
      %squeeze3A_1061 = vector.extract %slice3A_1060[0] : f32 from vector<1xf32>
      %slice3A_1062 = vector.extract_strided_slice %max3A_1045 {offsets = [8], sizes = [1], strides = [1]} : vector<16xf32> to vector<1xf32>
      %squeeze3A_1063 = vector.extract %slice3A_1062[0] : f32 from vector<1xf32>
      %slice3A_1064 = vector.extract_strided_slice %max3A_1045 {offsets = [9], sizes = [1], strides = [1]} : vector<16xf32> to vector<1xf32>
      %squeeze3A_1065 = vector.extract %slice3A_1064[0] : f32 from vector<1xf32>
      %slice3A_1066 = vector.extract_strided_slice %max3A_1045 {offsets = [10], sizes = [1], strides = [1]} : vector<16xf32> to vector<1xf32>
      %squeeze3A_1067 = vector.extract %slice3A_1066[0] : f32 from vector<1xf32>
      %slice3A_1068 = vector.extract_strided_slice %max3A_1045 {offsets = [11], sizes = [1], strides = [1]} : vector<16xf32> to vector<1xf32>
      %squeeze3A_1069 = vector.extract %slice3A_1068[0] : f32 from vector<1xf32>
      %slice3A_1070 = vector.extract_strided_slice %max3A_1045 {offsets = [12], sizes = [1], strides = [1]} : vector<16xf32> to vector<1xf32>
      %squeeze3A_1071 = vector.extract %slice3A_1070[0] : f32 from vector<1xf32>
      %slice3A_1072 = vector.extract_strided_slice %max3A_1045 {offsets = [13], sizes = [1], strides = [1]} : vector<16xf32> to vector<1xf32>
      %squeeze3A_1073 = vector.extract %slice3A_1072[0] : f32 from vector<1xf32>
      %slice3A_1074 = vector.extract_strided_slice %max3A_1045 {offsets = [14], sizes = [1], strides = [1]} : vector<16xf32> to vector<1xf32>
      %squeeze3A_1075 = vector.extract %slice3A_1074[0] : f32 from vector<1xf32>
      %slice3A_1076 = vector.extract_strided_slice %max3A_1045 {offsets = [15], sizes = [1], strides = [1]} : vector<16xf32> to vector<1xf32>
      %squeeze3A_1077 = vector.extract %slice3A_1076[0] : f32 from vector<1xf32>
      %max3A_1078 = arith.maximumf %squeeze3A_1047, %squeeze3A_1049 : f32
      %max3A_1079 = arith.maximumf %squeeze3A_1051, %squeeze3A_1053 : f32
      %max3A_1080 = arith.maximumf %squeeze3A_1055, %squeeze3A_1057 : f32
      %max3A_1081 = arith.maximumf %squeeze3A_1059, %squeeze3A_1061 : f32
      %max3A_1082 = arith.maximumf %squeeze3A_1063, %squeeze3A_1065 : f32
      %max3A_1083 = arith.maximumf %squeeze3A_1067, %squeeze3A_1069 : f32
      %max3A_1084 = arith.maximumf %squeeze3A_1071, %squeeze3A_1073 : f32
      %max3A_1085 = arith.maximumf %squeeze3A_1075, %squeeze3A_1077 : f32
      %max3A_1086 = arith.maximumf %max3A_1078, %max3A_1079 : f32
      %max3A_1087 = arith.maximumf %max3A_1080, %max3A_1081 : f32
      %max3A_1088 = arith.maximumf %max3A_1082, %max3A_1083 : f32
      %max3A_1089 = arith.maximumf %max3A_1084, %max3A_1085 : f32
      %max3A_1090 = arith.maximumf %max3A_1086, %max3A_1087 : f32
      %max3A_1091 = arith.maximumf %max3A_1088, %max3A_1089 : f32
      %max3A_1092 = arith.maximumf %max3A_1090, %max3A_1091 : f32
      %broadcast_in_dim3A_1093 = arith.constant 1.000000e+05 : f32
      %broadcast_in_dim3A_1094 = vector.broadcast %broadcast_in_dim3A_1093 : f32 to vector<16xf32>
      %broadcast_in_dim3A_1095 = arith.constant 1.000000e+05 : f32
      %broadcast_in_dim3A_1096 = vector.broadcast %broadcast_in_dim3A_1095 : f32 to vector<16xf32>
      %eq3A_1097 = vector.broadcast %max3A_1092 : f32 to vector<16xf32>
      %eq3A_1098 = arith.cmpf oeq, %select_n3A_981, %eq3A_1097 : vector<16xf32>
      %and3A_1099 = arith.andi %and3A_829, %eq3A_1098 : vector<16xi1>
      %jit3A_1100 = arith.constant 1.000000e+05 : f32
      %broadcast_in_dim3A_1101 = vector.broadcast %jit3A_1100 : f32 to vector<16xf32>
      %select_n3A_1102 = arith.select %and3A_1099, %convert_element_type3A_267, %broadcast_in_dim3A_1101 : vector<16xi1>, vector<16xf32>
      %min3A_1103 = arith.minimumf %broadcast_in_dim3A_1094, %select_n3A_1102 : vector<16xf32>
      %not3A = arith.constant dense<true> : vector<16xi1>
      %not3A_1104 = arith.xori %and3A_829, %not3A : vector<16xi1>
      %and3A_1105 = arith.andi %lt3A_259, %not3A_1104 : vector<16xi1>
      %eq3A_1106 = arith.constant 0.000000e+00 : f32
      %eq3A_1107 = vector.broadcast %eq3A_1106 : f32 to vector<16xf32>
      %eq3A_1108 = arith.cmpf oeq, %get3A_975, %eq3A_1107 : vector<16xf32>
      %and3A_1109 = arith.andi %and3A_1105, %eq3A_1108 : vector<16xi1>
      %jit3A_1110 = arith.constant 1.000000e+05 : f32
      %broadcast_in_dim3A_1111 = vector.broadcast %jit3A_1110 : f32 to vector<16xf32>
      %select_n3A_1112 = arith.select %and3A_1109, %convert_element_type3A_267, %broadcast_in_dim3A_1111 : vector<16xi1>, vector<16xf32>
      %min3A_1113 = arith.minimumf %broadcast_in_dim3A_1096, %select_n3A_1112 : vector<16xf32>
      %eq3A_1114 = vector.broadcast %max3A_1092 : f32 to vector<16xf32>
      %eq3A_1115 = arith.cmpf oeq, %select_n3A_990, %eq3A_1114 : vector<16xf32>
      %and3A_1116 = arith.andi %and3A_842, %eq3A_1115 : vector<16xi1>
      %jit3A_1117 = arith.constant 1.000000e+05 : f32
      %broadcast_in_dim3A_1118 = vector.broadcast %jit3A_1117 : f32 to vector<16xf32>
      %select_n3A_1119 = arith.select %and3A_1116, %convert_element_type3A_298, %broadcast_in_dim3A_1118 : vector<16xi1>, vector<16xf32>
      %min3A_1120 = arith.minimumf %min3A_1103, %select_n3A_1119 : vector<16xf32>
      %not3A_1121 = arith.constant dense<true> : vector<16xi1>
      %not3A_1122 = arith.xori %and3A_842, %not3A_1121 : vector<16xi1>
      %and3A_1123 = arith.andi %lt3A_289, %not3A_1122 : vector<16xi1>
      %eq3A_1124 = arith.constant 0.000000e+00 : f32
      %eq3A_1125 = vector.broadcast %eq3A_1124 : f32 to vector<16xf32>
      %eq3A_1126 = arith.cmpf oeq, %get3A_984, %eq3A_1125 : vector<16xf32>
      %and3A_1127 = arith.andi %and3A_1123, %eq3A_1126 : vector<16xi1>
      %jit3A_1128 = arith.constant 1.000000e+05 : f32
      %broadcast_in_dim3A_1129 = vector.broadcast %jit3A_1128 : f32 to vector<16xf32>
      %select_n3A_1130 = arith.select %and3A_1127, %convert_element_type3A_298, %broadcast_in_dim3A_1129 : vector<16xi1>, vector<16xf32>
      %min3A_1131 = arith.minimumf %min3A_1113, %select_n3A_1130 : vector<16xf32>
      %eq3A_1132 = vector.broadcast %max3A_1092 : f32 to vector<16xf32>
      %eq3A_1133 = arith.cmpf oeq, %select_n3A_999, %eq3A_1132 : vector<16xf32>
      %and3A_1134 = arith.andi %and3A_855, %eq3A_1133 : vector<16xi1>
      %jit3A_1135 = arith.constant 1.000000e+05 : f32
      %broadcast_in_dim3A_1136 = vector.broadcast %jit3A_1135 : f32 to vector<16xf32>
      %select_n3A_1137 = arith.select %and3A_1134, %convert_element_type3A_330, %broadcast_in_dim3A_1136 : vector<16xi1>, vector<16xf32>
      %min3A_1138 = arith.minimumf %min3A_1120, %select_n3A_1137 : vector<16xf32>
      %not3A_1139 = arith.constant dense<true> : vector<16xi1>
      %not3A_1140 = arith.xori %and3A_855, %not3A_1139 : vector<16xi1>
      %and3A_1141 = arith.andi %lt3A_321, %not3A_1140 : vector<16xi1>
      %eq3A_1142 = arith.constant 0.000000e+00 : f32
      %eq3A_1143 = vector.broadcast %eq3A_1142 : f32 to vector<16xf32>
      %eq3A_1144 = arith.cmpf oeq, %get3A_993, %eq3A_1143 : vector<16xf32>
      %and3A_1145 = arith.andi %and3A_1141, %eq3A_1144 : vector<16xi1>
      %jit3A_1146 = arith.constant 1.000000e+05 : f32
      %broadcast_in_dim3A_1147 = vector.broadcast %jit3A_1146 : f32 to vector<16xf32>
      %select_n3A_1148 = arith.select %and3A_1145, %convert_element_type3A_330, %broadcast_in_dim3A_1147 : vector<16xi1>, vector<16xf32>
      %min3A_1149 = arith.minimumf %min3A_1131, %select_n3A_1148 : vector<16xf32>
      %eq3A_1150 = vector.broadcast %max3A_1092 : f32 to vector<16xf32>
      %eq3A_1151 = arith.cmpf oeq, %select_n3A_1008, %eq3A_1150 : vector<16xf32>
      %and3A_1152 = arith.andi %and3A_868, %eq3A_1151 : vector<16xi1>
      %jit3A_1153 = arith.constant 1.000000e+05 : f32
      %broadcast_in_dim3A_1154 = vector.broadcast %jit3A_1153 : f32 to vector<16xf32>
      %select_n3A_1155 = arith.select %and3A_1152, %convert_element_type3A_362, %broadcast_in_dim3A_1154 : vector<16xi1>, vector<16xf32>
      %min3A_1156 = arith.minimumf %min3A_1138, %select_n3A_1155 : vector<16xf32>
      %not3A_1157 = arith.constant dense<true> : vector<16xi1>
      %not3A_1158 = arith.xori %and3A_868, %not3A_1157 : vector<16xi1>
      %and3A_1159 = arith.andi %lt3A_353, %not3A_1158 : vector<16xi1>
      %eq3A_1160 = arith.constant 0.000000e+00 : f32
      %eq3A_1161 = vector.broadcast %eq3A_1160 : f32 to vector<16xf32>
      %eq3A_1162 = arith.cmpf oeq, %get3A_1002, %eq3A_1161 : vector<16xf32>
      %and3A_1163 = arith.andi %and3A_1159, %eq3A_1162 : vector<16xi1>
      %jit3A_1164 = arith.constant 1.000000e+05 : f32
      %broadcast_in_dim3A_1165 = vector.broadcast %jit3A_1164 : f32 to vector<16xf32>
      %select_n3A_1166 = arith.select %and3A_1163, %convert_element_type3A_362, %broadcast_in_dim3A_1165 : vector<16xi1>, vector<16xf32>
      %min3A_1167 = arith.minimumf %min3A_1149, %select_n3A_1166 : vector<16xf32>
      %eq3A_1168 = vector.broadcast %max3A_1092 : f32 to vector<16xf32>
      %eq3A_1169 = arith.cmpf oeq, %select_n3A_1017, %eq3A_1168 : vector<16xf32>
      %and3A_1170 = arith.andi %and3A_881, %eq3A_1169 : vector<16xi1>
      %jit3A_1171 = arith.constant 1.000000e+05 : f32
      %broadcast_in_dim3A_1172 = vector.broadcast %jit3A_1171 : f32 to vector<16xf32>
      %select_n3A_1173 = arith.select %and3A_1170, %convert_element_type3A_394, %broadcast_in_dim3A_1172 : vector<16xi1>, vector<16xf32>
      %min3A_1174 = arith.minimumf %min3A_1156, %select_n3A_1173 : vector<16xf32>
      %not3A_1175 = arith.constant dense<true> : vector<16xi1>
      %not3A_1176 = arith.xori %and3A_881, %not3A_1175 : vector<16xi1>
      %and3A_1177 = arith.andi %lt3A_385, %not3A_1176 : vector<16xi1>
      %eq3A_1178 = arith.constant 0.000000e+00 : f32
      %eq3A_1179 = vector.broadcast %eq3A_1178 : f32 to vector<16xf32>
      %eq3A_1180 = arith.cmpf oeq, %get3A_1011, %eq3A_1179 : vector<16xf32>
      %and3A_1181 = arith.andi %and3A_1177, %eq3A_1180 : vector<16xi1>
      %jit3A_1182 = arith.constant 1.000000e+05 : f32
      %broadcast_in_dim3A_1183 = vector.broadcast %jit3A_1182 : f32 to vector<16xf32>
      %select_n3A_1184 = arith.select %and3A_1181, %convert_element_type3A_394, %broadcast_in_dim3A_1183 : vector<16xi1>, vector<16xf32>
      %min3A_1185 = arith.minimumf %min3A_1167, %select_n3A_1184 : vector<16xf32>
      %eq3A_1186 = vector.broadcast %max3A_1092 : f32 to vector<16xf32>
      %eq3A_1187 = arith.cmpf oeq, %select_n3A_1026, %eq3A_1186 : vector<16xf32>
      %and3A_1188 = arith.andi %and3A_894, %eq3A_1187 : vector<16xi1>
      %jit3A_1189 = arith.constant 1.000000e+05 : f32
      %broadcast_in_dim3A_1190 = vector.broadcast %jit3A_1189 : f32 to vector<16xf32>
      %select_n3A_1191 = arith.select %and3A_1188, %convert_element_type3A_426, %broadcast_in_dim3A_1190 : vector<16xi1>, vector<16xf32>
      %min3A_1192 = arith.minimumf %min3A_1174, %select_n3A_1191 : vector<16xf32>
      %not3A_1193 = arith.constant dense<true> : vector<16xi1>
      %not3A_1194 = arith.xori %and3A_894, %not3A_1193 : vector<16xi1>
      %and3A_1195 = arith.andi %lt3A_417, %not3A_1194 : vector<16xi1>
      %eq3A_1196 = arith.constant 0.000000e+00 : f32
      %eq3A_1197 = vector.broadcast %eq3A_1196 : f32 to vector<16xf32>
      %eq3A_1198 = arith.cmpf oeq, %get3A_1020, %eq3A_1197 : vector<16xf32>
      %and3A_1199 = arith.andi %and3A_1195, %eq3A_1198 : vector<16xi1>
      %jit3A_1200 = arith.constant 1.000000e+05 : f32
      %broadcast_in_dim3A_1201 = vector.broadcast %jit3A_1200 : f32 to vector<16xf32>
      %select_n3A_1202 = arith.select %and3A_1199, %convert_element_type3A_426, %broadcast_in_dim3A_1201 : vector<16xi1>, vector<16xf32>
      %min3A_1203 = arith.minimumf %min3A_1185, %select_n3A_1202 : vector<16xf32>
      %eq3A_1204 = vector.broadcast %max3A_1092 : f32 to vector<16xf32>
      %eq3A_1205 = arith.cmpf oeq, %select_n3A_1035, %eq3A_1204 : vector<16xf32>
      %and3A_1206 = arith.andi %and3A_907, %eq3A_1205 : vector<16xi1>
      %jit3A_1207 = arith.constant 1.000000e+05 : f32
      %broadcast_in_dim3A_1208 = vector.broadcast %jit3A_1207 : f32 to vector<16xf32>
      %select_n3A_1209 = arith.select %and3A_1206, %convert_element_type3A_458, %broadcast_in_dim3A_1208 : vector<16xi1>, vector<16xf32>
      %min3A_1210 = arith.minimumf %min3A_1192, %select_n3A_1209 : vector<16xf32>
      %not3A_1211 = arith.constant dense<true> : vector<16xi1>
      %not3A_1212 = arith.xori %and3A_907, %not3A_1211 : vector<16xi1>
      %and3A_1213 = arith.andi %lt3A_449, %not3A_1212 : vector<16xi1>
      %eq3A_1214 = arith.constant 0.000000e+00 : f32
      %eq3A_1215 = vector.broadcast %eq3A_1214 : f32 to vector<16xf32>
      %eq3A_1216 = arith.cmpf oeq, %get3A_1029, %eq3A_1215 : vector<16xf32>
      %and3A_1217 = arith.andi %and3A_1213, %eq3A_1216 : vector<16xi1>
      %jit3A_1218 = arith.constant 1.000000e+05 : f32
      %broadcast_in_dim3A_1219 = vector.broadcast %jit3A_1218 : f32 to vector<16xf32>
      %select_n3A_1220 = arith.select %and3A_1217, %convert_element_type3A_458, %broadcast_in_dim3A_1219 : vector<16xi1>, vector<16xf32>
      %min3A_1221 = arith.minimumf %min3A_1203, %select_n3A_1220 : vector<16xf32>
      %eq3A_1222 = vector.broadcast %max3A_1092 : f32 to vector<16xf32>
      %eq3A_1223 = arith.cmpf oeq, %select_n3A_1044, %eq3A_1222 : vector<16xf32>
      %and3A_1224 = arith.andi %and3A_920, %eq3A_1223 : vector<16xi1>
      %jit3A_1225 = arith.constant 1.000000e+05 : f32
      %broadcast_in_dim3A_1226 = vector.broadcast %jit3A_1225 : f32 to vector<16xf32>
      %select_n3A_1227 = arith.select %and3A_1224, %convert_element_type3A_490, %broadcast_in_dim3A_1226 : vector<16xi1>, vector<16xf32>
      %min3A_1228 = arith.minimumf %min3A_1210, %select_n3A_1227 : vector<16xf32>
      %not3A_1229 = arith.constant dense<true> : vector<16xi1>
      %not3A_1230 = arith.xori %and3A_920, %not3A_1229 : vector<16xi1>
      %and3A_1231 = arith.andi %lt3A_481, %not3A_1230 : vector<16xi1>
      %eq3A_1232 = arith.constant 0.000000e+00 : f32
      %eq3A_1233 = vector.broadcast %eq3A_1232 : f32 to vector<16xf32>
      %eq3A_1234 = arith.cmpf oeq, %get3A_1038, %eq3A_1233 : vector<16xf32>
      %and3A_1235 = arith.andi %and3A_1231, %eq3A_1234 : vector<16xi1>
      %jit3A_1236 = arith.constant 1.000000e+05 : f32
      %broadcast_in_dim3A_1237 = vector.broadcast %jit3A_1236 : f32 to vector<16xf32>
      %select_n3A_1238 = arith.select %and3A_1235, %convert_element_type3A_490, %broadcast_in_dim3A_1237 : vector<16xi1>, vector<16xf32>
      %min3A_1239 = arith.minimumf %min3A_1221, %select_n3A_1238 : vector<16xf32>
      %slice3A_1240 = vector.extract_strided_slice %min3A_1228 {offsets = [0], sizes = [1], strides = [1]} : vector<16xf32> to vector<1xf32>
      %squeeze3A_1241 = vector.extract %slice3A_1240[0] : f32 from vector<1xf32>
      %slice3A_1242 = vector.extract_strided_slice %min3A_1228 {offsets = [1], sizes = [1], strides = [1]} : vector<16xf32> to vector<1xf32>
      %squeeze3A_1243 = vector.extract %slice3A_1242[0] : f32 from vector<1xf32>
      %slice3A_1244 = vector.extract_strided_slice %min3A_1228 {offsets = [2], sizes = [1], strides = [1]} : vector<16xf32> to vector<1xf32>
      %squeeze3A_1245 = vector.extract %slice3A_1244[0] : f32 from vector<1xf32>
      %slice3A_1246 = vector.extract_strided_slice %min3A_1228 {offsets = [3], sizes = [1], strides = [1]} : vector<16xf32> to vector<1xf32>
      %squeeze3A_1247 = vector.extract %slice3A_1246[0] : f32 from vector<1xf32>
      %slice3A_1248 = vector.extract_strided_slice %min3A_1228 {offsets = [4], sizes = [1], strides = [1]} : vector<16xf32> to vector<1xf32>
      %squeeze3A_1249 = vector.extract %slice3A_1248[0] : f32 from vector<1xf32>
      %slice3A_1250 = vector.extract_strided_slice %min3A_1228 {offsets = [5], sizes = [1], strides = [1]} : vector<16xf32> to vector<1xf32>
      %squeeze3A_1251 = vector.extract %slice3A_1250[0] : f32 from vector<1xf32>
      %slice3A_1252 = vector.extract_strided_slice %min3A_1228 {offsets = [6], sizes = [1], strides = [1]} : vector<16xf32> to vector<1xf32>
      %squeeze3A_1253 = vector.extract %slice3A_1252[0] : f32 from vector<1xf32>
      %slice3A_1254 = vector.extract_strided_slice %min3A_1228 {offsets = [7], sizes = [1], strides = [1]} : vector<16xf32> to vector<1xf32>
      %squeeze3A_1255 = vector.extract %slice3A_1254[0] : f32 from vector<1xf32>
      %slice3A_1256 = vector.extract_strided_slice %min3A_1228 {offsets = [8], sizes = [1], strides = [1]} : vector<16xf32> to vector<1xf32>
      %squeeze3A_1257 = vector.extract %slice3A_1256[0] : f32 from vector<1xf32>
      %slice3A_1258 = vector.extract_strided_slice %min3A_1228 {offsets = [9], sizes = [1], strides = [1]} : vector<16xf32> to vector<1xf32>
      %squeeze3A_1259 = vector.extract %slice3A_1258[0] : f32 from vector<1xf32>
      %slice3A_1260 = vector.extract_strided_slice %min3A_1228 {offsets = [10], sizes = [1], strides = [1]} : vector<16xf32> to vector<1xf32>
      %squeeze3A_1261 = vector.extract %slice3A_1260[0] : f32 from vector<1xf32>
      %slice3A_1262 = vector.extract_strided_slice %min3A_1228 {offsets = [11], sizes = [1], strides = [1]} : vector<16xf32> to vector<1xf32>
      %squeeze3A_1263 = vector.extract %slice3A_1262[0] : f32 from vector<1xf32>
      %slice3A_1264 = vector.extract_strided_slice %min3A_1228 {offsets = [12], sizes = [1], strides = [1]} : vector<16xf32> to vector<1xf32>
      %squeeze3A_1265 = vector.extract %slice3A_1264[0] : f32 from vector<1xf32>
      %slice3A_1266 = vector.extract_strided_slice %min3A_1228 {offsets = [13], sizes = [1], strides = [1]} : vector<16xf32> to vector<1xf32>
      %squeeze3A_1267 = vector.extract %slice3A_1266[0] : f32 from vector<1xf32>
      %slice3A_1268 = vector.extract_strided_slice %min3A_1228 {offsets = [14], sizes = [1], strides = [1]} : vector<16xf32> to vector<1xf32>
      %squeeze3A_1269 = vector.extract %slice3A_1268[0] : f32 from vector<1xf32>
      %slice3A_1270 = vector.extract_strided_slice %min3A_1228 {offsets = [15], sizes = [1], strides = [1]} : vector<16xf32> to vector<1xf32>
      %squeeze3A_1271 = vector.extract %slice3A_1270[0] : f32 from vector<1xf32>
      %min3A_1272 = arith.minimumf %squeeze3A_1241, %squeeze3A_1243 : f32
      %min3A_1273 = arith.minimumf %squeeze3A_1245, %squeeze3A_1247 : f32
      %min3A_1274 = arith.minimumf %squeeze3A_1249, %squeeze3A_1251 : f32
      %min3A_1275 = arith.minimumf %squeeze3A_1253, %squeeze3A_1255 : f32
      %min3A_1276 = arith.minimumf %squeeze3A_1257, %squeeze3A_1259 : f32
      %min3A_1277 = arith.minimumf %squeeze3A_1261, %squeeze3A_1263 : f32
      %min3A_1278 = arith.minimumf %squeeze3A_1265, %squeeze3A_1267 : f32
      %min3A_1279 = arith.minimumf %squeeze3A_1269, %squeeze3A_1271 : f32
      %min3A_1280 = arith.minimumf %min3A_1272, %min3A_1273 : f32
      %min3A_1281 = arith.minimumf %min3A_1274, %min3A_1275 : f32
      %min3A_1282 = arith.minimumf %min3A_1276, %min3A_1277 : f32
      %min3A_1283 = arith.minimumf %min3A_1278, %min3A_1279 : f32
      %min3A_1284 = arith.minimumf %min3A_1280, %min3A_1281 : f32
      %min3A_1285 = arith.minimumf %min3A_1282, %min3A_1283 : f32
      %min3A_1286 = arith.minimumf %min3A_1284, %min3A_1285 : f32
      %convert_element_type3A_1287 = arith.fptosi %min3A_1286 : f32 to i32
      %broadcast_in_dim3A_1288 = arith.constant 0 : i32
      %broadcast_in_dim3A_1289 = vector.broadcast %broadcast_in_dim3A_1288 : i32 to vector<16xi32>
      %broadcast_in_dim3A_1290 = arith.constant 0 : i32
      %broadcast_in_dim3A_1291 = vector.broadcast %broadcast_in_dim3A_1290 : i32 to vector<16xi32>
      %eq3A_1292 = vector.broadcast %scan3A_248#0 : i32 to vector<16xi32>
      %eq3A_1293 = arith.cmpi eq, %get3A_255, %eq3A_1292 : vector<16xi32>
      %and3A_1294 = arith.andi %lt3A_259, %eq3A_1293 : vector<16xi1>
      %jit3A_1295 = arith.constant 1 : i32
      %jit3A_1296 = arith.constant 0 : i32
      %broadcast_in_dim3A_1297 = vector.broadcast %jit3A_1295 : i32 to vector<16xi32>
      %broadcast_in_dim3A_1298 = vector.broadcast %jit3A_1296 : i32 to vector<16xi32>
      %select_n3A_1299 = arith.select %and3A_1294, %broadcast_in_dim3A_1297, %broadcast_in_dim3A_1298 : vector<16xi1>, vector<16xi32>
      %max3A_1300 = arith.maxsi %broadcast_in_dim3A_1289, %select_n3A_1299 : vector<16xi32>
      %eq3A_1301 = vector.broadcast %scan3A_248#1 : i32 to vector<16xi32>
      %eq3A_1302 = arith.cmpi eq, %get3A_255, %eq3A_1301 : vector<16xi32>
      %and3A_1303 = arith.andi %lt3A_259, %eq3A_1302 : vector<16xi1>
      %jit3A_1304 = arith.constant 1 : i32
      %jit3A_1305 = arith.constant 0 : i32
      %broadcast_in_dim3A_1306 = vector.broadcast %jit3A_1304 : i32 to vector<16xi32>
      %broadcast_in_dim3A_1307 = vector.broadcast %jit3A_1305 : i32 to vector<16xi32>
      %select_n3A_1308 = arith.select %and3A_1303, %broadcast_in_dim3A_1306, %broadcast_in_dim3A_1307 : vector<16xi1>, vector<16xi32>
      %max3A_1309 = arith.maxsi %broadcast_in_dim3A_1291, %select_n3A_1308 : vector<16xi32>
      %eq3A_1310 = vector.broadcast %scan3A_248#0 : i32 to vector<16xi32>
      %eq3A_1311 = arith.cmpi eq, %get3A_284, %eq3A_1310 : vector<16xi32>
      %and3A_1312 = arith.andi %lt3A_289, %eq3A_1311 : vector<16xi1>
      %jit3A_1313 = arith.constant 1 : i32
      %jit3A_1314 = arith.constant 0 : i32
      %broadcast_in_dim3A_1315 = vector.broadcast %jit3A_1313 : i32 to vector<16xi32>
      %broadcast_in_dim3A_1316 = vector.broadcast %jit3A_1314 : i32 to vector<16xi32>
      %select_n3A_1317 = arith.select %and3A_1312, %broadcast_in_dim3A_1315, %broadcast_in_dim3A_1316 : vector<16xi1>, vector<16xi32>
      %max3A_1318 = arith.maxsi %max3A_1300, %select_n3A_1317 : vector<16xi32>
      %eq3A_1319 = vector.broadcast %scan3A_248#1 : i32 to vector<16xi32>
      %eq3A_1320 = arith.cmpi eq, %get3A_284, %eq3A_1319 : vector<16xi32>
      %and3A_1321 = arith.andi %lt3A_289, %eq3A_1320 : vector<16xi1>
      %jit3A_1322 = arith.constant 1 : i32
      %jit3A_1323 = arith.constant 0 : i32
      %broadcast_in_dim3A_1324 = vector.broadcast %jit3A_1322 : i32 to vector<16xi32>
      %broadcast_in_dim3A_1325 = vector.broadcast %jit3A_1323 : i32 to vector<16xi32>
      %select_n3A_1326 = arith.select %and3A_1321, %broadcast_in_dim3A_1324, %broadcast_in_dim3A_1325 : vector<16xi1>, vector<16xi32>
      %max3A_1327 = arith.maxsi %max3A_1309, %select_n3A_1326 : vector<16xi32>
      %eq3A_1328 = vector.broadcast %scan3A_248#0 : i32 to vector<16xi32>
      %eq3A_1329 = arith.cmpi eq, %get3A_316, %eq3A_1328 : vector<16xi32>
      %and3A_1330 = arith.andi %lt3A_321, %eq3A_1329 : vector<16xi1>
      %jit3A_1331 = arith.constant 1 : i32
      %jit3A_1332 = arith.constant 0 : i32
      %broadcast_in_dim3A_1333 = vector.broadcast %jit3A_1331 : i32 to vector<16xi32>
      %broadcast_in_dim3A_1334 = vector.broadcast %jit3A_1332 : i32 to vector<16xi32>
      %select_n3A_1335 = arith.select %and3A_1330, %broadcast_in_dim3A_1333, %broadcast_in_dim3A_1334 : vector<16xi1>, vector<16xi32>
      %max3A_1336 = arith.maxsi %max3A_1318, %select_n3A_1335 : vector<16xi32>
      %eq3A_1337 = vector.broadcast %scan3A_248#1 : i32 to vector<16xi32>
      %eq3A_1338 = arith.cmpi eq, %get3A_316, %eq3A_1337 : vector<16xi32>
      %and3A_1339 = arith.andi %lt3A_321, %eq3A_1338 : vector<16xi1>
      %jit3A_1340 = arith.constant 1 : i32
      %jit3A_1341 = arith.constant 0 : i32
      %broadcast_in_dim3A_1342 = vector.broadcast %jit3A_1340 : i32 to vector<16xi32>
      %broadcast_in_dim3A_1343 = vector.broadcast %jit3A_1341 : i32 to vector<16xi32>
      %select_n3A_1344 = arith.select %and3A_1339, %broadcast_in_dim3A_1342, %broadcast_in_dim3A_1343 : vector<16xi1>, vector<16xi32>
      %max3A_1345 = arith.maxsi %max3A_1327, %select_n3A_1344 : vector<16xi32>
      %eq3A_1346 = vector.broadcast %scan3A_248#0 : i32 to vector<16xi32>
      %eq3A_1347 = arith.cmpi eq, %get3A_348, %eq3A_1346 : vector<16xi32>
      %and3A_1348 = arith.andi %lt3A_353, %eq3A_1347 : vector<16xi1>
      %jit3A_1349 = arith.constant 1 : i32
      %jit3A_1350 = arith.constant 0 : i32
      %broadcast_in_dim3A_1351 = vector.broadcast %jit3A_1349 : i32 to vector<16xi32>
      %broadcast_in_dim3A_1352 = vector.broadcast %jit3A_1350 : i32 to vector<16xi32>
      %select_n3A_1353 = arith.select %and3A_1348, %broadcast_in_dim3A_1351, %broadcast_in_dim3A_1352 : vector<16xi1>, vector<16xi32>
      %max3A_1354 = arith.maxsi %max3A_1336, %select_n3A_1353 : vector<16xi32>
      %eq3A_1355 = vector.broadcast %scan3A_248#1 : i32 to vector<16xi32>
      %eq3A_1356 = arith.cmpi eq, %get3A_348, %eq3A_1355 : vector<16xi32>
      %and3A_1357 = arith.andi %lt3A_353, %eq3A_1356 : vector<16xi1>
      %jit3A_1358 = arith.constant 1 : i32
      %jit3A_1359 = arith.constant 0 : i32
      %broadcast_in_dim3A_1360 = vector.broadcast %jit3A_1358 : i32 to vector<16xi32>
      %broadcast_in_dim3A_1361 = vector.broadcast %jit3A_1359 : i32 to vector<16xi32>
      %select_n3A_1362 = arith.select %and3A_1357, %broadcast_in_dim3A_1360, %broadcast_in_dim3A_1361 : vector<16xi1>, vector<16xi32>
      %max3A_1363 = arith.maxsi %max3A_1345, %select_n3A_1362 : vector<16xi32>
      %eq3A_1364 = vector.broadcast %scan3A_248#0 : i32 to vector<16xi32>
      %eq3A_1365 = arith.cmpi eq, %get3A_380, %eq3A_1364 : vector<16xi32>
      %and3A_1366 = arith.andi %lt3A_385, %eq3A_1365 : vector<16xi1>
      %jit3A_1367 = arith.constant 1 : i32
      %jit3A_1368 = arith.constant 0 : i32
      %broadcast_in_dim3A_1369 = vector.broadcast %jit3A_1367 : i32 to vector<16xi32>
      %broadcast_in_dim3A_1370 = vector.broadcast %jit3A_1368 : i32 to vector<16xi32>
      %select_n3A_1371 = arith.select %and3A_1366, %broadcast_in_dim3A_1369, %broadcast_in_dim3A_1370 : vector<16xi1>, vector<16xi32>
      %max3A_1372 = arith.maxsi %max3A_1354, %select_n3A_1371 : vector<16xi32>
      %eq3A_1373 = vector.broadcast %scan3A_248#1 : i32 to vector<16xi32>
      %eq3A_1374 = arith.cmpi eq, %get3A_380, %eq3A_1373 : vector<16xi32>
      %and3A_1375 = arith.andi %lt3A_385, %eq3A_1374 : vector<16xi1>
      %jit3A_1376 = arith.constant 1 : i32
      %jit3A_1377 = arith.constant 0 : i32
      %broadcast_in_dim3A_1378 = vector.broadcast %jit3A_1376 : i32 to vector<16xi32>
      %broadcast_in_dim3A_1379 = vector.broadcast %jit3A_1377 : i32 to vector<16xi32>
      %select_n3A_1380 = arith.select %and3A_1375, %broadcast_in_dim3A_1378, %broadcast_in_dim3A_1379 : vector<16xi1>, vector<16xi32>
      %max3A_1381 = arith.maxsi %max3A_1363, %select_n3A_1380 : vector<16xi32>
      %eq3A_1382 = vector.broadcast %scan3A_248#0 : i32 to vector<16xi32>
      %eq3A_1383 = arith.cmpi eq, %get3A_412, %eq3A_1382 : vector<16xi32>
      %and3A_1384 = arith.andi %lt3A_417, %eq3A_1383 : vector<16xi1>
      %jit3A_1385 = arith.constant 1 : i32
      %jit3A_1386 = arith.constant 0 : i32
      %broadcast_in_dim3A_1387 = vector.broadcast %jit3A_1385 : i32 to vector<16xi32>
      %broadcast_in_dim3A_1388 = vector.broadcast %jit3A_1386 : i32 to vector<16xi32>
      %select_n3A_1389 = arith.select %and3A_1384, %broadcast_in_dim3A_1387, %broadcast_in_dim3A_1388 : vector<16xi1>, vector<16xi32>
      %max3A_1390 = arith.maxsi %max3A_1372, %select_n3A_1389 : vector<16xi32>
      %eq3A_1391 = vector.broadcast %scan3A_248#1 : i32 to vector<16xi32>
      %eq3A_1392 = arith.cmpi eq, %get3A_412, %eq3A_1391 : vector<16xi32>
      %and3A_1393 = arith.andi %lt3A_417, %eq3A_1392 : vector<16xi1>
      %jit3A_1394 = arith.constant 1 : i32
      %jit3A_1395 = arith.constant 0 : i32
      %broadcast_in_dim3A_1396 = vector.broadcast %jit3A_1394 : i32 to vector<16xi32>
      %broadcast_in_dim3A_1397 = vector.broadcast %jit3A_1395 : i32 to vector<16xi32>
      %select_n3A_1398 = arith.select %and3A_1393, %broadcast_in_dim3A_1396, %broadcast_in_dim3A_1397 : vector<16xi1>, vector<16xi32>
      %max3A_1399 = arith.maxsi %max3A_1381, %select_n3A_1398 : vector<16xi32>
      %eq3A_1400 = vector.broadcast %scan3A_248#0 : i32 to vector<16xi32>
      %eq3A_1401 = arith.cmpi eq, %get3A_444, %eq3A_1400 : vector<16xi32>
      %and3A_1402 = arith.andi %lt3A_449, %eq3A_1401 : vector<16xi1>
      %jit3A_1403 = arith.constant 1 : i32
      %jit3A_1404 = arith.constant 0 : i32
      %broadcast_in_dim3A_1405 = vector.broadcast %jit3A_1403 : i32 to vector<16xi32>
      %broadcast_in_dim3A_1406 = vector.broadcast %jit3A_1404 : i32 to vector<16xi32>
      %select_n3A_1407 = arith.select %and3A_1402, %broadcast_in_dim3A_1405, %broadcast_in_dim3A_1406 : vector<16xi1>, vector<16xi32>
      %max3A_1408 = arith.maxsi %max3A_1390, %select_n3A_1407 : vector<16xi32>
      %eq3A_1409 = vector.broadcast %scan3A_248#1 : i32 to vector<16xi32>
      %eq3A_1410 = arith.cmpi eq, %get3A_444, %eq3A_1409 : vector<16xi32>
      %and3A_1411 = arith.andi %lt3A_449, %eq3A_1410 : vector<16xi1>
      %jit3A_1412 = arith.constant 1 : i32
      %jit3A_1413 = arith.constant 0 : i32
      %broadcast_in_dim3A_1414 = vector.broadcast %jit3A_1412 : i32 to vector<16xi32>
      %broadcast_in_dim3A_1415 = vector.broadcast %jit3A_1413 : i32 to vector<16xi32>
      %select_n3A_1416 = arith.select %and3A_1411, %broadcast_in_dim3A_1414, %broadcast_in_dim3A_1415 : vector<16xi1>, vector<16xi32>
      %max3A_1417 = arith.maxsi %max3A_1399, %select_n3A_1416 : vector<16xi32>
      %eq3A_1418 = vector.broadcast %scan3A_248#0 : i32 to vector<16xi32>
      %eq3A_1419 = arith.cmpi eq, %get3A_476, %eq3A_1418 : vector<16xi32>
      %and3A_1420 = arith.andi %lt3A_481, %eq3A_1419 : vector<16xi1>
      %jit3A_1421 = arith.constant 1 : i32
      %jit3A_1422 = arith.constant 0 : i32
      %broadcast_in_dim3A_1423 = vector.broadcast %jit3A_1421 : i32 to vector<16xi32>
      %broadcast_in_dim3A_1424 = vector.broadcast %jit3A_1422 : i32 to vector<16xi32>
      %select_n3A_1425 = arith.select %and3A_1420, %broadcast_in_dim3A_1423, %broadcast_in_dim3A_1424 : vector<16xi1>, vector<16xi32>
      %max3A_1426 = arith.maxsi %max3A_1408, %select_n3A_1425 : vector<16xi32>
      %eq3A_1427 = vector.broadcast %scan3A_248#1 : i32 to vector<16xi32>
      %eq3A_1428 = arith.cmpi eq, %get3A_476, %eq3A_1427 : vector<16xi32>
      %and3A_1429 = arith.andi %lt3A_481, %eq3A_1428 : vector<16xi1>
      %jit3A_1430 = arith.constant 1 : i32
      %jit3A_1431 = arith.constant 0 : i32
      %broadcast_in_dim3A_1432 = vector.broadcast %jit3A_1430 : i32 to vector<16xi32>
      %broadcast_in_dim3A_1433 = vector.broadcast %jit3A_1431 : i32 to vector<16xi32>
      %select_n3A_1434 = arith.select %and3A_1429, %broadcast_in_dim3A_1432, %broadcast_in_dim3A_1433 : vector<16xi1>, vector<16xi32>
      %max3A_1435 = arith.maxsi %max3A_1417, %select_n3A_1434 : vector<16xi32>
      %slice3A_1436 = vector.extract_strided_slice %max3A_1426 {offsets = [0], sizes = [1], strides = [1]} : vector<16xi32> to vector<1xi32>
      %squeeze3A_1437 = vector.extract %slice3A_1436[0] : i32 from vector<1xi32>
      %slice3A_1438 = vector.extract_strided_slice %max3A_1426 {offsets = [1], sizes = [1], strides = [1]} : vector<16xi32> to vector<1xi32>
      %squeeze3A_1439 = vector.extract %slice3A_1438[0] : i32 from vector<1xi32>
      %slice3A_1440 = vector.extract_strided_slice %max3A_1426 {offsets = [2], sizes = [1], strides = [1]} : vector<16xi32> to vector<1xi32>
      %squeeze3A_1441 = vector.extract %slice3A_1440[0] : i32 from vector<1xi32>
      %slice3A_1442 = vector.extract_strided_slice %max3A_1426 {offsets = [3], sizes = [1], strides = [1]} : vector<16xi32> to vector<1xi32>
      %squeeze3A_1443 = vector.extract %slice3A_1442[0] : i32 from vector<1xi32>
      %slice3A_1444 = vector.extract_strided_slice %max3A_1426 {offsets = [4], sizes = [1], strides = [1]} : vector<16xi32> to vector<1xi32>
      %squeeze3A_1445 = vector.extract %slice3A_1444[0] : i32 from vector<1xi32>
      %slice3A_1446 = vector.extract_strided_slice %max3A_1426 {offsets = [5], sizes = [1], strides = [1]} : vector<16xi32> to vector<1xi32>
      %squeeze3A_1447 = vector.extract %slice3A_1446[0] : i32 from vector<1xi32>
      %slice3A_1448 = vector.extract_strided_slice %max3A_1426 {offsets = [6], sizes = [1], strides = [1]} : vector<16xi32> to vector<1xi32>
      %squeeze3A_1449 = vector.extract %slice3A_1448[0] : i32 from vector<1xi32>
      %slice3A_1450 = vector.extract_strided_slice %max3A_1426 {offsets = [7], sizes = [1], strides = [1]} : vector<16xi32> to vector<1xi32>
      %squeeze3A_1451 = vector.extract %slice3A_1450[0] : i32 from vector<1xi32>
      %slice3A_1452 = vector.extract_strided_slice %max3A_1426 {offsets = [8], sizes = [1], strides = [1]} : vector<16xi32> to vector<1xi32>
      %squeeze3A_1453 = vector.extract %slice3A_1452[0] : i32 from vector<1xi32>
      %slice3A_1454 = vector.extract_strided_slice %max3A_1426 {offsets = [9], sizes = [1], strides = [1]} : vector<16xi32> to vector<1xi32>
      %squeeze3A_1455 = vector.extract %slice3A_1454[0] : i32 from vector<1xi32>
      %slice3A_1456 = vector.extract_strided_slice %max3A_1426 {offsets = [10], sizes = [1], strides = [1]} : vector<16xi32> to vector<1xi32>
      %squeeze3A_1457 = vector.extract %slice3A_1456[0] : i32 from vector<1xi32>
      %slice3A_1458 = vector.extract_strided_slice %max3A_1426 {offsets = [11], sizes = [1], strides = [1]} : vector<16xi32> to vector<1xi32>
      %squeeze3A_1459 = vector.extract %slice3A_1458[0] : i32 from vector<1xi32>
      %slice3A_1460 = vector.extract_strided_slice %max3A_1426 {offsets = [12], sizes = [1], strides = [1]} : vector<16xi32> to vector<1xi32>
      %squeeze3A_1461 = vector.extract %slice3A_1460[0] : i32 from vector<1xi32>
      %slice3A_1462 = vector.extract_strided_slice %max3A_1426 {offsets = [13], sizes = [1], strides = [1]} : vector<16xi32> to vector<1xi32>
      %squeeze3A_1463 = vector.extract %slice3A_1462[0] : i32 from vector<1xi32>
      %slice3A_1464 = vector.extract_strided_slice %max3A_1426 {offsets = [14], sizes = [1], strides = [1]} : vector<16xi32> to vector<1xi32>
      %squeeze3A_1465 = vector.extract %slice3A_1464[0] : i32 from vector<1xi32>
      %slice3A_1466 = vector.extract_strided_slice %max3A_1426 {offsets = [15], sizes = [1], strides = [1]} : vector<16xi32> to vector<1xi32>
      %squeeze3A_1467 = vector.extract %slice3A_1466[0] : i32 from vector<1xi32>
      %max3A_1468 = arith.maxsi %squeeze3A_1437, %squeeze3A_1439 : i32
      %max3A_1469 = arith.maxsi %squeeze3A_1441, %squeeze3A_1443 : i32
      %max3A_1470 = arith.maxsi %squeeze3A_1445, %squeeze3A_1447 : i32
      %max3A_1471 = arith.maxsi %squeeze3A_1449, %squeeze3A_1451 : i32
      %max3A_1472 = arith.maxsi %squeeze3A_1453, %squeeze3A_1455 : i32
      %max3A_1473 = arith.maxsi %squeeze3A_1457, %squeeze3A_1459 : i32
      %max3A_1474 = arith.maxsi %squeeze3A_1461, %squeeze3A_1463 : i32
      %max3A_1475 = arith.maxsi %squeeze3A_1465, %squeeze3A_1467 : i32
      %max3A_1476 = arith.maxsi %max3A_1468, %max3A_1469 : i32
      %max3A_1477 = arith.maxsi %max3A_1470, %max3A_1471 : i32
      %max3A_1478 = arith.maxsi %max3A_1472, %max3A_1473 : i32
      %max3A_1479 = arith.maxsi %max3A_1474, %max3A_1475 : i32
      %max3A_1480 = arith.maxsi %max3A_1476, %max3A_1477 : i32
      %max3A_1481 = arith.maxsi %max3A_1478, %max3A_1479 : i32
      %max3A_1482 = arith.maxsi %max3A_1480, %max3A_1481 : i32
      %gt3A_1483 = arith.constant 0 : i32
      %gt3A_1484 = arith.cmpi sgt, %max3A_1482, %gt3A_1483 : i32
      %slice3A_1485 = vector.extract_strided_slice %max3A_1435 {offsets = [0], sizes = [1], strides = [1]} : vector<16xi32> to vector<1xi32>
      %squeeze3A_1486 = vector.extract %slice3A_1485[0] : i32 from vector<1xi32>
      %slice3A_1487 = vector.extract_strided_slice %max3A_1435 {offsets = [1], sizes = [1], strides = [1]} : vector<16xi32> to vector<1xi32>
      %squeeze3A_1488 = vector.extract %slice3A_1487[0] : i32 from vector<1xi32>
      %slice3A_1489 = vector.extract_strided_slice %max3A_1435 {offsets = [2], sizes = [1], strides = [1]} : vector<16xi32> to vector<1xi32>
      %squeeze3A_1490 = vector.extract %slice3A_1489[0] : i32 from vector<1xi32>
      %slice3A_1491 = vector.extract_strided_slice %max3A_1435 {offsets = [3], sizes = [1], strides = [1]} : vector<16xi32> to vector<1xi32>
      %squeeze3A_1492 = vector.extract %slice3A_1491[0] : i32 from vector<1xi32>
      %slice3A_1493 = vector.extract_strided_slice %max3A_1435 {offsets = [4], sizes = [1], strides = [1]} : vector<16xi32> to vector<1xi32>
      %squeeze3A_1494 = vector.extract %slice3A_1493[0] : i32 from vector<1xi32>
      %slice3A_1495 = vector.extract_strided_slice %max3A_1435 {offsets = [5], sizes = [1], strides = [1]} : vector<16xi32> to vector<1xi32>
      %squeeze3A_1496 = vector.extract %slice3A_1495[0] : i32 from vector<1xi32>
      %slice3A_1497 = vector.extract_strided_slice %max3A_1435 {offsets = [6], sizes = [1], strides = [1]} : vector<16xi32> to vector<1xi32>
      %squeeze3A_1498 = vector.extract %slice3A_1497[0] : i32 from vector<1xi32>
      %slice3A_1499 = vector.extract_strided_slice %max3A_1435 {offsets = [7], sizes = [1], strides = [1]} : vector<16xi32> to vector<1xi32>
      %squeeze3A_1500 = vector.extract %slice3A_1499[0] : i32 from vector<1xi32>
      %slice3A_1501 = vector.extract_strided_slice %max3A_1435 {offsets = [8], sizes = [1], strides = [1]} : vector<16xi32> to vector<1xi32>
      %squeeze3A_1502 = vector.extract %slice3A_1501[0] : i32 from vector<1xi32>
      %slice3A_1503 = vector.extract_strided_slice %max3A_1435 {offsets = [9], sizes = [1], strides = [1]} : vector<16xi32> to vector<1xi32>
      %squeeze3A_1504 = vector.extract %slice3A_1503[0] : i32 from vector<1xi32>
      %slice3A_1505 = vector.extract_strided_slice %max3A_1435 {offsets = [10], sizes = [1], strides = [1]} : vector<16xi32> to vector<1xi32>
      %squeeze3A_1506 = vector.extract %slice3A_1505[0] : i32 from vector<1xi32>
      %slice3A_1507 = vector.extract_strided_slice %max3A_1435 {offsets = [11], sizes = [1], strides = [1]} : vector<16xi32> to vector<1xi32>
      %squeeze3A_1508 = vector.extract %slice3A_1507[0] : i32 from vector<1xi32>
      %slice3A_1509 = vector.extract_strided_slice %max3A_1435 {offsets = [12], sizes = [1], strides = [1]} : vector<16xi32> to vector<1xi32>
      %squeeze3A_1510 = vector.extract %slice3A_1509[0] : i32 from vector<1xi32>
      %slice3A_1511 = vector.extract_strided_slice %max3A_1435 {offsets = [13], sizes = [1], strides = [1]} : vector<16xi32> to vector<1xi32>
      %squeeze3A_1512 = vector.extract %slice3A_1511[0] : i32 from vector<1xi32>
      %slice3A_1513 = vector.extract_strided_slice %max3A_1435 {offsets = [14], sizes = [1], strides = [1]} : vector<16xi32> to vector<1xi32>
      %squeeze3A_1514 = vector.extract %slice3A_1513[0] : i32 from vector<1xi32>
      %slice3A_1515 = vector.extract_strided_slice %max3A_1435 {offsets = [15], sizes = [1], strides = [1]} : vector<16xi32> to vector<1xi32>
      %squeeze3A_1516 = vector.extract %slice3A_1515[0] : i32 from vector<1xi32>
      %max3A_1517 = arith.maxsi %squeeze3A_1486, %squeeze3A_1488 : i32
      %max3A_1518 = arith.maxsi %squeeze3A_1490, %squeeze3A_1492 : i32
      %max3A_1519 = arith.maxsi %squeeze3A_1494, %squeeze3A_1496 : i32
      %max3A_1520 = arith.maxsi %squeeze3A_1498, %squeeze3A_1500 : i32
      %max3A_1521 = arith.maxsi %squeeze3A_1502, %squeeze3A_1504 : i32
      %max3A_1522 = arith.maxsi %squeeze3A_1506, %squeeze3A_1508 : i32
      %max3A_1523 = arith.maxsi %squeeze3A_1510, %squeeze3A_1512 : i32
      %max3A_1524 = arith.maxsi %squeeze3A_1514, %squeeze3A_1516 : i32
      %max3A_1525 = arith.maxsi %max3A_1517, %max3A_1518 : i32
      %max3A_1526 = arith.maxsi %max3A_1519, %max3A_1520 : i32
      %max3A_1527 = arith.maxsi %max3A_1521, %max3A_1522 : i32
      %max3A_1528 = arith.maxsi %max3A_1523, %max3A_1524 : i32
      %max3A_1529 = arith.maxsi %max3A_1525, %max3A_1526 : i32
      %max3A_1530 = arith.maxsi %max3A_1527, %max3A_1528 : i32
      %max3A_1531 = arith.maxsi %max3A_1529, %max3A_1530 : i32
      %gt3A_1532 = arith.constant 0 : i32
      %gt3A_1533 = arith.cmpi sgt, %max3A_1531, %gt3A_1532 : i32
      %lt3A_1534 = arith.constant 100000 : i32
      %lt3A_1535 = arith.cmpi slt, %scan3A_248#0, %lt3A_1534 : i32
      %not3A_1536 = arith.constant true
      %not3A_1537 = arith.xori %gt3A_1484, %not3A_1536 : i1
      %and3A_1538 = arith.andi %lt3A_1535, %not3A_1537 : i1
      %lt3A_1539 = arith.constant 100000 : i32
      %lt3A_1540 = arith.cmpi slt, %scan3A_248#1, %lt3A_1539 : i32
      %not3A_1541 = arith.constant true
      %not3A_1542 = arith.xori %gt3A_1533, %not3A_1541 : i1
      %and3A_1543 = arith.andi %lt3A_1540, %not3A_1542 : i1
      %jit3A_1544 = arith.constant 100000 : i32
      %select_n3A_1545 = arith.select %and3A_1543, %scan3A_248#1, %jit3A_1544 : i32
      %select_n3A_1546 = arith.select %and3A_1538, %scan3A_248#0, %select_n3A_1545 : i32
      %slice3A_1547 = vector.extract_strided_slice %min3A_1239 {offsets = [0], sizes = [1], strides = [1]} : vector<16xf32> to vector<1xf32>
      %squeeze3A_1548 = vector.extract %slice3A_1547[0] : f32 from vector<1xf32>
      %slice3A_1549 = vector.extract_strided_slice %min3A_1239 {offsets = [1], sizes = [1], strides = [1]} : vector<16xf32> to vector<1xf32>
      %squeeze3A_1550 = vector.extract %slice3A_1549[0] : f32 from vector<1xf32>
      %slice3A_1551 = vector.extract_strided_slice %min3A_1239 {offsets = [2], sizes = [1], strides = [1]} : vector<16xf32> to vector<1xf32>
      %squeeze3A_1552 = vector.extract %slice3A_1551[0] : f32 from vector<1xf32>
      %slice3A_1553 = vector.extract_strided_slice %min3A_1239 {offsets = [3], sizes = [1], strides = [1]} : vector<16xf32> to vector<1xf32>
      %squeeze3A_1554 = vector.extract %slice3A_1553[0] : f32 from vector<1xf32>
      %slice3A_1555 = vector.extract_strided_slice %min3A_1239 {offsets = [4], sizes = [1], strides = [1]} : vector<16xf32> to vector<1xf32>
      %squeeze3A_1556 = vector.extract %slice3A_1555[0] : f32 from vector<1xf32>
      %slice3A_1557 = vector.extract_strided_slice %min3A_1239 {offsets = [5], sizes = [1], strides = [1]} : vector<16xf32> to vector<1xf32>
      %squeeze3A_1558 = vector.extract %slice3A_1557[0] : f32 from vector<1xf32>
      %slice3A_1559 = vector.extract_strided_slice %min3A_1239 {offsets = [6], sizes = [1], strides = [1]} : vector<16xf32> to vector<1xf32>
      %squeeze3A_1560 = vector.extract %slice3A_1559[0] : f32 from vector<1xf32>
      %slice3A_1561 = vector.extract_strided_slice %min3A_1239 {offsets = [7], sizes = [1], strides = [1]} : vector<16xf32> to vector<1xf32>
      %squeeze3A_1562 = vector.extract %slice3A_1561[0] : f32 from vector<1xf32>
      %slice3A_1563 = vector.extract_strided_slice %min3A_1239 {offsets = [8], sizes = [1], strides = [1]} : vector<16xf32> to vector<1xf32>
      %squeeze3A_1564 = vector.extract %slice3A_1563[0] : f32 from vector<1xf32>
      %slice3A_1565 = vector.extract_strided_slice %min3A_1239 {offsets = [9], sizes = [1], strides = [1]} : vector<16xf32> to vector<1xf32>
      %squeeze3A_1566 = vector.extract %slice3A_1565[0] : f32 from vector<1xf32>
      %slice3A_1567 = vector.extract_strided_slice %min3A_1239 {offsets = [10], sizes = [1], strides = [1]} : vector<16xf32> to vector<1xf32>
      %squeeze3A_1568 = vector.extract %slice3A_1567[0] : f32 from vector<1xf32>
      %slice3A_1569 = vector.extract_strided_slice %min3A_1239 {offsets = [11], sizes = [1], strides = [1]} : vector<16xf32> to vector<1xf32>
      %squeeze3A_1570 = vector.extract %slice3A_1569[0] : f32 from vector<1xf32>
      %slice3A_1571 = vector.extract_strided_slice %min3A_1239 {offsets = [12], sizes = [1], strides = [1]} : vector<16xf32> to vector<1xf32>
      %squeeze3A_1572 = vector.extract %slice3A_1571[0] : f32 from vector<1xf32>
      %slice3A_1573 = vector.extract_strided_slice %min3A_1239 {offsets = [13], sizes = [1], strides = [1]} : vector<16xf32> to vector<1xf32>
      %squeeze3A_1574 = vector.extract %slice3A_1573[0] : f32 from vector<1xf32>
      %slice3A_1575 = vector.extract_strided_slice %min3A_1239 {offsets = [14], sizes = [1], strides = [1]} : vector<16xf32> to vector<1xf32>
      %squeeze3A_1576 = vector.extract %slice3A_1575[0] : f32 from vector<1xf32>
      %slice3A_1577 = vector.extract_strided_slice %min3A_1239 {offsets = [15], sizes = [1], strides = [1]} : vector<16xf32> to vector<1xf32>
      %squeeze3A_1578 = vector.extract %slice3A_1577[0] : f32 from vector<1xf32>
      %min3A_1579 = arith.minimumf %squeeze3A_1548, %squeeze3A_1550 : f32
      %min3A_1580 = arith.minimumf %squeeze3A_1552, %squeeze3A_1554 : f32
      %min3A_1581 = arith.minimumf %squeeze3A_1556, %squeeze3A_1558 : f32
      %min3A_1582 = arith.minimumf %squeeze3A_1560, %squeeze3A_1562 : f32
      %min3A_1583 = arith.minimumf %squeeze3A_1564, %squeeze3A_1566 : f32
      %min3A_1584 = arith.minimumf %squeeze3A_1568, %squeeze3A_1570 : f32
      %min3A_1585 = arith.minimumf %squeeze3A_1572, %squeeze3A_1574 : f32
      %min3A_1586 = arith.minimumf %squeeze3A_1576, %squeeze3A_1578 : f32
      %min3A_1587 = arith.minimumf %min3A_1579, %min3A_1580 : f32
      %min3A_1588 = arith.minimumf %min3A_1581, %min3A_1582 : f32
      %min3A_1589 = arith.minimumf %min3A_1583, %min3A_1584 : f32
      %min3A_1590 = arith.minimumf %min3A_1585, %min3A_1586 : f32
      %min3A_1591 = arith.minimumf %min3A_1587, %min3A_1588 : f32
      %min3A_1592 = arith.minimumf %min3A_1589, %min3A_1590 : f32
      %min3A_1593 = arith.minimumf %min3A_1591, %min3A_1592 : f32
      %convert_element_type3A_1594 = arith.fptosi %min3A_1593 : f32 to i32
      %min3A_1595 = arith.minsi %convert_element_type3A_1594, %select_n3A_1546 : i32
      %lt3A_1596 = arith.constant 100000 : i32
      %lt3A_1597 = arith.cmpi slt, %min3A_1595, %lt3A_1596 : i32
      %select_n3A_1598 = arith.select %lt3A_1597, %min3A_1595, %convert_element_type3A_1287 : i32
      %eq3A_1599 = vector.broadcast %scan3A_10 : i32 to vector<16xi32>
      %eq3A_1600 = arith.cmpi eq, %iota3A, %eq3A_1599 : vector<16xi32>
      %broadcast_in_dim3A_1601 = vector.broadcast %select_n3A_1598 : i32 to vector<16xi32>
      %select_n3A_1602 = arith.select %eq3A_1600, %broadcast_in_dim3A_1601, %scan3A_11 : vector<16xi1>, vector<16xi32>
      scf.yield %select_n3A_1602 : vector<16xi32>
    }
    %scan3A_8 = arith.constant 4 : i32
    %swap3A = arith.constant 0 : index
    %swap3A_9 = tpu.vector_load %arg19[%swap3A] {strides = array<i32>} : memref<16xi32, #tpu.memory_space<vmem>>, vector<16xi32>,
    tpu.vector_store %arg19[%swap3A], %scan3A_7 {strides = array<i32>} : memref<16xi32, #tpu.memory_space<vmem>>, vector<16xi32>,
    "tpu.region"() ({
      %run_scoped3A = tpu.sem_alloc : memref<!tpu.dma_semaphore, #tpu.memory_space<semaphore_mem>>
      %dma_start3A = arith.constant 0 : i32
      %dma_start3A_10 = tpu.memref_slice %arg7[%add3A, %dma_start3A] : memref<32x16xi32, #tpu.memory_space<hbm>> -> memref<1x16xi32, #tpu.memory_space<hbm>>
      %dma_start3A_11 = tpu.memref_squeeze %dma_start3A_10 : memref<1x16xi32, #tpu.memory_space<hbm>> -> memref<16xi32, #tpu.memory_space<hbm>>
      %dma_start3A_12 = arith.constant 0 : i32
      %dma_start3A_13 = tpu.memref_slice %arg7[%add3A, %dma_start3A_12] : memref<32x16xi32, #tpu.memory_space<hbm>> -> memref<1x16xi32, #tpu.memory_space<hbm>>
      %dma_start3A_14 = tpu.memref_squeeze %dma_start3A_13 : memref<1x16xi32, #tpu.memory_space<hbm>> -> memref<16xi32, #tpu.memory_space<hbm>>
      tpu.enqueue_dma source(%arg19 : memref<16xi32, #tpu.memory_space<vmem>>) target(%dma_start3A_14 : memref<16xi32, #tpu.memory_space<hbm>>) target_semaphore(%run_scoped3A : memref<!tpu.dma_semaphore, #tpu.memory_space<semaphore_mem>>)
      %dma_wait3A = arith.constant 0 : i32
      %dma_wait3A_15 = tpu.memref_slice %arg7[%add3A, %dma_wait3A] : memref<32x16xi32, #tpu.memory_space<hbm>> -> memref<1x16xi32, #tpu.memory_space<hbm>>
      %dma_wait3A_16 = tpu.memref_squeeze %dma_wait3A_15 : memref<1x16xi32, #tpu.memory_space<hbm>> -> memref<16xi32, #tpu.memory_space<hbm>>
      %dma_wait3A_17 = arith.constant 0 : i32
      %dma_wait3A_18 = tpu.memref_slice %arg7[%add3A, %dma_wait3A_17] : memref<32x16xi32, #tpu.memory_space<hbm>> -> memref<1x16xi32, #tpu.memory_space<hbm>>
      %dma_wait3A_19 = tpu.memref_squeeze %dma_wait3A_18 : memref<1x16xi32, #tpu.memory_space<hbm>> -> memref<16xi32, #tpu.memory_space<hbm>>
      tpu.wait_dma2 semaphore(%run_scoped3A : memref<!tpu.dma_semaphore, #tpu.memory_space<semaphore_mem>>) src(%arg19 : memref<16xi32, #tpu.memory_space<vmem>>) dst(%dma_wait3A_19 : memref<16xi32, #tpu.memory_space<hbm>>)
      tpu.yield
    }) : () -> ()
    return
  }
}

</mosaic_0001>

<sc_bundles>
// kernel: _run.3.cloned.1.call-start
scs
__scs_entry_jumppad:
0x0: {  	(pc) =	sbr.rel $0x88, $3  }
0x1: {  	(tag) =	ssettag $0x0;
	lr =	simm.s32 $0x1  }
0x2: {  	[smem:$0x3F9D] =	sst lr;
	_ =	strace $0xD0000000  }
0x3: {  	_ = 	snop  }
0x4: {  	_ = 	snop  }
0x5: {  	_ = 	snop  }
0x6: {  	_ = 	snop  }
0x7: {  	_ = 	snop  }
__scs_overlays_trampoline_lowered:
0x8: {  	[smem:$0x3FAC] =	sst s0  }
0x9: {  	[smem:$0x3FAD] =	sst s1  }
0xa: {  	[smem:$0x3FAE] =	sst s2  }
0xb: {  	[smem:$0x3FAF] =	sst s3  }
0xc: {  	[smem:$0x3FB0] =	sst s4  }
0xd: {  	[smem:$0x3FB1] =	sst s5  }
0xe: {  	[smem:$0x3FB2] =	sst s6  }
0xf: {  	[smem:$0x3FB3] =	sst s7  }
0x10: {  	[smem:$0x3FB4] =	sst s8  }
0x11: {  	[smem:$0x3FB5] =	sst s9;
	s0 =	simm.s32 @!p0 $0x0  }
0x12: {  	s1 =	sld [smem:$0x3F9B];
	s0 =	simm.s32 @p0 $0x1  }
0x13: {  	[smem:$0x3FB6] =	sst s0;
	s0 =	simm.s32 @!p1 $0x0  }
0x14: {  	s2 =	sld [smem:$0x3F9A];
	s0 =	simm.s32 @p1 $0x1  }
0x15: {  	[smem:$0x3FB7] =	sst s0;
	s0 =	simm.s32 @!p2 $0x0  }
0x16: {  	s3 =	sld [smem:$0x3FDB];
	s0 =	simm.s32 @p2 $0x1  }
0x17: {  	s4 =	simm.s32 $0x1BF5;
	[smem:$0x3FB9] =	sst s0  }
0x18: {  	s0 =	sld [smem:$0x3F9C];
	_ =	swait.ge [sflag:s4], $0x0  }
0x19: {  	s7 =	sld [smem:$0x3F9D]  }
0x1a: {  	s8 =	sadd.s32 $0xFFFFE003, lr  }
0x1b: {  	s9 =	sadd.s32 $0xFFFFFEF7, lr;
	s5 =	simm.s32 $0xFFFFFFFF;
	p2 =	slt.u32 s8, $0xFFFFF086  }
0x1c: {  	p1 =	slt.u32 s9, $0xF7A;
	s5 =	simm.s32 @!p2 $0x0  }
0x1d: {  	s5 =	simm.s32 @p1 $0x1;
	p0 =	seq.s32 s7, s2  }
0x1e: {  	s7 =	smul.u32 @!p0 $0xF7A, s2;
	p2 =	seq.s32 @!p0 s5, $0x0  }
0x1f: {  	s9 =	smul.u32 $0xF7A, s1;
	s8 =	simm.s32 @!p0 $0x1BF5;
	p2 =	por !p2, p0  }
0x20: {  	[sflag:s8] =	ssyncset.s32 @!p0 $0xFFFFF086;
	s6 =	sadd.s32 @!p0 s3, s7;
	s7 =	simm.s32 @!p0 $0x108  }
0x21: {  	s3 =	sadd.s32 s3, s9;
	s6 =	sadd.s32 @!p0 $0x88, s6;
	s7 =	simm.s32 @p2 $0x1082  }
0x22: {  	[simem:s7], [sflag:s8] =	dma.local @!p0 [hbm:s6], $0xF7A  }
0x23: {  	s9 =	sor.u32 $0xD0000000, s2;
	s6 =	simm.s32 $0x108;
	_ =	swait.ge @!p0 [sflag:s8], $0x0  }
0x24: {  	s3 =	sadd.s32 $0x88, s3;
	s6 =	simm.s32 @!p1 $0x1082;
	[sflag:s4] =	ssyncset.s32 $0xFFFFF086  }
0x25: {  	[simem:s6], [sflag:s4] =	dma.local [hbm:s3], $0xF7A  }
0x26: {  	[smem:$0x3F9D] =	sst s1;
	(tag) =	ssettag s2;
	_ =	strace s9  }
0x27: {  	s1 =	sld [smem:$0x3FAD]  }
0x28: {  	s2 =	sld [smem:$0x3FAE]  }
0x29: {  	s4 =	sld [smem:$0x3FB0]  }
0x2a: {  	p0 =	seq.s32 s5, $0x0;
	s5 =	sld [smem:$0x3FB1]  }
0x2b: {  	s6 =	sld [smem:$0x3FB2]  }
0x2c: {  	s7 =	sld [smem:$0x3FB3]  }
0x2d: {  	s3 =	simm.s32 $0x108;
	s8 =	sld [smem:$0x3FB4]  }
0x2e: {  	s3 =	simm.s32 @!p0 $0x1082;
	s9 =	sld [smem:$0x3FB5]  }
0x2f: {  	lr =	sadd.s32 s0, s3;
	s0 =	sld [smem:$0x3FAC]  }
0x30: {  	s3 =	sld [smem:$0x3FAF]  }
0x31: {  	[smem:$0x3FB8] =	sst s10  }
0x32: {  	s10 =	sld [smem:$0x3FB6];
	_ =	sdelay $0x3  }
0x33: {  	p0 =	seq.s32 s10, $0x1;
	s10 =	sld [smem:$0x3FB8];
	_ =	sdelay $0x3  }
0x34: {  	[smem:$0x3FB8] =	sst s10  }
0x35: {  	s10 =	sld [smem:$0x3FB7];
	_ =	sdelay $0x3  }
0x36: {  	p1 =	seq.s32 s10, $0x1;
	s10 =	sld [smem:$0x3FB8];
	_ =	sdelay $0x3  }
0x37: {  	[smem:$0x3FB8] =	sst s10  }
0x38: {  	s10 =	sld [smem:$0x3FB9]  }
0x39: {  	_ = 	snop;
	(pc) =	sbr.ind lr, $3  }
0x3a: {  	_ = 	snop  }
0x3b: {  	_ = 	snop  }
0x3c: {  	p2 =	seq.s32 s10, $0x1;
	s10 =	sld [smem:$0x3FB8]  }
0x3d: {  	_ =	shalt  }
0x3e: {  	_ =	shalt  }
0x3f: {  	_ =	shalt  }
0x40: {  	_ =	shalt  }
0x41: {  	_ =	shalt  }
0x42: {  	_ =	shalt  }
0x43: {  	_ =	shalt  }
0x44: {  	_ =	shalt  }
0x45: {  	_ =	shalt  }
0x46: {  	_ =	shalt  }
0x47: {  	_ =	shalt  }
0x48: {  	_ =	shalt  }
0x49: {  	_ =	shalt  }
0x4a: {  	_ =	shalt  }
0x4b: {  	_ =	shalt  }
0x4c: {  	_ =	shalt  }
0x4d: {  	_ =	shalt  }
0x4e: {  	_ =	shalt  }
0x4f: {  	_ =	shalt  }
0x50: {  	_ =	shalt  }
0x51: {  	_ =	shalt  }
0x52: {  	_ =	shalt  }
0x53: {  	_ =	shalt  }
0x54: {  	_ =	shalt  }
0x55: {  	_ =	shalt  }
0x56: {  	_ =	shalt  }
0x57: {  	_ =	shalt  }
0x58: {  	_ =	shalt  }
0x59: {  	_ =	shalt  }
0x5a: {  	_ =	shalt  }
0x5b: {  	_ =	shalt  }
0x5c: {  	_ =	shalt  }
0x5d: {  	_ =	shalt  }
0x5e: {  	_ =	shalt  }
0x5f: {  	_ =	shalt  }
0x60: {  	_ =	shalt  }
0x61: {  	_ =	shalt  }
0x62: {  	_ =	shalt  }
0x63: {  	_ =	shalt  }
0x64: {  	_ =	shalt  }
0x65: {  	_ =	shalt  }
0x66: {  	_ =	shalt  }
0x67: {  	_ =	shalt  }
0x68: {  	_ =	shalt  }
0x69: {  	_ =	shalt  }
0x6a: {  	_ =	shalt  }
0x6b: {  	_ =	shalt  }
0x6c: {  	_ =	shalt  }
0x6d: {  	_ =	shalt  }
0x6e: {  	_ =	shalt  }
0x6f: {  	_ =	shalt  }
0x70: {  	_ =	shalt  }
0x71: {  	_ =	shalt  }
0x72: {  	_ =	shalt  }
0x73: {  	_ =	shalt  }
0x74: {  	_ =	shalt  }
0x75: {  	_ =	shalt  }
0x76: {  	_ =	shalt  }
0x77: {  	_ =	shalt  }
0x78: {  	_ =	shalt  }
0x79: {  	_ =	shalt  }
0x7a: {  	_ =	shalt  }
0x7b: {  	_ =	shalt  }
0x7c: {  	_ =	shalt  }
0x7d: {  	_ =	shalt  }
0x7e: {  	_ =	shalt  }
0x7f: {  	_ =	shalt  }
0x80: {  	_ =	shalt  }
0x81: {  	_ =	shalt  }
0x82: {  	_ =	shalt  }
0x83: {  	_ =	shalt  }
0x84: {  	_ =	shalt  }
0x85: {  	_ =	shalt  }
0x86: {  	_ =	shalt  }
0x87: {  	_ =	shalt  }
.Lfunc_end0:
.L_simem_size_0:
called_computation_lowered:
.L_overlay_start_0:
0x88: {  	s2 =	sld [smem:$0x3FD9]  }
0x89: {  	s3 =	sld [smem:$0x3FFE];
	_ =	sdelay $0x1  }
0x8a: {  	s1 =	srdreg.scid  }
0x8b: {  	s0 =	sand.u32 $0x1, s1  }
0x8c: {  	s17 =	sshll.u32 s0, $0xA;
	s2 =	sadd.s32 s3, s2  }
0x8d: {  	s2 =	sadd.s32 s2, s17  }
0x8e: {  	[smem:$0x3FC4] =	sst s2  }
0x8f: {  	_ = 	snop  }
0x90: {  	s2 =	sld [smem:$0x3FC8]  }
0x91: {  	s18 =	sld [smem:$0x3FC7]  }
0x92: {  	s4 =	sld [smem:$0x3FC6];
	(tm) =	ssettm $0x1  }
0x93: {  	s5 =	sld [smem:$0x3FFB];
	_ =	sdelay $0x3  }
0x94: {  	_ =	strace s5  }
0x95: {  	s5 =	sld [smem:$0x3FFC];
	_ =	sdelay $0x3  }
0x96: {  	_ =	strace s5  }
0x97: {  	s5 =	sld [smem:$0x3FFD];
	_ =	sdelay $0x3  }
0x98: {  	_ =	strace s5  }
0x99: {  	_ =	strace $0x8FFFFFFF  }
0x9a: {  	s19 =	sld [smem:$0x3FDB];
	_ =	sdelay $0x1  }
0x9b: {  	s6 =	simm.s32 $_scs_section_size  }
0x9c: {  	s7 =	simm.s32 $_size__tile_overlayer_lowered;
	s8 =	simm.s32 $_tile_overlayer_lowered  }
0x9d: {  	s22 =	simm.s32 $0x1BFF;
	s21 =	sshll.u32 s8, $0x1;
	s5 =	sadd.s32 s6, s19  }
0x9e: {  	s9 =	simm.s32 $0x0;
	s20 =	sshll.u32 s7, $0x1;
	s7 =	sadd.s32 s21, s5  }
0x9f: {  	[timem:s9], [sflag:s22] =	dma.local [hbm:s7], s20  }
0xa0: {  	_ =	swait.ge [sflag:s22], s20  }
0xa1: {  	s6 =	ssub.s32 $0x0, s20;
	[sflag:s22] =	ssyncset.done $0x0  }
0xa2: {  	[sflag:s22] =	ssyncadd.s32 s6;
	_ =	sdelay $0x1  }
0xa3: {  	s23 =	simm.s32 $0x1B8B  }
0xa4: {  	_ =	swait.ge [sflag:s23], $0x1  }
0xa5: {  	[sflag:s23] =	ssyncset.done $0x0  }
0xa6: {  	s25 =	simm.s32 $0x1B8E;
	s24 =	sld [smem:$0x3FFE];
	[sflag:s23] =	ssyncadd.s32 $0xFFFFFFFF  }
0xa7: {  	s26 =	simm.s32 $execute0_lowered;
	[smem:$0x3FD2] =	sst s25  }
0xa8: {  	s7 =	sshll.u32 s26, $0x1;
	_ =	strace $0x80000046;
	[dreg:$0x1] =	wrdreg $0xFFFFFFFF  }
0xa9: {  	s28 =	simm.s32 $_size_execute0_lowered;
	s5 =	sadd.s32 s5, s7;
	[dreg:$0x0] =	wrdreg $0x0  }
0xaa: {  	s7 =	sshll.u32 s28, $0x1;
	[dreg:$0x2] =	wrdreg s5  }
0xab: {  	[dreg:$0x3] =	wrdreg s7  }
0xac: {  	[dreg:$0x4] =	wrdreg $0xC0  }
0xad: {  	_ =	task [dreg:s9], $0x5FFFF  }
0xae: {  	[dreg:$0x1] =	wrdreg $0xFFFFFFFF  }
0xaf: {  	[dreg:$0x0] =	wrdreg $0x60  }
0xb0: {  	[dreg:$0x2] =	wrdreg s24  }
0xb1: {  	[dreg:$0x3] =	wrdreg s2  }
0xb2: {  	[dreg:$0x4] =	wrdreg s18  }
0xb3: {  	[dreg:$0x5] =	wrdreg s4  }
0xb4: {  	[dreg:$0x6] =	wrdreg $0x9  }
0xb5: {  	_ =	task.clear_ibuf [dreg:s9], $0x7FFFF;
	_ =	strace $0x90000046  }
0xb6: {  	s29 =	simm.s32 $0x9;
	_ =	strace $0x80000048  }
0xb7: {  	_ =	swait.ge [sflag:s29], $0x1  }
0xb8: {  	[sflag:s29] =	ssyncadd.s32 $0xFFFFFFFF  }
0xb9: {  	_ =	strace $0x90000048  }
0xba: {  	_ =	sfence  }
0xbb: {  	s30 =	sld [smem:$0x0];
	_ =	sdelay $0x2  }
0xbc: {  	s31 =	sshll.u32 s1, $0xD;
	s1 =	sshrl.u32 s1, $0x2  }
0xbd: {  	s3 =	sand.u32 $0x4000, s31;
	s1 =	sadd.s32 s1, s30  }
0xbe: {  	s0 =	sor.u32 s3, s0;
	s1 =	sshll.u32 s1, $0x11  }
0xbf: {  	s0 =	sor.u32 s1, s0  }
0xc0: {  	s0 =	sadd.s32 $0x8F2B, s0  }
0xc1: {  	[sflag:s0] =	ssyncadd.remote.s32 $0x1  }
0xc2: {  	_ =	sfence.sel $0xFFFF  }
0xc3: {  	[dreg:$0x0] =	wrdreg $0xFFFFFFFF;
	(pc) =	sbr.abs _section_cstart, $3  }
0xc4: {  	[dreg:$0x1] =	wrdreg $0xFFFFFFFF  }
0xc5: {  	_ =	task.clear_ibuf [dreg:s9], $0x2FFFF;
	_ =	strace $0x9FFFFFFF  }
0xc6: {  	(tm) =	ssettm $0x7FFFFFFF  }
0xc7: {  	_ =	shalt  }
tec
execute0_lowered:
.L_overlay_start_1:
0x0: {  	(tag) =	ssettag $0x1  }
0x1: {  	s0 =	rddreg [dreg:$0x0]  }
0x2: {  	s6 =	simm.s32 $0x0;
	s1 =	srdreg.scid;
	s5 =	stileid.u32  }
0x3: {  	s10 =	simm.s32 $0x2;
	s18 =	simm.s32 $0x1AE80;
	s19 =	simm.s32 $0x1B100  }
0x4: {  	s11 =	simm.s32 $0x40000;
	[smem:$0x7FF] =	sst s6;
	s1 =	sand.u32 $0x1, s1  }
0x5: {  	s2 =	sshll.u32 s5, $0x1;
	s3 =	sadd.s32 $0x400, s0;
	s7 =	sadd.s32 $0x187400, s0  }
0x6: {  	s30 =	smul.u32 $0xC3800, s5;
	_ =	strace $0x80000047;
	[dreg:$0x5] =	wrdreg s3  }
0x7: {  	s2 =	sor.u32 s1, s2;
	s1 =	ssub.s32 $0x2, s1;
	[dreg:$0x6] =	wrdreg s7  }
.Ltmp0:
0x8: {  	s29 =	sshll.u32 s2, $0x4;
	s4 =	sshrl.u32 s1, $0x1;
	(pc) =	sbr.rel .LBB2_1-.Ltmp0, $4  }
0x9: {  	s2 =	sshll.u32 s2, $0x2;
	[dreg:$0x8] =	wrdreg s30;
	s0 =	sadd.s32 s29, s0  }
0xa: {  	v0 =	vlaneseq.u32;
	s1 =	ssub.s32 s1, s4;
	[dreg:$0x7] =	wrdreg s2;
	s0 =	sadd.s32 $0x312400, s0  }
0xb: {  	s21 =	simm.s32 $0x1B380;
	v1 =	vimm.s32 $0x0;
	v2 =	vor.u32 $0x200, v0;
	s31 =	smax.u32 s1, $0x1;
	[dreg:$0x9] =	wrdreg s0  }
0xc: {  	s22 =	simm.s32 $0x1B480;
	v3 =	vor.u32 $0x18680, v0;
	v4 =	vor.u32 $0x18690, v0;
	v5 =	vor.u32 $0xA0, v0;
	s1 =	simm.s32 $0x0;
	[dreg:$0xa] =	wrdreg s31  }
.LBB2_41:
0xd: {  	[tilespmem:$0x1B980] =	vst v6;
	s0 =	rddreg [dreg:$0x9];
	s1 =	simm.s32 $0x1B980  }
0xe: {  	[hbm4b:s0+s6] =	stream.linear.scatter [tilespmem:s1], [sflag:$0x2], $0x80, $0x38;
	[tilespmem:$0x1BA00] =	vst v63  }
0xf: {  	_ =	swait.ge [sflag:s10], $0x80  }
0x10: {  	s30 =	rddreg [dreg:$0xb]  }
0x11: {  	s31 =	rddreg [dreg:$0xa];
	s1 =	sadd.s32 $0x1, s30  }
0x12: {  	p0 =	sne.s32 s1, s31  }
.Ltmp1:
0x13: {  	_ = 	snop;
	(pc) =	sbr.rel @!p0 .LBB2_42-.Ltmp1, $3  }
0x14: {  	_ =	sdelay $0x1  }
0x15: {  	[sflag:s10] =	ssyncset.done $0x0  }
0x16: {  	[sflag:s10] =	ssyncadd.s32 $0xFFFFFF80  }
.LBB2_1:
0x17: {  	[dreg:$0xb] =	wrdreg s1  }
0x18: {  	s0 =	rddreg [dreg:$0x1];
	s29 =	simm.s32 $0x1B780  }
0x19: {  	[tilespmem:s29], [sflag:$0x2] =	stream.linear.gather [hbm4b:s0+s6], $0x80, $0x38;
	[tilespmem:$0x1BA00] =	vst v63  }
0x1a: {  	_ =	swait.ge [sflag:s10], $0x80  }
0x1b: {  	[sflag:s10] =	ssyncset.done $0x0  }
0x1c: {  	[sflag:s10] =	ssyncadd.s32 $0xFFFFFF80  }
.Ltmp2:
0x1d: {  	s31 =	simm.s32 $0x1B880;
	s30 =	rddreg [dreg:$0x2];
	(pc) =	sbr.rel .LBB2_2-.Ltmp2, $4  }
0x1e: {  	[tilespmem:s31], [sflag:$0x2] =	stream.linear.gather [hbm4b:s30+s6], $0x80, $0x38;
	[tilespmem:$0x1BA00] =	vst v63  }
0x1f: {  	_ =	swait.ge [sflag:s10], $0x80  }
0x20: {  	[sflag:s10] =	ssyncset.done $0x0  }
0x21: {  	v6 =	vimm.s32 $0x0;
	s1 =	simm.s32 $0x0;
	[sflag:s10] =	ssyncadd.s32 $0xFFFFFF80  }
.LBB2_36:
0x22: {  	v36 =	vimm.f32 $0.0e+00  }
0x23: {  	v35 =	vimm.f32 $0.0e+00;
	v34 =	vimm.f32 $0.0e+00;
	v25 =	vimm.f32 $0.0e+00  }
0x24: {  	v24 =	vimm.f32 $0.0e+00;
	v23 =	vimm.f32 $0.0e+00;
	v48 =	vimm.f32 $0.0e+00  }
.LBB2_40:
0x25: {  	s4 =	smax.f32 s4, s5;
	s17 =	smax.f32 s6, s8  }
0x26: {  	s23 =	smax.f32 s11, s12;
	s7 =	smax.f32 s14, s24  }
0x27: {  	s30 =	smax.f32 s25, s9;
	s0 =	smax.f32 s28, s0  }
0x28: {  	s31 =	smax.f32 s26, s20;
	s1 =	smax.f32 s29, s1  }
0x29: {  	s4 =	smax.f32 s4, s17;
	s10 =	smax.f32 s23, s7  }
0x2a: {  	s0 =	smax.f32 s30, s0;
	s1 =	smax.f32 s31, s1  }
0x2b: {  	s4 =	smax.f32 s4, s10;
	s0 =	smax.f32 s0, s1  }
0x2c: {  	s11 =	rddreg [dreg:$0xe];
	s0 =	smax.f32 s4, s0  }
0x2d: {  	v60 =	vld [tilespmem:$0x1FF90];
	s1 =	ssub.f32 $1.000000000e+00, s11;
	v37 =	vmov s0  }
0x2e: {  	vm0 =	veq.f32 v37, v22  }
0x2f: {  	vm1 =	vgt.f32 v47, s1;
	vm15 =	veq.f32 v37, v20;
	vm0 =	vmand vm14, vm0  }
0x30: {  	v63 =	vld [tilespmem:$0x1FFA0];
	vm2 =	vgt.f32 v36, s1;
	vm0 =	vmor vm0, vm1;
	vm1 =	vmand vm11, vm15  }
0x31: {  	v38 =	vadd.f32 $0.0e+00, v45;
	vm11 =	veq.f32 v37, v21;
	vm1 =	vmor vm1, vm2  }
0x32: {  	vm15 =	vmand vm4, vm0;
	vm0 =	vmand vm13, vm11;
	vm11 =	vnez.u8 v60  }
0x33: {  	vm13 =	vgt.f32 v35, s1;
	vm4 =	veq.f32 v37, v18;
	v59 =	vnsel vm15, $0x0, v38  }
0x34: {  	vm14 =	vmand vm11, vm1;
	vm0 =	vmor vm0, vm13;
	vm1 =	vmand vm6, vm4  }
0x35: {  	vm13 =	vnez.u8 v63;
	vm4 =	vgt.f32 v34, s1;
	vm6 =	veq.f32 v37, v19  }
0x36: {  	v61 =	vnsel vm14, $0x0, v46;
	vm13 =	vmand vm13, vm0;
	vm0 =	vmor vm1, vm4  }
0x37: {  	vm1 =	vmand vm7, vm6;
	v62 =	vadd.f32 v61, v59;
	vm7 =	vmand vm8, vm0  }
0x38: {  	v36 =	vnsel vm13, $0x0, v44;
	v38 =	vnsel vm7, $0x0, v43;
	v43 =	vld [tilespmem:$0x1FFB0]  }
0x39: {  	vm4 =	vgt.f32 v25, s1;
	vm6 =	veq.f32 v37, v17;
	v34 =	vadd.f32 v36, v62  }
0x3a: {  	vm0 =	vmor vm1, vm4;
	vm1 =	vmand vm12, vm6  }
0x3b: {  	vm4 =	vgt.f32 v24, s1;
	vm12 =	vmand vm9, vm0;
	v25 =	vadd.f32 v38, v34  }
0x3c: {  	v47 =	vld [tilespmem:$0x1FFC0];
	vm6 =	veq.f32 v37, v16;
	vm0 =	vmor vm1, vm4;
	v42 =	vnsel vm12, $0x0, v42  }
0x3d: {  	vm4 =	vgt.f32 v23, s1;
	vm9 =	vnez.u8 v43;
	v44 =	vadd.f32 v42, v25  }
0x3e: {  	vm1 =	vmand vm9, vm6;
	vm6 =	vmand vm10, vm0;
	vm9 =	veq.f32 v37, v15  }
0x3f: {  	vm0 =	vmor vm1, vm4;
	vm1 =	vmand vm3, vm9;
	v45 =	vnsel vm6, $0x0, v41  }
0x40: {  	vm4 =	vgt.f32 v48, s1;
	v23 =	vadd.f32 v45, v44;
	vm9 =	vmand vm5, vm0  }
0x41: {  	vm0 =	vmor vm1, vm4;
	vm1 =	vnez.u8 v47;
	v46 =	vnsel vm9, $0x0, v39  }
0x42: {  	vm3 =	vmand vm1, vm0;
	v23 =	vadd.f32 v46, v23  }
0x43: {  	v48 =	vnsel vm3, $0x0, v40  }
0x44: {  	v23 =	vadd.f32 v48, v23;
	_ =	sdelay $0x1  }
0x45: {  	(v2sf) =	vpush v23, $0x0  }
0x46: {  	(v2sf) =	vpush v23, $0x1  }
0x47: {  	(v2sf) =	vpush v23, $0x2  }
0x48: {  	(v2sf) =	vpush v23, $0x3  }
0x49: {  	(v2sf) =	vpush v23, $0x4  }
0x4a: {  	(v2sf) =	vpush v23, $0x5  }
0x4b: {  	(v2sf) =	vpush v23, $0x6  }
0x4c: {  	(v2sf) =	vpush v23, $0x7  }
0x4d: {  	(v2sf) =	vpush v23, $0x8  }
0x4e: {  	(v2sf) =	vpush v23, $0x9  }
0x4f: {  	(v2sf) =	vpush v23, $0xA  }
0x50: {  	(v2sf) =	vpush v23, $0xB  }
0x51: {  	(v2sf) =	vpush v23, $0xC  }
0x52: {  	(v2sf) =	vpush v23, $0xD  }
0x53: {  	(v2sf) =	vpush v23, $0xE  }
0x54: {  	s12 =	spop (v2sf);
	(v2sf) =	vpush v23, $0xF  }
0x55: {  	s13 =	spop (v2sf)  }
0x56: {  	s14 =	spop (v2sf)  }
0x57: {  	s15 =	spop (v2sf)  }
0x58: {  	s16 =	spop (v2sf)  }
0x59: {  	s17 =	spop (v2sf)  }
0x5a: {  	s20 =	spop (v2sf)  }
0x5b: {  	s0 =	sadd.f32 s13, s12;
	s23 =	spop (v2sf)  }
0x5c: {  	s4 =	sadd.f32 s15, s14;
	s10 =	spop (v2sf)  }
0x5d: {  	s6 =	sadd.f32 s17, s16;
	s24 =	spop (v2sf)  }
0x5e: {  	s0 =	sadd.f32 s4, s0;
	s25 =	spop (v2sf)  }
0x5f: {  	s8 =	sadd.f32 s23, s20;
	s26 =	spop (v2sf)  }
0x60: {  	s10 =	sadd.f32 s24, s10;
	s28 =	spop (v2sf)  }
0x61: {  	s9 =	sadd.f32 s8, s6;
	s29 =	spop (v2sf)  }
0x62: {  	s1 =	sadd.f32 s26, s25;
	s30 =	spop (v2sf)  }
0x63: {  	s7 =	sadd.f32 s29, s28;
	s31 =	spop (v2sf)  }
0x64: {  	s5 =	sadd.f32 s31, s30  }
0x65: {  	s1 =	sadd.f32 s1, s10  }
0x66: {  	s5 =	sadd.f32 s5, s7  }
0x67: {  	s0 =	sadd.f32 s9, s0  }
0x68: {  	s1 =	sadd.f32 s5, s1;
	_ =	sdelay $0x1  }
0x69: {  	v38 =	vld [tilespmem:$0x1B700];
	s0 =	sadd.f32 s1, s0;
	_ =	sdelay $0x1  }
0x6a: {  	v49 =	vmov s0  }
0x6b: {  	(erf) = vrcp.f32 v49;
	_ =	sdelay $0x1  }
0x6c: {  	v37 =	vld [tilespmem:$0x1B710];
	(erf) = vrcp.f32 v38  }
0x6d: {  	v36 =	vld [tilespmem:$0x1B720]  }
0x6e: {  	v35 =	vld [tilespmem:$0x1B730]  }
0x6f: {  	v34 =	vld [tilespmem:$0x1B740]  }
0x70: {  	v25 =	vld [tilespmem:$0x1B750]  }
0x71: {  	v24 =	vld [tilespmem:$0x1B760];
	(erf) = vrcp.f32 v37  }
0x72: {  	v23 =	vld [tilespmem:$0x1B770];
	(erf) = vrcp.f32 v36  }
0x73: {  	v50 =	vpop (erf);
	(erf) = vrcp.f32 v35  }
0x74: {  	(erf) = vrcp.f32 v34  }
0x75: {  	v51 =	vpop (erf);
	(erf) = vrcp.f32 v25  }
0x76: {  	(erf) = vrcp.f32 v24  }
0x77: {  	v31 =	vmul.f32 v50, v31;
	(erf) = vrcp.f32 v23  }
0x78: {  	v32 =	vmul.f32 v50, v32;
	v33 =	vmul.f32 v50, v33  }
0x79: {  	v29 =	vmul.f32 v50, v29;
	v30 =	vmul.f32 v50, v30  }
0x7a: {  	v28 =	vmul.f32 v50, v28;
	v52 =	vpop (erf);
	v31 =	vmul.f32 v51, v31  }
0x7b: {  	v27 =	vmul.f32 v50, v27;
	v32 =	vmul.f32 v52, v32;
	v53 =	vpop (erf)  }
0x7c: {  	v26 =	vmul.f32 v50, v26;
	v33 =	vmul.f32 v53, v33;
	v31 =	vnsel vm15, $0x0, v31;
	v55 =	vpop (erf)  }
0x7d: {  	v32 =	vnsel vm14, $0x0, v32;
	v54 =	vmax.f32 v31, $0.0e+00;
	v56 =	vpop (erf);
	v29 =	vmul.f32 v55, v29  }
0x7e: {  	v33 =	vnsel vm13, $0x0, v33;
	v41 =	vmax.f32 v54, v32;
	v57 =	vpop (erf);
	v30 =	vmul.f32 v56, v30  }
0x7f: {  	v41 =	vmax.f32 v41, v33;
	v58 =	vpop (erf);
	v29 =	vnsel vm7, $0x0, v29;
	v28 =	vmul.f32 v57, v28  }
0x80: {  	v60 =	vmax.f32 v41, v29;
	v30 =	vnsel vm12, $0x0, v30;
	v27 =	vmul.f32 v58, v27;
	v61 =	vpop (erf)  }
0x81: {  	v39 =	vmax.f32 v60, v30;
	v28 =	vnsel vm6, $0x0, v28;
	v26 =	vmul.f32 v61, v26  }
0x82: {  	v39 =	vmax.f32 v39, v28;
	v27 =	vnsel vm9, $0x0, v27  }
0x83: {  	v39 =	vmax.f32 v39, v27;
	v26 =	vnsel vm3, $0x0, v26  }
0x84: {  	v39 =	vmax.f32 v39, v26  }
0x85: {  	(v2sf) =	vpush v39, $0x0  }
0x86: {  	(v2sf) =	vpush v39, $0x1  }
0x87: {  	(v2sf) =	vpush v39, $0x2  }
0x88: {  	(v2sf) =	vpush v39, $0x3  }
0x89: {  	(v2sf) =	vpush v39, $0x4  }
0x8a: {  	(v2sf) =	vpush v39, $0x5  }
0x8b: {  	(v2sf) =	vpush v39, $0x6  }
0x8c: {  	(v2sf) =	vpush v39, $0x7  }
0x8d: {  	(v2sf) =	vpush v39, $0x8  }
0x8e: {  	(v2sf) =	vpush v39, $0x9  }
0x8f: {  	(v2sf) =	vpush v39, $0xA  }
0x90: {  	(v2sf) =	vpush v39, $0xB  }
0x91: {  	(v2sf) =	vpush v39, $0xC  }
0x92: {  	(v2sf) =	vpush v39, $0xD  }
0x93: {  	(v2sf) =	vpush v39, $0xE  }
0x94: {  	s11 =	spop (v2sf);
	(v2sf) =	vpush v39, $0xF  }
0x95: {  	s12 =	spop (v2sf)  }
0x96: {  	s14 =	spop (v2sf)  }
0x97: {  	s20 =	spop (v2sf)  }
0x98: {  	s23 =	spop (v2sf)  }
0x99: {  	s24 =	spop (v2sf)  }
0x9a: {  	s25 =	spop (v2sf)  }
0x9b: {  	s26 =	spop (v2sf)  }
0x9c: {  	s0 =	smax.f32 s11, s12;
	s28 =	spop (v2sf)  }
0x9d: {  	s5 =	smax.f32 s14, s20;
	s29 =	spop (v2sf)  }
0x9e: {  	s0 =	smax.f32 s0, s5;
	s30 =	spop (v2sf)  }
0x9f: {  	s7 =	smax.f32 s23, s24;
	s13 =	spop (v2sf)  }
0xa0: {  	s9 =	smax.f32 s25, s26;
	s31 =	spop (v2sf)  }
0xa1: {  	s26 =	smax.f32 s7, s9;
	s15 =	spop (v2sf)  }
0xa2: {  	s20 =	smax.f32 s28, s29;
	s16 =	spop (v2sf)  }
0xa3: {  	s23 =	smax.f32 s30, s13;
	s17 =	spop (v2sf)  }
0xa4: {  	s24 =	smax.f32 s31, s15;
	s25 =	smax.f32 s16, s17  }
0xa5: {  	v63 =	vimm.s32 $0x0;
	s28 =	smax.f32 s20, s23;
	s29 =	smax.f32 s24, s25  }
0xa6: {  	v59 =	vimm.s32 $0x0;
	v40 =	vsel vm3, $0xFFFFFFFF, v63;
	s0 =	smax.f32 s0, s26;
	s30 =	smax.f32 s28, s29  }
0xa7: {  	v62 =	vimm.s32 $0x0;
	v43 =	vsel vm7, $0xFFFFFFFF, v59;
	[tilespmem:$0x1FEC0] =	vst v40;
	v40 =	vmin.f32 v22, $1.000000000e+05;
	s0 =	smax.f32 s0, s30  }
0xa8: {  	v41 =	vsel vm6, $0xFFFFFFFF, v62;
	vm5 =	veq.f32 v31, s0;
	vm2 =	veq.f32 v29, s0  }
0xa9: {  	vm0 =	vmand vm15, vm5;
	vm5 =	veq.f32 v32, s0;
	vm7 =	vmand vm7, vm2  }
0xaa: {  	[tilespmem:$0x1FEB0] =	vst v41;
	v41 =	vnsel vm0, $0x47C35000, v40;
	vm0 =	vmand vm14, vm5;
	vm5 =	veq.f32 v33, s0  }
0xab: {  	v44 =	vnsel vm7, $0x47C35000, v18;
	vm5 =	vmand vm13, vm5  }
0xac: {  	[tilespmem:$0x1FEA0] =	vst v43;
	v42 =	vnsel vm0, $0x47C35000, v20;
	v43 =	vnsel vm5, $0x47C35000, v21;
	vm5 =	veq.f32 v30, s0  }
0xad: {  	vm7 =	veq.f32 v28, s0;
	v29 =	vmin.f32 v41, v42;
	vm0 =	vmand vm12, vm5  }
0xae: {  	v29 =	vmin.f32 v29, v43;
	vm5 =	vmand vm6, vm7;
	vm6 =	veq.f32 v27, s0  }
0xaf: {  	vm7 =	veq.f32 v26, s0;
	v45 =	vnsel vm0, $0x47C35000, v19;
	v29 =	vmin.f32 v29, v44  }
0xb0: {  	v50 =	vld [tilespmem:$0x1FFF0];
	v46 =	vnsel vm5, $0x47C35000, v17;
	vm0 =	vmand vm9, vm6;
	v47 =	vmin.f32 v29, v45  }
0xb1: {  	vm5 =	vmand vm3, vm7;
	v48 =	vnsel vm0, $0x47C35000, v16;
	v27 =	vmin.f32 v47, v46  }
0xb2: {  	v51 =	vld [tilespmem:$0x1FFA0];
	v49 =	vnsel vm5, $0x47C35000, v15;
	v26 =	vmin.f32 v27, v48  }
0xb3: {  	v26 =	vmin.f32 v26, v49  }
0xb4: {  	vm4 =	vmmov vm8;
	vm8 =	vmmov vm1;
	(v2sf) =	vpush v26, $0x0  }
0xb5: {  	vm6 =	veq.s32 v7, s2;
	vm3 =	vnez.u8 v50;
	(v2sf) =	vpush v26, $0x1  }
0xb6: {  	vm7 =	veq.s32 v8, s2;
	vm0 =	vmand vm3, vm6;
	(v2sf) =	vpush v26, $0x2  }
0xb7: {  	v52 =	vld [tilespmem:$0x1FFD0];
	vm1 =	vmand vm11, vm7;
	vm7 =	vnez.u8 v51;
	(v2sf) =	vpush v26, $0x3  }
0xb8: {  	vm6 =	veq.s32 v10, s2;
	vm0 =	vmor vm0, vm1;
	(v2sf) =	vpush v26, $0x4  }
0xb9: {  	vm1 =	veq.s32 v9, s2;
	vm5 =	vmand vm4, vm6;
	(v2sf) =	vpush v26, $0x5  }
0xba: {  	v53 =	vld [tilespmem:$0x1FFE0];
	vm6 =	veq.s32 v12, s2;
	vm1 =	vmand vm7, vm1;
	(v2sf) =	vpush v26, $0x6  }
0xbb: {  	vm0 =	vmor vm0, vm1;
	vm1 =	veq.s32 v11, s2;
	(v2sf) =	vpush v26, $0x7  }
0xbc: {  	vm0 =	vmor vm0, vm5;
	vm5 =	vnez.u8 v52;
	(v2sf) =	vpush v26, $0x8  }
0xbd: {  	vm6 =	vmand vm10, vm6;
	vm1 =	vmand vm5, vm1;
	(v2sf) =	vpush v26, $0x9  }
0xbe: {  	vm0 =	vmor vm0, vm1;
	vm1 =	veq.s32 v13, s2;
	(v2sf) =	vpush v26, $0xA  }
0xbf: {  	vm0 =	vmor vm0, vm6;
	vm6 =	vnez.u8 v53;
	(v2sf) =	vpush v26, $0xB  }
0xc0: {  	vm2 =	veq.s32 v14, s2;
	vm1 =	vmand vm6, vm1;
	(v2sf) =	vpush v26, $0xC  }
0xc1: {  	vm0 =	vmor vm0, vm1;
	vm1 =	vmand vm8, vm2;
	(v2sf) =	vpush v26, $0xD  }
0xc2: {  	vm0 =	vmor vm0, vm1;
	(v2sf) =	vpush v26, $0xE  }
0xc3: {  	v54 =	vsel vm0, $0x1, v1;
	s0 =	spop (v2sf);
	(v2sf) =	vpush v26, $0xF  }
0xc4: {  	s1 =	spop (v2sf);
	(v2sf) =	vpush v54, $0x0  }
0xc5: {  	s4 =	spop (v2sf);
	(v2sf) =	vpush v54, $0x1  }
0xc6: {  	s5 =	spop (v2sf);
	(v2sf) =	vpush v54, $0x2  }
0xc7: {  	s6 =	spop (v2sf);
	(v2sf) =	vpush v54, $0x3  }
0xc8: {  	s7 =	spop (v2sf)  }
0xc9: {  	(v2sf) =	vpush v54, $0x4;
	s10 =	spop (v2sf)  }
0xca: {  	(v2sf) =	vpush v54, $0x5;
	s11 =	spop (v2sf)  }
0xcb: {  	(v2sf) =	vpush v54, $0x6;
	s12 =	spop (v2sf)  }
0xcc: {  	vm0 =	vmxor vm3, vm15;
	vm15 =	veq.f32 v38, $0.0e+00;
	(v2sf) =	vpush v54, $0x7;
	s13 =	spop (v2sf)  }
0xcd: {  	vm14 =	vmxor vm11, vm14;
	vm0 =	vmand vm0, vm15;
	s8 =	smin.f32 s4, s5;
	s14 =	spop (v2sf)  }
0xce: {  	vm15 =	veq.s32 v7, s3;
	v22 =	vnsel vm0, $0x47C35000, v40;
	s7 =	smin.f32 s6, s7;
	(v2sf) =	vpush v54, $0x8;
	s17 =	spop (v2sf)  }
0xcf: {  	vm0 =	vmand vm3, vm15;
	vm15 =	veq.s32 v8, s3;
	s5 =	smin.f32 s10, s11;
	(v2sf) =	vpush v54, $0x9;
	s20 =	spop (v2sf)  }
0xd0: {  	vm1 =	vmand vm11, vm15;
	vm11 =	vmxor vm7, vm13;
	vm15 =	veq.s32 v9, s3;
	s6 =	smin.f32 s7, s5;
	s24 =	spop (v2sf)  }
0xd1: {  	vm0 =	vmor vm0, vm1;
	vm1 =	vmand vm7, vm15;
	s4 =	smin.f32 s12, s13;
	(v2sf) =	vpush v54, $0xA;
	s31 =	spop (v2sf)  }
0xd2: {  	vm7 =	veq.s32 v10, s3;
	vm15 =	veq.s32 v11, s3;
	vm0 =	vmor vm0, vm1;
	[dreg:$0x1b] =	wrdreg s6;
	s9 =	spop (v2sf)  }
0xd3: {  	vm13 =	vmand vm4, vm7;
	vm1 =	vmand vm5, vm15;
	vm7 =	veq.s32 v12, s3;
	[dreg:$0x10] =	wrdreg s31;
	s23 =	spop (v2sf)  }
0xd4: {  	vm15 =	veq.s32 v13, s3;
	vm0 =	vmor vm0, vm13;
	vm13 =	vmand vm10, vm7;
	[dreg:$0x12] =	wrdreg s9;
	s26 =	spop (v2sf)  }
0xd5: {  	vm7 =	veq.s32 v14, s3;
	vm0 =	vmor vm0, vm1;
	(v2sf) =	vpush v54, $0xB;
	s12 =	rddreg [dreg:$0x10];
	s15 =	spop (v2sf)  }
0xd6: {  	vm1 =	vmand vm6, vm15;
	vm15 =	veq.f32 v37, $0.0e+00;
	vm0 =	vmor vm0, vm13;
	[dreg:$0x11] =	wrdreg s15;
	s16 =	spop (v2sf)  }
0xd7: {  	vm13 =	vmand vm8, vm7;
	vm7 =	veq.f32 v36, $0.0e+00;
	(v2sf) =	vpush v54, $0xC;
	s24 =	smin.f32 s20, s24;
	[dreg:$0x13] =	wrdreg s16  }
0xd8: {  	vm0 =	vmor vm0, vm1;
	vm1 =	vmand vm14, vm15;
	(v2sf) =	vpush v54, $0xD;
	s25 =	spop (v2sf);
	s20 =	rddreg [dreg:$0x11]  }
0xd9: {  	v56 =	vld [tilespmem:$0x1FEA0];
	vm14 =	vmxor vm5, vm12;
	vm0 =	vmor vm0, vm13;
	(v2sf) =	vpush v54, $0xE;
	[dreg:$0x14] =	wrdreg s25;
	s28 =	spop (v2sf)  }
0xda: {  	v59 =	vld [tilespmem:$0x1FEB0];
	vm15 =	veq.f32 v34, $0.0e+00;
	v7 =	vsel vm0, $0x1, v1;
	(v2sf) =	vpush v54, $0xF;
	[dreg:$0x15] =	wrdreg s28;
	s29 =	spop (v2sf)  }
0xdb: {  	vm12 =	veq.f32 v24, $0.0e+00;
	v8 =	vnsel vm1, $0x47C35000, v20;
	(v2sf) =	vpush v7, $0x0;
	[dreg:$0x16] =	wrdreg s29;
	s30 =	spop (v2sf)  }
0xdc: {  	vm13 =	veq.f32 v35, $0.0e+00;
	vm5 =	vmand vm14, vm15;
	(v2sf) =	vpush v7, $0x1;
	[dreg:$0x19] =	wrdreg s30  }
0xdd: {  	vm14 =	veq.f32 v23, $0.0e+00;
	vm0 =	vmand vm11, vm7;
	(v2sf) =	vpush v7, $0x2;
	s31 =	spop (v2sf);
	s6 =	rddreg [dreg:$0x16]  }
0xde: {  	vm11 =	vnez.u8 v56;
	v58 =	vnsel vm5, $0x47C35000, v19;
	(v2sf) =	vpush v7, $0x3;
	[dreg:$0x1c] =	wrdreg s31;
	s9 =	spop (v2sf)  }
0xdf: {  	v62 =	vld [tilespmem:$0x1FEC0];
	vm7 =	vnez.u8 v59;
	v8 =	vmin.f32 v22, v8;
	(v2sf) =	vpush v7, $0x4;
	[dreg:$0x1d] =	wrdreg s9  }
0xe0: {  	v55 =	vnsel vm0, $0x47C35000, v21;
	vm0 =	vmxor vm4, vm11;
	(v2sf) =	vpush v7, $0x5;
	s15 =	spop (v2sf);
	s9 =	smin.f32 s0, s1  }
0xe1: {  	vm11 =	vmxor vm6, vm9;
	vm0 =	vmand vm0, vm13;
	(v2sf) =	vpush v7, $0x6;
	s1 =	smin.f32 s14, s17;
	s17 =	rddreg [dreg:$0x12]  }
0xe2: {  	v8 =	vmin.f32 v8, v55;
	v57 =	vnsel vm0, $0x47C35000, v18;
	(v2sf) =	vpush v7, $0x7;
	[dreg:$0x1e] =	wrdreg s15  }
0xe3: {  	vm0 =	vmxor vm10, vm7;
	vm10 =	veq.f32 v25, $0.0e+00;
	(v2sf) =	vpush v7, $0x8;
	s4 =	smin.f32 s4, s1;
	s1 =	smax.u32 s23, s26;
	s23 =	rddreg [dreg:$0x13]  }
0xe4: {  	vm13 =	vnez.u8 v62;
	vm0 =	vmand vm0, vm10;
	(v2sf) =	vpush v7, $0x9;
	s16 =	spop (v2sf);
	s26 =	rddreg [dreg:$0x15]  }
0xe5: {  	v8 =	vmin.f32 v8, v57;
	v60 =	vnsel vm0, $0x47C35000, v17;
	(v2sf) =	vpush v7, $0xA;
	s0 =	smin.f32 s12, s17;
	s17 =	rddreg [dreg:$0x19]  }
0xe6: {  	vm0 =	vmand vm11, vm12;
	v8 =	vmin.f32 v8, v58;
	[dreg:$0x1f] =	wrdreg s16;
	(v2sf) =	vpush v7, $0xB;
	s25 =	spop (v2sf)  }
0xe7: {  	v61 =	vnsel vm0, $0x47C35000, v16;
	vm0 =	vmxor vm8, vm13;
	s0 =	smin.f32 s24, s0;
	(v2sf) =	vpush v7, $0xC;
	s28 =	spop (v2sf)  }
0xe8: {  	v8 =	vmin.f32 v8, v60;
	vm0 =	vmand vm0, vm14;
	s24 =	rddreg [dreg:$0x14];
	(v2sf) =	vpush v7, $0xD;
	s29 =	spop (v2sf)  }
0xe9: {  	v8 =	vmin.f32 v8, v61;
	v63 =	vnsel vm0, $0x47C35000, v15;
	[smem:$0x7E9] =	sst s25;
	(v2sf) =	vpush v7, $0xE;
	s31 =	spop (v2sf)  }
0xea: {  	v8 =	vmin.f32 v8, v63;
	[dreg:$0x1a] =	wrdreg s0;
	(v2sf) =	vpush v7, $0xF;
	s30 =	spop (v2sf)  }
0xeb: {  	[smem:$0x7EC] =	sst s30;
	(v2sf) =	vpush v8, $0x0;
	s30 =	spop (v2sf)  }
0xec: {  	[smem:$0x7EB] =	sst s29;
	(v2sf) =	vpush v8, $0x1;
	s29 =	spop (v2sf)  }
0xed: {  	[smem:$0x7EA] =	sst s28;
	(v2sf) =	vpush v8, $0x2;
	s28 =	spop (v2sf)  }
0xee: {  	s0 =	smax.u32 s20, s23;
	s20 =	rddreg [dreg:$0x1c];
	(v2sf) =	vpush v8, $0x3;
	s25 =	spop (v2sf)  }
0xef: {  	s26 =	smax.u32 s24, s26;
	s24 =	rddreg [dreg:$0x1d];
	(v2sf) =	vpush v8, $0x4;
	s16 =	spop (v2sf)  }
0xf0: {  	s23 =	smax.u32 s6, s17;
	s17 =	rddreg [dreg:$0x1e];
	(v2sf) =	vpush v8, $0x5;
	s15 =	spop (v2sf)  }
0xf1: {  	s24 =	smax.u32 s20, s24;
	s20 =	rddreg [dreg:$0x1f];
	(v2sf) =	vpush v8, $0x6;
	s14 =	spop (v2sf)  }
0xf2: {  	s5 =	sld [smem:$0x7E9];
	(v2sf) =	vpush v8, $0x7;
	s13 =	spop (v2sf)  }
0xf3: {  	s20 =	smax.u32 s17, s20;
	s17 =	sld [smem:$0x7EA];
	(v2sf) =	vpush v8, $0x8;
	s12 =	spop (v2sf)  }
0xf4: {  	s8 =	smin.f32 s9, s8;
	(v2sf) =	vpush v8, $0x9;
	s11 =	spop (v2sf)  }
0xf5: {  	p0 =	slt.s32 s3, $0x186A0;
	[dreg:$0x18] =	wrdreg s8;
	(v2sf) =	vpush v8, $0xA;
	s10 =	spop (v2sf)  }
0xf6: {  	s17 =	smax.u32 s5, s17;
	s5 =	sld [smem:$0x7EB];
	(v2sf) =	vpush v8, $0xB;
	s9 =	spop (v2sf)  }
0xf7: {  	s0 =	smax.u32 s1, s0;
	s1 =	sld [smem:$0x7EC];
	(v2sf) =	vpush v8, $0xC;
	s8 =	spop (v2sf)  }
0xf8: {  	s3 =	simm.s32 @!p0 $0x186A0;
	(v2sf) =	vpush v8, $0xD;
	s7 =	spop (v2sf)  }
0xf9: {  	[dreg:$0x17] =	wrdreg s4;
	s28 =	smax.u32 s29, s28;
	(v2sf) =	vpush v8, $0xE;
	s4 =	spop (v2sf)  }
0xfa: {  	s31 =	smax.u32 s5, s31;
	s1 =	smax.u32 s1, s30;
	(v2sf) =	vpush v8, $0xF;
	s6 =	spop (v2sf)  }
0xfb: {  	s16 =	smax.u32 s25, s16;
	s14 =	smax.u32 s15, s14;
	s5 =	spop (v2sf)  }
0xfc: {  	s1 =	smax.u32 s1, s28;
	s14 =	smax.u32 s16, s14;
	s30 =	spop (v2sf)  }
0xfd: {  	s12 =	smax.u32 s13, s12;
	s1 =	smax.u32 s1, s14;
	s25 =	spop (v2sf)  }
0xfe: {  	s14 =	smax.u32 s26, s23;
	s23 =	smax.u32 s17, s31;
	s13 =	spop (v2sf)  }
0xff: {  	s26 =	rddreg [dreg:$0x1b];
	s8 =	smax.u32 s9, s8;
	s9 =	spop (v2sf)  }
0x100: {  	s4 =	smax.u32 s7, s4;
	s5 =	smin.f32 s6, s5;
	s29 =	spop (v2sf)  }
0x101: {  	s4 =	smax.u32 s8, s4;
	s8 =	smin.f32 s30, s25;
	s15 =	spop (v2sf)  }
0x102: {  	s10 =	smax.u32 s11, s10;
	s5 =	smin.f32 s5, s8;
	s16 =	spop (v2sf)  }
0x103: {  	s10 =	smax.u32 s12, s10;
	s9 =	smin.f32 s13, s9;
	s25 =	spop (v2sf)  }
0x104: {  	s4 =	smax.u32 s10, s4;
	s29 =	smin.f32 s29, s15;
	s28 =	spop (v2sf)  }
0x105: {  	s1 =	smax.u32 s1, s4;
	s4 =	smin.f32 s9, s29;
	s30 =	spop (v2sf)  }
0x106: {  	s0 =	smax.u32 s0, s14;
	s29 =	rddreg [dreg:$0x1a];
	s12 =	spop (v2sf)  }
0x107: {  	p1 =	seq.s32 s1, $0x0;
	s6 =	smin.f32 s16, s25;
	s13 =	spop (v2sf)  }
0x108: {  	s3 =	simm.s32 @!p1 $0x186A0;
	s4 =	smin.f32 s5, s4;
	s15 =	spop (v2sf)  }
0x109: {  	s16 =	smax.u32 s24, s20;
	s7 =	smin.f32 s28, s30;
	s20 =	spop (v2sf)  }
0x10a: {  	p1 =	slt.s32 s2, $0x186A0;
	s1 =	smin.f32 s12, s13;
	s10 =	smin.f32 s15, s20  }
0x10b: {  	s24 =	smax.u32 s16, s23;
	s6 =	smin.f32 s6, s7;
	s1 =	smin.f32 s1, s10  }
0x10c: {  	s25 =	rddreg [dreg:$0x18];
	s0 =	smax.u32 s0, s24;
	s1 =	smin.f32 s6, s1  }
0x10d: {  	p0 =	seq.s32 s0, $0x0;
	s0 =	smov.u32 s3;
	s1 =	smin.f32 s4, s1  }
0x10e: {  	s28 =	rddreg [dreg:$0x17];
	s0 =	smov.u32 @p0 s2;
	s1 =	scvt.f32.s32 s1  }
0x10f: {  	s5 =	smin.f32 s25, s26;
	s2 =	smin.f32 s28, s29;
	s3 =	smov.u32 @p1 s0  }
0x110: {  	s30 =	smin.f32 s5, s2;
	p0 =	slt.s32 s1, s3  }
0x111: {  	s31 =	rddreg [dreg:$0xc];
	s0 =	scvt.f32.s32 s30;
	s3 =	smov.u32 @p0 s1  }
0x112: {  	s1 =	sadd.s32 $0x1, s31;
	p0 =	slt.s32 s3, $0x186A0  }
0x113: {  	s0 =	smov.u32 @p0 s3;
	p0 =	sne.s32 s1, $0x4  }
.Ltmp3:
0x114: {  	_ = 	snop;
	(pc) =	sbr.rel @!p0 .LBB2_41-.Ltmp3, $4  }
0x115: {  	_ = 	snop  }
0x116: {  	v7 =	vmov s31  }
0x117: {  	vm15 =	veq.s32 v7, v0  }
0x118: {  	s11 =	simm.s32 $0x40000;
	s10 =	simm.s32 $0x2;
	s6 =	simm.s32 $0x0;
	v6 =	vsel vm15, s0, v6  }
.LBB2_2:
0x119: {  	s0 =	rddreg [dreg:$0x7]  }
0x11a: {  	s12 =	sadd.s32 s0, s1  }
0x11b: {  	s0 =	sshll.u32 s12, $0x7  }
0x11c: {  	s29 =	rddreg [dreg:$0x8];
	s0 =	sand.u32 $0x380, s0  }
0x11d: {  	[dreg:$0xc] =	wrdreg s1;
	s0 =	sor.u32 s29, s0  }
0x11e: {  	s30 =	rddreg [dreg:$0x5];
	s0 =	sshrl.u32 s0, $0x3  }
0x11f: {  	s31 =	simm.s32 $0x80;
	s2 =	simm.s32 $0x400;
	s0 =	sadd.s32 s30, s0  }
0x120: {  	[tilespmem:s6], [sflag:$0x2] =	stream.strided.gather [hbm4b:s0+s31], $0x18700, s2, s31, $0x38;
	[tilespmem:$0x1BA00] =	vst v63  }
0x121: {  	_ =	swait.ge [sflag:s10], $0x18700  }
0x122: {  	[sflag:s10] =	ssyncset.done $0x0  }
0x123: {  	s0 =	simm.s32 $0x40;
	[sflag:s10] =	ssyncadd.s32 $0xFFFE7900  }
0x124: {  	v7 =	vld [tilespmem:s0+$0xFFFFFFC0]  }
0x125: {  	v12 =	vld [tilespmem:s0+$0xFFFFFFD0]  }
0x126: {  	v11 =	vld [tilespmem:s0+$0xFFFFFFE0]  }
0x127: {  	v10 =	vld [tilespmem:s0+$0x0]  }
0x128: {  	v8 =	vld [tilespmem:s0+$0x10]  }
0x129: {  	v9 =	vld [tilespmem:s0+$0x20];
	v13 =	vsub.s32 $0x80000000, v7;
	vm0 =	vlt.s32 v7, $0x0  }
0x12a: {  	v14 =	vsub.s32 $0x80000000, v12;
	v13 =	vsel vm0, v13, v7;
	vm0 =	vlt.s32 v12, $0x0;
	v7 =	vld [tilespmem:s0+$0x30]  }
0x12b: {  	s1 =	simm.s32 $0x0;
	s2 =	simm.s32 $0xC0;
	[tilespmem:s0+$0xFFFFFFC0] =	vst v13;
	v13 =	vsel vm0, v14, v12;
	v14 =	vsub.s32 $0x80000000, v11;
	vm0 =	vlt.s32 v11, $0x0;
	v12 =	vld [tilespmem:s0+$0xFFFFFFF0]  }
.LBB2_3:
0x12c: {  	v15 =	vld [tilespmem:s2+$0xFFFFFFC0];
	[tilespmem:s0+$0xFFFFFFD0] =	vst v13;
	v11 =	vsel vm0, v14, v11;
	v13 =	vsub.s32 $0x80000000, v10;
	vm0 =	vlt.s32 v10, $0x0  }
0x12d: {  	s1 =	sadd.s32 $0x8, s1;
	v14 =	vld [tilespmem:s2+$0xFFFFFFD0];
	[tilespmem:s0+$0xFFFFFFE0] =	vst v11;
	v10 =	vsel vm0, v13, v10;
	v13 =	vsub.s32 $0x80000000, v8;
	vm0 =	vlt.s32 v8, $0x0  }
0x12e: {  	p0 =	slt.u32 s1, $0x1860;
	v11 =	vld [tilespmem:s2+$0xFFFFFFE0];
	[tilespmem:s0+$0x0] =	vst v10;
	v8 =	vsel vm0, v13, v8;
	v13 =	vsub.s32 $0x80000000, v9;
	vm0 =	vlt.s32 v9, $0x0  }
.Ltmp4:
0x12f: {  	v10 =	vld [tilespmem:s2+$0x0];
	[tilespmem:s0+$0x10] =	vst v8;
	v9 =	vsel vm0, v13, v9;
	v13 =	vsub.s32 $0x80000000, v7;
	vm0 =	vlt.s32 v7, $0x0;
	(pc) =	sbr.rel @p0 .LBB2_3-.Ltmp4, $4  }
0x130: {  	v8 =	vld [tilespmem:s2+$0x10];
	v16 =	vsub.s32 $0x80000000, v12;
	vm1 =	vlt.s32 v12, $0x0;
	[tilespmem:s0+$0x20] =	vst v9;
	v7 =	vsel vm0, v13, v7  }
0x131: {  	v13 =	vsub.s32 $0x80000000, v15;
	vm0 =	vlt.s32 v15, $0x0;
	v9 =	vld [tilespmem:s2+$0x20];
	v12 =	vsel vm1, v16, v12;
	[tilespmem:s0+$0x30] =	vst v7  }
0x132: {  	v13 =	vsel vm0, v13, v15;
	v15 =	vsub.s32 $0x80000000, v14;
	vm0 =	vlt.s32 v14, $0x0;
	v7 =	vld [tilespmem:s2+$0x30];
	[tilespmem:s0+$0xFFFFFFF0] =	vst v12;
	s0 =	smov.u32 s2  }
0x133: {  	s2 =	sadd.s32 $0x80, s2;
	[tilespmem:s0+$0xFFFFFFC0] =	vst v13;
	v13 =	vsel vm0, v15, v14;
	v14 =	vsub.s32 $0x80000000, v11;
	vm0 =	vlt.s32 v11, $0x0;
	v12 =	vld [tilespmem:s0+$0xFFFFFFF0]  }
0x134: {  	[tilespmem:s0+$0xFFFFFFD0] =	vst v13;
	v11 =	vsel vm0, v14, v11;
	v13 =	vsub.s32 $0x80000000, v10;
	vm0 =	vlt.s32 v10, $0x0  }
0x135: {  	[tilespmem:s0+$0xFFFFFFE0] =	vst v11;
	v10 =	vsel vm0, v13, v10;
	v11 =	vsub.s32 $0x80000000, v8;
	vm0 =	vlt.s32 v8, $0x0  }
0x136: {  	[tilespmem:s0+$0x0] =	vst v10;
	v8 =	vsel vm0, v11, v8;
	v10 =	vsub.s32 $0x80000000, v9;
	vm0 =	vlt.s32 v9, $0x0  }
0x137: {  	[tilespmem:s0+$0x10] =	vst v8;
	v8 =	vsel vm0, v10, v9;
	v9 =	vsub.s32 $0x80000000, v7;
	vm0 =	vlt.s32 v7, $0x0  }
0x138: {  	v10 =	vsub.s32 $0x80000000, v12;
	vm1 =	vlt.s32 v12, $0x0;
	[tilespmem:s0+$0x20] =	vst v8;
	v7 =	vsel vm0, v9, v7  }
0x139: {  	v8 =	vsel vm1, v10, v12;
	[tilespmem:s0+$0x30] =	vst v7  }
0x13a: {  	[tilespmem:s0+$0xFFFFFFF0] =	vst v8  }
0x13b: {  	v7 =	vld [tilespmem:$0x18680]  }
0x13c: {  	v9 =	vld [tilespmem:$0x18690];
	_ =	sdelay $0x3  }
0x13d: {  	v8 =	vsub.s32 $0x80000000, v7;
	vm0 =	vlt.s32 v7, $0x0  }
0x13e: {  	v8 =	vsel vm0, v8, v7;
	v7 =	vsub.s32 $0x80000000, v9;
	vm0 =	vlt.s32 v9, $0x0  }
0x13f: {  	[tilespmem:$0x18680] =	vst v8;
	v9 =	vsel vm0, v7, v9  }
0x140: {  	[tilespmem:$0x18690] =	vst v9  }
0x141: {  	v10 =	vld [tilespmem:s12+$0x1B780]  }
0x142: {  	s1 =	simm.s32 $0x40;
	v7 =	vld [tilespmem:s12+$0x1B880]  }
0x143: {  	v12 =	vld [tilespmem:s1+$0xFFFFFFC0]  }
0x144: {  	v13 =	vld [tilespmem:s1+$0xFFFFFFD0]  }
0x145: {  	v15 =	vld [tilespmem:s1+$0xFFFFFFE0]  }
0x146: {  	v14 =	vld [tilespmem:s1+$0xFFFFFFF0]  }
0x147: {  	v11 =	vld [tilespmem:s1+$0x0]  }
0x148: {  	vm0 =	vgt.s32 v12, $0xFFFFFFFF;
	v12 =	vld [tilespmem:s1+$0x10]  }
0x149: {  	v16 =	vimm.s32 $0x0;
	v17 =	vsel vm0, $0x1, v1;
	vm0 =	vgt.s32 v13, $0xFFFFFFFF;
	v13 =	vld [tilespmem:s1+$0x20]  }
0x14a: {  	s9 =	simm.s32 $0x40000000;
	s0 =	simm.s32 $0x0;
	v16 =	vadd.s32 v17, v16;
	v17 =	vsel vm0, $0x1, v1;
	vm0 =	vgt.s32 v15, $0xFFFFFFFF;
	v15 =	vld [tilespmem:s1+$0x30];
	s1 =	simm.s32 $0xC0  }
.LBB2_5:
0x14b: {  	v18 =	vld [tilespmem:s1+$0xFFFFFFC0];
	s0 =	sadd.s32 $0x8, s0;
	v16 =	vadd.s32 v17, v16;
	v17 =	vsel vm0, $0x1, v1;
	vm0 =	vgt.s32 v14, $0xFFFFFFFF  }
0x14c: {  	v19 =	vld [tilespmem:s1+$0xFFFFFFD0];
	p0 =	slt.u32 s0, $0x1860;
	v14 =	vadd.s32 v17, v16;
	v16 =	vsel vm0, $0x1, v1;
	vm0 =	vgt.s32 v11, $0xFFFFFFFF  }
0x14d: {  	v20 =	vld [tilespmem:s1+$0xFFFFFFE0];
	v11 =	vadd.s32 v16, v14;
	v16 =	vsel vm0, $0x1, v1;
	vm0 =	vgt.s32 v12, $0xFFFFFFFF  }
.Ltmp5:
0x14e: {  	v14 =	vld [tilespmem:s1+$0xFFFFFFF0];
	v12 =	vadd.s32 v16, v11;
	v16 =	vsel vm0, $0x1, v1;
	vm0 =	vgt.s32 v13, $0xFFFFFFFF;
	(pc) =	sbr.rel @p0 .LBB2_5-.Ltmp5, $4  }
0x14f: {  	v11 =	vld [tilespmem:s1+$0x0];
	v13 =	vadd.s32 v16, v12;
	v16 =	vsel vm0, $0x1, v1;
	vm0 =	vgt.s32 v15, $0xFFFFFFFF  }
0x150: {  	vm1 =	vgt.s32 v18, $0xFFFFFFFF;
	v12 =	vld [tilespmem:s1+$0x10];
	v15 =	vadd.s32 v16, v13;
	v16 =	vsel vm0, $0x1, v1  }
0x151: {  	v17 =	vsel vm1, $0x1, v1;
	vm0 =	vgt.s32 v19, $0xFFFFFFFF;
	v13 =	vld [tilespmem:s1+$0x20];
	v15 =	vadd.s32 v16, v15  }
0x152: {  	v16 =	vadd.s32 v17, v15;
	v17 =	vsel vm0, $0x1, v1;
	vm0 =	vgt.s32 v20, $0xFFFFFFFF;
	v15 =	vld [tilespmem:s1+$0x30];
	s1 =	sadd.s32 $0x80, s1  }
0x153: {  	v16 =	vadd.s32 v17, v16;
	v56 =	vsel vm0, $0x1, v1;
	vm10 =	vgt.s32 v14, $0xFFFFFFFF  }
0x154: {  	vm15 =	vgt.s32 v8, $0xFFFFFFFF;
	vm1 =	vgt.s32 v9, $0xFFFFFFFF;
	v57 =	vadd.s32 v56, v16  }
0x155: {  	v58 =	vsel vm10, $0x1, v1;
	vm11 =	vgt.s32 v11, $0xFFFFFFFF;
	v62 =	vsel vm15, $0x1, v1  }
0x156: {  	v11 =	vadd.s32 v58, v57;
	v59 =	vsel vm11, $0x1, v1;
	vm12 =	vgt.s32 v12, $0xFFFFFFFF  }
0x157: {  	v11 =	vadd.s32 v59, v11;
	v12 =	vsel vm12, $0x1, v1;
	vm13 =	vgt.s32 v13, $0xFFFFFFFF  }
0x158: {  	v11 =	vadd.s32 v12, v11;
	v60 =	vsel vm13, $0x1, v1;
	vm14 =	vgt.s32 v15, $0xFFFFFFFF  }
0x159: {  	v63 =	vsel vm1, $0x1, v1;
	v61 =	vsel vm14, $0x1, v1;
	v11 =	vadd.s32 v60, v11  }
0x15a: {  	v12 =	vadd.s32 v62, v63;
	v11 =	vadd.s32 v61, v11  }
0x15b: {  	(v2sf) =	vpush v10, $0x0;
	v10 =	vadd.s32 v11, v12  }
0x15c: {  	(v2sf) =	vpush v10, $0x0  }
0x15d: {  	(v2sf) =	vpush v10, $0x1  }
0x15e: {  	(v2sf) =	vpush v10, $0x2  }
0x15f: {  	(v2sf) =	vpush v10, $0x3  }
0x160: {  	(v2sf) =	vpush v10, $0x4  }
0x161: {  	(v2sf) =	vpush v10, $0x5  }
0x162: {  	(v2sf) =	vpush v10, $0x6  }
0x163: {  	(v2sf) =	vpush v10, $0x7  }
0x164: {  	(v2sf) =	vpush v10, $0x8  }
0x165: {  	(v2sf) =	vpush v10, $0x9  }
0x166: {  	(v2sf) =	vpush v10, $0xA  }
0x167: {  	(v2sf) =	vpush v10, $0xB  }
0x168: {  	(v2sf) =	vpush v10, $0xC  }
0x169: {  	(v2sf) =	vpush v10, $0xD  }
0x16a: {  	s1 =	spop (v2sf);
	(v2sf) =	vpush v10, $0xE  }
0x16b: {  	s0 =	spop (v2sf);
	(v2sf) =	vpush v10, $0xF  }
0x16c: {  	s2 =	spop (v2sf)  }
0x16d: {  	s3 =	spop (v2sf)  }
0x16e: {  	s0 =	sadd.s32 s2, s0;
	s4 =	spop (v2sf)  }
0x16f: {  	s15 =	spop (v2sf);
	s0 =	sadd.s32 s4, s0  }
0x170: {  	s16 =	spop (v2sf);
	s0 =	sadd.s32 s3, s0  }
0x171: {  	s17 =	spop (v2sf);
	s0 =	sadd.s32 s16, s0  }
0x172: {  	s20 =	spop (v2sf);
	s0 =	sadd.s32 s15, s0  }
0x173: {  	s23 =	spop (v2sf);
	s0 =	sadd.s32 s20, s0  }
0x174: {  	s24 =	spop (v2sf);
	s0 =	sadd.s32 s17, s0  }
0x175: {  	s25 =	spop (v2sf);
	s0 =	sadd.s32 s24, s0  }
0x176: {  	s26 =	spop (v2sf);
	s0 =	sadd.s32 s23, s0  }
0x177: {  	s28 =	spop (v2sf);
	s0 =	sadd.s32 s26, s0  }
0x178: {  	s29 =	spop (v2sf);
	s0 =	sadd.s32 s25, s0  }
0x179: {  	s30 =	spop (v2sf);
	s0 =	sadd.s32 s29, s0  }
0x17a: {  	s31 =	spop (v2sf);
	s0 =	sadd.s32 s28, s0  }
0x17b: {  	s0 =	sadd.s32 s31, s0  }
0x17c: {  	s0 =	sadd.s32 s30, s0  }
0x17d: {  	p0 =	slt.s32 s0, s1;
	s0 =	simm.s32 $0x80000000  }
0x17e: {  	s2 =	simm.s32 $0x0;
	s3 =	simm.s32 $0x0;
	s0 =	simm.s32 @!p0 $0x0  }
.LBB2_7:
0x17f: {  	s6 =	simm.s32 $0x40  }
0x180: {  	v12 =	vld [tilespmem:s6+$0xFFFFFFC0]  }
0x181: {  	v14 =	vld [tilespmem:s6+$0xFFFFFFD0]  }
0x182: {  	s4 =	sshrl.u32 s9, s3;
	s5 =	sor.u32 s0, s2;
	v15 =	vld [tilespmem:s6+$0xFFFFFFE0]  }
0x183: {  	s5 =	sor.u32 s4, s5;
	v13 =	vld [tilespmem:s6+$0xFFFFFFF0]  }
0x184: {  	v11 =	vld [tilespmem:s6+$0x0];
	v10 =	vmov s5  }
0x185: {  	vm0 =	vge.s32 v12, v10;
	v12 =	vld [tilespmem:s6+$0x10]  }
0x186: {  	v16 =	vimm.s32 $0x0;
	v17 =	vsel vm0, $0x1, v1;
	vm0 =	vge.s32 v14, v10;
	v14 =	vld [tilespmem:s6+$0x20]  }
0x187: {  	s5 =	simm.s32 $0x0;
	v16 =	vadd.s32 v17, v16;
	v17 =	vsel vm0, $0x1, v1;
	vm0 =	vge.s32 v15, v10;
	v15 =	vld [tilespmem:s6+$0x30];
	s6 =	simm.s32 $0xC0  }
.LBB2_8:
0x188: {  	v18 =	vld [tilespmem:s6+$0xFFFFFFC0];
	s5 =	sadd.s32 $0x8, s5;
	v16 =	vadd.s32 v17, v16;
	v17 =	vsel vm0, $0x1, v1;
	vm0 =	vge.s32 v13, v10  }
0x189: {  	v19 =	vld [tilespmem:s6+$0xFFFFFFD0];
	p0 =	slt.u32 s5, $0x1860;
	v13 =	vadd.s32 v17, v16;
	v16 =	vsel vm0, $0x1, v1;
	vm0 =	vge.s32 v11, v10  }
0x18a: {  	v20 =	vld [tilespmem:s6+$0xFFFFFFE0];
	v11 =	vadd.s32 v16, v13;
	v16 =	vsel vm0, $0x1, v1;
	vm0 =	vge.s32 v12, v10  }
.Ltmp6:
0x18b: {  	v13 =	vld [tilespmem:s6+$0xFFFFFFF0];
	v12 =	vadd.s32 v16, v11;
	v16 =	vsel vm0, $0x1, v1;
	vm0 =	vge.s32 v14, v10;
	(pc) =	sbr.rel @p0 .LBB2_8-.Ltmp6, $4  }
0x18c: {  	v11 =	vld [tilespmem:s6+$0x0];
	v14 =	vadd.s32 v16, v12;
	v16 =	vsel vm0, $0x1, v1;
	vm0 =	vge.s32 v15, v10  }
0x18d: {  	vm1 =	vge.s32 v18, v10;
	v12 =	vld [tilespmem:s6+$0x10];
	v15 =	vadd.s32 v16, v14;
	v16 =	vsel vm0, $0x1, v1  }
0x18e: {  	v17 =	vsel vm1, $0x1, v1;
	vm0 =	vge.s32 v19, v10;
	v14 =	vld [tilespmem:s6+$0x20];
	v15 =	vadd.s32 v16, v15  }
0x18f: {  	v16 =	vadd.s32 v17, v15;
	v17 =	vsel vm0, $0x1, v1;
	vm0 =	vge.s32 v20, v10;
	v15 =	vld [tilespmem:s6+$0x30];
	s6 =	sadd.s32 $0x80, s6  }
0x190: {  	v16 =	vadd.s32 v17, v16;
	v57 =	vsel vm0, $0x1, v1;
	vm10 =	vge.s32 v13, v10  }
0x191: {  	vm15 =	vge.s32 v8, v10;
	vm1 =	vge.s32 v9, v10;
	v58 =	vadd.s32 v57, v16  }
0x192: {  	v59 =	vsel vm10, $0x1, v1;
	vm11 =	vge.s32 v11, v10;
	v63 =	vsel vm1, $0x1, v1  }
0x193: {  	v11 =	vadd.s32 v59, v58;
	v60 =	vsel vm11, $0x1, v1;
	vm12 =	vge.s32 v12, v10  }
0x194: {  	v11 =	vadd.s32 v60, v11;
	v12 =	vsel vm12, $0x1, v1;
	vm13 =	vge.s32 v14, v10  }
0x195: {  	v11 =	vadd.s32 v12, v11;
	v61 =	vsel vm13, $0x1, v1;
	vm14 =	vge.s32 v15, v10  }
0x196: {  	v10 =	vsel vm15, $0x1, v1;
	v62 =	vsel vm14, $0x1, v1;
	v11 =	vadd.s32 v61, v11  }
0x197: {  	v10 =	vadd.s32 v10, v63;
	v11 =	vadd.s32 v62, v11  }
0x198: {  	v10 =	vadd.s32 v11, v10  }
0x199: {  	(v2sf) =	vpush v10, $0x0  }
0x19a: {  	(v2sf) =	vpush v10, $0x1  }
0x19b: {  	(v2sf) =	vpush v10, $0x2  }
0x19c: {  	(v2sf) =	vpush v10, $0x3  }
0x19d: {  	(v2sf) =	vpush v10, $0x4  }
0x19e: {  	(v2sf) =	vpush v10, $0x5  }
0x19f: {  	(v2sf) =	vpush v10, $0x6  }
0x1a0: {  	(v2sf) =	vpush v10, $0x7  }
0x1a1: {  	(v2sf) =	vpush v10, $0x8  }
0x1a2: {  	(v2sf) =	vpush v10, $0x9  }
0x1a3: {  	(v2sf) =	vpush v10, $0xA  }
0x1a4: {  	(v2sf) =	vpush v10, $0xB  }
0x1a5: {  	(v2sf) =	vpush v10, $0xC  }
0x1a6: {  	(v2sf) =	vpush v10, $0xD  }
0x1a7: {  	(v2sf) =	vpush v10, $0xE  }
0x1a8: {  	s5 =	spop (v2sf);
	(v2sf) =	vpush v10, $0xF  }
0x1a9: {  	s6 =	spop (v2sf)  }
0x1aa: {  	s7 =	spop (v2sf)  }
0x1ab: {  	s5 =	sadd.s32 s6, s5;
	s8 =	spop (v2sf)  }
0x1ac: {  	s15 =	spop (v2sf);
	s5 =	sadd.s32 s8, s5  }
0x1ad: {  	s16 =	spop (v2sf);
	s5 =	sadd.s32 s7, s5  }
0x1ae: {  	s17 =	spop (v2sf);
	s5 =	sadd.s32 s16, s5  }
0x1af: {  	s20 =	spop (v2sf);
	s5 =	sadd.s32 s15, s5  }
0x1b0: {  	s23 =	spop (v2sf);
	s5 =	sadd.s32 s20, s5  }
0x1b1: {  	s24 =	spop (v2sf);
	s5 =	sadd.s32 s17, s5  }
0x1b2: {  	s25 =	spop (v2sf);
	s5 =	sadd.s32 s24, s5  }
0x1b3: {  	s26 =	spop (v2sf);
	s5 =	sadd.s32 s23, s5  }
0x1b4: {  	s28 =	spop (v2sf);
	s5 =	sadd.s32 s26, s5  }
0x1b5: {  	s29 =	spop (v2sf);
	s5 =	sadd.s32 s25, s5  }
0x1b6: {  	s30 =	spop (v2sf);
	s5 =	sadd.s32 s29, s5  }
0x1b7: {  	s31 =	spop (v2sf);
	s5 =	sadd.s32 s28, s5  }
0x1b8: {  	s5 =	sadd.s32 s31, s5  }
0x1b9: {  	s5 =	sadd.s32 s30, s5  }
0x1ba: {  	s3 =	sadd.s32 $0x1, s3;
	p0 =	slt.s32 s5, s1  }
0x1bb: {  	s4 =	simm.s32 @p0 $0x0;
	p0 =	sne.s32 s3, $0xC  }
.Ltmp7:
0x1bc: {  	_ = 	snop;
	(pc) =	sbr.rel @p0 .LBB2_7-.Ltmp7, $2  }
0x1bd: {  	_ =	sdelay $0x2  }
0x1be: {  	s2 =	sor.u32 s2, s4  }
0x1bf: {  	s3 =	simm.s32 $0x20  }
0x1c0: {  	v9 =	vld [tilespmem:s3+$0xFFFFFFE0];
	_ =	sdelay $0x2  }
0x1c1: {  	s2 =	sor.u32 s0, s2  }
0x1c2: {  	v8 =	vmov s2  }
0x1c3: {  	vm0 =	vge.s32 v9, v8  }
0x1c4: {  	v10 =	vsel vm0, $0x1, v1  }
0x1c5: {  	(xrf0) =	vadd.scan.msk.s32 $0xffff, v10;
	_ =	sdelay $0x1  }
0x1c6: {  	s0 =	simm.s32 $0x0  }
0x1c7: {  	v10 =	vmov s0  }
0x1c8: {  	v10 =	vadd.s32 $0xFFFFFFFF, v10  }
0x1c9: {  	v10 =	vbroadcast v10, $0x0  }
0x1ca: {  	v11, _, _ =	vpop (xrf0)  }
0x1cb: {  	v10 =	vadd.s32 v11, v10  }
0x1cc: {  	vm1 =	vlt.s32 v10, $0x1FF  }
0x1cd: {  	v10 =	vnsel vm1, $0x1FF, v10  }
0x1ce: {  	(v2sf) =	vpush v11, $0xF;
	v10 =	vsel vm0, v10, v2;
	_ =	sdelay $0x4  }
0x1cf: {  	[tilespmem:v10+s18+$0x0] =	vst.idx.msk $0xffff, v9;
	v9 =	vor.u32 s0, v0  }
0x1d0: {  	[tilespmem:v10+s19+$0x0] =	vst.idx.msk $0xffff, v9  }
0x1d1: {  	v9 =	vld [tilespmem:s3+$0xFFFFFFF0];
	_ =	sdelay $0x4  }
0x1d2: {  	vm0 =	vge.s32 v9, v8  }
0x1d3: {  	v10 =	vsel vm0, $0x1, v1  }
0x1d4: {  	(xrf0) =	vadd.scan.msk.s32 $0xffff, v10  }
0x1d5: {  	s4 =	spop (v2sf)  }
0x1d6: {  	s4 =	sadd.s32 $0x0, s4  }
0x1d7: {  	v10 =	vmov s4  }
0x1d8: {  	v10 =	vadd.s32 $0xFFFFFFFF, v10  }
0x1d9: {  	v10 =	vbroadcast v10, $0x0  }
0x1da: {  	v11, _, _ =	vpop (xrf0)  }
0x1db: {  	v10 =	vadd.s32 v11, v10  }
0x1dc: {  	vm1 =	vlt.s32 v10, $0x1FF  }
0x1dd: {  	v10 =	vnsel vm1, $0x1FF, v10  }
0x1de: {  	(v2sf) =	vpush v11, $0xF;
	v10 =	vsel vm0, v10, v2;
	_ =	sdelay $0x3  }
0x1df: {  	s5 =	simm.s32 $0x10  }
0x1e0: {  	[tilespmem:v10+s18+$0x0] =	vst.idx.msk $0xffff, v9;
	v9 =	vor.u32 s5, v0  }
0x1e1: {  	[tilespmem:v10+s19+$0x0] =	vst.idx.msk $0xffff, v9  }
0x1e2: {  	v9 =	vld [tilespmem:s3+$0x0];
	_ =	sdelay $0x4  }
0x1e3: {  	vm0 =	vge.s32 v9, v8  }
0x1e4: {  	v10 =	vsel vm0, $0x1, v1  }
0x1e5: {  	(xrf0) =	vadd.scan.msk.s32 $0xffff, v10  }
0x1e6: {  	s28 =	spop (v2sf)  }
0x1e7: {  	s4 =	sadd.s32 s4, s28  }
0x1e8: {  	v10 =	vmov s4  }
0x1e9: {  	v10 =	vadd.s32 $0xFFFFFFFF, v10  }
0x1ea: {  	v10 =	vbroadcast v10, $0x0  }
0x1eb: {  	v11, _, _ =	vpop (xrf0)  }
0x1ec: {  	v10 =	vadd.s32 v11, v10  }
0x1ed: {  	vm1 =	vlt.s32 v10, $0x1FF  }
0x1ee: {  	v10 =	vnsel vm1, $0x1FF, v10  }
0x1ef: {  	(v2sf) =	vpush v11, $0xF;
	v10 =	vsel vm0, v10, v2;
	_ =	sdelay $0x3  }
0x1f0: {  	s29 =	simm.s32 $0x20  }
0x1f1: {  	[tilespmem:v10+s18+$0x0] =	vst.idx.msk $0xffff, v9;
	v9 =	vor.u32 s29, v0  }
0x1f2: {  	[tilespmem:v10+s19+$0x0] =	vst.idx.msk $0xffff, v9  }
0x1f3: {  	v9 =	vld [tilespmem:s3+$0x10];
	_ =	sdelay $0x4  }
0x1f4: {  	vm0 =	vge.s32 v9, v8  }
0x1f5: {  	v10 =	vsel vm0, $0x1, v1  }
0x1f6: {  	(xrf0) =	vadd.scan.msk.s32 $0xffff, v10  }
0x1f7: {  	s30 =	spop (v2sf)  }
0x1f8: {  	s5 =	sadd.s32 s4, s30  }
0x1f9: {  	v10 =	vmov s5  }
0x1fa: {  	v10 =	vadd.s32 $0xFFFFFFFF, v10  }
0x1fb: {  	v10 =	vbroadcast v10, $0x0  }
0x1fc: {  	v11, _, _ =	vpop (xrf0)  }
0x1fd: {  	v10 =	vadd.s32 v11, v10;
	(v2sf) =	vpush v11, $0xF  }
0x1fe: {  	vm1 =	vlt.s32 v10, $0x1FF  }
0x1ff: {  	v10 =	vnsel vm1, $0x1FF, v10  }
0x200: {  	v10 =	vsel vm0, v10, v2;
	_ =	sdelay $0x3  }
0x201: {  	s31 =	simm.s32 $0x30  }
0x202: {  	[tilespmem:v10+s18+$0x0] =	vst.idx.msk $0xffff, v9;
	v9 =	vor.u32 s31, v0  }
0x203: {  	s3 =	simm.s32 $0x60;
	[tilespmem:v10+s19+$0x0] =	vst.idx.msk $0xffff, v9  }
0x204: {  	v9 =	vld [tilespmem:s3+$0xFFFFFFE0];
	_ =	sdelay $0x4  }
0x205: {  	s4 =	simm.s32 $0x4;
	vm0 =	vge.s32 v9, v8;
	s6 =	spop (v2sf)  }
.LBB2_11:
0x206: {  	s4 =	sadd.s32 $0x4, s4;
	v10 =	vsel vm0, $0x1, v1;
	s5 =	sadd.s32 s5, s6;
	s0 =	sadd.s32 $0x40, s0  }
0x207: {  	p0 =	slt.u32 s4, $0x1864;
	v11 =	vmov s5;
	(xrf0) =	vadd.scan.msk.s32 $0xffff, v10  }
0x208: {  	v10 =	vadd.s32 $0xFFFFFFFF, v11;
	_ =	sdelay $0x3  }
0x209: {  	v10 =	vbroadcast v10, $0x0  }
0x20a: {  	v11, _, _ =	vpop (xrf0)  }
0x20b: {  	v10 =	vadd.s32 v11, v10;
	(v2sf) =	vpush v11, $0xF  }
0x20c: {  	vm1 =	vlt.s32 v10, $0x1FF  }
0x20d: {  	v10 =	vnsel vm1, $0x1FF, v10  }
0x20e: {  	v10 =	vsel vm0, v10, v2;
	_ =	sdelay $0x4  }
0x20f: {  	[tilespmem:v10+s18+$0x0] =	vst.idx.msk $0xffff, v9;
	v9 =	vor.u32 s0, v0  }
0x210: {  	[tilespmem:v10+s19+$0x0] =	vst.idx.msk $0xffff, v9  }
0x211: {  	v9 =	vld [tilespmem:s3+$0xFFFFFFF0];
	_ =	sdelay $0x4  }
0x212: {  	vm0 =	vge.s32 v9, v8;
	s6 =	spop (v2sf)  }
0x213: {  	s5 =	sadd.s32 s5, s6;
	v10 =	vsel vm0, $0x1, v1  }
0x214: {  	v11 =	vmov s5;
	(xrf0) =	vadd.scan.msk.s32 $0xffff, v10  }
0x215: {  	v10 =	vadd.s32 $0xFFFFFFFF, v11;
	_ =	sdelay $0x3  }
0x216: {  	v10 =	vbroadcast v10, $0x0  }
0x217: {  	v11, _, _ =	vpop (xrf0)  }
0x218: {  	v10 =	vadd.s32 v11, v10;
	(v2sf) =	vpush v11, $0xF  }
0x219: {  	vm1 =	vlt.s32 v10, $0x1FF  }
0x21a: {  	v10 =	vnsel vm1, $0x1FF, v10  }
0x21b: {  	v10 =	vsel vm0, v10, v2;
	_ =	sdelay $0x3  }
0x21c: {  	s6 =	sadd.s32 $0x10, s0  }
0x21d: {  	[tilespmem:v10+s18+$0x0] =	vst.idx.msk $0xffff, v9;
	v9 =	vor.u32 s6, v0  }
0x21e: {  	[tilespmem:v10+s19+$0x0] =	vst.idx.msk $0xffff, v9  }
0x21f: {  	v9 =	vld [tilespmem:s3+$0x0];
	_ =	sdelay $0x4  }
0x220: {  	vm0 =	vge.s32 v9, v8;
	s6 =	spop (v2sf)  }
0x221: {  	s5 =	sadd.s32 s5, s6;
	v10 =	vsel vm0, $0x1, v1  }
0x222: {  	v11 =	vmov s5;
	(xrf0) =	vadd.scan.msk.s32 $0xffff, v10  }
0x223: {  	v10 =	vadd.s32 $0xFFFFFFFF, v11;
	_ =	sdelay $0x3  }
0x224: {  	v10 =	vbroadcast v10, $0x0  }
0x225: {  	v11, _, _ =	vpop (xrf0)  }
0x226: {  	v10 =	vadd.s32 v11, v10;
	(v2sf) =	vpush v11, $0xF  }
0x227: {  	vm1 =	vlt.s32 v10, $0x1FF  }
0x228: {  	v10 =	vnsel vm1, $0x1FF, v10  }
0x229: {  	v10 =	vsel vm0, v10, v2;
	_ =	sdelay $0x3  }
0x22a: {  	s6 =	sadd.s32 $0x20, s0  }
0x22b: {  	[tilespmem:v10+s18+$0x0] =	vst.idx.msk $0xffff, v9;
	v9 =	vor.u32 s6, v0  }
0x22c: {  	[tilespmem:v10+s19+$0x0] =	vst.idx.msk $0xffff, v9  }
0x22d: {  	v9 =	vld [tilespmem:s3+$0x10];
	_ =	sdelay $0x4  }
0x22e: {  	vm0 =	vge.s32 v9, v8;
	s6 =	spop (v2sf)  }
0x22f: {  	s5 =	sadd.s32 s5, s6;
	v10 =	vsel vm0, $0x1, v1  }
0x230: {  	v11 =	vmov s5;
	(xrf0) =	vadd.scan.msk.s32 $0xffff, v10  }
0x231: {  	v10 =	vadd.s32 $0xFFFFFFFF, v11;
	_ =	sdelay $0x3  }
0x232: {  	v10 =	vbroadcast v10, $0x0  }
0x233: {  	v11, _, _ =	vpop (xrf0)  }
0x234: {  	v10 =	vadd.s32 v11, v10;
	(v2sf) =	vpush v11, $0xF  }
0x235: {  	vm1 =	vlt.s32 v10, $0x1FF  }
0x236: {  	v10 =	vnsel vm1, $0x1FF, v10  }
0x237: {  	v10 =	vsel vm0, v10, v2;
	_ =	sdelay $0x3  }
0x238: {  	s6 =	sadd.s32 $0x30, s0  }
0x239: {  	[tilespmem:v10+s18+$0x0] =	vst.idx.msk $0xffff, v9;
	v9 =	vor.u32 s6, v0  }
0x23a: {  	s3 =	sadd.s32 $0x40, s3;
	[tilespmem:v10+s19+$0x0] =	vst.idx.msk $0xffff, v9  }
0x23b: {  	v9 =	vld [tilespmem:s3+$0xFFFFFFE0]  }
.Ltmp8:
0x23c: {  	(pc) =	sbr.rel @p0 .LBB2_11-.Ltmp8, $2  }
0x23d: {  	_ =	sdelay $0x2  }
0x23e: {  	vm0 =	vge.s32 v9, v8;
	s6 =	spop (v2sf)  }
0x23f: {  	v10 =	vsel vm0, $0x1, v1  }
0x240: {  	(xrf0) =	vadd.scan.msk.s32 $0xffff, v10;
	_ =	sdelay $0x1  }
0x241: {  	s4 =	sadd.s32 s5, s6  }
0x242: {  	v47 =	vmov s4  }
0x243: {  	v10 =	vadd.s32 $0xFFFFFFFF, v47  }
0x244: {  	v10 =	vbroadcast v10, $0x0  }
0x245: {  	v11, _, _ =	vpop (xrf0)  }
0x246: {  	v10 =	vadd.s32 v11, v10  }
0x247: {  	vm1 =	vlt.s32 v10, $0x1FF  }
0x248: {  	v10 =	vnsel vm1, $0x1FF, v10  }
0x249: {  	(v2sf) =	vpush v11, $0xF;
	v10 =	vsel vm0, v10, v2;
	_ =	sdelay $0x3  }
0x24a: {  	s0 =	sadd.s32 $0x40, s0  }
0x24b: {  	v48 =	vor.u32 s0, v0;
	[tilespmem:v10+s18+$0x0] =	vst.idx.msk $0xffff, v9  }
0x24c: {  	[tilespmem:v10+s19+$0x0] =	vst.idx.msk $0xffff, v48  }
0x24d: {  	v9 =	vld [tilespmem:s3+$0xFFFFFFF0];
	_ =	sdelay $0x4  }
0x24e: {  	vm6 =	vge.s32 v9, v8  }
0x24f: {  	v49 =	vsel vm6, $0x1, v1  }
0x250: {  	(xrf0) =	vadd.scan.msk.s32 $0xffff, v49  }
0x251: {  	s20 =	spop (v2sf)  }
0x252: {  	s4 =	sadd.s32 s4, s20  }
0x253: {  	v50 =	vmov s4  }
0x254: {  	v10 =	vadd.s32 $0xFFFFFFFF, v50  }
0x255: {  	v10 =	vbroadcast v10, $0x0  }
0x256: {  	v51, _, _ =	vpop (xrf0)  }
0x257: {  	v10 =	vadd.s32 v51, v10  }
0x258: {  	vm7 =	vlt.s32 v10, $0x1FF  }
0x259: {  	v10 =	vnsel vm7, $0x1FF, v10  }
0x25a: {  	(v2sf) =	vpush v51, $0xF;
	v10 =	vsel vm6, v10, v2;
	_ =	sdelay $0x3  }
0x25b: {  	s23 =	sadd.s32 $0x10, s0  }
0x25c: {  	v52 =	vor.u32 s23, v0;
	[tilespmem:v10+s18+$0x0] =	vst.idx.msk $0xffff, v9  }
0x25d: {  	[tilespmem:v10+s19+$0x0] =	vst.idx.msk $0xffff, v52  }
0x25e: {  	v9 =	vld [tilespmem:s3+$0x0];
	_ =	sdelay $0x4  }
0x25f: {  	vm8 =	vge.s32 v9, v8  }
0x260: {  	v53 =	vsel vm8, $0x1, v1  }
0x261: {  	(xrf0) =	vadd.scan.msk.s32 $0xffff, v53  }
0x262: {  	s24 =	spop (v2sf)  }
0x263: {  	s4 =	sadd.s32 s4, s24  }
0x264: {  	v54 =	vmov s4  }
0x265: {  	v10 =	vadd.s32 $0xFFFFFFFF, v54  }
0x266: {  	v10 =	vbroadcast v10, $0x0  }
0x267: {  	v55, _, _ =	vpop (xrf0)  }
0x268: {  	v10 =	vadd.s32 v55, v10  }
0x269: {  	vm9 =	vlt.s32 v10, $0x1FF  }
0x26a: {  	v10 =	vnsel vm9, $0x1FF, v10  }
0x26b: {  	(v2sf) =	vpush v55, $0xF;
	v10 =	vsel vm8, v10, v2;
	_ =	sdelay $0x3  }
0x26c: {  	s25 =	sadd.s32 $0x20, s0  }
0x26d: {  	v56 =	vor.u32 s25, v0;
	[tilespmem:v10+s18+$0x0] =	vst.idx.msk $0xffff, v9  }
0x26e: {  	[tilespmem:v10+s19+$0x0] =	vst.idx.msk $0xffff, v56  }
0x26f: {  	v9 =	vld [tilespmem:s3+$0x10];
	_ =	sdelay $0x4  }
0x270: {  	vm10 =	vge.s32 v9, v8  }
0x271: {  	v57 =	vsel vm10, $0x1, v1  }
0x272: {  	(xrf0) =	vadd.scan.msk.s32 $0xffff, v57  }
0x273: {  	s26 =	spop (v2sf)  }
0x274: {  	s3 =	sadd.s32 s4, s26  }
0x275: {  	v58 =	vmov s3  }
0x276: {  	v10 =	vadd.s32 $0xFFFFFFFF, v58  }
0x277: {  	v10 =	vbroadcast v10, $0x0  }
0x278: {  	v59, _, _ =	vpop (xrf0)  }
0x279: {  	v10 =	vadd.s32 v59, v10  }
0x27a: {  	vm11 =	vlt.s32 v10, $0x1FF  }
0x27b: {  	v10 =	vnsel vm11, $0x1FF, v10  }
0x27c: {  	(v2sf) =	vpush v59, $0xF;
	v10 =	vsel vm10, v10, v2;
	_ =	sdelay $0x3  }
0x27d: {  	s0 =	sadd.s32 $0x30, s0  }
0x27e: {  	v60 =	vor.u32 s0, v0;
	[tilespmem:v10+s18+$0x0] =	vst.idx.msk $0xffff, v9  }
0x27f: {  	[tilespmem:v10+s19+$0x0] =	vst.idx.msk $0xffff, v60  }
0x280: {  	v9 =	vld [tilespmem:$0x18680];
	_ =	sdelay $0x4  }
0x281: {  	vm12 =	vge.s32 v9, v8  }
0x282: {  	v61 =	vsel vm12, $0x1, v1  }
0x283: {  	(xrf0) =	vadd.scan.msk.s32 $0xffff, v61  }
0x284: {  	s28 =	spop (v2sf)  }
0x285: {  	s0 =	sadd.s32 s3, s28  }
0x286: {  	v62 =	vmov s0  }
0x287: {  	v10 =	vadd.s32 $0xFFFFFFFF, v62  }
0x288: {  	v10 =	vbroadcast v10, $0x0  }
0x289: {  	v63, _, _ =	vpop (xrf0)  }
0x28a: {  	v10 =	vadd.s32 v63, v10  }
0x28b: {  	vm13 =	vlt.s32 v10, $0x1FF  }
0x28c: {  	v10 =	vnsel vm13, $0x1FF, v10  }
0x28d: {  	v10 =	vsel vm12, v10, v2;
	_ =	sdelay $0x4  }
0x28e: {  	[tilespmem:v10+s18+$0x0] =	vst.idx.msk $0xffff, v9  }
0x28f: {  	[tilespmem:v10+s19+$0x0] =	vst.idx.msk $0xffff, v3  }
0x290: {  	v9 =	vld [tilespmem:$0x18690];
	_ =	sdelay $0x4  }
0x291: {  	(v2sf) =	vpush v7, $0x0;
	vm14 =	vge.s32 v9, v8  }
0x292: {  	(v2sf) =	vpush v63, $0xF;
	v7 =	vsel vm14, $0x1, v1  }
0x293: {  	(xrf0) =	vadd.scan.msk.s32 $0xffff, v7;
	_ =	sdelay $0x5  }
0x294: {  	v7, _, _ =	vpop (xrf0)  }
0x295: {  	(v2sf) =	vpush v7, $0xF;
	_ =	sdelay $0x5  }
0x296: {  	s29 =	spop (v2sf)  }
0x297: {  	s30 =	spop (v2sf)  }
0x298: {  	s0 =	sadd.s32 s0, s30  }
0x299: {  	v8 =	vmov s0  }
0x29a: {  	v8 =	vadd.s32 $0xFFFFFFFF, v8  }
0x29b: {  	v8 =	vbroadcast v8, $0x0;
	_ =	sdelay $0x1  }
0x29c: {  	v7 =	vadd.s32 v7, v8  }
0x29d: {  	vm15 =	vlt.s32 v7, $0x1FF  }
0x29e: {  	v7 =	vnsel vm15, $0x1FF, v7;
	s31 =	spop (v2sf)  }
0x29f: {  	v7 =	vsel vm14, v7, v2;
	s0 =	sadd.s32 s0, s31  }
0x2a0: {  	p0 =	slt.s32 s0, $0x201  }
.Ltmp9:
0x2a1: {  	_ = 	snop;
	(pc) =	sbr.rel @!p0 .LBB2_13-.Ltmp9, $3  }
0x2a2: {  	_ =	sdelay $0x1  }
0x2a3: {  	[tilespmem:v7+s18+$0x0] =	vst.idx.msk $0xffff, v9  }
0x2a4: {  	[dreg:$0xe] =	wrdreg s29;
	[tilespmem:v7+s19+$0x0] =	vst.idx.msk $0xffff, v4  }
0x2a5: {  	v8 =	vmov s0;
	s3 =	simm.s32 $0x0;
	s0 =	simm.s32 $0x0;
	s4 =	simm.s32 $0x0  }
.LBB2_21:
0x2a6: {  	s5 =	simm.s32 $0x1AE80  }
0x2a7: {  	v10 =	vld [tilespmem:s5+$0x0];
	_ =	sdelay $0x1  }
0x2a8: {  	s6 =	sor.u32 s2, s0;
	s5 =	sshrl.u32 s11, s4  }
0x2a9: {  	s6 =	sor.u32 s5, s6  }
0x2aa: {  	v11 =	vor.u32 s3, v0;
	v9 =	vmov s6  }
0x2ab: {  	v7 =	vimm.s32 $0x0;
	s7 =	simm.s32 $0x1AE90;
	vm1 =	vlt.s32 v11, v8;
	s6 =	simm.s32 $0x10;
	vm0 =	vge.s32 v10, v9  }
.LBB2_22:
0x2ac: {  	v10 =	vld [tilespmem:s7+$0x0];
	p0 =	sne.s32 s6, $0x1F0;
	vm0 =	vmand vm1, vm0;
	s8 =	smov.u32 s6;
	s6 =	sadd.s32 $0x10, s6  }
.Ltmp10:
0x2ad: {  	v11 =	vsel vm0, $0x1, v1;
	(pc) =	sbr.rel @p0 .LBB2_22-.Ltmp10, $3  }
0x2ae: {  	v7 =	vadd.s32 v11, v7;
	_ =	sdelay $0x1  }
0x2af: {  	v11 =	vor.u32 s8, v0  }
0x2b0: {  	s7 =	sadd.s32 $0x10, s7;
	vm1 =	vlt.s32 v11, v8;
	vm0 =	vge.s32 v10, v9  }
0x2b1: {  	vm0 =	vmand vm1, vm0  }
0x2b2: {  	v9 =	vsel vm0, $0x1, v1  }
0x2b3: {  	v7 =	vadd.s32 v9, v7  }
0x2b4: {  	(v2sf) =	vpush v7, $0x0  }
0x2b5: {  	(v2sf) =	vpush v7, $0x1  }
0x2b6: {  	(v2sf) =	vpush v7, $0x2  }
0x2b7: {  	(v2sf) =	vpush v7, $0x3  }
0x2b8: {  	(v2sf) =	vpush v7, $0x4  }
0x2b9: {  	(v2sf) =	vpush v7, $0x5  }
0x2ba: {  	(v2sf) =	vpush v7, $0x6  }
0x2bb: {  	(v2sf) =	vpush v7, $0x7  }
0x2bc: {  	(v2sf) =	vpush v7, $0x8  }
0x2bd: {  	(v2sf) =	vpush v7, $0x9  }
0x2be: {  	(v2sf) =	vpush v7, $0xA  }
0x2bf: {  	(v2sf) =	vpush v7, $0xB  }
0x2c0: {  	(v2sf) =	vpush v7, $0xC  }
0x2c1: {  	(v2sf) =	vpush v7, $0xD  }
0x2c2: {  	(v2sf) =	vpush v7, $0xE  }
0x2c3: {  	s6 =	spop (v2sf);
	(v2sf) =	vpush v7, $0xF  }
0x2c4: {  	s7 =	spop (v2sf)  }
0x2c5: {  	s8 =	spop (v2sf)  }
0x2c6: {  	s6 =	sadd.s32 s7, s6;
	s9 =	spop (v2sf)  }
0x2c7: {  	s15 =	spop (v2sf);
	s6 =	sadd.s32 s9, s6  }
0x2c8: {  	s16 =	spop (v2sf);
	s6 =	sadd.s32 s8, s6  }
0x2c9: {  	s17 =	spop (v2sf);
	s6 =	sadd.s32 s16, s6  }
0x2ca: {  	s20 =	spop (v2sf);
	s6 =	sadd.s32 s15, s6  }
0x2cb: {  	s23 =	spop (v2sf);
	s6 =	sadd.s32 s20, s6  }
0x2cc: {  	s24 =	spop (v2sf);
	s6 =	sadd.s32 s17, s6  }
0x2cd: {  	s25 =	spop (v2sf);
	s6 =	sadd.s32 s24, s6  }
0x2ce: {  	s26 =	spop (v2sf);
	s6 =	sadd.s32 s23, s6  }
0x2cf: {  	s28 =	spop (v2sf);
	s6 =	sadd.s32 s26, s6  }
0x2d0: {  	s29 =	spop (v2sf);
	s6 =	sadd.s32 s25, s6  }
0x2d1: {  	s30 =	spop (v2sf);
	s6 =	sadd.s32 s29, s6  }
0x2d2: {  	s31 =	spop (v2sf);
	s6 =	sadd.s32 s28, s6  }
0x2d3: {  	s6 =	sadd.s32 s31, s6  }
0x2d4: {  	s6 =	sadd.s32 s30, s6  }
0x2d5: {  	s4 =	sadd.s32 $0x1, s4;
	p0 =	slt.s32 s6, s1  }
0x2d6: {  	s5 =	simm.s32 @p0 $0x0;
	p0 =	sne.s32 s4, $0x13  }
.Ltmp11:
0x2d7: {  	_ = 	snop;
	(pc) =	sbr.rel @p0 .LBB2_21-.Ltmp11, $2  }
0x2d8: {  	_ =	sdelay $0x2  }
0x2d9: {  	s0 =	sor.u32 s0, s5  }
.Ltmp12:
0x2da: {  	(pc) =	sbr.rel .LBB2_25-.Ltmp12, $3  }
0x2db: {  	_ =	sdelay $0x1  }
0x2dc: {  	s0 =	sor.u32 s2, s0  }
0x2dd: {  	v7 =	vmov s0  }
.LBB2_13:
0x2de: {  	v7 =	vld [tilespmem:$0x18680]  }
0x2df: {  	s3 =	simm.s32 $0xC;
	s0 =	simm.s32 $0x0;
	v8 =	vld [tilespmem:$0x18690]  }
.LBB2_14:
0x2e0: {  	s6 =	simm.s32 $0x40  }
0x2e1: {  	v11 =	vld [tilespmem:s6+$0xFFFFFFC0]  }
0x2e2: {  	v13 =	vld [tilespmem:s6+$0xFFFFFFD0]  }
0x2e3: {  	s4 =	sshrl.u32 s9, s3;
	s5 =	sor.u32 s2, s0;
	v14 =	vld [tilespmem:s6+$0xFFFFFFE0]  }
0x2e4: {  	s5 =	sor.u32 s4, s5;
	v12 =	vld [tilespmem:s6+$0xFFFFFFF0]  }
0x2e5: {  	v10 =	vld [tilespmem:s6+$0x0];
	v9 =	vmov s5  }
0x2e6: {  	vm0 =	vge.s32 v11, v9;
	v11 =	vld [tilespmem:s6+$0x10]  }
0x2e7: {  	v15 =	vimm.s32 $0x0;
	v16 =	vsel vm0, $0x1, v1;
	vm0 =	vge.s32 v13, v9;
	v13 =	vld [tilespmem:s6+$0x20]  }
0x2e8: {  	s5 =	simm.s32 $0x0;
	v15 =	vadd.s32 v16, v15;
	v16 =	vsel vm0, $0x1, v1;
	vm0 =	vge.s32 v14, v9;
	v14 =	vld [tilespmem:s6+$0x30];
	s6 =	simm.s32 $0xC0  }
.LBB2_15:
0x2e9: {  	v17 =	vld [tilespmem:s6+$0xFFFFFFC0];
	s5 =	sadd.s32 $0x8, s5;
	v15 =	vadd.s32 v16, v15;
	v16 =	vsel vm0, $0x1, v1;
	vm0 =	vge.s32 v12, v9  }
0x2ea: {  	v18 =	vld [tilespmem:s6+$0xFFFFFFD0];
	p0 =	slt.u32 s5, $0x1860;
	v12 =	vadd.s32 v16, v15;
	v15 =	vsel vm0, $0x1, v1;
	vm0 =	vge.s32 v10, v9  }
0x2eb: {  	v19 =	vld [tilespmem:s6+$0xFFFFFFE0];
	v10 =	vadd.s32 v15, v12;
	v15 =	vsel vm0, $0x1, v1;
	vm0 =	vge.s32 v11, v9  }
.Ltmp13:
0x2ec: {  	v12 =	vld [tilespmem:s6+$0xFFFFFFF0];
	v11 =	vadd.s32 v15, v10;
	v15 =	vsel vm0, $0x1, v1;
	vm0 =	vge.s32 v13, v9;
	(pc) =	sbr.rel @p0 .LBB2_15-.Ltmp13, $4  }
0x2ed: {  	v10 =	vld [tilespmem:s6+$0x0];
	v13 =	vadd.s32 v15, v11;
	v15 =	vsel vm0, $0x1, v1;
	vm0 =	vge.s32 v14, v9  }
0x2ee: {  	vm1 =	vge.s32 v17, v9;
	v11 =	vld [tilespmem:s6+$0x10];
	v14 =	vadd.s32 v15, v13;
	v15 =	vsel vm0, $0x1, v1  }
0x2ef: {  	v16 =	vsel vm1, $0x1, v1;
	vm0 =	vge.s32 v18, v9;
	v13 =	vld [tilespmem:s6+$0x20];
	v14 =	vadd.s32 v15, v14  }
0x2f0: {  	v15 =	vadd.s32 v16, v14;
	v16 =	vsel vm0, $0x1, v1;
	vm0 =	vge.s32 v19, v9;
	v14 =	vld [tilespmem:s6+$0x30];
	s6 =	sadd.s32 $0x80, s6  }
0x2f1: {  	v15 =	vadd.s32 v16, v15;
	v60 =	vsel vm0, $0x1, v1;
	vm9 =	vge.s32 v12, v9  }
0x2f2: {  	v61 =	vadd.s32 v60, v15;
	v62 =	vsel vm9, $0x1, v1;
	vm10 =	vge.s32 v10, v9  }
0x2f3: {  	v10 =	vadd.s32 v62, v61;
	v63 =	vsel vm10, $0x1, v1;
	vm11 =	vge.s32 v11, v9  }
0x2f4: {  	v10 =	vadd.s32 v63, v10;
	v11 =	vsel vm11, $0x1, v1;
	vm12 =	vge.s32 v13, v9  }
0x2f5: {  	v10 =	vadd.s32 v11, v10;
	v11 =	vsel vm12, $0x1, v1;
	vm13 =	vge.s32 v14, v9  }
0x2f6: {  	vm14 =	vge.s32 v7, v9;
	v10 =	vadd.s32 v11, v10;
	v11 =	vsel vm13, $0x1, v1  }
0x2f7: {  	vm15 =	vge.s32 v8, v9;
	v10 =	vadd.s32 v11, v10;
	v11 =	vsel vm14, $0x1, v1  }
0x2f8: {  	v9 =	vadd.s32 v11, v10;
	v10 =	vsel vm15, $0x1, v1  }
0x2f9: {  	v9 =	vadd.s32 v10, v9  }
0x2fa: {  	(v2sf) =	vpush v9, $0x0  }
0x2fb: {  	(v2sf) =	vpush v9, $0x1  }
0x2fc: {  	(v2sf) =	vpush v9, $0x2  }
0x2fd: {  	(v2sf) =	vpush v9, $0x3  }
0x2fe: {  	(v2sf) =	vpush v9, $0x4  }
0x2ff: {  	(v2sf) =	vpush v9, $0x5  }
0x300: {  	(v2sf) =	vpush v9, $0x6  }
0x301: {  	(v2sf) =	vpush v9, $0x7  }
0x302: {  	(v2sf) =	vpush v9, $0x8  }
0x303: {  	(v2sf) =	vpush v9, $0x9  }
0x304: {  	(v2sf) =	vpush v9, $0xA  }
0x305: {  	(v2sf) =	vpush v9, $0xB  }
0x306: {  	(v2sf) =	vpush v9, $0xC  }
0x307: {  	(v2sf) =	vpush v9, $0xD  }
0x308: {  	(v2sf) =	vpush v9, $0xE  }
0x309: {  	s5 =	spop (v2sf);
	(v2sf) =	vpush v9, $0xF  }
0x30a: {  	s6 =	spop (v2sf)  }
0x30b: {  	s7 =	spop (v2sf)  }
0x30c: {  	s5 =	sadd.s32 s6, s5;
	s8 =	spop (v2sf)  }
0x30d: {  	s15 =	spop (v2sf);
	s5 =	sadd.s32 s8, s5  }
0x30e: {  	s16 =	spop (v2sf);
	s5 =	sadd.s32 s7, s5  }
0x30f: {  	s17 =	spop (v2sf);
	s5 =	sadd.s32 s16, s5  }
0x310: {  	s20 =	spop (v2sf);
	s5 =	sadd.s32 s15, s5  }
0x311: {  	s23 =	spop (v2sf);
	s5 =	sadd.s32 s20, s5  }
0x312: {  	s24 =	spop (v2sf);
	s5 =	sadd.s32 s17, s5  }
0x313: {  	s25 =	spop (v2sf);
	s5 =	sadd.s32 s24, s5  }
0x314: {  	s26 =	spop (v2sf);
	s5 =	sadd.s32 s23, s5  }
0x315: {  	s28 =	spop (v2sf);
	s5 =	sadd.s32 s26, s5  }
0x316: {  	s29 =	spop (v2sf);
	s5 =	sadd.s32 s25, s5  }
0x317: {  	s30 =	spop (v2sf);
	s5 =	sadd.s32 s29, s5  }
0x318: {  	s31 =	spop (v2sf);
	s5 =	sadd.s32 s28, s5  }
0x319: {  	s5 =	sadd.s32 s31, s5  }
0x31a: {  	s5 =	sadd.s32 s30, s5  }
0x31b: {  	s3 =	sadd.s32 $0x1, s3;
	p0 =	slt.s32 s5, s1  }
0x31c: {  	s4 =	simm.s32 @p0 $0x0;
	p0 =	sne.s32 s3, $0x1F  }
.Ltmp14:
0x31d: {  	_ = 	snop;
	(pc) =	sbr.rel @p0 .LBB2_14-.Ltmp14, $2  }
0x31e: {  	_ =	sdelay $0x2  }
0x31f: {  	s0 =	sor.u32 s0, s4  }
0x320: {  	s3 =	simm.s32 $0x20  }
0x321: {  	v8 =	vld [tilespmem:s3+$0xFFFFFFE0];
	_ =	sdelay $0x2  }
0x322: {  	s0 =	sor.u32 s2, s0  }
0x323: {  	v7 =	vmov s0  }
0x324: {  	vm0 =	vge.s32 v8, v7  }
0x325: {  	v9 =	vsel vm0, $0x1, v1  }
0x326: {  	(xrf0) =	vadd.scan.msk.s32 $0xffff, v9;
	_ =	sdelay $0x1  }
0x327: {  	s1 =	simm.s32 $0x0  }
0x328: {  	v9 =	vmov s1  }
0x329: {  	v9 =	vadd.s32 $0xFFFFFFFF, v9  }
0x32a: {  	v9 =	vbroadcast v9, $0x0  }
0x32b: {  	v10, _, _ =	vpop (xrf0)  }
0x32c: {  	v9 =	vadd.s32 v10, v9  }
0x32d: {  	vm1 =	vlt.s32 v9, $0x1FF  }
0x32e: {  	v9 =	vnsel vm1, $0x1FF, v9  }
0x32f: {  	(v2sf) =	vpush v10, $0xF;
	v9 =	vsel vm0, v9, v2;
	_ =	sdelay $0x4  }
0x330: {  	[tilespmem:v9+s18+$0x0] =	vst.idx.msk $0xffff, v8;
	v8 =	vor.u32 s1, v0  }
0x331: {  	[tilespmem:v9+s19+$0x0] =	vst.idx.msk $0xffff, v8  }
0x332: {  	v8 =	vld [tilespmem:s3+$0xFFFFFFF0];
	_ =	sdelay $0x4  }
0x333: {  	vm0 =	vge.s32 v8, v7  }
0x334: {  	v9 =	vsel vm0, $0x1, v1  }
0x335: {  	(xrf0) =	vadd.scan.msk.s32 $0xffff, v9  }
0x336: {  	s25 =	spop (v2sf)  }
0x337: {  	s0 =	sadd.s32 $0x0, s25  }
0x338: {  	v9 =	vmov s0  }
0x339: {  	v9 =	vadd.s32 $0xFFFFFFFF, v9  }
0x33a: {  	v9 =	vbroadcast v9, $0x0  }
0x33b: {  	v10, _, _ =	vpop (xrf0)  }
0x33c: {  	v9 =	vadd.s32 v10, v9  }
0x33d: {  	vm1 =	vlt.s32 v9, $0x1FF  }
0x33e: {  	v9 =	vnsel vm1, $0x1FF, v9  }
0x33f: {  	(v2sf) =	vpush v10, $0xF;
	v9 =	vsel vm0, v9, v2;
	_ =	sdelay $0x3  }
0x340: {  	s26 =	simm.s32 $0x10  }
0x341: {  	[tilespmem:v9+s18+$0x0] =	vst.idx.msk $0xffff, v8;
	v8 =	vor.u32 s26, v0  }
0x342: {  	[tilespmem:v9+s19+$0x0] =	vst.idx.msk $0xffff, v8  }
0x343: {  	v8 =	vld [tilespmem:s3+$0x0];
	_ =	sdelay $0x4  }
0x344: {  	vm0 =	vge.s32 v8, v7  }
0x345: {  	v9 =	vsel vm0, $0x1, v1  }
0x346: {  	(xrf0) =	vadd.scan.msk.s32 $0xffff, v9  }
0x347: {  	s28 =	spop (v2sf)  }
0x348: {  	s0 =	sadd.s32 s0, s28  }
0x349: {  	v9 =	vmov s0  }
0x34a: {  	v9 =	vadd.s32 $0xFFFFFFFF, v9  }
0x34b: {  	v9 =	vbroadcast v9, $0x0  }
0x34c: {  	v10, _, _ =	vpop (xrf0)  }
0x34d: {  	v9 =	vadd.s32 v10, v9  }
0x34e: {  	vm1 =	vlt.s32 v9, $0x1FF  }
0x34f: {  	v9 =	vnsel vm1, $0x1FF, v9  }
0x350: {  	(v2sf) =	vpush v10, $0xF;
	v9 =	vsel vm0, v9, v2;
	_ =	sdelay $0x3  }
0x351: {  	s29 =	simm.s32 $0x20  }
0x352: {  	[tilespmem:v9+s18+$0x0] =	vst.idx.msk $0xffff, v8;
	v8 =	vor.u32 s29, v0  }
0x353: {  	[tilespmem:v9+s19+$0x0] =	vst.idx.msk $0xffff, v8  }
0x354: {  	v8 =	vld [tilespmem:s3+$0x10];
	_ =	sdelay $0x4  }
0x355: {  	vm0 =	vge.s32 v8, v7  }
0x356: {  	v9 =	vsel vm0, $0x1, v1  }
0x357: {  	(xrf0) =	vadd.scan.msk.s32 $0xffff, v9  }
0x358: {  	s30 =	spop (v2sf)  }
0x359: {  	s3 =	sadd.s32 s0, s30  }
0x35a: {  	v9 =	vmov s3  }
0x35b: {  	v9 =	vadd.s32 $0xFFFFFFFF, v9  }
0x35c: {  	v9 =	vbroadcast v9, $0x0  }
0x35d: {  	v10, _, _ =	vpop (xrf0)  }
0x35e: {  	v9 =	vadd.s32 v10, v9;
	(v2sf) =	vpush v10, $0xF  }
0x35f: {  	vm1 =	vlt.s32 v9, $0x1FF  }
0x360: {  	v9 =	vnsel vm1, $0x1FF, v9  }
0x361: {  	v9 =	vsel vm0, v9, v2;
	_ =	sdelay $0x3  }
0x362: {  	s31 =	simm.s32 $0x30  }
0x363: {  	[tilespmem:v9+s18+$0x0] =	vst.idx.msk $0xffff, v8;
	v8 =	vor.u32 s31, v0  }
0x364: {  	s2 =	simm.s32 $0x60;
	[tilespmem:v9+s19+$0x0] =	vst.idx.msk $0xffff, v8  }
0x365: {  	v8 =	vld [tilespmem:s2+$0xFFFFFFE0];
	_ =	sdelay $0x4  }
0x366: {  	s0 =	simm.s32 $0x4;
	vm0 =	vge.s32 v8, v7;
	s4 =	spop (v2sf)  }
.LBB2_18:
0x367: {  	s0 =	sadd.s32 $0x4, s0;
	v9 =	vsel vm0, $0x1, v1;
	s3 =	sadd.s32 s3, s4;
	s1 =	sadd.s32 $0x40, s1  }
0x368: {  	p0 =	slt.u32 s0, $0x1864;
	v10 =	vmov s3;
	(xrf0) =	vadd.scan.msk.s32 $0xffff, v9  }
0x369: {  	v9 =	vadd.s32 $0xFFFFFFFF, v10;
	_ =	sdelay $0x3  }
0x36a: {  	v9 =	vbroadcast v9, $0x0  }
0x36b: {  	v10, _, _ =	vpop (xrf0)  }
0x36c: {  	v9 =	vadd.s32 v10, v9;
	(v2sf) =	vpush v10, $0xF  }
0x36d: {  	vm1 =	vlt.s32 v9, $0x1FF  }
0x36e: {  	v9 =	vnsel vm1, $0x1FF, v9  }
0x36f: {  	v9 =	vsel vm0, v9, v2;
	_ =	sdelay $0x4  }
0x370: {  	[tilespmem:v9+s18+$0x0] =	vst.idx.msk $0xffff, v8;
	v8 =	vor.u32 s1, v0  }
0x371: {  	[tilespmem:v9+s19+$0x0] =	vst.idx.msk $0xffff, v8  }
0x372: {  	v8 =	vld [tilespmem:s2+$0xFFFFFFF0];
	_ =	sdelay $0x4  }
0x373: {  	vm0 =	vge.s32 v8, v7;
	s4 =	spop (v2sf)  }
0x374: {  	s3 =	sadd.s32 s3, s4;
	v9 =	vsel vm0, $0x1, v1  }
0x375: {  	v10 =	vmov s3;
	(xrf0) =	vadd.scan.msk.s32 $0xffff, v9  }
0x376: {  	v9 =	vadd.s32 $0xFFFFFFFF, v10;
	_ =	sdelay $0x3  }
0x377: {  	v9 =	vbroadcast v9, $0x0  }
0x378: {  	v10, _, _ =	vpop (xrf0)  }
0x379: {  	v9 =	vadd.s32 v10, v9;
	(v2sf) =	vpush v10, $0xF  }
0x37a: {  	vm1 =	vlt.s32 v9, $0x1FF  }
0x37b: {  	v9 =	vnsel vm1, $0x1FF, v9  }
0x37c: {  	v9 =	vsel vm0, v9, v2;
	_ =	sdelay $0x3  }
0x37d: {  	s4 =	sadd.s32 $0x10, s1  }
0x37e: {  	[tilespmem:v9+s18+$0x0] =	vst.idx.msk $0xffff, v8;
	v8 =	vor.u32 s4, v0  }
0x37f: {  	[tilespmem:v9+s19+$0x0] =	vst.idx.msk $0xffff, v8  }
0x380: {  	v8 =	vld [tilespmem:s2+$0x0];
	_ =	sdelay $0x4  }
0x381: {  	vm0 =	vge.s32 v8, v7;
	s4 =	spop (v2sf)  }
0x382: {  	s3 =	sadd.s32 s3, s4;
	v9 =	vsel vm0, $0x1, v1  }
0x383: {  	v10 =	vmov s3;
	(xrf0) =	vadd.scan.msk.s32 $0xffff, v9  }
0x384: {  	v9 =	vadd.s32 $0xFFFFFFFF, v10;
	_ =	sdelay $0x3  }
0x385: {  	v9 =	vbroadcast v9, $0x0  }
0x386: {  	v10, _, _ =	vpop (xrf0)  }
0x387: {  	v9 =	vadd.s32 v10, v9;
	(v2sf) =	vpush v10, $0xF  }
0x388: {  	vm1 =	vlt.s32 v9, $0x1FF  }
0x389: {  	v9 =	vnsel vm1, $0x1FF, v9  }
0x38a: {  	v9 =	vsel vm0, v9, v2;
	_ =	sdelay $0x3  }
0x38b: {  	s4 =	sadd.s32 $0x20, s1  }
0x38c: {  	[tilespmem:v9+s18+$0x0] =	vst.idx.msk $0xffff, v8;
	v8 =	vor.u32 s4, v0  }
0x38d: {  	[tilespmem:v9+s19+$0x0] =	vst.idx.msk $0xffff, v8  }
0x38e: {  	v8 =	vld [tilespmem:s2+$0x10];
	_ =	sdelay $0x4  }
0x38f: {  	vm0 =	vge.s32 v8, v7;
	s4 =	spop (v2sf)  }
0x390: {  	s3 =	sadd.s32 s3, s4;
	v9 =	vsel vm0, $0x1, v1  }
0x391: {  	v10 =	vmov s3;
	(xrf0) =	vadd.scan.msk.s32 $0xffff, v9  }
0x392: {  	v9 =	vadd.s32 $0xFFFFFFFF, v10;
	_ =	sdelay $0x3  }
0x393: {  	v9 =	vbroadcast v9, $0x0  }
0x394: {  	v10, _, _ =	vpop (xrf0)  }
0x395: {  	v9 =	vadd.s32 v10, v9;
	(v2sf) =	vpush v10, $0xF  }
0x396: {  	vm1 =	vlt.s32 v9, $0x1FF  }
0x397: {  	v9 =	vnsel vm1, $0x1FF, v9  }
0x398: {  	v9 =	vsel vm0, v9, v2;
	_ =	sdelay $0x3  }
0x399: {  	s4 =	sadd.s32 $0x30, s1  }
0x39a: {  	[tilespmem:v9+s18+$0x0] =	vst.idx.msk $0xffff, v8;
	v8 =	vor.u32 s4, v0  }
0x39b: {  	s2 =	sadd.s32 $0x40, s2;
	[tilespmem:v9+s19+$0x0] =	vst.idx.msk $0xffff, v8  }
0x39c: {  	v8 =	vld [tilespmem:s2+$0xFFFFFFE0]  }
.Ltmp15:
0x39d: {  	(pc) =	sbr.rel @p0 .LBB2_18-.Ltmp15, $2  }
0x39e: {  	_ =	sdelay $0x2  }
0x39f: {  	vm0 =	vge.s32 v8, v7;
	s4 =	spop (v2sf)  }
0x3a0: {  	v9 =	vsel vm0, $0x1, v1  }
0x3a1: {  	(xrf0) =	vadd.scan.msk.s32 $0xffff, v9;
	_ =	sdelay $0x1  }
0x3a2: {  	s0 =	sadd.s32 s3, s4  }
0x3a3: {  	v9 =	vmov s0  }
0x3a4: {  	v9 =	vadd.s32 $0xFFFFFFFF, v9  }
0x3a5: {  	v9 =	vbroadcast v9, $0x0  }
0x3a6: {  	v10, _, _ =	vpop (xrf0)  }
0x3a7: {  	v9 =	vadd.s32 v10, v9  }
0x3a8: {  	vm1 =	vlt.s32 v9, $0x1FF  }
0x3a9: {  	v9 =	vnsel vm1, $0x1FF, v9  }
0x3aa: {  	(v2sf) =	vpush v10, $0xF;
	v9 =	vsel vm0, v9, v2;
	_ =	sdelay $0x3  }
0x3ab: {  	s1 =	sadd.s32 $0x40, s1  }
0x3ac: {  	[tilespmem:v9+s18+$0x0] =	vst.idx.msk $0xffff, v8;
	v8 =	vor.u32 s1, v0  }
0x3ad: {  	[tilespmem:v9+s19+$0x0] =	vst.idx.msk $0xffff, v8  }
0x3ae: {  	v8 =	vld [tilespmem:s2+$0xFFFFFFF0];
	_ =	sdelay $0x4  }
0x3af: {  	vm6 =	vge.s32 v8, v7  }
0x3b0: {  	v9 =	vsel vm6, $0x1, v1  }
0x3b1: {  	(xrf0) =	vadd.scan.msk.s32 $0xffff, v9  }
0x3b2: {  	s23 =	spop (v2sf)  }
0x3b3: {  	s0 =	sadd.s32 s0, s23  }
0x3b4: {  	v9 =	vmov s0  }
0x3b5: {  	v9 =	vadd.s32 $0xFFFFFFFF, v9  }
0x3b6: {  	v9 =	vbroadcast v9, $0x0  }
0x3b7: {  	v10, _, _ =	vpop (xrf0)  }
0x3b8: {  	v9 =	vadd.s32 v10, v9  }
0x3b9: {  	vm7 =	vlt.s32 v9, $0x1FF  }
0x3ba: {  	v9 =	vnsel vm7, $0x1FF, v9  }
0x3bb: {  	(v2sf) =	vpush v10, $0xF;
	v9 =	vsel vm6, v9, v2;
	_ =	sdelay $0x3  }
0x3bc: {  	s24 =	sadd.s32 $0x10, s1  }
0x3bd: {  	[tilespmem:v9+s18+$0x0] =	vst.idx.msk $0xffff, v8;
	v8 =	vor.u32 s24, v0  }
0x3be: {  	[tilespmem:v9+s19+$0x0] =	vst.idx.msk $0xffff, v8  }
0x3bf: {  	v8 =	vld [tilespmem:s2+$0x0];
	_ =	sdelay $0x4  }
0x3c0: {  	vm8 =	vge.s32 v8, v7  }
0x3c1: {  	v9 =	vsel vm8, $0x1, v1  }
0x3c2: {  	(xrf0) =	vadd.scan.msk.s32 $0xffff, v9  }
0x3c3: {  	s25 =	spop (v2sf)  }
0x3c4: {  	s0 =	sadd.s32 s0, s25  }
0x3c5: {  	v9 =	vmov s0  }
0x3c6: {  	v9 =	vadd.s32 $0xFFFFFFFF, v9  }
0x3c7: {  	v9 =	vbroadcast v9, $0x0  }
0x3c8: {  	v10, _, _ =	vpop (xrf0)  }
0x3c9: {  	v9 =	vadd.s32 v10, v9  }
0x3ca: {  	vm9 =	vlt.s32 v9, $0x1FF  }
0x3cb: {  	v9 =	vnsel vm9, $0x1FF, v9  }
0x3cc: {  	(v2sf) =	vpush v10, $0xF;
	v9 =	vsel vm8, v9, v2;
	_ =	sdelay $0x3  }
0x3cd: {  	s26 =	sadd.s32 $0x20, s1  }
0x3ce: {  	[tilespmem:v9+s18+$0x0] =	vst.idx.msk $0xffff, v8;
	v8 =	vor.u32 s26, v0  }
0x3cf: {  	[tilespmem:v9+s19+$0x0] =	vst.idx.msk $0xffff, v8  }
0x3d0: {  	v8 =	vld [tilespmem:s2+$0x10];
	_ =	sdelay $0x4  }
0x3d1: {  	vm10 =	vge.s32 v8, v7  }
0x3d2: {  	v9 =	vsel vm10, $0x1, v1  }
0x3d3: {  	(xrf0) =	vadd.scan.msk.s32 $0xffff, v9  }
0x3d4: {  	s28 =	spop (v2sf)  }
0x3d5: {  	s0 =	sadd.s32 s0, s28  }
0x3d6: {  	v9 =	vmov s0  }
0x3d7: {  	v9 =	vadd.s32 $0xFFFFFFFF, v9  }
0x3d8: {  	v9 =	vbroadcast v9, $0x0  }
0x3d9: {  	v10, _, _ =	vpop (xrf0)  }
0x3da: {  	v9 =	vadd.s32 v10, v9  }
0x3db: {  	vm11 =	vlt.s32 v9, $0x1FF  }
0x3dc: {  	v9 =	vnsel vm11, $0x1FF, v9  }
0x3dd: {  	(v2sf) =	vpush v10, $0xF;
	v9 =	vsel vm10, v9, v2;
	_ =	sdelay $0x3  }
0x3de: {  	s1 =	sadd.s32 $0x30, s1  }
0x3df: {  	[tilespmem:v9+s18+$0x0] =	vst.idx.msk $0xffff, v8;
	v8 =	vor.u32 s1, v0  }
0x3e0: {  	[tilespmem:v9+s19+$0x0] =	vst.idx.msk $0xffff, v8  }
0x3e1: {  	v8 =	vld [tilespmem:$0x18680];
	_ =	sdelay $0x4  }
0x3e2: {  	vm12 =	vge.s32 v8, v7  }
0x3e3: {  	v9 =	vsel vm12, $0x1, v1  }
0x3e4: {  	(xrf0) =	vadd.scan.msk.s32 $0xffff, v9  }
0x3e5: {  	s29 =	spop (v2sf)  }
0x3e6: {  	s0 =	sadd.s32 s0, s29  }
0x3e7: {  	v9 =	vmov s0  }
0x3e8: {  	v9 =	vadd.s32 $0xFFFFFFFF, v9  }
0x3e9: {  	v9 =	vbroadcast v9, $0x0  }
0x3ea: {  	v10, _, _ =	vpop (xrf0)  }
0x3eb: {  	v9 =	vadd.s32 v10, v9  }
0x3ec: {  	vm13 =	vlt.s32 v9, $0x1FF  }
0x3ed: {  	v9 =	vnsel vm13, $0x1FF, v9  }
0x3ee: {  	v9 =	vsel vm12, v9, v2;
	_ =	sdelay $0x4  }
0x3ef: {  	[tilespmem:v9+s18+$0x0] =	vst.idx.msk $0xffff, v8  }
0x3f0: {  	[tilespmem:v9+s19+$0x0] =	vst.idx.msk $0xffff, v3  }
0x3f1: {  	v8 =	vld [tilespmem:$0x18690]  }
0x3f2: {  	(v2sf) =	vpush v10, $0xF;
	_ =	sdelay $0x3  }
0x3f3: {  	vm14 =	vge.s32 v8, v7  }
0x3f4: {  	v9 =	vsel vm14, $0x1, v1  }
0x3f5: {  	(xrf0) =	vadd.scan.msk.s32 $0xffff, v9;
	_ =	sdelay $0x5  }
0x3f6: {  	v9, _, _ =	vpop (xrf0)  }
0x3f7: {  	(v2sf) =	vpush v9, $0xF;
	_ =	sdelay $0x1  }
0x3f8: {  	s30 =	spop (v2sf)  }
0x3f9: {  	s0 =	sadd.s32 s0, s30  }
0x3fa: {  	v10 =	vmov s0  }
0x3fb: {  	v10 =	vadd.s32 $0xFFFFFFFF, v10  }
0x3fc: {  	v10 =	vbroadcast v10, $0x0;
	_ =	sdelay $0x1  }
0x3fd: {  	v9 =	vadd.s32 v9, v10  }
0x3fe: {  	vm15 =	vlt.s32 v9, $0x1FF  }
0x3ff: {  	v9 =	vnsel vm15, $0x1FF, v9  }
0x400: {  	v9 =	vsel vm14, v9, v2;
	_ =	sdelay $0x3  }
0x401: {  	s31 =	spop (v2sf)  }
0x402: {  	[tilespmem:v9+s18+$0x0] =	vst.idx.msk $0xffff, v8;
	s0 =	sadd.s32 s0, s31  }
0x403: {  	[tilespmem:v9+s19+$0x0] =	vst.idx.msk $0xffff, v4;
	v8 =	vmov s0  }
.LBB2_25:
0x404: {  	s0 =	simm.s32 $0x1AEA0  }
0x405: {  	v9 =	vld [tilespmem:s0+$0xFFFFFFE0];
	_ =	sdelay $0x2  }
0x406: {  	s1 =	simm.s32 $0x0  }
0x407: {  	v10 =	vor.u32 s1, v0  }
0x408: {  	vm1 =	vlt.s32 v10, v8;
	vm0 =	vge.s32 v9, v7  }
0x409: {  	vm0 =	vmand vm1, vm0  }
0x40a: {  	v10 =	vsel vm0, $0x1, v1  }
0x40b: {  	(xrf0) =	vadd.scan.msk.s32 $0xffff, v10;
	_ =	sdelay $0x2  }
0x40c: {  	v10 =	vmov s1  }
0x40d: {  	v10 =	vadd.s32 $0xFFFFFFFF, v10  }
0x40e: {  	v10 =	vbroadcast v10, $0x0  }
0x40f: {  	v11, _, _ =	vpop (xrf0)  }
0x410: {  	v10 =	vadd.s32 v11, v10  }
0x411: {  	vm1 =	vlt.s32 v10, $0x9F  }
0x412: {  	v10 =	vnsel vm1, $0x9F, v10  }
0x413: {  	s1 =	simm.s32 $0x1B120;
	v10 =	vsel vm0, v10, v5  }
0x414: {  	(v2sf) =	vpush v11, $0xF;
	v11 =	vld [tilespmem:s1+$0xFFFFFFE0];
	_ =	sdelay $0x3  }
0x415: {  	[tilespmem:v10+s21+$0x0] =	vst.idx.msk $0xffff, v9  }
0x416: {  	[tilespmem:v10+s22+$0x0] =	vst.idx.msk $0xffff, v11  }
0x417: {  	v9 =	vld [tilespmem:s0+$0xFFFFFFF0];
	_ =	sdelay $0x2  }
0x418: {  	s2 =	simm.s32 $0x10  }
0x419: {  	v10 =	vor.u32 s2, v0  }
0x41a: {  	vm1 =	vlt.s32 v10, v8;
	vm0 =	vge.s32 v9, v7  }
0x41b: {  	vm0 =	vmand vm1, vm0  }
0x41c: {  	v10 =	vsel vm0, $0x1, v1  }
0x41d: {  	(xrf0) =	vadd.scan.msk.s32 $0xffff, v10  }
0x41e: {  	s28 =	spop (v2sf)  }
0x41f: {  	s2 =	sadd.s32 $0x0, s28  }
0x420: {  	v10 =	vmov s2  }
0x421: {  	v10 =	vadd.s32 $0xFFFFFFFF, v10  }
0x422: {  	v10 =	vbroadcast v10, $0x0  }
0x423: {  	v11, _, _ =	vpop (xrf0)  }
0x424: {  	v10 =	vadd.s32 v11, v10  }
0x425: {  	vm1 =	vlt.s32 v10, $0x9F  }
0x426: {  	v10 =	vnsel vm1, $0x9F, v10  }
0x427: {  	v10 =	vsel vm0, v10, v5  }
0x428: {  	(v2sf) =	vpush v11, $0xF;
	v11 =	vld [tilespmem:s1+$0xFFFFFFF0];
	_ =	sdelay $0x3  }
0x429: {  	[tilespmem:v10+s21+$0x0] =	vst.idx.msk $0xffff, v9  }
0x42a: {  	[tilespmem:v10+s22+$0x0] =	vst.idx.msk $0xffff, v11  }
0x42b: {  	v9 =	vld [tilespmem:s0+$0x0];
	_ =	sdelay $0x2  }
0x42c: {  	s3 =	simm.s32 $0x20  }
0x42d: {  	v10 =	vor.u32 s3, v0  }
0x42e: {  	vm1 =	vlt.s32 v10, v8;
	vm0 =	vge.s32 v9, v7  }
0x42f: {  	vm0 =	vmand vm1, vm0  }
0x430: {  	v10 =	vsel vm0, $0x1, v1  }
0x431: {  	(xrf0) =	vadd.scan.msk.s32 $0xffff, v10  }
0x432: {  	s29 =	spop (v2sf)  }
0x433: {  	s2 =	sadd.s32 s2, s29  }
0x434: {  	v10 =	vmov s2  }
0x435: {  	v10 =	vadd.s32 $0xFFFFFFFF, v10  }
0x436: {  	v10 =	vbroadcast v10, $0x0  }
0x437: {  	v11, _, _ =	vpop (xrf0)  }
0x438: {  	v10 =	vadd.s32 v11, v10  }
0x439: {  	vm1 =	vlt.s32 v10, $0x9F  }
0x43a: {  	v10 =	vnsel vm1, $0x9F, v10  }
0x43b: {  	v10 =	vsel vm0, v10, v5  }
0x43c: {  	(v2sf) =	vpush v11, $0xF;
	v11 =	vld [tilespmem:s1+$0x0];
	_ =	sdelay $0x3  }
0x43d: {  	[tilespmem:v10+s21+$0x0] =	vst.idx.msk $0xffff, v9  }
0x43e: {  	[tilespmem:v10+s22+$0x0] =	vst.idx.msk $0xffff, v11  }
0x43f: {  	v9 =	vld [tilespmem:s0+$0x10];
	_ =	sdelay $0x2  }
0x440: {  	s30 =	simm.s32 $0x30  }
0x441: {  	v10 =	vor.u32 s30, v0  }
0x442: {  	vm1 =	vlt.s32 v10, v8;
	vm0 =	vge.s32 v9, v7  }
0x443: {  	vm0 =	vmand vm1, vm0  }
0x444: {  	v10 =	vsel vm0, $0x1, v1  }
0x445: {  	(xrf0) =	vadd.scan.msk.s32 $0xffff, v10  }
0x446: {  	s31 =	spop (v2sf)  }
0x447: {  	s0 =	sadd.s32 s2, s31  }
0x448: {  	v10 =	vmov s0  }
0x449: {  	v10 =	vadd.s32 $0xFFFFFFFF, v10  }
0x44a: {  	v10 =	vbroadcast v10, $0x0  }
0x44b: {  	v11, _, _ =	vpop (xrf0)  }
0x44c: {  	v10 =	vadd.s32 v11, v10;
	(v2sf) =	vpush v11, $0xF  }
0x44d: {  	vm1 =	vlt.s32 v10, $0x9F  }
0x44e: {  	v10 =	vnsel vm1, $0x9F, v10  }
0x44f: {  	v10 =	vsel vm0, v10, v5  }
0x450: {  	v11 =	vld [tilespmem:s1+$0x10];
	_ =	sdelay $0x3  }
0x451: {  	[tilespmem:v10+s21+$0x0] =	vst.idx.msk $0xffff, v9  }
0x452: {  	s2 =	simm.s32 $0x1AEE0;
	[tilespmem:v10+s22+$0x0] =	vst.idx.msk $0xffff, v11  }
0x453: {  	v9 =	vld [tilespmem:s2+$0xFFFFFFE0];
	_ =	sdelay $0x2  }
0x454: {  	s3 =	simm.s32 $0x40  }
0x455: {  	v10 =	vor.u32 s3, v0  }
0x456: {  	s4 =	simm.s32 $0x4;
	vm1 =	vlt.s32 v10, v8;
	vm0 =	vge.s32 v9, v7;
	s5 =	spop (v2sf)  }
.LBB2_26:
0x457: {  	s4 =	sadd.s32 $0x4, s4;
	vm0 =	vmand vm1, vm0;
	s0 =	sadd.s32 s0, s5;
	s1 =	sadd.s32 $0x40, s1  }
0x458: {  	p0 =	slt.u32 s4, $0x1C;
	v10 =	vsel vm0, $0x1, v1;
	v11 =	vmov s0  }
0x459: {  	v11 =	vadd.s32 $0xFFFFFFFF, v11;
	(xrf0) =	vadd.scan.msk.s32 $0xffff, v10;
	_ =	sdelay $0x4  }
0x45a: {  	v10 =	vbroadcast v11, $0x0  }
0x45b: {  	v11, _, _ =	vpop (xrf0)  }
0x45c: {  	v10 =	vadd.s32 v11, v10;
	(v2sf) =	vpush v11, $0xF  }
0x45d: {  	vm1 =	vlt.s32 v10, $0x9F  }
0x45e: {  	v10 =	vnsel vm1, $0x9F, v10  }
0x45f: {  	v10 =	vsel vm0, v10, v5  }
0x460: {  	v11 =	vld [tilespmem:s1+$0xFFFFFFE0];
	_ =	sdelay $0x3  }
0x461: {  	[tilespmem:v10+s21+$0x0] =	vst.idx.msk $0xffff, v9  }
0x462: {  	[tilespmem:v10+s22+$0x0] =	vst.idx.msk $0xffff, v11  }
0x463: {  	v9 =	vld [tilespmem:s2+$0xFFFFFFF0];
	_ =	sdelay $0x2  }
0x464: {  	s5 =	sadd.s32 $0x10, s3  }
0x465: {  	v10 =	vor.u32 s5, v0  }
0x466: {  	vm1 =	vlt.s32 v10, v8;
	vm0 =	vge.s32 v9, v7;
	s5 =	spop (v2sf)  }
0x467: {  	s0 =	sadd.s32 s0, s5;
	vm0 =	vmand vm1, vm0  }
0x468: {  	v10 =	vsel vm0, $0x1, v1;
	v11 =	vmov s0  }
0x469: {  	v11 =	vadd.s32 $0xFFFFFFFF, v11;
	(xrf0) =	vadd.scan.msk.s32 $0xffff, v10;
	_ =	sdelay $0x4  }
0x46a: {  	v10 =	vbroadcast v11, $0x0  }
0x46b: {  	v11, _, _ =	vpop (xrf0)  }
0x46c: {  	v10 =	vadd.s32 v11, v10;
	(v2sf) =	vpush v11, $0xF  }
0x46d: {  	vm1 =	vlt.s32 v10, $0x9F  }
0x46e: {  	v10 =	vnsel vm1, $0x9F, v10  }
0x46f: {  	v10 =	vsel vm0, v10, v5  }
0x470: {  	v11 =	vld [tilespmem:s1+$0xFFFFFFF0];
	_ =	sdelay $0x3  }
0x471: {  	[tilespmem:v10+s21+$0x0] =	vst.idx.msk $0xffff, v9  }
0x472: {  	[tilespmem:v10+s22+$0x0] =	vst.idx.msk $0xffff, v11  }
0x473: {  	v9 =	vld [tilespmem:s2+$0x0];
	_ =	sdelay $0x2  }
0x474: {  	s5 =	sadd.s32 $0x20, s3  }
0x475: {  	v10 =	vor.u32 s5, v0  }
0x476: {  	vm1 =	vlt.s32 v10, v8;
	vm0 =	vge.s32 v9, v7;
	s5 =	spop (v2sf)  }
0x477: {  	s0 =	sadd.s32 s0, s5;
	vm0 =	vmand vm1, vm0  }
0x478: {  	v10 =	vsel vm0, $0x1, v1;
	v11 =	vmov s0  }
0x479: {  	v11 =	vadd.s32 $0xFFFFFFFF, v11;
	(xrf0) =	vadd.scan.msk.s32 $0xffff, v10;
	_ =	sdelay $0x4  }
0x47a: {  	v10 =	vbroadcast v11, $0x0  }
0x47b: {  	v11, _, _ =	vpop (xrf0)  }
0x47c: {  	v10 =	vadd.s32 v11, v10;
	(v2sf) =	vpush v11, $0xF  }
0x47d: {  	vm1 =	vlt.s32 v10, $0x9F  }
0x47e: {  	v10 =	vnsel vm1, $0x9F, v10  }
0x47f: {  	v10 =	vsel vm0, v10, v5  }
0x480: {  	v11 =	vld [tilespmem:s1+$0x0];
	_ =	sdelay $0x3  }
0x481: {  	[tilespmem:v10+s21+$0x0] =	vst.idx.msk $0xffff, v9  }
0x482: {  	[tilespmem:v10+s22+$0x0] =	vst.idx.msk $0xffff, v11  }
0x483: {  	v9 =	vld [tilespmem:s2+$0x10]  }
0x484: {  	v10 =	vld [tilespmem:s1+$0x10];
	_ =	sdelay $0x1  }
0x485: {  	s5 =	sadd.s32 $0x30, s3  }
0x486: {  	v11 =	vor.u32 s5, v0  }
0x487: {  	vm1 =	vlt.s32 v11, v8;
	vm0 =	vge.s32 v9, v7;
	s5 =	spop (v2sf)  }
0x488: {  	s0 =	sadd.s32 s0, s5;
	vm0 =	vmand vm1, vm0  }
0x489: {  	v11 =	vsel vm0, $0x1, v1;
	v12 =	vmov s0  }
0x48a: {  	v12 =	vadd.s32 $0xFFFFFFFF, v12;
	(xrf0) =	vadd.scan.msk.s32 $0xffff, v11;
	_ =	sdelay $0x4  }
0x48b: {  	v11 =	vbroadcast v12, $0x0  }
0x48c: {  	v12, _, _ =	vpop (xrf0)  }
0x48d: {  	v11 =	vadd.s32 v12, v11;
	(v2sf) =	vpush v12, $0xF  }
0x48e: {  	vm1 =	vlt.s32 v11, $0x9F  }
0x48f: {  	v11 =	vnsel vm1, $0x9F, v11  }
0x490: {  	v11 =	vsel vm0, v11, v5;
	_ =	sdelay $0x4  }
0x491: {  	[tilespmem:v11+s21+$0x0] =	vst.idx.msk $0xffff, v9  }
0x492: {  	s2 =	sadd.s32 $0x40, s2;
	[tilespmem:v11+s22+$0x0] =	vst.idx.msk $0xffff, v10  }
0x493: {  	v9 =	vld [tilespmem:s2+$0xFFFFFFE0]  }
.Ltmp16:
0x494: {  	(pc) =	sbr.rel @p0 .LBB2_26-.Ltmp16, $4  }
0x495: {  	_ = 	snop  }
0x496: {  	s3 =	sadd.s32 $0x40, s3  }
0x497: {  	v10 =	vor.u32 s3, v0  }
0x498: {  	vm1 =	vlt.s32 v10, v8;
	vm0 =	vge.s32 v9, v7;
	s5 =	spop (v2sf)  }
0x499: {  	vm0 =	vmand vm1, vm0  }
0x49a: {  	v10 =	vsel vm0, $0x1, v1  }
0x49b: {  	(xrf0) =	vadd.scan.msk.s32 $0xffff, v10;
	_ =	sdelay $0x1  }
0x49c: {  	s4 =	sadd.s32 s0, s5  }
0x49d: {  	v52 =	vmov s4  }
0x49e: {  	v10 =	vadd.s32 $0xFFFFFFFF, v52  }
0x49f: {  	v10 =	vbroadcast v10, $0x0  }
0x4a0: {  	v11, _, _ =	vpop (xrf0)  }
0x4a1: {  	v10 =	vadd.s32 v11, v10  }
0x4a2: {  	vm6 =	vlt.s32 v10, $0x9F  }
0x4a3: {  	v10 =	vnsel vm6, $0x9F, v10  }
0x4a4: {  	s20 =	sadd.s32 $0x40, s1;
	v10 =	vsel vm0, v10, v5  }
0x4a5: {  	v53 =	vld [tilespmem:s20+$0xFFFFFFE0];
	(v2sf) =	vpush v11, $0xF;
	_ =	sdelay $0x3  }
0x4a6: {  	[tilespmem:v10+s21+$0x0] =	vst.idx.msk $0xffff, v9  }
0x4a7: {  	[tilespmem:v10+s22+$0x0] =	vst.idx.msk $0xffff, v53  }
0x4a8: {  	v9 =	vld [tilespmem:s2+$0xFFFFFFF0];
	_ =	sdelay $0x2  }
0x4a9: {  	s23 =	sadd.s32 $0x10, s3  }
0x4aa: {  	v54 =	vor.u32 s23, v0  }
0x4ab: {  	vm8 =	vlt.s32 v54, v8;
	vm7 =	vge.s32 v9, v7  }
0x4ac: {  	vm0 =	vmand vm8, vm7  }
0x4ad: {  	v55 =	vsel vm0, $0x1, v1  }
0x4ae: {  	(xrf0) =	vadd.scan.msk.s32 $0xffff, v55  }
0x4af: {  	s24 =	spop (v2sf)  }
0x4b0: {  	s1 =	sadd.s32 s4, s24  }
0x4b1: {  	v56 =	vmov s1  }
0x4b2: {  	v10 =	vadd.s32 $0xFFFFFFFF, v56  }
0x4b3: {  	v10 =	vbroadcast v10, $0x0  }
0x4b4: {  	v57, _, _ =	vpop (xrf0)  }
0x4b5: {  	v10 =	vadd.s32 v57, v10  }
0x4b6: {  	vm9 =	vlt.s32 v10, $0x9F  }
0x4b7: {  	v10 =	vnsel vm9, $0x9F, v10  }
0x4b8: {  	v10 =	vsel vm0, v10, v5  }
0x4b9: {  	v58 =	vld [tilespmem:s20+$0xFFFFFFF0];
	(v2sf) =	vpush v57, $0xF;
	_ =	sdelay $0x3  }
0x4ba: {  	[tilespmem:v10+s21+$0x0] =	vst.idx.msk $0xffff, v9  }
0x4bb: {  	[tilespmem:v10+s22+$0x0] =	vst.idx.msk $0xffff, v58  }
0x4bc: {  	v9 =	vld [tilespmem:s2+$0x0];
	_ =	sdelay $0x2  }
0x4bd: {  	s25 =	sadd.s32 $0x20, s3  }
0x4be: {  	v59 =	vor.u32 s25, v0  }
0x4bf: {  	vm11 =	vlt.s32 v59, v8;
	vm10 =	vge.s32 v9, v7  }
0x4c0: {  	vm0 =	vmand vm11, vm10  }
0x4c1: {  	v60 =	vsel vm0, $0x1, v1  }
0x4c2: {  	(xrf0) =	vadd.scan.msk.s32 $0xffff, v60  }
0x4c3: {  	s26 =	spop (v2sf)  }
0x4c4: {  	s1 =	sadd.s32 s1, s26  }
0x4c5: {  	v61 =	vmov s1  }
0x4c6: {  	v10 =	vadd.s32 $0xFFFFFFFF, v61  }
0x4c7: {  	v10 =	vbroadcast v10, $0x0  }
0x4c8: {  	v62, _, _ =	vpop (xrf0)  }
0x4c9: {  	v10 =	vadd.s32 v62, v10  }
0x4ca: {  	vm12 =	vlt.s32 v10, $0x9F  }
0x4cb: {  	v10 =	vnsel vm12, $0x9F, v10  }
0x4cc: {  	v10 =	vsel vm0, v10, v5  }
0x4cd: {  	v12 =	vld [tilespmem:s20+$0x0];
	_ =	sdelay $0x3  }
0x4ce: {  	[tilespmem:v10+s21+$0x0] =	vst.idx.msk $0xffff, v9  }
0x4cf: {  	[tilespmem:v10+s22+$0x0] =	vst.idx.msk $0xffff, v12  }
0x4d0: {  	v9 =	vld [tilespmem:s2+$0x10];
	_ =	sdelay $0x1  }
0x4d1: {  	(v2sf) =	vpush v62, $0xF  }
0x4d2: {  	s29 =	sadd.s32 $0x30, s3  }
0x4d3: {  	v63 =	vor.u32 s29, v0  }
0x4d4: {  	vm14 =	vlt.s32 v63, v8;
	vm13 =	vge.s32 v9, v7  }
0x4d5: {  	vm0 =	vmand vm14, vm13  }
0x4d6: {  	v7 =	vsel vm0, $0x1, v1  }
0x4d7: {  	(xrf0) =	vadd.scan.msk.s32 $0xffff, v7;
	_ =	sdelay $0x5  }
0x4d8: {  	v7, _, _ =	vpop (xrf0)  }
0x4d9: {  	(v2sf) =	vpush v7, $0xF;
	_ =	sdelay $0x1  }
0x4da: {  	s30 =	spop (v2sf)  }
0x4db: {  	s1 =	sadd.s32 s1, s30  }
0x4dc: {  	v8 =	vmov s1  }
0x4dd: {  	v8 =	vadd.s32 $0xFFFFFFFF, v8  }
0x4de: {  	v8 =	vbroadcast v8, $0x0;
	_ =	sdelay $0x1  }
0x4df: {  	v7 =	vadd.s32 v7, v8  }
0x4e0: {  	vm15 =	vlt.s32 v7, $0x9F  }
0x4e1: {  	v7 =	vnsel vm15, $0x9F, v7  }
0x4e2: {  	v7 =	vsel vm0, v7, v5  }
0x4e3: {  	v8 =	vld [tilespmem:s20+$0x10]  }
.Ltmp17:
0x4e4: {  	_ = 	snop;
	(pc) =	sbr.rel .LBB2_28-.Ltmp17, $4  }
0x4e5: {  	[dreg:$0xd] =	wrdreg s12  }
0x4e6: {  	s12 =	smul.u32 $0xA, s12;
	s31 =	spop (v2sf)  }
0x4e7: {  	s3 =	simm.s32 $0x186A0;
	s14 =	simm.s32 $0x0;
	[tilespmem:v7+s21+$0x0] =	vst.idx.msk $0xffff, v9;
	s0 =	sadd.s32 s1, s31  }
0x4e8: {  	s28 =	simm.s32 $0x0;
	s2 =	simm.s32 $0x186A0;
	[tilespmem:v7+s22+$0x0] =	vst.idx.msk $0xffff, v8;
	[dreg:$0xf] =	wrdreg s0  }
.LBB2_34:
0x4e9: {  	s28 =	sadd.s32 $0x1, s28  }
0x4ea: {  	p0 =	sne.s32 s28, $0xA  }
.Ltmp18:
0x4eb: {  	_ = 	snop;
	(pc) =	sbr.rel @!p0 .LBB2_35-.Ltmp18, $2  }
0x4ec: {  	_ =	sdelay $0x2  }
0x4ed: {  	s14 =	sadd.s32 $0x2710, s14  }
.LBB2_28:
0x4ee: {  	s0 =	sadd.s32 s12, s28  }
0x4ef: {  	s1 =	sshrl.u32 s0, $0x3  }
0x4f0: {  	s0 =	sshll.u32 s0, $0x7;
	s1 =	smul.u32 $0x13C00, s1  }
0x4f1: {  	s0 =	sand.u32 $0x380, s0  }
0x4f2: {  	s0 =	sor.u32 s0, s1  }
0x4f3: {  	s29 =	rddreg [dreg:$0x6];
	s30 =	simm.s32 $0x80;
	s0 =	sshrl.u32 s0, $0x3  }
0x4f4: {  	s4 =	simm.s32 $0x400;
	s5 =	simm.s32 $0x18700;
	s0 =	sadd.s32 s29, s0  }
0x4f5: {  	[tilespmem:s5], [sflag:$0x2] =	stream.strided.gather [hbm4b:s0+s30], $0x2780, s4, s30, $0x38;
	[tilespmem:$0x1BA00] =	vst v63  }
0x4f6: {  	_ =	swait.ge [sflag:s10], $0x2780  }
0x4f7: {  	[sflag:s10] =	ssyncset.done $0x0  }
0x4f8: {  	s31 =	simm.s32 $0x18740;
	[sflag:s10] =	ssyncadd.s32 $0xFFFFD880  }
0x4f9: {  	v8 =	vld [tilespmem:s31+$0xFFFFFFC0]  }
0x4fa: {  	v9 =	vld [tilespmem:s31+$0xFFFFFFD0]  }
0x4fb: {  	v11 =	vld [tilespmem:s31+$0xFFFFFFE0]  }
0x4fc: {  	v10 =	vld [tilespmem:s31+$0xFFFFFFF0]  }
0x4fd: {  	v7 =	vld [tilespmem:s31+$0x0]  }
0x4fe: {  	vm0 =	veq.f32 v8, $0.0e+00;
	v8 =	vld [tilespmem:s31+$0x10]  }
0x4ff: {  	v12 =	vimm.s32 $0x0;
	v13 =	vsel vm0, $0x1, v1;
	vm0 =	veq.f32 v9, $0.0e+00;
	v9 =	vld [tilespmem:s31+$0x20]  }
0x500: {  	s1 =	simm.s32 $0x187C0;
	s0 =	simm.s32 $0x0;
	v12 =	vadd.s32 v13, v12;
	v13 =	vsel vm0, $0x1, v1;
	vm0 =	veq.f32 v11, $0.0e+00;
	v11 =	vld [tilespmem:s31+$0x30]  }
.LBB2_29:
0x501: {  	v14 =	vld [tilespmem:s1+$0xFFFFFFC0];
	s0 =	sadd.s32 $0x8, s0;
	v12 =	vadd.s32 v13, v12;
	v13 =	vsel vm0, $0x1, v1;
	vm0 =	veq.f32 v10, $0.0e+00  }
0x502: {  	v15 =	vld [tilespmem:s1+$0xFFFFFFD0];
	p0 =	slt.u32 s0, $0x268;
	v10 =	vadd.s32 v13, v12;
	v12 =	vsel vm0, $0x1, v1;
	vm0 =	veq.f32 v7, $0.0e+00  }
0x503: {  	v16 =	vld [tilespmem:s1+$0xFFFFFFE0];
	v7 =	vadd.s32 v12, v10;
	v12 =	vsel vm0, $0x1, v1;
	vm0 =	veq.f32 v8, $0.0e+00  }
.Ltmp19:
0x504: {  	v10 =	vld [tilespmem:s1+$0xFFFFFFF0];
	v8 =	vadd.s32 v12, v7;
	v12 =	vsel vm0, $0x1, v1;
	vm0 =	veq.f32 v9, $0.0e+00;
	(pc) =	sbr.rel @p0 .LBB2_29-.Ltmp19, $4  }
0x505: {  	v7 =	vld [tilespmem:s1+$0x0];
	v9 =	vadd.s32 v12, v8;
	v12 =	vsel vm0, $0x1, v1;
	vm0 =	veq.f32 v11, $0.0e+00  }
0x506: {  	vm1 =	veq.f32 v14, $0.0e+00;
	v8 =	vld [tilespmem:s1+$0x10];
	v11 =	vadd.s32 v12, v9;
	v12 =	vsel vm0, $0x1, v1  }
0x507: {  	v13 =	vsel vm1, $0x1, v1;
	vm0 =	veq.f32 v15, $0.0e+00;
	v9 =	vld [tilespmem:s1+$0x20];
	v11 =	vadd.s32 v12, v11  }
0x508: {  	v12 =	vadd.s32 v13, v11;
	v13 =	vsel vm0, $0x1, v1;
	vm0 =	veq.f32 v16, $0.0e+00;
	v11 =	vld [tilespmem:s1+$0x30];
	s1 =	sadd.s32 $0x80, s1  }
0x509: {  	v12 =	vadd.s32 v13, v12;
	v60 =	vsel vm0, $0x1, v1;
	vm10 =	veq.f32 v10, $0.0e+00;
	v61 =	vld [tilespmem:$0x1AE00]  }
0x50a: {  	v12 =	vadd.s32 v60, v12;
	v62 =	vsel vm10, $0x1, v1;
	vm11 =	veq.f32 v7, $0.0e+00  }
0x50b: {  	v7 =	vadd.s32 v62, v12;
	v63 =	vsel vm11, $0x1, v1;
	vm12 =	veq.f32 v8, $0.0e+00  }
0x50c: {  	v7 =	vadd.s32 v63, v7;
	v8 =	vsel vm12, $0x1, v1;
	vm13 =	veq.f32 v9, $0.0e+00  }
0x50d: {  	v7 =	vadd.s32 v8, v7;
	v8 =	vsel vm13, $0x1, v1;
	vm14 =	veq.f32 v11, $0.0e+00  }
0x50e: {  	v7 =	vadd.s32 v8, v7;
	v8 =	vsel vm14, $0x1, v1;
	vm15 =	veq.f32 v61, $0.0e+00  }
0x50f: {  	v7 =	vadd.s32 v8, v7;
	v8 =	vsel vm15, $0x1, v1  }
0x510: {  	v7 =	vadd.s32 v8, v7  }
0x511: {  	(v2sf) =	vpush v7, $0x0  }
0x512: {  	(v2sf) =	vpush v7, $0x1  }
0x513: {  	(v2sf) =	vpush v7, $0x2  }
0x514: {  	(v2sf) =	vpush v7, $0x3  }
0x515: {  	(v2sf) =	vpush v7, $0x4  }
0x516: {  	(v2sf) =	vpush v7, $0x5  }
0x517: {  	(v2sf) =	vpush v7, $0x6  }
0x518: {  	(v2sf) =	vpush v7, $0x7  }
0x519: {  	(v2sf) =	vpush v7, $0x8  }
0x51a: {  	(v2sf) =	vpush v7, $0x9  }
0x51b: {  	(v2sf) =	vpush v7, $0xA  }
0x51c: {  	(v2sf) =	vpush v7, $0xB  }
0x51d: {  	(v2sf) =	vpush v7, $0xC  }
0x51e: {  	(v2sf) =	vpush v7, $0xD  }
0x51f: {  	(v2sf) =	vpush v7, $0xE  }
0x520: {  	s0 =	spop (v2sf);
	(v2sf) =	vpush v7, $0xF  }
0x521: {  	s1 =	spop (v2sf)  }
0x522: {  	s4 =	spop (v2sf)  }
0x523: {  	s0 =	sadd.s32 s1, s0;
	s5 =	spop (v2sf)  }
0x524: {  	s13 =	spop (v2sf);
	s0 =	sadd.s32 s5, s0  }
0x525: {  	s15 =	spop (v2sf);
	s0 =	sadd.s32 s4, s0  }
0x526: {  	s16 =	spop (v2sf);
	s0 =	sadd.s32 s15, s0  }
0x527: {  	s17 =	spop (v2sf);
	s0 =	sadd.s32 s13, s0  }
0x528: {  	s20 =	spop (v2sf);
	s0 =	sadd.s32 s17, s0  }
0x529: {  	s23 =	spop (v2sf);
	s0 =	sadd.s32 s16, s0  }
0x52a: {  	s24 =	spop (v2sf);
	s0 =	sadd.s32 s23, s0  }
0x52b: {  	s25 =	spop (v2sf);
	s0 =	sadd.s32 s20, s0  }
0x52c: {  	s26 =	spop (v2sf);
	s0 =	sadd.s32 s25, s0  }
0x52d: {  	s29 =	spop (v2sf);
	s0 =	sadd.s32 s24, s0  }
0x52e: {  	s30 =	spop (v2sf);
	s0 =	sadd.s32 s29, s0  }
0x52f: {  	s31 =	spop (v2sf);
	s0 =	sadd.s32 s26, s0  }
0x530: {  	s0 =	sadd.s32 s31, s0  }
0x531: {  	s0 =	sadd.s32 s30, s0  }
0x532: {  	p0 =	slt.s32 s0, $0x1  }
.Ltmp20:
0x533: {  	_ = 	snop;
	(pc) =	sbr.rel @p0 .LBB2_34-.Ltmp20, $1  }
0x534: {  	_ =	sdelay $0x3  }
0x535: {  	s0 =	simm.s32 $0x18700  }
0x536: {  	v7 =	vld [tilespmem:s0+$0x0];
	_ =	sdelay $0x4  }
0x537: {  	(v2sf) =	vpush v7, $0xD  }
0x538: {  	(v2sf) =	vpush v7, $0x4  }
0x539: {  	(v2sf) =	vpush v7, $0x1  }
0x53a: {  	(v2sf) =	vpush v7, $0x6  }
0x53b: {  	(v2sf) =	vpush v7, $0x3  }
0x53c: {  	(v2sf) =	vpush v7, $0x0  }
0x53d: {  	(v2sf) =	vpush v7, $0x2;
	_ =	sdelay $0x1  }
0x53e: {  	(v2sf) =	vpush v7, $0x7  }
0x53f: {  	(v2sf) =	vpush v7, $0x5  }
0x540: {  	(v2sf) =	vpush v7, $0x8;
	_ =	sdelay $0x4  }
0x541: {  	s6 =	spop (v2sf)  }
0x542: {  	s1 =	spop (v2sf)  }
0x543: {  	(v2sf) =	vpush v7, $0xE;
	s17 =	spop (v2sf)  }
0x544: {  	s4 =	sadd.s32 $0x0, s14;
	(v2sf) =	vpush v7, $0x9;
	s10 =	spop (v2sf)  }
0x545: {  	p2 =	slt.s32 s2, $0x186A0;
	p5 =	sgt.s32 s2, $0x1869F;
	s5 =	spop (v2sf)  }
0x546: {  	s9 =	smov.u32 s3;
	s8 =	sadd.s32 $0x1, s4;
	s7 =	spop (v2sf)  }
0x547: {  	s0 =	smov.u32 s2;
	(v2sf) =	vpush v7, $0xA;
	p3 =	seq.f32 s7, $0.0e+00;
	s20 =	spop (v2sf)  }
0x548: {  	p4 =	sne.s32 s4, s2;
	p0 =	seq.f32 s17, $0.0e+00;
	p1 =	seq.f32 s20, $0.0e+00  }
0x549: {  	(v2sf) =	vpush v7, $0xB;
	s7 =	spop (v2sf);
	s0 =	smov.u32 @p3 s4;
	s9 =	smov.u32 @p3 s4  }
0x54a: {  	(v2sf) =	vpush v7, $0xF;
	p3 =	seq.f32 s5, $0.0e+00;
	s23 =	spop (v2sf);
	s2 =	smov.u32 @p5 s0  }
0x54b: {  	p5 =	sgt.s32 s3, $0x1869F;
	s0 =	smov.u32 s3;
	s11 =	spop (v2sf)  }
0x54c: {  	p6 =	sgt.s32 s2, $0x1869F;
	s0 =	smov.u32 @p5 s9;
	s9 =	smov.u32 s3  }
0x54d: {  	p5 =	sne.s32 s8, s2;
	s9 =	smov.u32 @p2 s0;
	s0 =	smov.u32 s2  }
0x54e: {  	p2 =	slt.s32 s2, $0x186A0;
	s0 =	smov.u32 @p6 s8;
	s3 =	smov.u32 @p4 s9  }
0x54f: {  	s2 =	smov.u32 @p0 s0;
	p4 =	sgt.s32 s3, $0x1869F;
	s9 =	smov.u32 s3  }
0x550: {  	s13 =	smov.u32 s3;
	s9 =	smov.u32 @p4 s8;
	s8 =	smov.u32 s3  }
0x551: {  	p4 =	sgt.s32 s2, $0x1869F;
	s16 =	smov.u32 s2;
	s8 =	smov.u32 @p2 s9  }
0x552: {  	p2 =	seq.f32 s1, $0.0e+00;
	s1 =	sadd.s32 $0x2, s4;
	s24 =	spop (v2sf)  }
0x553: {  	s9 =	sadd.s32 $0x7, s4;
	s13 =	smov.u32 @p5 s8;
	s25 =	spop (v2sf)  }
0x554: {  	s3 =	smov.u32 @p0 s13;
	p0 =	seq.f32 s23, $0.0e+00;
	s13 =	smov.u32 s2  }
0x555: {  	p5 =	sgt.s32 s3, $0x1869F;
	s5 =	smov.u32 s3;
	s15 =	smov.u32 s3  }
0x556: {  	s13 =	smov.u32 @p4 s1;
	p4 =	sne.s32 s1, s2;
	s26 =	spop (v2sf)  }
0x557: {  	s5 =	smov.u32 @p5 s1;
	p5 =	slt.s32 s2, $0x186A0;
	s16 =	smov.u32 @p1 s13  }
0x558: {  	s15 =	smov.u32 @p5 s5;
	s5 =	smov.u32 s3;
	s29 =	spop (v2sf)  }
0x559: {  	s13 =	sadd.s32 $0x3, s4;
	s5 =	smov.u32 @p4 s15;
	s30 =	spop (v2sf)  }
0x55a: {  	s15 =	smov.u32 s16;
	s3 =	smov.u32 @p1 s5;
	p1 =	sgt.s32 s16, $0x1869F  }
0x55b: {  	(v2sf) =	vpush v7, $0xC;
	p4 =	sgt.s32 s3, $0x1869F;
	s17 =	smov.u32 s3;
	s15 =	smov.u32 @p1 s13  }
0x55c: {  	p1 =	slt.s32 s16, $0x186A0;
	s20 =	smov.u32 s3;
	s17 =	smov.u32 @p4 s13  }
0x55d: {  	p4 =	sne.s32 s13, s16;
	s13 =	smov.u32 s3;
	s16 =	smov.u32 @p3 s15  }
0x55e: {  	s20 =	smov.u32 @p1 s17;
	p1 =	seq.f32 s10, $0.0e+00;
	s10 =	sadd.s32 $0x5, s4  }
0x55f: {  	s15 =	smov.u32 s16;
	s13 =	smov.u32 @p4 s20;
	s20 =	smov.u32 s16  }
0x560: {  	s3 =	smov.u32 @p3 s13;
	s13 =	sadd.s32 $0x4, s4;
	p3 =	sgt.s32 s16, $0x1869F  }
0x561: {  	p4 =	sgt.s32 s3, $0x1869F;
	s17 =	smov.u32 s3;
	s15 =	smov.u32 @p3 s13  }
0x562: {  	p3 =	slt.s32 s16, $0x186A0;
	s23 =	smov.u32 s3;
	p5 =	sne.s32 s13, s16  }
0x563: {  	s17 =	smov.u32 @p4 s13;
	s20 =	smov.u32 @p2 s15;
	s13 =	smov.u32 s3  }
0x564: {  	p4 =	seq.f32 s7, $0.0e+00;
	s23 =	smov.u32 @p3 s17;
	p3 =	sgt.s32 s20, $0x1869F  }
0x565: {  	s7 =	smov.u32 s20;
	s15 =	smov.u32 s20;
	s13 =	smov.u32 @p5 s23  }
0x566: {  	s7 =	smov.u32 @p3 s10;
	p3 =	seq.f32 s11, $0.0e+00;
	s3 =	smov.u32 @p2 s13  }
0x567: {  	s15 =	smov.u32 @p0 s7;
	s13 =	sadd.s32 $0x6, s4;
	p2 =	sgt.s32 s3, $0x1869F  }
0x568: {  	s7 =	smov.u32 s3;
	p5 =	sgt.s32 s15, $0x1869F;
	s11 =	smov.u32 s3  }
0x569: {  	s16 =	smov.u32 s15;
	s7 =	smov.u32 @p2 s10;
	p2 =	slt.s32 s20, $0x186A0  }
0x56a: {  	s31 =	spop (v2sf);
	s16 =	smov.u32 @p5 s13;
	s11 =	smov.u32 @p2 s7  }
0x56b: {  	p2 =	sne.s32 s10, s20;
	s7 =	smov.u32 s3;
	s10 =	smov.u32 s15  }
0x56c: {  	p6 =	sne.s32 s13, s15;
	s7 =	smov.u32 @p2 s11;
	s10 =	smov.u32 @p1 s16  }
0x56d: {  	s3 =	smov.u32 @p0 s7;
	p0 =	seq.f32 s25, $0.0e+00;
	p2 =	sgt.s32 s10, $0x1869F  }
0x56e: {  	s11 =	smov.u32 s10;
	s8 =	smov.u32 s10;
	s25 =	sadd.s32 $0xF, s4  }
0x56f: {  	p5 =	sgt.s32 s3, $0x1869F;
	s7 =	smov.u32 s3;
	s16 =	smov.u32 s3  }
0x570: {  	s11 =	smov.u32 @p2 s9;
	s7 =	smov.u32 @p5 s13;
	p5 =	slt.s32 s15, $0x186A0  }
0x571: {  	p2 =	seq.f32 s26, $0.0e+00;
	s8 =	smov.u32 @p4 s11;
	s16 =	smov.u32 @p5 s7  }
0x572: {  	s7 =	smov.u32 s3;
	s11 =	smov.u32 s8;
	s1 =	smov.u32 s8  }
0x573: {  	s7 =	smov.u32 @p6 s16;
	p6 =	seq.f32 s31, $0.0e+00;
	s16 =	sadd.s32 $0xB, s4  }
0x574: {  	s3 =	smov.u32 @p1 s7;
	s7 =	sadd.s32 $0x8, s4;
	p1 =	sgt.s32 s8, $0x1869F  }
0x575: {  	p5 =	sgt.s32 s3, $0x1869F;
	s13 =	smov.u32 s3;
	s11 =	smov.u32 @p1 s7  }
0x576: {  	p1 =	slt.s32 s10, $0x186A0;
	s15 =	smov.u32 s3;
	s13 =	smov.u32 @p5 s9  }
0x577: {  	p5 =	seq.f32 s29, $0.0e+00;
	s1 =	smov.u32 @p3 s11;
	s11 =	simm.s32 $0x18710  }
0x578: {  	s15 =	smov.u32 @p1 s13;
	p1 =	sne.s32 s9, s10;
	s9 =	smov.u32 s3  }
0x579: {  	s10 =	sadd.s32 $0x9, s4;
	s13 =	smov.u32 s1;
	s9 =	smov.u32 @p1 s15  }
0x57a: {  	p1 =	sgt.s32 s1, $0x1869F;
	s15 =	smov.u32 s1;
	s3 =	smov.u32 @p4 s9  }
0x57b: {  	s13 =	smov.u32 @p1 s10;
	p1 =	sgt.s32 s3, $0x1869F;
	s9 =	smov.u32 s3  }
0x57c: {  	s5 =	smov.u32 s3;
	s9 =	smov.u32 @p1 s7;
	p1 =	slt.s32 s8, $0x186A0  }
0x57d: {  	p4 =	por p2, p2;
	s15 =	smov.u32 @p0 s13;
	s5 =	smov.u32 @p1 s9  }
0x57e: {  	p1 =	sne.s32 s7, s8;
	s7 =	smov.u32 s3;
	s8 =	sadd.s32 $0xA, s4  }
0x57f: {  	s7 =	smov.u32 @p1 s5;
	p1 =	sgt.s32 s15, $0x1869F;
	s5 =	smov.u32 s15  }
0x580: {  	v7 =	vld [tilespmem:s11+$0x0];
	s13 =	smov.u32 s15;
	s5 =	smov.u32 @p1 s8;
	s3 =	smov.u32 @p3 s7  }
0x581: {  	s13 =	smov.u32 @p2 s5;
	p1 =	sgt.s32 s3, $0x1869F;
	s5 =	smov.u32 s3  }
0x582: {  	s17 =	smov.u32 s3;
	p2 =	seq.f32 s6, $0.0e+00;
	p3 =	sgt.s32 s13, $0x1869F  }
0x583: {  	s9 =	smov.u32 s13;
	s5 =	smov.u32 @p1 s10;
	p1 =	slt.s32 s1, $0x186A0  }
0x584: {  	s7 =	smov.u32 s13;
	s9 =	smov.u32 @p3 s16;
	p3 =	sne.s32 s10, s1  }
0x585: {  	(v2sf) =	vpush v7, $0xD;
	s17 =	smov.u32 @p1 s5;
	s1 =	smov.u32 s3;
	s5 =	sadd.s32 $0xD, s4  }
0x586: {  	s7 =	smov.u32 @p5 s9;
	s1 =	smov.u32 @p3 s17;
	s17 =	sadd.s32 $0xC, s4  }
0x587: {  	(v2sf) =	vpush v7, $0x4;
	p3 =	seq.f32 s24, $0.0e+00;
	p1 =	sgt.s32 s7, $0x1869F;
	s9 =	smov.u32 s7  }
0x588: {  	s3 =	smov.u32 @p0 s1;
	s20 =	smov.u32 s7;
	s9 =	smov.u32 @p1 s17  }
0x589: {  	p0 =	sgt.s32 s3, $0x1869F;
	s1 =	smov.u32 s3;
	p1 =	slt.s32 s15, $0x186A0  }
0x58a: {  	s6 =	smov.u32 s3;
	s20 =	smov.u32 @p6 s9;
	s1 =	smov.u32 @p0 s8  }
0x58b: {  	p0 =	sgt.s32 s20, $0x1869F;
	s9 =	smov.u32 s20;
	s6 =	smov.u32 @p1 s1  }
0x58c: {  	p1 =	sne.s32 s8, s15;
	s1 =	smov.u32 s3;
	s26 =	smov.u32 s20  }
0x58d: {  	s8 =	simm.s32 @!p3 $0x0;
	s9 =	smov.u32 @p0 s5;
	s1 =	smov.u32 @p1 s6  }
0x58e: {  	s8 =	simm.s32 @p3 $0x1;
	s26 =	smov.u32 @p2 s9;
	s9 =	sadd.s32 $0xE, s4  }
0x58f: {  	s3 =	smov.u32 @p4 s1;
	[smem:$0x7FD] =	sst s8;
	p0 =	sgt.s32 s26, $0x1869F  }
0x590: {  	s0 =	smov.u32 s26;
	p1 =	sgt.s32 s3, $0x1869F;
	s1 =	smov.u32 s3  }
0x591: {  	(v2sf) =	vpush v7, $0x1;
	s6 =	smov.u32 s26;
	s4 =	smov.u32 s3;
	s0 =	smov.u32 @p0 s9  }
0x592: {  	(v2sf) =	vpush v7, $0x6;
	p0 =	slt.s32 s13, $0x186A0;
	s1 =	smov.u32 @p1 s16;
	p1 =	sne.s32 s16, s13  }
0x593: {  	(v2sf) =	vpush v7, $0x3;
	s6 =	smov.u32 @p3 s0;
	s4 =	smov.u32 @p0 s1;
	s0 =	smov.u32 s3  }
0x594: {  	(v2sf) =	vpush v7, $0x0;
	p3 =	seq.f32 s30, $0.0e+00;
	s1 =	simm.s32 $0x20;
	s10 =	spop (v2sf)  }
0x595: {  	(v2sf) =	vpush v7, $0x2;
	s0 =	smov.u32 @p1 s4;
	p0 =	sgt.s32 s6, $0x1869F;
	s2 =	smov.u32 s6  }
0x596: {  	(v2sf) =	vpush v7, $0x7;
	s24 =	smov.u32 s6;
	s8 =	spop (v2sf);
	s2 =	smov.u32 @p0 s25  }
0x597: {  	(v2sf) =	vpush v7, $0x5;
	s3 =	smov.u32 @p5 s0;
	p5 =	sne.s32 s17, s7;
	s24 =	smov.u32 @p3 s2  }
0x598: {  	(v2sf) =	vpush v7, $0x8;
	p0 =	sgt.s32 s3, $0x1869F;
	s13 =	smov.u32 s3;
	s2 =	sadd.s32 $0x10, s14  }
0x599: {  	(v2sf) =	vpush v7, $0xE;
	s13 =	smov.u32 @p0 s17;
	p0 =	slt.s32 s7, $0x186A0;
	s0 =	sadd.s32 $0x1, s2  }
.LBB2_32:
0x59a: {  	_ = 	snop  }
0x59b: {  	s7 =	smov.u32 s3  }
0x59c: {  	s4 =	simm.s32 @!p3 $0x0;
	s7 =	smov.u32 @p0 s13;
	p0 =	sne.s32 s25, s6  }
0x59d: {  	s4 =	simm.s32 @p3 $0x1;
	s13 =	simm.s32 @!p0 $0x0  }
0x59e: {  	[smem:$0x7EE] =	sst s4;
	s13 =	simm.s32 @p0 $0x1  }
0x59f: {  	p1 =	sne.s32 s5, s20;
	[smem:$0x7ED] =	sst s13;
	s13 =	smov.u32 s3  }
0x5a0: {  	p0 =	por p2, p2;
	s13 =	smov.u32 @p5 s7;
	s15 =	spop (v2sf)  }
0x5a1: {  	p5 =	slt.s32 s20, $0x186A0;
	s3 =	smov.u32 @p6 s13;
	s31 =	spop (v2sf)  }
0x5a2: {  	p6 =	seq.f32 s15, $0.0e+00;
	p3 =	sgt.s32 s3, $0x1869F;
	s4 =	smov.u32 s3  }
0x5a3: {  	s13 =	smov.u32 s3;
	s15 =	smov.u32 s3;
	s16 =	spop (v2sf)  }
0x5a4: {  	s4 =	smov.u32 @p3 s5;
	p3 =	slt.s32 s24, $0x186A0;
	s17 =	spop (v2sf)  }
0x5a5: {  	s5 =	simm.s32 @!p3 $0x0;
	s13 =	smov.u32 @p5 s4;
	s4 =	smov.u32 s24  }
0x5a6: {  	p2 =	seq.f32 s17, $0.0e+00;
	s5 =	simm.s32 @p3 $0x1;
	s23 =	spop (v2sf)  }
0x5a7: {  	s15 =	smov.u32 @p1 s13;
	p3 =	sgt.s32 s24, $0x1869F;
	p5 =	seq.f32 s23, $0.0e+00  }
0x5a8: {  	s3 =	smov.u32 @p0 s15;
	p0 =	sne.s32 s2, s24;
	s4 =	smov.u32 @p2 s2  }
0x5a9: {  	s24 =	smov.u32 @p3 s4;
	p3 =	sgt.s32 s3, $0x1869F;
	s4 =	smov.u32 s3  }
0x5aa: {  	s4 =	smov.u32 @p3 s9;
	p3 =	seq.f32 s16, $0.0e+00  }
0x5ab: {  	[smem:$0x7EF] =	sst s5;
	s5 =	simm.s32 @!p5 $0x0  }
0x5ac: {  	s5 =	simm.s32 @p5 $0x1;
	s7 =	simm.s32 @!p3 $0x0  }
0x5ad: {  	p4 =	slt.s32 s26, $0x186A0;
	[smem:$0x7F1] =	sst s5;
	s7 =	simm.s32 @p3 $0x1  }
0x5ae: {  	p1 =	sne.s32 s9, s26;
	[smem:$0x7F3] =	sst s7;
	s7 =	smov.u32 s3  }
0x5af: {  	s5 =	simm.s32 @!p0 $0x0;
	s7 =	smov.u32 @p4 s4;
	p4 =	slt.s32 s24, $0x186A0  }
0x5b0: {  	(v2sf) =	vpush v7, $0x9;
	s16 =	sld [smem:$0x7FD];
	s5 =	simm.s32 @p0 $0x1;
	s4 =	simm.s32 @!p4 $0x0  }
0x5b1: {  	p0 =	sgt.s32 s24, $0x1869F;
	p3 =	slt.s32 s6, $0x186A0;
	s4 =	simm.s32 @p4 $0x1  }
0x5b2: {  	s6 =	smov.u32 s3;
	[smem:$0x7F2] =	sst s4;
	s4 =	smov.u32 s24  }
0x5b3: {  	s6 =	smov.u32 @p1 s7;
	s4 =	smov.u32 @p0 s0;
	p0 =	seq.s32 s16, $0x1  }
0x5b4: {  	s29 =	smov.u32 s1;
	s20 =	sld [smem:$0x7EE];
	s3 =	smov.u32 @p0 s6  }
0x5b5: {  	p5 =	sne.s32 s0, s24;
	p0 =	sgt.s32 s3, $0x1869F;
	s13 =	smov.u32 s3  }
0x5b6: {  	[smem:$0x7F0] =	sst s5;
	s13 =	smov.u32 @p0 s25;
	p0 =	sne.s32 s1, $0x2700  }
0x5b7: {  	s24 =	smov.u32 @p6 s4;
	s4 =	sadd.s32 $0x10, s1;
	s1 =	simm.s32 @!p0 $0x0  }
0x5b8: {  	s5 =	spop (v2sf);
	s1 =	simm.s32 @p0 $0x1;
	p0 =	seq.f32 s8, $0.0e+00  }
0x5b9: {  	s17 =	sld [smem:$0x7ED];
	s30 =	spop (v2sf)  }
0x5ba: {  	s15 =	smov.u32 s3;
	[smem:$0x7FC] =	sst s1;
	s1 =	simm.s32 @!p0 $0x0  }
0x5bb: {  	s23 =	sld [smem:$0x7F0];
	s15 =	smov.u32 @p3 s13;
	s1 =	simm.s32 @p0 $0x1  }
0x5bc: {  	p0 =	seq.s32 s17, $0x1;
	[smem:$0x7F4] =	sst s1;
	s1 =	smov.u32 s3  }
0x5bd: {  	s16 =	spop (v2sf);
	s1 =	smov.u32 @p0 s15;
	p0 =	seq.f32 s30, $0.0e+00  }
0x5be: {  	s26 =	sld [smem:$0x7F2];
	s6 =	spop (v2sf);
	p1 =	sgt.s32 s24, $0x1869F  }
0x5bf: {  	s9 =	spop (v2sf);
	s25 =	sld [smem:$0x7F1];
	s7 =	simm.s32 @!p0 $0x0  }
0x5c0: {  	s13 =	sadd.s32 $0x2, s2;
	s7 =	simm.s32 @p0 $0x1;
	p0 =	seq.s32 s20, $0x1  }
0x5c1: {  	p3 =	slt.s32 s24, $0x186A0;
	s17 =	sld [smem:$0x7EF];
	s3 =	smov.u32 @p0 s1  }
0x5c2: {  	p4 =	seq.s32 s25, $0x1;
	[smem:$0x7F5] =	sst s7;
	s7 =	smov.u32 s3  }
0x5c3: {  	p0 =	sgt.s32 s3, $0x1869F;
	s8 =	smov.u32 s3;
	s7 =	smov.u32 @p2 s2  }
0x5c4: {  	s30 =	sld [smem:$0x7F3];
	s15 =	smov.u32 s3;
	s8 =	smov.u32 @p0 s7  }
0x5c5: {  	s7 =	smov.u32 s24;
	p0 =	seq.s32 s17, $0x1;
	s17 =	smov.u32 s24  }
0x5c6: {  	s7 =	smov.u32 @p1 s13;
	s15 =	smov.u32 @p0 s8;
	p0 =	seq.s32 s23, $0x1  }
0x5c7: {  	s23 =	sadd.s32 $0x3, s2;
	s3 =	smov.u32 @p0 s15;
	s17 =	smov.u32 @p4 s7  }
0x5c8: {  	p0 =	sgt.s32 s3, $0x1869F;
	p1 =	sgt.s32 s17, $0x1869F;
	s7 =	smov.u32 s3  }
0x5c9: {  	s25 =	smov.u32 s3;
	s7 =	smov.u32 @p0 s0;
	p0 =	seq.s32 s26, $0x1  }
0x5ca: {  	s15 =	smov.u32 s17;
	s25 =	smov.u32 @p0 s7;
	s7 =	smov.u32 s3  }
0x5cb: {  	s15 =	smov.u32 @p1 s23;
	s7 =	smov.u32 @p5 s25;
	p5 =	seq.f32 s31, $0.0e+00  }
0x5cc: {  	s26 =	sadd.s32 $0x4, s2;
	s31 =	sld [smem:$0x7F4];
	s3 =	smov.u32 @p6 s7  }
0x5cd: {  	s25 =	simm.s32 @!p5 $0x0;
	p0 =	sgt.s32 s3, $0x1869F;
	s7 =	smov.u32 s3  }
0x5ce: {  	p6 =	seq.s32 s30, $0x1;
	s25 =	simm.s32 @p5 $0x1;
	s7 =	smov.u32 @p0 s13  }
0x5cf: {  	p0 =	sne.s32 s13, s24;
	p1 =	seq.s32 s31, $0x1;
	s31 =	sld [smem:$0x7F5]  }
0x5d0: {  	(v2sf) =	vpush v7, $0xA;
	s13 =	smov.u32 s3;
	s24 =	smov.u32 s3;
	[smem:$0x7F6] =	sst s25  }
0x5d1: {  	s25 =	smov.u32 s17;
	s13 =	smov.u32 @p3 s7;
	p3 =	seq.f32 s5, $0.0e+00  }
0x5d2: {  	s25 =	smov.u32 @p6 s15;
	s15 =	sadd.s32 $0x5, s2;
	s24 =	smov.u32 @p0 s13  }
0x5d3: {  	p2 =	sgt.s32 s25, $0x1869F;
	s30 =	smov.u32 s25;
	s7 =	smov.u32 s25  }
0x5d4: {  	s5 =	simm.s32 @!p3 $0x0;
	s3 =	smov.u32 @p4 s24;
	p4 =	seq.f32 s16, $0.0e+00  }
0x5d5: {  	(v2sf) =	vpush v7, $0xB;
	s30 =	smov.u32 @p2 s26;
	s5 =	simm.s32 @p3 $0x1;
	p2 =	seq.s32 s31, $0x1  }
0x5d6: {  	s7 =	smov.u32 @p1 s30;
	[smem:$0x7F7] =	sst s5;
	s16 =	simm.s32 @!p4 $0x0  }
0x5d7: {  	(v2sf) =	vpush v7, $0xF;
	p0 =	sgt.s32 s7, $0x1869F;
	s13 =	smov.u32 s7;
	s5 =	smov.u32 s7  }
0x5d8: {  	s16 =	simm.s32 @p4 $0x1;
	s13 =	smov.u32 @p0 s15;
	p0 =	sgt.s32 s3, $0x1869F  }
0x5d9: {  	[smem:$0x7F8] =	sst s16;
	s5 =	smov.u32 @p2 s13;
	s13 =	smov.u32 s3  }
0x5da: {  	s16 =	smov.u32 s3;
	p2 =	slt.s32 s17, $0x186A0;
	s13 =	smov.u32 @p0 s23  }
0x5db: {  	p0 =	sne.s32 s23, s17;
	s16 =	smov.u32 @p2 s13;
	s13 =	smov.u32 s3  }
0x5dc: {  	s13 =	smov.u32 @p0 s16;
	p0 =	seq.f32 s9, $0.0e+00;
	_ =	sdelay $0x1  }
0x5dd: {  	s9 =	simm.s32 @!p0 $0x0  }
0x5de: {  	(v2sf) =	vpush v7, $0xC;
	s1 =	spop (v2sf);
	p2 =	sgt.s32 s5, $0x1869F;
	s9 =	simm.s32 @p0 $0x1  }
0x5df: {  	s16 =	sadd.s32 $0x6, s2;
	[smem:$0x7F9] =	sst s9;
	s9 =	smov.u32 s5  }
0x5e0: {  	s17 =	smov.u32 s5;
	s3 =	smov.u32 @p6 s13;
	s9 =	smov.u32 @p2 s16  }
0x5e1: {  	p0 =	sgt.s32 s3, $0x1869F;
	s17 =	smov.u32 @p5 s9;
	s9 =	smov.u32 s3  }
0x5e2: {  	s13 =	smov.u32 s3;
	p2 =	slt.s32 s25, $0x186A0;
	s9 =	smov.u32 @p0 s26  }
0x5e3: {  	s20 =	spop (v2sf);
	s13 =	smov.u32 @p2 s9;
	p2 =	seq.f32 s1, $0.0e+00  }
0x5e4: {  	p6 =	seq.f32 s20, $0.0e+00  }
0x5e5: {  	s11 =	sadd.s32 $0x10, s11;
	s8 =	spop (v2sf);
	s1 =	simm.s32 @!p2 $0x0  }
0x5e6: {  	p5 =	sne.s32 s26, s25;
	s9 =	simm.s32 @!p6 $0x0;
	s1 =	simm.s32 @p2 $0x1  }
0x5e7: {  	s9 =	simm.s32 @p6 $0x1;
	[smem:$0x7FA] =	sst s1;
	s1 =	smov.u32 s3  }
0x5e8: {  	p0 =	sgt.s32 s17, $0x1869F;
	[smem:$0x7FB] =	sst s9;
	s1 =	smov.u32 @p5 s13  }
0x5e9: {  	s13 =	sadd.s32 $0x7, s2;
	s3 =	smov.u32 @p1 s1;
	s1 =	smov.u32 s17  }
0x5ea: {  	s9 =	smov.u32 s17;
	p5 =	slt.s32 s7, $0x186A0;
	s1 =	smov.u32 @p0 s13  }
0x5eb: {  	p0 =	sgt.s32 s3, $0x1869F;
	s9 =	smov.u32 @p3 s1;
	s1 =	smov.u32 s3  }
0x5ec: {  	p1 =	sne.s32 s15, s7;
	s7 =	smov.u32 s3;
	s1 =	smov.u32 @p0 s15  }
0x5ed: {  	s0 =	spop (v2sf);
	s15 =	smov.u32 s3;
	s7 =	smov.u32 @p5 s1  }
0x5ee: {  	s31 =	sadd.s32 $0xC, s2;
	s15 =	smov.u32 @p1 s7;
	s7 =	sld [smem:$0x7F5]  }
0x5ef: {  	s23 =	sadd.s32 $0xA, s2;
	s20 =	sld [smem:$0x7F6];
	s25 =	sadd.s32 $0x8, s2  }
0x5f0: {  	s26 =	sld [smem:$0x7F7];
	p0 =	sgt.s32 s9, $0x1869F;
	s1 =	smov.u32 s9  }
0x5f1: {  	p3 =	seq.f32 s0, $0.0e+00;
	s1 =	smov.u32 @p0 s25;
	p0 =	seq.s32 s7, $0x1  }
0x5f2: {  	s24 =	smov.u32 s9;
	p5 =	slt.s32 s5, $0x186A0;
	s3 =	smov.u32 @p0 s15  }
0x5f3: {  	s24 =	smov.u32 @p4 s1;
	p0 =	sgt.s32 s3, $0x1869F;
	s0 =	smov.u32 s3  }
0x5f4: {  	s0 =	smov.u32 @p0 s16;
	p0 =	sne.s32 s16, s5;
	s16 =	sld [smem:$0x7F9]  }
0x5f5: {  	p1 =	sgt.s32 s24, $0x1869F;
	s1 =	smov.u32 s24;
	s15 =	sadd.s32 $0x9, s2  }
0x5f6: {  	p4 =	sne.s32 s13, s17;
	s1 =	smov.u32 @p1 s15;
	s5 =	smov.u32 s3  }
0x5f7: {  	s5 =	smov.u32 @p5 s0;
	s0 =	smov.u32 s24;
	p1 =	seq.s32 s16, $0x1  }
0x5f8: {  	s0 =	smov.u32 @p1 s1;
	s1 =	smov.u32 s3;
	p1 =	seq.s32 s20, $0x1  }
0x5f9: {  	s1 =	smov.u32 @p0 s5;
	p0 =	sgt.s32 s0, $0x1869F;
	s5 =	sadd.s32 $0xD, s2  }
0x5fa: {  	s16 =	smov.u32 s0;
	s3 =	smov.u32 @p1 s1;
	s1 =	smov.u32 s0  }
0x5fb: {  	p1 =	slt.s32 s17, $0x186A0;
	s1 =	smov.u32 @p0 s23;
	p0 =	sgt.s32 s3, $0x1869F  }
0x5fc: {  	s7 =	smov.u32 s3;
	s17 =	smov.u32 s3;
	s16 =	smov.u32 @p2 s1  }
0x5fd: {  	s1 =	sadd.s32 $0xB, s2;
	s7 =	smov.u32 @p0 s13;
	s13 =	smov.u32 s3  }
0x5fe: {  	p0 =	sgt.s32 s16, $0x1869F;
	s13 =	smov.u32 @p1 s7;
	s7 =	smov.u32 s16  }
0x5ff: {  	p2 =	seq.f32 s10, $0.0e+00;
	s30 =	smov.u32 s16;
	s7 =	smov.u32 @p0 s1  }
0x600: {  	s17 =	smov.u32 @p4 s13;
	p0 =	seq.s32 s26, $0x1;
	s13 =	sld [smem:$0x7F8]  }
0x601: {  	p4 =	seq.f32 s6, $0.0e+00;
	s30 =	smov.u32 @p6 s7;
	s3 =	smov.u32 @p0 s17  }
0x602: {  	p6 =	por p3, p3;
	s17 =	sld [smem:$0x7FA];
	p0 =	sgt.s32 s30, $0x1869F  }
0x603: {  	p1 =	sgt.s32 s3, $0x1869F;
	s7 =	smov.u32 s30;
	s10 =	smov.u32 s3  }
0x604: {  	s20 =	smov.u32 s30;
	s7 =	smov.u32 @p0 s31;
	p0 =	slt.s32 s9, $0x186A0  }
0x605: {  	s10 =	smov.u32 @p1 s25;
	s20 =	smov.u32 @p3 s7;
	s7 =	smov.u32 s3  }
0x606: {  	p1 =	sne.s32 s25, s9;
	s9 =	smov.u32 s3;
	s7 =	smov.u32 @p0 s10  }
0x607: {  	p0 =	sgt.s32 s20, $0x1869F;
	s9 =	smov.u32 @p1 s7;
	s7 =	smov.u32 s20  }
0x608: {  	s25 =	sadd.s32 $0xF, s2;
	s7 =	smov.u32 @p0 s5;
	p0 =	seq.s32 s13, $0x1  }
0x609: {  	p3 =	slt.s32 s24, $0x186A0;
	s26 =	smov.u32 s20;
	s3 =	smov.u32 @p0 s9  }
0x60a: {  	s26 =	smov.u32 @p2 s7;
	s9 =	sadd.s32 $0xE, s2;
	p0 =	sgt.s32 s3, $0x1869F  }
0x60b: {  	p1 =	sgt.s32 s26, $0x1869F;
	s2 =	smov.u32 s3;
	s7 =	smov.u32 s26  }
0x60c: {  	s10 =	smov.u32 s3;
	s2 =	smov.u32 @p0 s15;
	p0 =	sne.s32 s15, s24  }
0x60d: {  	s15 =	sld [smem:$0x7F9];
	s10 =	smov.u32 @p3 s2;
	s2 =	simm.s32 @!p4 $0x0  }
0x60e: {  	s6 =	smov.u32 s26;
	s7 =	smov.u32 @p1 s9;
	s2 =	simm.s32 @p4 $0x1  }
0x60f: {  	s6 =	smov.u32 @p4 s7;
	[smem:$0x7FD] =	sst s2;
	s2 =	smov.u32 s3  }
0x610: {  	v7 =	vld [tilespmem:s11+$0x0];
	p3 =	seq.f32 s8, $0.0e+00;
	p1 =	seq.s32 s15, $0x1;
	s2 =	smov.u32 @p0 s10  }
0x611: {  	p0 =	sgt.s32 s6, $0x1869F;
	s3 =	smov.u32 @p1 s2;
	s2 =	smov.u32 s6  }
0x612: {  	s24 =	smov.u32 s6;
	p1 =	slt.s32 s0, $0x186A0;
	s2 =	smov.u32 @p0 s25  }
0x613: {  	p0 =	sgt.s32 s3, $0x1869F;
	s24 =	smov.u32 @p3 s2;
	s2 =	smov.u32 s3  }
0x614: {  	s2 =	smov.u32 @p0 s23;
	p0 =	sne.s32 s23, s0;
	s0 =	smov.u32 s3  }
0x615: {  	(v2sf) =	vpush v7, $0xD;
	s0 =	smov.u32 @p1 s2;
	s2 =	smov.u32 s3  }
0x616: {  	(v2sf) =	vpush v7, $0x4;
	s2 =	smov.u32 @p0 s0;
	p0 =	seq.s32 s17, $0x1  }
0x617: {  	s23 =	sld [smem:$0x7FB];
	s3 =	smov.u32 @p0 s2  }
0x618: {  	p1 =	slt.s32 s16, $0x186A0;
	p0 =	sgt.s32 s3, $0x1869F;
	s0 =	smov.u32 s3  }
0x619: {  	s0 =	smov.u32 @p0 s1;
	p0 =	sne.s32 s1, s16;
	s1 =	smov.u32 s3  }
0x61a: {  	s1 =	smov.u32 @p1 s0;
	s0 =	smov.u32 s3  }
0x61b: {  	s0 =	smov.u32 @p0 s1;
	p0 =	seq.s32 s23, $0x1  }
0x61c: {  	s3 =	smov.u32 @p0 s0  }
0x61d: {  	p1 =	sgt.s32 s3, $0x1869F;
	s13 =	smov.u32 s3  }
0x61e: {  	(v2sf) =	vpush v7, $0x1;
	p5 =	sne.s32 s31, s30;
	s13 =	smov.u32 @p1 s31;
	s31 =	sld [smem:$0x7FC]  }
0x61f: {  	(v2sf) =	vpush v7, $0x6  }
0x620: {  	(v2sf) =	vpush v7, $0x3  }
0x621: {  	(v2sf) =	vpush v7, $0x0;
	p1 =	seq.s32 s31, $0x1  }
.Ltmp21:
0x622: {  	(v2sf) =	vpush v7, $0x2;
	(pc) =	sbr.rel @p1 .LBB2_32-.Ltmp21, $4  }
0x623: {  	(v2sf) =	vpush v7, $0x7  }
0x624: {  	(v2sf) =	vpush v7, $0x5;
	s10 =	spop (v2sf)  }
0x625: {  	(v2sf) =	vpush v7, $0x8;
	s8 =	spop (v2sf);
	s2 =	sadd.s32 s29, s14  }
0x626: {  	(v2sf) =	vpush v7, $0xE;
	s1 =	smov.u32 s4;
	p0 =	slt.s32 s30, $0x186A0;
	s0 =	sadd.s32 $0x1, s2  }
0x627: {  	s1 =	smov.u32 s3  }
0x628: {  	s4 =	smov.u32 s3;
	s1 =	smov.u32 @p0 s13  }
0x629: {  	s4 =	smov.u32 @p5 s1  }
0x62a: {  	s3 =	smov.u32 @p6 s4  }
0x62b: {  	p0 =	sgt.s32 s3, $0x1869F;
	s1 =	smov.u32 s3  }
0x62c: {  	s4 =	smov.u32 s3;
	s1 =	smov.u32 @p0 s5;
	p0 =	slt.s32 s20, $0x186A0  }
0x62d: {  	s4 =	smov.u32 @p0 s1;
	p0 =	sne.s32 s5, s20;
	s1 =	smov.u32 s3  }
0x62e: {  	s1 =	smov.u32 @p0 s4  }
0x62f: {  	s29 =	sld [smem:$0x7FD];
	s3 =	smov.u32 @p2 s1  }
0x630: {  	s30 =	spop (v2sf);
	p0 =	sgt.s32 s3, $0x1869F;
	s1 =	smov.u32 s3  }
0x631: {  	s4 =	smov.u32 s3;
	s1 =	smov.u32 @p0 s9;
	p0 =	slt.s32 s26, $0x186A0  }
0x632: {  	s4 =	smov.u32 @p0 s1;
	p0 =	sne.s32 s9, s26;
	s1 =	smov.u32 s3  }
0x633: {  	s31 =	spop (v2sf);
	s1 =	smov.u32 @p0 s4;
	p0 =	seq.s32 s29, $0x1  }
0x634: {  	p1 =	slt.s32 s6, $0x186A0;
	s11 =	spop (v2sf);
	s3 =	smov.u32 @p0 s1  }
0x635: {  	p2 =	slt.s32 s24, $0x186A0;
	p0 =	sgt.s32 s3, $0x1869F;
	s5 =	smov.u32 s3  }
0x636: {  	s13 =	spop (v2sf);
	s7 =	smov.u32 s3;
	s5 =	smov.u32 @p0 s25  }
0x637: {  	p0 =	sne.s32 s25, s6;
	s7 =	smov.u32 @p1 s5;
	s5 =	smov.u32 s3  }
0x638: {  	s15 =	spop (v2sf);
	s9 =	smov.u32 s24;
	s5 =	smov.u32 @p0 s7  }
0x639: {  	s16 =	spop (v2sf);
	p0 =	seq.f32 s13, $0.0e+00;
	s3 =	smov.u32 @p3 s5  }
0x63a: {  	s17 =	spop (v2sf);
	s5 =	smov.u32 s3;
	p1 =	sgt.s32 s3, $0x1869F  }
0x63b: {  	s7 =	smov.u32 s3;
	s9 =	smov.u32 @p0 s2;
	s5 =	smov.u32 @p0 s2  }
0x63c: {  	p0 =	sgt.s32 s24, $0x1869F;
	s7 =	smov.u32 @p1 s5;
	s5 =	smov.u32 s3  }
0x63d: {  	p1 =	sne.s32 s2, s24;
	s24 =	smov.u32 @p0 s9;
	s5 =	smov.u32 @p2 s7  }
0x63e: {  	p2 =	sne.s32 s0, s24;
	s3 =	smov.u32 @p1 s5;
	p1 =	slt.s32 s24, $0x186A0  }
0x63f: {  	p0 =	sgt.s32 s3, $0x1869F;
	s5 =	smov.u32 s3;
	s7 =	smov.u32 s3  }
0x640: {  	s1 =	smov.u32 s3;
	s5 =	smov.u32 @p0 s0;
	p0 =	seq.f32 s30, $0.0e+00  }
0x641: {  	s7 =	smov.u32 @p1 s5;
	p1 =	sgt.s32 s24, $0x1869F;
	s5 =	smov.u32 s24  }
0x642: {  	s20 =	spop (v2sf);
	s1 =	smov.u32 @p2 s7;
	s5 =	smov.u32 @p1 s0  }
0x643: {  	s0 =	sadd.s32 $0x2, s2;
	s3 =	smov.u32 @p0 s1;
	s24 =	smov.u32 @p0 s5  }
0x644: {  	p0 =	sgt.s32 s3, $0x1869F;
	s1 =	smov.u32 s3;
	p1 =	slt.s32 s24, $0x186A0  }
0x645: {  	s7 =	smov.u32 s3;
	p2 =	sne.s32 s0, s24;
	s1 =	smov.u32 @p0 s0  }
0x646: {  	p0 =	seq.f32 s15, $0.0e+00;
	s7 =	smov.u32 @p1 s1;
	s1 =	smov.u32 s3  }
0x647: {  	s5 =	smov.u32 s24;
	p1 =	sgt.s32 s24, $0x1869F;
	s1 =	smov.u32 @p2 s7  }
0x648: {  	s5 =	smov.u32 @p1 s0;
	s0 =	sadd.s32 $0x3, s2;
	s3 =	smov.u32 @p0 s1  }
0x649: {  	(v2sf) =	vpush v7, $0x9;
	s24 =	smov.u32 @p0 s5;
	p0 =	sgt.s32 s3, $0x1869F;
	s1 =	smov.u32 s3  }
0x64a: {  	p1 =	slt.s32 s24, $0x186A0;
	s5 =	smov.u32 s3;
	p2 =	sne.s32 s0, s24  }
0x64b: {  	s6 =	smov.u32 s24;
	s1 =	smov.u32 @p0 s0;
	p0 =	seq.f32 s11, $0.0e+00  }
0x64c: {  	s5 =	smov.u32 @p1 s1;
	s1 =	smov.u32 s3;
	p1 =	sgt.s32 s24, $0x1869F  }
0x64d: {  	s23 =	spop (v2sf);
	s1 =	smov.u32 @p2 s5;
	s6 =	smov.u32 @p1 s0  }
0x64e: {  	s0 =	sadd.s32 $0x4, s2;
	s3 =	smov.u32 @p0 s1;
	s24 =	smov.u32 @p0 s6  }
0x64f: {  	p0 =	sgt.s32 s3, $0x1869F;
	s1 =	smov.u32 s3;
	p1 =	slt.s32 s24, $0x186A0  }
0x650: {  	s5 =	smov.u32 s3;
	p2 =	sne.s32 s0, s24;
	s1 =	smov.u32 @p0 s0  }
0x651: {  	p0 =	seq.f32 s8, $0.0e+00;
	s5 =	smov.u32 @p1 s1;
	s1 =	smov.u32 s3  }
0x652: {  	s7 =	smov.u32 s24;
	p1 =	sgt.s32 s24, $0x1869F;
	s1 =	smov.u32 @p2 s5  }
0x653: {  	s7 =	smov.u32 @p1 s0;
	s0 =	sadd.s32 $0x5, s2;
	s3 =	smov.u32 @p0 s1  }
0x654: {  	(v2sf) =	vpush v7, $0xA;
	s24 =	smov.u32 @p0 s7;
	p0 =	sgt.s32 s3, $0x1869F;
	s1 =	smov.u32 s3  }
0x655: {  	(v2sf) =	vpush v7, $0xB;
	p1 =	slt.s32 s24, $0x186A0;
	s7 =	smov.u32 s3;
	p2 =	sne.s32 s0, s24  }
0x656: {  	s5 =	smov.u32 s24;
	s1 =	smov.u32 @p0 s0;
	p0 =	seq.f32 s17, $0.0e+00  }
0x657: {  	s7 =	smov.u32 @p1 s1;
	s1 =	smov.u32 s3;
	p1 =	sgt.s32 s24, $0x1869F  }
0x658: {  	s25 =	spop (v2sf);
	s1 =	smov.u32 @p2 s7;
	s5 =	smov.u32 @p1 s0  }
0x659: {  	s0 =	sadd.s32 $0x6, s2;
	s3 =	smov.u32 @p0 s1;
	s24 =	smov.u32 @p0 s5  }
0x65a: {  	(v2sf) =	vpush v7, $0xF;
	p0 =	sgt.s32 s3, $0x1869F;
	s1 =	smov.u32 s3;
	p1 =	slt.s32 s24, $0x186A0  }
0x65b: {  	s5 =	smov.u32 s3;
	p2 =	sne.s32 s0, s24;
	s1 =	smov.u32 @p0 s0  }
0x65c: {  	p0 =	seq.f32 s31, $0.0e+00;
	s5 =	smov.u32 @p1 s1;
	s1 =	smov.u32 s3  }
0x65d: {  	s4 =	smov.u32 s24;
	p1 =	sgt.s32 s24, $0x1869F;
	s1 =	smov.u32 @p2 s5  }
0x65e: {  	s4 =	smov.u32 @p1 s0;
	s0 =	sadd.s32 $0x7, s2;
	s3 =	smov.u32 @p0 s1  }
0x65f: {  	s24 =	smov.u32 @p0 s4;
	p0 =	sgt.s32 s3, $0x1869F;
	s1 =	smov.u32 s3  }
0x660: {  	p1 =	slt.s32 s24, $0x186A0;
	s4 =	smov.u32 s3;
	p2 =	sne.s32 s0, s24  }
0x661: {  	s5 =	smov.u32 s24;
	s1 =	smov.u32 @p0 s0;
	p0 =	seq.f32 s16, $0.0e+00  }
0x662: {  	s4 =	smov.u32 @p1 s1;
	s1 =	smov.u32 s3;
	p1 =	sgt.s32 s24, $0x1869F  }
0x663: {  	s26 =	spop (v2sf);
	s1 =	smov.u32 @p2 s4;
	s5 =	smov.u32 @p1 s0  }
0x664: {  	s29 =	spop (v2sf);
	s3 =	smov.u32 @p0 s1;
	s24 =	smov.u32 @p0 s5  }
0x665: {  	(v2sf) =	vpush v7, $0xC;
	s1 =	sadd.s32 $0x8, s2;
	p0 =	sgt.s32 s3, $0x1869F;
	s0 =	smov.u32 s3  }
0x666: {  	p1 =	slt.s32 s24, $0x186A0;
	s5 =	smov.u32 s3;
	p2 =	sne.s32 s1, s24  }
0x667: {  	s4 =	smov.u32 s3;
	s6 =	smov.u32 s24;
	s0 =	smov.u32 @p0 s1  }
0x668: {  	p0 =	seq.f32 s20, $0.0e+00;
	s5 =	smov.u32 @p1 s0;
	p1 =	sgt.s32 s24, $0x1869F  }
0x669: {  	s30 =	spop (v2sf);
	s4 =	smov.u32 @p2 s5;
	s6 =	smov.u32 @p1 s1  }
0x66a: {  	s1 =	sadd.s32 $0x9, s2;
	s3 =	smov.u32 @p0 s4;
	s24 =	smov.u32 @p0 s6  }
0x66b: {  	p0 =	sgt.s32 s3, $0x1869F;
	s4 =	smov.u32 s3;
	p1 =	slt.s32 s24, $0x186A0  }
0x66c: {  	s6 =	smov.u32 s3;
	p2 =	sne.s32 s1, s24;
	s4 =	smov.u32 @p0 s1  }
0x66d: {  	p0 =	seq.f32 s25, $0.0e+00;
	s6 =	smov.u32 @p1 s4;
	s4 =	smov.u32 s3  }
0x66e: {  	s5 =	smov.u32 s24;
	p1 =	sgt.s32 s24, $0x1869F;
	s4 =	smov.u32 @p2 s6  }
0x66f: {  	s5 =	smov.u32 @p1 s1;
	s1 =	sadd.s32 $0xA, s2;
	s3 =	smov.u32 @p0 s4  }
0x670: {  	s24 =	smov.u32 @p0 s5;
	p0 =	sgt.s32 s3, $0x1869F;
	s4 =	smov.u32 s3  }
0x671: {  	p1 =	slt.s32 s24, $0x186A0;
	s6 =	smov.u32 s3;
	p2 =	sne.s32 s1, s24  }
0x672: {  	s5 =	smov.u32 s24;
	s4 =	smov.u32 @p0 s1;
	p0 =	seq.f32 s26, $0.0e+00  }
0x673: {  	s6 =	smov.u32 @p1 s4;
	s4 =	smov.u32 s3;
	p1 =	sgt.s32 s24, $0x1869F  }
0x674: {  	s31 =	spop (v2sf);
	s4 =	smov.u32 @p2 s6;
	s5 =	smov.u32 @p1 s1  }
0x675: {  	s3 =	smov.u32 @p0 s4;
	s24 =	smov.u32 @p0 s5;
	s4 =	sadd.s32 $0xB, s2  }
0x676: {  	p0 =	sgt.s32 s3, $0x1869F;
	s1 =	smov.u32 s3;
	p1 =	slt.s32 s24, $0x186A0  }
0x677: {  	s6 =	smov.u32 s3;
	p2 =	sne.s32 s4, s24;
	s1 =	smov.u32 @p0 s4  }
0x678: {  	s5 =	smov.u32 s3;
	p0 =	seq.f32 s29, $0.0e+00;
	s6 =	smov.u32 @p1 s1  }
0x679: {  	s7 =	smov.u32 s24;
	p1 =	sgt.s32 s24, $0x1869F;
	s5 =	smov.u32 @p2 s6  }
0x67a: {  	s7 =	smov.u32 @p1 s4;
	s4 =	sadd.s32 $0xC, s2;
	s3 =	smov.u32 @p0 s5  }
0x67b: {  	s24 =	smov.u32 @p0 s7;
	p0 =	sgt.s32 s3, $0x1869F;
	s5 =	smov.u32 s3  }
0x67c: {  	p1 =	slt.s32 s24, $0x186A0;
	s7 =	smov.u32 s3;
	p2 =	sne.s32 s4, s24  }
0x67d: {  	s6 =	smov.u32 s24;
	s5 =	smov.u32 @p0 s4;
	p0 =	seq.f32 s31, $0.0e+00  }
0x67e: {  	s7 =	smov.u32 @p1 s5;
	s5 =	smov.u32 s3;
	p1 =	sgt.s32 s24, $0x1869F  }
0x67f: {  	s5 =	smov.u32 @p2 s7;
	s6 =	smov.u32 @p1 s4  }
0x680: {  	s4 =	sadd.s32 $0xD, s2;
	s3 =	smov.u32 @p0 s5;
	s24 =	smov.u32 @p0 s6  }
0x681: {  	p0 =	sgt.s32 s3, $0x1869F;
	s5 =	smov.u32 s3;
	p1 =	slt.s32 s24, $0x186A0  }
0x682: {  	s6 =	smov.u32 s3;
	p2 =	sne.s32 s4, s24;
	s5 =	smov.u32 @p0 s4  }
0x683: {  	p0 =	seq.f32 s10, $0.0e+00;
	s6 =	smov.u32 @p1 s5;
	s5 =	smov.u32 s3  }
0x684: {  	s7 =	smov.u32 s24;
	p1 =	sgt.s32 s24, $0x1869F;
	s5 =	smov.u32 @p2 s6  }
0x685: {  	s7 =	smov.u32 @p1 s4;
	s4 =	sadd.s32 $0xE, s2;
	s3 =	smov.u32 @p0 s5  }
0x686: {  	s24 =	smov.u32 @p0 s7;
	p0 =	sgt.s32 s3, $0x1869F;
	s5 =	smov.u32 s3  }
0x687: {  	p1 =	slt.s32 s24, $0x186A0;
	s6 =	smov.u32 s3;
	p2 =	sne.s32 s4, s24  }
0x688: {  	s0 =	smov.u32 s3;
	s5 =	smov.u32 @p0 s4;
	p0 =	seq.f32 s23, $0.0e+00  }
0x689: {  	s6 =	smov.u32 @p1 s5;
	p1 =	sgt.s32 s24, $0x1869F;
	s5 =	smov.u32 s24  }
0x68a: {  	s0 =	smov.u32 @p2 s6;
	s5 =	smov.u32 @p1 s4  }
0x68b: {  	p1 =	seq.f32 s30, $0.0e+00;
	s3 =	smov.u32 @p0 s0;
	s0 =	sadd.s32 $0xF, s2  }
0x68c: {  	s24 =	smov.u32 @p0 s5;
	p0 =	sgt.s32 s3, $0x1869F;
	s2 =	smov.u32 s3  }
.Ltmp22:
0x68d: {  	p2 =	slt.s32 s24, $0x186A0;
	s1 =	smov.u32 s3;
	(pc) =	sbr.rel .LBB2_34-.Ltmp22, $4  }
0x68e: {  	s4 =	smov.u32 s24;
	s5 =	smov.u32 s3;
	s2 =	smov.u32 @p0 s0  }
0x68f: {  	p0 =	sgt.s32 s24, $0x1869F;
	s1 =	smov.u32 @p2 s2;
	p2 =	sne.s32 s0, s24  }
0x690: {  	s4 =	smov.u32 @p0 s0;
	s2 =	smov.u32 s24;
	s5 =	smov.u32 @p2 s1  }
0x691: {  	s10 =	simm.s32 $0x2;
	s2 =	smov.u32 @p1 s4;
	s3 =	smov.u32 @p1 s5  }
.LBB2_35:
0x692: {  	v23 =	vld [tilespmem:$0x1B380]  }
0x693: {  	v7 =	vld [tilespmem:$0x1B480]  }
0x694: {  	v24 =	vld [tilespmem:$0x1B390];
	s30 =	rddreg [dreg:$0xf]  }
0x695: {  	v25 =	vld [tilespmem:$0x1B3A0];
	p0 =	slt.s32 s30, $0x80;
	s10 =	smov.u32 s30  }
0x696: {  	v9 =	vor.u32 $0x10, v0;
	s10 =	simm.s32 @!p0 $0x80  }
0x697: {  	v15 =	vmov s10;
	v8 =	vsub.s32 $0x80000000, v23;
	vm0 =	vlt.s32 v23, $0x0  }
0x698: {  	vm4 =	vgt.s32 v15, v0;
	vm3 =	vgt.s32 v15, v9;
	v47 =	vsel vm0, v8, v23;
	v8 =	vld [tilespmem:$0x1B490]  }
0x699: {  	s0 =	rddreg [dreg:$0xd];
	v11 =	vsub.s32 $0x80000000, v24;
	vm1 =	vlt.s32 v24, $0x0;
	vm0 =	vgt.s32 v7, $0x0  }
0x69a: {  	v34 =	vld [tilespmem:$0x1B3B0];
	s0 =	smul.u32 $0x186A0, s0;
	v13 =	vsub.s32 $0x80000000, v25;
	v48 =	vsel vm1, v11, v24;
	v12 =	vnsel vm0, $0x0, v7  }
0x69b: {  	v9 =	vld [tilespmem:$0x1B4A0];
	vm1 =	vlt.s32 v25, $0x0;
	v10 =	vmax.f32 v47, $-3.000000010e+38;
	v11 =	vmin.u32 v12, $0x1869F  }
0x69c: {  	v10 =	vnsel vm4, $0xFF61B1E6, v10;
	v12 =	vnsel vm3, $0xFF61B1E6, v48;
	v16 =	vadd.s32 s0, v11  }
0x69d: {  	v35 =	vld [tilespmem:$0x1B3C0];
	v11 =	vmax.f32 v10, v12;
	v12 =	vor.u32 $0x20, v0;
	vm0 =	vgt.s32 v8, $0x0  }
0x69e: {  	v49 =	vsel vm1, v13, v25;
	v10 =	vld [tilespmem:$0x1B4B0];
	vm5 =	vgt.s32 v15, v12;
	v14 =	vnsel vm0, $0x0, v8  }
0x69f: {  	v18 =	vsub.s32 $0x80000000, v34;
	v13 =	vnsel vm5, $0xFF61B1E6, v49;
	v12 =	vmin.u32 v14, $0x1869F  }
0x6a0: {  	vm0 =	vgt.s32 v9, $0x0;
	v14 =	vor.u32 $0x30, v0;
	v17 =	vadd.s32 s0, v12  }
0x6a1: {  	v12 =	vmax.f32 v11, v13;
	v13 =	vnsel vm0, $0x0, v9;
	vm0 =	vlt.s32 v34, $0x0  }
0x6a2: {  	v20 =	vsub.s32 $0x80000000, v35;
	vm8 =	vgt.s32 v15, v14;
	v50 =	vsel vm0, v18, v34  }
0x6a3: {  	v36 =	vld [tilespmem:$0x1B3D0];
	vm0 =	vgt.s32 v10, $0x0;
	v13 =	vmin.u32 v13, $0x1869F;
	v14 =	vnsel vm8, $0xFF61B1E6, v50  }
0x6a4: {  	v11 =	vld [tilespmem:$0x1B4C0];
	v18 =	vnsel vm0, $0x0, v10;
	v19 =	vadd.s32 s0, v13;
	vm0 =	vlt.s32 v35, $0x0  }
0x6a5: {  	v37 =	vld [tilespmem:$0x1B3E0];
	v13 =	vmax.f32 v12, v14;
	v14 =	vmin.u32 v18, $0x1869F;
	v18 =	vor.u32 $0x40, v0  }
0x6a6: {  	v12 =	vld [tilespmem:$0x1B4D0];
	v51 =	vsel vm0, v20, v35;
	vm9 =	vgt.s32 v15, v18  }
0x6a7: {  	v18 =	vadd.s32 s0, v14;
	v14 =	vnsel vm9, $0xFF61B1E6, v51  }
0x6a8: {  	v22 =	vor.u32 $0x50, v0;
	v21 =	vmax.f32 v13, v14;
	v13 =	vld [tilespmem:$0x1B4E0]  }
0x6a9: {  	vm10 =	vgt.s32 v15, v22;
	v26 =	vsub.s32 $0x80000000, v36;
	vm0 =	vgt.s32 v11, $0x0;
	v14 =	vld [tilespmem:$0x1B4F0]  }
0x6aa: {  	[tilespmem:$0x1B6A0] =	vst v19;
	v19 =	vsub.s32 $0x80000000, v37;
	v20 =	vnsel vm0, $0x0, v11;
	vm0 =	vlt.s32 v36, $0x0  }
0x6ab: {  	v20 =	vmin.u32 v20, $0x1869F;
	v52 =	vsel vm0, v26, v36;
	vm1 =	vgt.s32 v12, $0x0  }
0x6ac: {  	[tilespmem:$0x1B680] =	vst v16;
	v16 =	vadd.s32 s0, v20;
	v20 =	vnsel vm10, $0xFF61B1E6, v52;
	v22 =	vnsel vm1, $0x0, v12  }
0x6ad: {  	v38 =	vld [tilespmem:$0x1B3F0];
	[tilespmem:$0x1B690] =	vst v17;
	v17 =	vmax.f32 v21, v20;
	v21 =	vor.u32 $0x60, v0;
	vm0 =	vgt.s32 v13, $0x0  }
0x6ae: {  	[tilespmem:$0x1B6B0] =	vst v18;
	v22 =	vmin.u32 v22, $0x1869F;
	v18 =	vnsel vm0, $0x0, v13;
	vm0 =	vgt.s32 v14, $0x0  }
0x6af: {  	[tilespmem:$0x1B6C0] =	vst v16;
	v20 =	vadd.s32 s0, v22;
	v16 =	vmin.u32 v18, $0x1869F;
	v18 =	vnsel vm0, $0x0, v14  }
0x6b0: {  	vm1 =	vlt.s32 v37, $0x0;
	[tilespmem:$0x1B6D0] =	vst v20;
	v16 =	vadd.s32 s0, v16;
	v18 =	vmin.u32 v18, $0x1869F  }
0x6b1: {  	s23 =	rddreg [dreg:$0x3];
	vm6 =	vgt.s32 v15, v21;
	v53 =	vsel vm1, v19, v37;
	[tilespmem:$0x1B6E0] =	vst v16;
	v18 =	vadd.s32 s0, v18  }
0x6b2: {  	s1 =	simm.s32 $0x80;
	s4 =	simm.s32 $0x1B680;
	s5 =	simm.s32 $0x1B700;
	v19 =	vor.u32 $0x70, v0;
	vm0 =	vlt.s32 v38, $0x0;
	v16 =	vsub.s32 $0x80000000, v38;
	[tilespmem:$0x1B6F0] =	vst v18  }
0x6b3: {  	vm2 =	vgt.s32 v15, v19;
	v20 =	vnsel vm6, $0xFF61B1E6, v53;
	v54 =	vsel vm0, v16, v38;
	[tilespmem:s5], [sflag:$0x1] =	stream.indirect.gather [hbm4b:s23+s1], $0x1, s4, s1, $0xb8;
	[tilespmem:$0x1BA00] =	vst v63  }
0x6b4: {  	v15 =	vmax.f32 v17, v20;
	v16 =	vnsel vm2, $0xFF61B1E6, v54;
	s23 =	simm.s32 $0x1  }
0x6b5: {  	v15 =	vmax.f32 v15, v16;
	_ =	swait.ge [sflag:s23], $0x80  }
0x6b6: {  	(v2sf) =	vpush v15, $0x0  }
0x6b7: {  	(v2sf) =	vpush v15, $0x1  }
0x6b8: {  	(v2sf) =	vpush v15, $0x2  }
0x6b9: {  	(v2sf) =	vpush v15, $0x3  }
0x6ba: {  	(v2sf) =	vpush v15, $0x4  }
0x6bb: {  	(v2sf) =	vpush v15, $0x5  }
0x6bc: {  	(v2sf) =	vpush v15, $0x6  }
0x6bd: {  	(v2sf) =	vpush v15, $0x7  }
0x6be: {  	(v2sf) =	vpush v15, $0x8  }
0x6bf: {  	(v2sf) =	vpush v15, $0x9  }
0x6c0: {  	(v2sf) =	vpush v15, $0xA  }
0x6c1: {  	(v2sf) =	vpush v15, $0xB  }
0x6c2: {  	(v2sf) =	vpush v15, $0xC  }
0x6c3: {  	(v2sf) =	vpush v15, $0xD  }
0x6c4: {  	(v2sf) =	vpush v15, $0xE  }
0x6c5: {  	s24 =	spop (v2sf);
	(v2sf) =	vpush v15, $0xF  }
0x6c6: {  	s25 =	spop (v2sf)  }
0x6c7: {  	s26 =	spop (v2sf)  }
0x6c8: {  	s31 =	spop (v2sf)  }
0x6c9: {  	s6 =	spop (v2sf)  }
0x6ca: {  	s7 =	spop (v2sf)  }
0x6cb: {  	s8 =	spop (v2sf)  }
0x6cc: {  	s9 =	spop (v2sf)  }
0x6cd: {  	s0 =	smax.f32 s24, s25;
	s11 =	spop (v2sf)  }
0x6ce: {  	s5 =	smax.f32 s26, s31;
	s12 =	spop (v2sf)  }
0x6cf: {  	s0 =	smax.f32 s0, s5;
	s13 =	spop (v2sf)  }
0x6d0: {  	s7 =	smax.f32 s6, s7;
	s14 =	spop (v2sf)  }
0x6d1: {  	s9 =	smax.f32 s8, s9;
	s15 =	spop (v2sf)  }
0x6d2: {  	s25 =	smax.f32 s7, s9;
	s16 =	spop (v2sf)  }
0x6d3: {  	s12 =	smax.f32 s11, s12;
	s17 =	spop (v2sf)  }
0x6d4: {  	s14 =	smax.f32 s13, s14;
	s20 =	spop (v2sf)  }
0x6d5: {  	s16 =	smax.f32 s15, s16;
	s24 =	smax.f32 s17, s20  }
0x6d6: {  	s26 =	smax.f32 s12, s14;
	s31 =	smax.f32 s16, s24  }
0x6d7: {  	s0 =	smax.f32 s0, s25;
	s4 =	smax.f32 s26, s31  }
0x6d8: {  	s0 =	smax.f32 s0, s4  }
0x6d9: {  	v55 =	vmov s0  }
0x6da: {  	v15 =	vsub.f32 v47, v55;
	_ =	sdelay $0x1  }
0x6db: {  	v15 =	vmul.f32 $1.442695020e+00, v15  }
0x6dc: {  	v16 =	vsub.f32 v48, v55  }
0x6dd: {  	(erf) = vpow2.f32 v15  }
0x6de: {  	v15 =	vmul.f32 $1.442695020e+00, v16;
	v16 =	vsub.f32 v49, v55;
	_ =	sdelay $0x1  }
0x6df: {  	(erf) = vpow2.f32 v15;
	v15 =	vmul.f32 $1.442695020e+00, v16;
	v16 =	vsub.f32 v50, v55;
	_ =	sdelay $0x1  }
0x6e0: {  	(erf) = vpow2.f32 v15;
	v15 =	vmul.f32 $1.442695020e+00, v16;
	v16 =	vsub.f32 v51, v55;
	_ =	sdelay $0x1  }
0x6e1: {  	(erf) = vpow2.f32 v15;
	v15 =	vmul.f32 $1.442695020e+00, v16;
	v16 =	vsub.f32 v52, v55;
	_ =	sdelay $0x1  }
0x6e2: {  	v45 =	vpop (erf);
	(erf) = vpow2.f32 v15;
	v15 =	vmul.f32 $1.442695020e+00, v16;
	v16 =	vsub.f32 v53, v55  }
0x6e3: {  	v31 =	vnsel vm4, $0x0, v45  }
0x6e4: {  	(erf) = vpow2.f32 v15;
	v15 =	vmul.f32 $1.442695020e+00, v16;
	v16 =	vsub.f32 v54, v55  }
0x6e5: {  	v17 =	vadd.f32 $0.0e+00, v31;
	v46 =	vpop (erf)  }
0x6e6: {  	v32 =	vnsel vm3, $0x0, v46;
	(erf) = vpow2.f32 v15;
	v15 =	vmul.f32 $1.442695020e+00, v16  }
0x6e7: {  	v16 =	vadd.f32 v17, v32;
	v44 =	vpop (erf)  }
0x6e8: {  	v33 =	vnsel vm5, $0x0, v44;
	(erf) = vpow2.f32 v15  }
0x6e9: {  	v43 =	vpop (erf);
	v15 =	vadd.f32 v16, v33  }
0x6ea: {  	v29 =	vnsel vm8, $0x0, v43  }
0x6eb: {  	v15 =	vadd.f32 v15, v29;
	v42 =	vpop (erf)  }
0x6ec: {  	v30 =	vnsel vm9, $0x0, v42  }
0x6ed: {  	v41 =	vpop (erf);
	v15 =	vadd.f32 v15, v30  }
0x6ee: {  	v28 =	vnsel vm10, $0x0, v41  }
0x6ef: {  	v39 =	vpop (erf);
	v15 =	vadd.f32 v15, v28  }
0x6f0: {  	v27 =	vnsel vm6, $0x0, v39  }
0x6f1: {  	v15 =	vadd.f32 v15, v27;
	v40 =	vpop (erf)  }
0x6f2: {  	v26 =	vnsel vm2, $0x0, v40  }
0x6f3: {  	v15 =	vadd.f32 v15, v26;
	_ =	sdelay $0x1  }
0x6f4: {  	(v2sf) =	vpush v15, $0x0  }
0x6f5: {  	(v2sf) =	vpush v15, $0x1  }
0x6f6: {  	(v2sf) =	vpush v15, $0x2  }
0x6f7: {  	(v2sf) =	vpush v15, $0x3  }
0x6f8: {  	(v2sf) =	vpush v15, $0x4  }
0x6f9: {  	(v2sf) =	vpush v15, $0x5  }
0x6fa: {  	(v2sf) =	vpush v15, $0x6  }
0x6fb: {  	(v2sf) =	vpush v15, $0x7  }
0x6fc: {  	(v2sf) =	vpush v15, $0x8  }
0x6fd: {  	(v2sf) =	vpush v15, $0x9  }
0x6fe: {  	(v2sf) =	vpush v15, $0xA  }
0x6ff: {  	(v2sf) =	vpush v15, $0xB  }
0x700: {  	(v2sf) =	vpush v15, $0xC  }
0x701: {  	v60 =	vimm.s32 $0x0;
	v62 =	vimm.s32 $0x0;
	(v2sf) =	vpush v15, $0xD  }
0x702: {  	v21 =	vcvt.s32.f32 v9;
	v22 =	vcvt.s32.f32 v7;
	(v2sf) =	vpush v15, $0xE  }
0x703: {  	v19 =	vcvt.s32.f32 v11;
	v20 =	vcvt.s32.f32 v8;
	s5 =	spop (v2sf);
	(v2sf) =	vpush v15, $0xF  }
0x704: {  	v59 =	vmax.f32 v22, $-1.000000000e+00;
	v18 =	vcvt.s32.f32 v10;
	vm14 =	veq.f32 v55, v47;
	s6 =	spop (v2sf)  }
0x705: {  	vm11 =	veq.f32 v55, v48;
	v48 =	vsel vm3, $0xFFFFFFFF, v60;
	vm13 =	veq.f32 v55, v49;
	s7 =	spop (v2sf)  }
0x706: {  	vm7 =	veq.f32 v55, v51;
	vm0 =	vmand vm4, vm14;
	vm1 =	vmand vm3, vm11;
	s8 =	spop (v2sf)  }
0x707: {  	vm12 =	veq.f32 v55, v52;
	v47 =	vnsel vm0, $0xBF800000, v59;
	v61 =	vnsel vm1, $0xBF800000, v20;
	s9 =	spop (v2sf)  }
0x708: {  	[tilespmem:$0x1FF90] =	vst v48;
	v48 =	vsel vm5, $0xFFFFFFFF, v62;
	vm0 =	vmand vm5, vm13;
	v47 =	vmax.f32 v47, v61;
	s11 =	spop (v2sf)  }
0x709: {  	v63 =	vnsel vm0, $0xBF800000, v21;
	vm5 =	vmmov vm6;
	vm6 =	veq.f32 v55, v50;
	s12 =	spop (v2sf)  }
0x70a: {  	vm1 =	veq.f32 v55, v53;
	v47 =	vmax.f32 v47, v63;
	vm0 =	vmand vm8, vm6;
	s13 =	spop (v2sf)  }
0x70b: {  	vm3 =	veq.f32 v55, v54;
	v56 =	vnsel vm0, $0xBF800000, v18;
	vm0 =	vmand vm9, vm7;
	s0 =	sadd.f32 s6, s5;
	s14 =	spop (v2sf)  }
0x70c: {  	v17 =	vcvt.s32.f32 v12;
	v47 =	vmax.f32 v47, v56;
	v57 =	vnsel vm0, $0xBF800000, v19;
	s4 =	sadd.f32 s8, s7;
	s15 =	spop (v2sf)  }
0x70d: {  	v16 =	vcvt.s32.f32 v13;
	vm0 =	vmand vm10, vm12;
	v47 =	vmax.f32 v47, v57;
	s6 =	sadd.f32 s11, s9;
	s16 =	spop (v2sf)  }
0x70e: {  	v58 =	vnsel vm0, $0xBF800000, v17;
	vm0 =	vmand vm5, vm1;
	v15 =	vcvt.s32.f32 v14;
	s0 =	sadd.f32 s4, s0;
	s17 =	spop (v2sf)  }
0x70f: {  	v60 =	vnsel vm0, $0xBF800000, v16;
	v47 =	vmax.f32 v47, v58;
	vm0 =	vmand vm2, vm3;
	s8 =	sadd.f32 s13, s12;
	s20 =	spop (v2sf)  }
0x710: {  	v47 =	vmax.f32 v47, v60;
	v62 =	vnsel vm0, $0xBF800000, v15;
	s11 =	sadd.f32 s15, s14;
	s24 =	spop (v2sf)  }
0x711: {  	v47 =	vmax.f32 v47, v62;
	s31 =	sadd.f32 s8, s6;
	s25 =	spop (v2sf)  }
0x712: {  	s1 =	sadd.f32 s17, s16;
	s26 =	spop (v2sf);
	(v2sf) =	vpush v47, $0x0  }
0x713: {  	s7 =	sadd.f32 s24, s20;
	(v2sf) =	vpush v47, $0x1  }
0x714: {  	s5 =	sadd.f32 s26, s25;
	(v2sf) =	vpush v47, $0x2  }
0x715: {  	s1 =	sadd.f32 s1, s11;
	(v2sf) =	vpush v47, $0x3  }
0x716: {  	s5 =	sadd.f32 s5, s7;
	(v2sf) =	vpush v47, $0x4  }
0x717: {  	s0 =	sadd.f32 s31, s0;
	(v2sf) =	vpush v47, $0x5  }
0x718: {  	s1 =	sadd.f32 s5, s1;
	(v2sf) =	vpush v47, $0x6  }
0x719: {  	(v2sf) =	vpush v47, $0x7  }
0x71a: {  	s0 =	sadd.f32 s1, s0;
	(v2sf) =	vpush v47, $0x8  }
0x71b: {  	(v2sf) =	vpush v47, $0x9  }
0x71c: {  	v63 =	vmov s0;
	(v2sf) =	vpush v47, $0xA  }
0x71d: {  	(erf) = vrcp.f32 v63;
	(v2sf) =	vpush v47, $0xB  }
0x71e: {  	(v2sf) =	vpush v47, $0xC  }
0x71f: {  	(v2sf) =	vpush v47, $0xD  }
0x720: {  	(v2sf) =	vpush v47, $0xE  }
0x721: {  	s4 =	spop (v2sf);
	(v2sf) =	vpush v47, $0xF  }
0x722: {  	v59 =	vimm.s32 $0x0;
	s5 =	spop (v2sf)  }
0x723: {  	[tilespmem:$0x1FFA0] =	vst v48;
	v61 =	vimm.s32 $0x0;
	v49 =	vsel vm1, $0xFFFFFFFF, v59;
	s6 =	spop (v2sf)  }
0x724: {  	v48 =	vsel vm2, $0xFFFFFFFF, v61;
	v61 =	vimm.s32 $0x0;
	[tilespmem:$0x1FFB0] =	vst v49;
	s8 =	spop (v2sf)  }
0x725: {  	[tilespmem:$0x1FFC0] =	vst v48;
	v48 =	vsel vm9, $0xFFFFFFFF, v61;
	v62 =	vimm.s32 $0x0;
	s11 =	spop (v2sf)  }
0x726: {  	[tilespmem:$0x1FFD0] =	vst v48;
	v48 =	vsel vm5, $0xFFFFFFFF, v62;
	v63 =	vimm.s32 $0x0;
	v52 =	vpop (erf);
	s12 =	spop (v2sf)  }
0x727: {  	[sflag:s23] =	ssyncset.done $0x0;
	[tilespmem:$0x1FFE0] =	vst v48;
	v48 =	vsel vm4, $0xFFFFFFFF, v63;
	v53 =	vmul.f32 v52, v31;
	s14 =	spop (v2sf)  }
0x728: {  	[sflag:s23] =	ssyncadd.s32 $0xFFFFFF80;
	[tilespmem:$0x1FFF0] =	vst v48;
	v54 =	vmul.f32 v52, v32;
	s24 =	spop (v2sf)  }
0x729: {  	v55 =	vmul.f32 v52, v33;
	[tilespmem:$0x1B580] =	vst v53;
	s25 =	spop (v2sf)  }
0x72a: {  	v56 =	vmul.f32 v52, v29;
	[tilespmem:$0x1B590] =	vst v54;
	s9 =	spop (v2sf)  }
0x72b: {  	p0 =	slt.s32 s30, $0x1;
	v57 =	vmul.f32 v52, v30;
	[tilespmem:$0x1B5A0] =	vst v55;
	s28 =	spop (v2sf)  }
.Ltmp23:
0x72c: {  	v58 =	vmul.f32 v52, v28;
	[tilespmem:$0x1B5B0] =	vst v56;
	s0 =	spop (v2sf);
	(pc) =	sbr.rel @p0 .LBB2_36-.Ltmp23, $4  }
0x72d: {  	v59 =	vmul.f32 v52, v27;
	[tilespmem:$0x1B5C0] =	vst v57;
	s26 =	spop (v2sf)  }
0x72e: {  	v60 =	vmul.f32 v52, v26;
	[tilespmem:$0x1B5D0] =	vst v58;
	s20 =	spop (v2sf)  }
0x72f: {  	[tilespmem:$0x1B5E0] =	vst v59;
	s29 =	spop (v2sf)  }
0x730: {  	v47 =	vimm.f32 $0.0e+00;
	[tilespmem:$0x1B5F0] =	vst v60;
	s1 =	spop (v2sf)  }
0x731: {  	v48 =	vimm.s32 $0x0;
	v54 =	vimm.s32 $0x0  }
0x732: {  	v55 =	vimm.s32 $0x0;
	v56 =	vimm.s32 $0x0;
	s7 =	simm.s32 $0x1B480;
	v48 =	vsel vm14, $0xFFFFFFFF, v48  }
0x733: {  	v57 =	vimm.s32 $0x0;
	v58 =	vimm.s32 $0x0;
	s13 =	simm.s32 $0x1B380;
	v62 =	vld.msk [tilespmem:s7+$0x0 ss:$0x0], $0xffff;
	[tilespmem:$0x1FEF0] =	vst v48;
	v48 =	vsel vm13, $0xFFFFFFFF, v54  }
0x734: {  	v59 =	vimm.s32 $0x0;
	v60 =	vimm.s32 $0x0;
	v50 =	vld.msk [tilespmem:s13+$0x0 ss:$0x0], $0xffff;
	[tilespmem:$0x1FF00] =	vst v48;
	v48 =	vsel vm11, $0xFFFFFFFF, v55  }
0x735: {  	v61 =	vimm.s32 $0x0;
	v49 =	vimm.s32 $0x0;
	[tilespmem:$0x1FF10] =	vst v48;
	v48 =	vsel vm12, $0xFFFFFFFF, v56  }
0x736: {  	v52 =	vimm.f32 $0.0e+00;
	v53 =	vimm.f32 $0.0e+00;
	[tilespmem:$0x1FF20] =	vst v48;
	v48 =	vsel vm6, $0xFFFFFFFF, v57  }
0x737: {  	v54 =	vimm.f32 $0.0e+00;
	v55 =	vimm.f32 $0.0e+00;
	[tilespmem:$0x1FF30] =	vst v48;
	v48 =	vsel vm7, $0xFFFFFFFF, v58  }
0x738: {  	vm0 =	vle.s32 v62, v7;
	vm1 =	vle.s32 v62, v14;
	vm9 =	vle.s32 v62, v9  }
0x739: {  	vm2 =	vlt.s32 v50, v38;
	vm13 =	vle.s32 v62, v10;
	vm12 =	veq.s32 v50, v36  }
0x73a: {  	vm14 =	vle.s32 v62, v11;
	vm15 =	vle.s32 v62, v12;
	vm4 =	vle.s32 v62, v13  }
0x73b: {  	vm11 =	vlt.s32 v50, v24;
	vm5 =	vlt.s32 v50, v36;
	vm6 =	veq.s32 v50, v37  }
0x73c: {  	s31 =	simm.s32 $0x1B580;
	vm7 =	veq.s32 v50, v34;
	[tilespmem:$0x1FF40] =	vst v48;
	v48 =	vsel vm3, $0xFFFFFFFF, v59;
	v49 =	vsel vm0, $0xFFFFFFFF, v49  }
0x73d: {  	vm3 =	veq.s32 v50, v35;
	vm15 =	vmand vm12, vm15;
	vm12 =	vlt.s32 v50, v37;
	[tilespmem:$0x1FF80] =	vst v49;
	v49 =	vld.msk [tilespmem:s31+$0x0 ss:$0x0], $0xffff  }
0x73e: {  	vm0 =	vlt.s32 v50, v35;
	vm13 =	vmand vm7, vm13;
	[tilespmem:$0x1FF50] =	vst v48;
	v48 =	vsel vm10, $0xFFFFFFFF, v60;
	v51 =	vld [tilespmem:$0x1FF80]  }
0x73f: {  	vm10 =	veq.s32 v50, v38;
	vm3 =	vmand vm3, vm14;
	vm5 =	vmor vm5, vm15  }
0x740: {  	vm14 =	vlt.s32 v50, v34;
	vm15 =	veq.s32 v50, v25;
	[tilespmem:$0x1FF60] =	vst v48;
	v48 =	vsel vm8, $0xFFFFFFFF, v61  }
0x741: {  	p0 =	sne.s32 s10, $0x1;
	vm8 =	vle.s32 v62, v8;
	vm1 =	vmand vm10, vm1;
	vm10 =	vlt.s32 v50, v25  }
.Ltmp24:
0x742: {  	vm0 =	vmor vm0, vm3;
	vm1 =	vmor vm2, vm1;
	v56 =	vnsel vm5, $0x0, v49;
	(pc) =	sbr.rel @!p0 .LBB2_39-.Ltmp24, $4  }
0x743: {  	vm5 =	veq.s32 v50, v23;
	v63 =	vnsel vm1, $0x0, v49;
	vm1 =	vnez.u8 v51  }
0x744: {  	[tilespmem:$0x1FF70] =	vst v48;
	vm2 =	vlt.s32 v50, v23;
	v48 =	vadd.f32 v63, v47;
	vm1 =	vmand vm5, vm1  }
0x745: {  	v51 =	vimm.f32 $0.0e+00;
	vm1 =	vmor vm2, vm1;
	vm2 =	vmand vm6, vm4  }
0x746: {  	s10 =	sadd.s32 $0xFFFFFFFF, s10;
	s16 =	simm.s32 $0x1B481;
	s15 =	simm.s32 $0x1B381;
	v57 =	vnsel vm1, $0x0, v49;
	vm1 =	veq.s32 v50, v24;
	v50 =	vimm.f32 $0.0e+00  }
.LBB2_38:
0x747: {  	v47 =	vadd.f32 v57, v47;
	vm3 =	vmor vm14, vm13  }
0x748: {  	vm2 =	vmor vm12, vm2;
	vm4 =	vmand vm15, vm9;
	v57 =	vnsel vm0, $0x0, v49  }
0x749: {  	v58 =	vld.msk [tilespmem:s16+$0x0 ss:$0x0], $0xffff;
	vm0 =	vmand vm1, vm8;
	v50 =	vadd.f32 v56, v50;
	v60 =	vnsel vm2, $0x0, v49  }
0x74a: {  	v59 =	vld.msk [tilespmem:s15+$0x0 ss:$0x0], $0xffff;
	vm1 =	vmor vm10, vm4;
	v55 =	vadd.f32 v57, v55;
	vm0 =	vmor vm11, vm0  }
0x74b: {  	v63 =	vnsel vm3, $0x0, v49;
	v57 =	vimm.s32 $0x0;
	v51 =	vadd.f32 v60, v51  }
0x74c: {  	v61 =	vnsel vm0, $0x0, v49;
	v62 =	vnsel vm1, $0x0, v49;
	v53 =	vadd.f32 v63, v53  }
0x74d: {  	v60 =	vimm.s32 $0x0;
	v52 =	vadd.f32 v62, v52;
	v54 =	vadd.f32 v61, v54  }
0x74e: {  	vm0 =	vle.s32 v58, v7;
	vm1 =	vle.s32 v58, v14;
	vm2 =	vle.s32 v58, v8  }
0x74f: {  	vm3 =	vle.s32 v58, v10;
	vm4 =	veq.s32 v59, v36;
	vm5 =	veq.s32 v59, v38  }
0x750: {  	vm6 =	vle.s32 v58, v11;
	v49 =	vsel vm2, $0xFFFFFFFF, v57;
	vm2 =	vle.s32 v58, v9  }
0x751: {  	s31 =	sadd.s32 $0x1, s31;
	vm7 =	vle.s32 v58, v12;
	vm10 =	vlt.s32 v59, v25;
	[tilespmem:$0x1FEE0] =	vst v49;
	v49 =	vsel vm2, $0xFFFFFFFF, v60  }
0x752: {  	vm8 =	vle.s32 v58, v13;
	vm11 =	vlt.s32 v59, v24;
	vm13 =	vlt.s32 v59, v36;
	[tilespmem:$0x1FED0] =	vst v49;
	v49 =	vld.msk [tilespmem:s31+$0x0 ss:$0x0], $0xffff  }
0x753: {  	vm9 =	veq.s32 v59, v37;
	vm14 =	veq.s32 v59, v34;
	vm12 =	vlt.s32 v59, v37  }
0x754: {  	vm15 =	veq.s32 v59, v25;
	vm1 =	vmand vm5, vm1;
	vm5 =	veq.s32 v59, v35  }
0x755: {  	vm4 =	vmand vm4, vm7;
	vm2 =	vlt.s32 v59, v38;
	vm5 =	vmand vm5, vm6;
	v62 =	vld [tilespmem:$0x1FED0]  }
0x756: {  	p0 =	sne.s32 s10, $0x1;
	vm4 =	vmor vm13, vm4;
	vm6 =	vlt.s32 v59, v35;
	vm13 =	vmand vm14, vm3;
	v63 =	vld [tilespmem:$0x1FEE0]  }
.Ltmp25:
0x757: {  	vm1 =	vmor vm2, vm1;
	v56 =	vnsel vm4, $0x0, v49;
	vm4 =	veq.s32 v59, v23;
	(pc) =	sbr.rel @p0 .LBB2_38-.Ltmp25, $4  }
0x758: {  	vm2 =	vlt.s32 v59, v23;
	v61 =	vnsel vm1, $0x0, v49;
	vm0 =	vmand vm4, vm0  }
0x759: {  	vm14 =	vlt.s32 v59, v34;
	v48 =	vadd.f32 v61, v48;
	vm1 =	vmor vm2, vm0  }
0x75a: {  	vm0 =	vmor vm6, vm5;
	vm2 =	vmand vm9, vm8;
	vm9 =	vnez.u8 v62  }
0x75b: {  	s10 =	sadd.s32 $0xFFFFFFFF, s10;
	s16 =	sadd.s32 $0x1, s16;
	s15 =	sadd.s32 $0x1, s15;
	vm8 =	vnez.u8 v63;
	v57 =	vnsel vm1, $0x0, v49;
	vm1 =	veq.s32 v59, v24  }
.LBB2_39:
0x75c: {  	v24 =	vadd.f32 v56, v50;
	v56 =	vld [tilespmem:$0x1FFF0]  }
0x75d: {  	v47 =	vadd.f32 v57, v47;
	v57 =	vld [tilespmem:$0x1FF50]  }
0x75e: {  	v58 =	vld [tilespmem:$0x1FF40]  }
0x75f: {  	v59 =	vld [tilespmem:$0x1FF30]  }
0x760: {  	v60 =	vld [tilespmem:$0x1FF20]  }
0x761: {  	vm3 =	vmor vm14, vm13;
	v61 =	vld [tilespmem:$0x1FF10]  }
0x762: {  	vm2 =	vmor vm12, vm2;
	vm4 =	vmand vm15, vm9;
	v23 =	vnsel vm0, $0x0, v49;
	v62 =	vld [tilespmem:$0x1FF00]  }
0x763: {  	vm0 =	vmand vm1, vm8;
	v63 =	vld [tilespmem:$0x1FEF0];
	v34 =	vnsel vm2, $0x0, v49;
	vm1 =	vmor vm10, vm4  }
0x764: {  	v25 =	vadd.f32 v23, v55;
	vm0 =	vmor vm11, vm0;
	v37 =	vnsel vm3, $0x0, v49;
	v55 =	vld [tilespmem:$0x1FFE0]  }
0x765: {  	v23 =	vadd.f32 v34, v51;
	v51 =	vnsel vm1, $0x0, v49;
	v34 =	vadd.f32 v37, v53;
	v53 =	vld [tilespmem:$0x1FFD0]  }
0x766: {  	v36 =	vnsel vm0, $0x0, v49;
	v35 =	vadd.f32 v51, v52;
	v52 =	vld [tilespmem:$0x1FF70]  }
0x767: {  	v36 =	vadd.f32 v36, v54;
	v54 =	vld [tilespmem:$0x1FF60]  }
.Ltmp26:
0x768: {  	_ = 	snop;
	(pc) =	sbr.rel .LBB2_40-.Ltmp26, $4  }
0x769: {  	vm4 =	vnez.u8 v56;
	vm3 =	vnez.u8 v57;
	vm7 =	vnez.u8 v58  }
0x76a: {  	vm6 =	vnez.u8 v59;
	vm12 =	vnez.u8 v60;
	vm11 =	vnez.u8 v61  }
0x76b: {  	vm13 =	vnez.u8 v62;
	vm14 =	vnez.u8 v63;
	vm5 =	vnez.u8 v55  }
0x76c: {  	vm9 =	vnez.u8 v53;
	vm8 =	vnez.u8 v52;
	vm10 =	vnez.u8 v54  }
.LBB2_42:
0x76d: {  	_ =	sfence.sel $0x180000  }
0x76e: {  	[bflag:$0x0] =	sbarrier.arrive $0xFFFF  }
0x76f: {  	_ =	strace $0x90000047  }
0x770: {  	s0 =	stileid.u32;
	[bflag:$0x2] =	sbarrier.arrive $0xFFFF  }
0x771: {  	p0 =	sne.s32 s0, $0x0;
	s0 =	rddreg [dreg:$0x4]  }
0x772: {  	s0 =	sadd.s32 @!p0 $0x100000, s0  }
0x773: {  	[sflag:s0] =	ssyncadd.tile.s32 @!p0 $0x1;
	_ =	shalt  }
.Lfunc_end2:
_tile_overlayer_lowered:
.L_overlay_start_2:
0x774: {  	(tag) =	ssettag $0x2  }
0x775: {  	s0 =	rddreg [dreg:$0x0];
	s2 =	stileid.u32  }
0x776: {  	s1 =	rddreg [dreg:$0x1];
	p0 =	sne.s32 s2, $0x0  }
0x777: {  	s3 =	rddreg [dreg:$0x2];
	[bflag:$0x3] =	sbarrier.arrive $0xFFFF;
	s2 =	simm.s32 @!p0 $0x1C02  }
0x778: {  	[timem:s3], [sflag:s2] =	dma.local @!p0 [hbm:s0], s1  }
0x779: {  	s0 =	simm.s32 @!p0 $0x2  }
0x77a: {  	_ =	swait.ge @!p0 [sflag:s0], s1  }
0x77b: {  	s1 =	ssub.s32 @!p0 $0x0, s1;
	[sflag:s0] =	ssyncset.done @!p0 $0x0  }
0x77c: {  	[sflag:s0] =	ssyncadd.s32 @!p0 s1  }
0x77d: {  	[bflag:$0x3] =	sbarrier.arrive $0xFFFF  }
0x77e: {  	_ =	shalt  }

</sc_bundles>
